<compile_context>
chip_gen: v7x
topology: tpu7x:2x2x1
jax: 0.10.2.dev20260603
libtpu: 0.0.44.dev20260713+nightly
codegen_flags: <defaults>
</compile_context>

<pallas_src>
import functools

import jax
import jax.numpy as jnp
from jax import lax
from jax.experimental import pallas as pl
from jax.experimental.pallas import tpu as pltpu
from jax.experimental.pallas import tpu_sc as plsc

N = 10000
D = 128
DH = D // 2
E = 320000

NC = 2
NS = 16
NW = NC * NS

C = 128
K = 80
EPAD = NW * K * C
NPAD = 10240
ROWS_PER_TILE = NPAD // NS
NBUF = 4
DEGW = 8

_mesh = plsc.VectorSubcoreMesh(
    core_axis_name="c", subcore_axis_name="s", num_cores=NC, num_subcores=NS
)



@functools.partial(
    pl.kernel,
    out_type=jax.ShapeDtypeStruct((NC, NPAD, DEGW), jnp.float32),
    mesh=_mesh,
    compiler_params=pltpu.CompilerParams(use_tc_tiling_on_sc=False),
    scratch_types=[
        pltpu.VMEM((K, C), jnp.int32),
        pltpu.VMEM((C, DEGW), jnp.float32),
        pltpu.VMEM_SHARED((NPAD, DEGW), jnp.float32),
        pltpu.SemaphoreType.DMA,
    ],
)
def _sc_degree(dst_hbm, ones_hbm, zeros_hbm, degp_hbm, didx, ones_v, deg_sh, sem):
    c = lax.axis_index("c")
    s = lax.axis_index("s")
    w = c * NS + s
    pltpu.sync_copy(ones_hbm, ones_v)
    pltpu.sync_copy(dst_hbm.at[w], didx)
    pltpu.sync_copy(zeros_hbm, deg_sh.at[pl.ds(s * ROWS_PER_TILE, ROWS_PER_TILE)])
    plsc.subcore_barrier()

    @pl.loop(0, K)
    def _chunk(k):
        pltpu.async_copy(ones_v, deg_sh.at[didx.at[k]], sem, add=True)

    @pl.loop(0, K)
    def _drain(k):
        pltpu.make_async_copy(ones_v, deg_sh.at[didx.at[k]], sem).wait()

    plsc.subcore_barrier()
    pltpu.sync_copy(
        deg_sh.at[pl.ds(s * ROWS_PER_TILE, ROWS_PER_TILE)],
        degp_hbm.at[c, pl.ds(s * ROWS_PER_TILE, ROWS_PER_TILE)],
    )


@functools.partial(
    pl.kernel,
    out_type=[
        jax.ShapeDtypeStruct((NC, NPAD, DH), jnp.float32),
        jax.ShapeDtypeStruct((NC, NPAD, DH), jnp.float32),
    ],
    mesh=_mesh,
    compiler_params=pltpu.CompilerParams(use_tc_tiling_on_sc=False),
    scratch_types=[
        pltpu.VMEM((K, C), jnp.int32),
        pltpu.VMEM((K, C), jnp.int32),
        pltpu.VMEM((C, DH), jnp.float32),
        [pltpu.VMEM((C, DH), jnp.float32) for _ in range(NBUF)],
        pltpu.VMEM_SHARED((NPAD, DH), jnp.float32),
        [pltpu.SemaphoreType.DMA for _ in range(NBUF)],
        pltpu.SemaphoreType.DMA,
    ],
)
def _sc_scatter(h_lo, h_hi, src_hbm, dst_hbm, out_lo, out_hi,
                sidx, didx, zbuf, bufs, acc_sh, sems, fsem):
    c = lax.axis_index("c")
    s = lax.axis_index("s")
    w = c * NS + s

    @pl.loop(0, C)
    def _zrow(r):
        for j in range(DH // 16):
            zbuf[r, pl.ds(j * 16, 16)] = jnp.zeros((16,), jnp.float32)

    pltpu.sync_copy(src_hbm.at[w], sidx)
    pltpu.sync_copy(dst_hbm.at[w], didx)

    stripe = pl.ds(s * ROWS_PER_TILE, ROWS_PER_TILE)
    for pi, (h_hbm, out_hbm) in enumerate(((h_lo, out_lo), (h_hi, out_hi))):
        for b in range(NBUF):
            pltpu.async_copy(h_hbm.at[sidx.at[b]], bufs[b], sems[b])
        if pi == 1:
            pltpu.make_async_copy(acc_sh.at[stripe], out_lo.at[c, stripe], fsem).wait()
        for i in range(ROWS_PER_TILE // C):
            pltpu.sync_copy(zbuf, acc_sh.at[pl.ds(s * ROWS_PER_TILE + i * C, C)])
        plsc.subcore_barrier()

        @pl.loop(0, K - NBUF, step=NBUF)
        def _group(k0):
            for b in range(NBUF):
                k = k0 + b
                pltpu.make_async_copy(h_hbm.at[sidx.at[k]], bufs[b], sems[b]).wait()
                pltpu.sync_copy(bufs[b], acc_sh.at[didx.at[k]], add=True)
                pltpu.async_copy(h_hbm.at[sidx.at[k + NBUF]], bufs[b], sems[b])

        for b in range(NBUF):
            k = K - NBUF + b
            pltpu.make_async_copy(h_hbm.at[sidx.at[k]], bufs[b], sems[b]).wait()
            pltpu.sync_copy(bufs[b], acc_sh.at[didx.at[k]], add=True)

        plsc.subcore_barrier()
        if pi == 0:
            pltpu.async_copy(acc_sh.at[stripe], out_hbm.at[c, stripe], fsem)
        else:
            pltpu.sync_copy(acc_sh.at[stripe], out_hbm.at[c, stripe])



_B = 5000
_GRID = N // _B


def _stage1a_body(x_ref, w1_ref, h_ref):
    h_ref[...] = jnp.dot(x_ref[...], w1_ref[...], preferred_element_type=jnp.float32)


def _tc_stage1a(x, W1):
    return pl.pallas_call(
        _stage1a_body,
        grid=(_GRID,),
        in_specs=[
            pl.BlockSpec((_B, D), lambda i: (i, 0)),
            pl.BlockSpec((D, D), lambda i: (0, 0)),
        ],
        out_specs=pl.BlockSpec((_B, D), lambda i: (i, 0)),
        out_shape=jax.ShapeDtypeStruct((N, D), jnp.float32),
    )(x, W1)


def _stage1b_body(h_ref, degp_ref, lo_ref, hi_ref, dinv_ref):
    deg = degp_ref[0, :, 0:1] + degp_ref[1, :, 0:1] + 1.0
    dinv = lax.rsqrt(deg)
    hs = h_ref[...] * dinv
    lo_ref[...] = hs[:, :DH]
    hi_ref[...] = hs[:, DH:]
    dinv_ref[...] = dinv


def _tc_stage1(h1, degp):
    return pl.pallas_call(
        _stage1b_body,
        grid=(_GRID,),
        in_specs=[
            pl.BlockSpec((_B, D), lambda i: (i, 0)),
            pl.BlockSpec((NC, _B, DEGW), lambda i: (0, i, 0)),
        ],
        out_specs=[
            pl.BlockSpec((_B, DH), lambda i: (i, 0)),
            pl.BlockSpec((_B, DH), lambda i: (i, 0)),
            pl.BlockSpec((_B, 1), lambda i: (i, 0)),
        ],
        out_shape=[
            jax.ShapeDtypeStruct((N, DH), jnp.float32),
            jax.ShapeDtypeStruct((N, DH), jnp.float32),
            jax.ShapeDtypeStruct((N, 1), jnp.float32),
        ],
    )(h1, degp)


def _stage2_body(alo_ref, ahi_ref, hlo_ref, hhi_ref, dinv_ref, b_ref, w_ref,
                 lo_ref, hi_ref):
    dinv = dinv_ref[...]
    a_lo = alo_ref[0] + alo_ref[1] + hlo_ref[...]
    a_hi = ahi_ref[0] + ahi_ref[1] + hhi_ref[...]
    a = jnp.concatenate([a_lo, a_hi], axis=1)
    z = jnp.maximum(dinv * a + b_ref[...], 0.0)
    hs = jnp.dot(z, w_ref[...], preferred_element_type=jnp.float32) * dinv
    lo_ref[...] = hs[:, :DH]
    hi_ref[...] = hs[:, DH:]


def _tc_stage2(alo, ahi, hlo, hhi, dinv, b, W):
    return pl.pallas_call(
        _stage2_body,
        grid=(_GRID,),
        in_specs=[
            pl.BlockSpec((NC, _B, DH), lambda i: (0, i, 0)),
            pl.BlockSpec((NC, _B, DH), lambda i: (0, i, 0)),
            pl.BlockSpec((_B, DH), lambda i: (i, 0)),
            pl.BlockSpec((_B, DH), lambda i: (i, 0)),
            pl.BlockSpec((_B, 1), lambda i: (i, 0)),
            pl.BlockSpec((1, D), lambda i: (0, 0)),
            pl.BlockSpec((D, D), lambda i: (0, 0)),
        ],
        out_specs=[
            pl.BlockSpec((_B, DH), lambda i: (i, 0)),
            pl.BlockSpec((_B, DH), lambda i: (i, 0)),
        ],
        out_shape=[
            jax.ShapeDtypeStruct((N, DH), jnp.float32),
            jax.ShapeDtypeStruct((N, DH), jnp.float32),
        ],
    )(alo, ahi, hlo, hhi, dinv, b, W)


def _stage3_body(alo_ref, ahi_ref, hlo_ref, hhi_ref, dinv_ref, b_ref,
                 wfc_ref, bfc_ref, out_ref):
    a_lo = alo_ref[0] + alo_ref[1] + hlo_ref[...]
    a_hi = ahi_ref[0] + ahi_ref[1] + hhi_ref[...]
    a = jnp.concatenate([a_lo, a_hi], axis=1)
    z = jnp.maximum(dinv_ref[...] * a + b_ref[...], 0.0)
    out_ref[...] = (
        jnp.dot(z, wfc_ref[...], preferred_element_type=jnp.float32) + bfc_ref[...]
    )


def _tc_stage3(alo, ahi, hlo, hhi, dinv, b, Wfc8, bfc8):
    return pl.pallas_call(
        _stage3_body,
        grid=(_GRID,),
        in_specs=[
            pl.BlockSpec((NC, _B, DH), lambda i: (0, i, 0)),
            pl.BlockSpec((NC, _B, DH), lambda i: (0, i, 0)),
            pl.BlockSpec((_B, DH), lambda i: (i, 0)),
            pl.BlockSpec((_B, DH), lambda i: (i, 0)),
            pl.BlockSpec((_B, 1), lambda i: (i, 0)),
            pl.BlockSpec((1, D), lambda i: (0, 0)),
            pl.BlockSpec((D, DEGW), lambda i: (0, 0)),
            pl.BlockSpec((1, DEGW), lambda i: (0, 0)),
        ],
        out_specs=pl.BlockSpec((_B, DEGW), lambda i: (i, 0)),
        out_shape=jax.ShapeDtypeStruct((N, DEGW), jnp.float32),
    )(alo, ahi, hlo, hhi, dinv, b, Wfc8, bfc8)



def kernel(x, edge_index, W1, b1, W2, b2, Wfc, bfc):
    src = edge_index[0]
    dst = edge_index[1]
    pad = EPAD - E
    ar = jnp.arange(pad, dtype=jnp.int32)
    src3 = jnp.concatenate([src, (ar * 997) % N]).reshape(NW, K, C)
    dst3 = jnp.concatenate([dst, N + (ar % (NPAD - N))]).reshape(NW, K, C)

    ones = jnp.ones((C, DEGW), jnp.float32)
    zeros = jnp.zeros((ROWS_PER_TILE, DEGW), jnp.float32)

    h1 = _tc_stage1a(x, W1)
    degp = _sc_degree(dst3, ones, zeros)
    h1lo, h1hi, dinv = _tc_stage1(h1, degp)
    a1lo, a1hi = _sc_scatter(h1lo, h1hi, src3, dst3)
    h2lo, h2hi = _tc_stage2(a1lo, a1hi, h1lo, h1hi, dinv, b1.reshape(1, D), W2)
    a2lo, a2hi = _sc_scatter(h2lo, h2hi, src3, dst3)
    Wfc8 = jnp.pad(Wfc, ((0, 0), (0, DEGW - 2)))
    bfc8 = jnp.pad(bfc, (0, DEGW - 2)).reshape(1, DEGW)
    out8 = _tc_stage3(a2lo, a2hi, h2lo, h2hi, dinv, b2.reshape(1, D), Wfc8, bfc8)
    return out8[:, :2]

# --- scband reference (transcript-rebuilt; emitter-appended) ---
"""Pipeline reference for scband-gnnmodel-32890859553001 (READ-ONLY COPY).

The authoritative reference and input builder live on the scoring server;
editing this copy changes nothing except your own understanding.
"""

import jax, jax.numpy as jnp
import numpy as np

N = 10000
E = 320000
D = 128


def gcn_conv(x, edge_index, W, b):
    n = x.shape[0]
    src = edge_index[0]
    dst = edge_index[1]
    # add self loops (PyG GCNConv default add_self_loops=True)
    loop = jnp.arange(n, dtype=src.dtype)
    src = jnp.concatenate([src, loop])
    dst = jnp.concatenate([dst, loop])
    # symmetric normalization D^-1/2 A_hat D^-1/2
    deg = jnp.zeros((n,), x.dtype).at[dst].add(1.0)
    dinv = jnp.where(deg > 0, jax.lax.rsqrt(deg), 0.0)
    norm = dinv[src] * dinv[dst]
    # linear transform then propagate (gather -> weighted message -> scatter-add)
    h = x @ W
    msg = h[src] * norm[:, None]
    out = jnp.zeros((n, h.shape[1]), x.dtype).at[dst].add(msg)
    return out + b


def setup_inputs(seed: int = 0):
    key = jax.random.key(seed)
    ks = jax.random.split(key, 8)
    x = jax.random.normal(ks[0], (N, D), dtype=jnp.float32)
    edge_index = jax.random.randint(ks[1], (2, E), 0, N, dtype=jnp.int32)
    W1 = jax.random.normal(ks[2], (D, D), dtype=jnp.float32) * 0.05
    b1 = jnp.zeros((D,), dtype=jnp.float32)
    W2 = jax.random.normal(ks[3], (D, D), dtype=jnp.float32) * 0.05
    b2 = jnp.zeros((D,), dtype=jnp.float32)
    Wfc = jax.random.normal(ks[4], (D, 2), dtype=jnp.float32) * 0.05
    bfc = jnp.zeros((2,), dtype=jnp.float32)
    return {"x": x, "edge_index": edge_index, "W1": W1, "b1": b1,
            "W2": W2, "b2": b2, "Wfc": Wfc, "bfc": bfc}


def reference(x, edge_index, W1, b1, W2, b2, Wfc, bfc):
    # conv1 -> relu -> (dropout: identity in eval) -> conv2 -> relu -> fc
    h = gcn_conv(x, edge_index, W1, b1)
    h = jax.nn.relu(h)
    h = gcn_conv(h, edge_index, W2, b2)
    h = jax.nn.relu(h)
    return h @ Wfc + bfc

if __name__ == "__main__":
    import jax
    _d = setup_inputs()
    print(jax.jit(kernel)(*tuple(_d.values())))

</pallas_src>

<mosaic_0001>
#map = affine_map<(d0, d1) -> (0, 0)>
#map1 = affine_map<(d0, d1) -> (0, 0, 0)>
module attributes {stable_mosaic.version = 14 : i64} {
  func.func @_sc_scatter(%arg0: i32, %arg1: i32, %arg2: memref<10000x64xf32, #tpu.memory_space<hbm>>, %arg3: memref<10000x64xf32, #tpu.memory_space<hbm>>, %arg4: memref<32x80x128xi32, #tpu.memory_space<hbm>>, %arg5: memref<32x80x128xi32, #tpu.memory_space<hbm>>, %arg6: memref<2x10240x64xf32, #tpu.memory_space<hbm>>, %arg7: memref<2x10240x64xf32, #tpu.memory_space<hbm>>, %arg8: memref<80x128xi32, #tpu.memory_space<vmem>>, %arg9: memref<80x128xi32, #tpu.memory_space<vmem>>, %arg10: memref<128x64xf32, #tpu.memory_space<vmem>>, %arg11: memref<128x64xf32, #tpu.memory_space<vmem>>, %arg12: memref<128x64xf32, #tpu.memory_space<vmem>>, %arg13: memref<128x64xf32, #tpu.memory_space<vmem>>, %arg14: memref<128x64xf32, #tpu.memory_space<vmem>>, %arg15: memref<10240x64xf32, #tpu.memory_space<vmem_shared>>, %arg16: memref<!tpu.dma_semaphore, #tpu.memory_space<semaphore_mem>>, %arg17: memref<!tpu.dma_semaphore, #tpu.memory_space<semaphore_mem>>, %arg18: memref<!tpu.dma_semaphore, #tpu.memory_space<semaphore_mem>>, %arg19: memref<!tpu.dma_semaphore, #tpu.memory_space<semaphore_mem>>, %arg20: memref<!tpu.dma_semaphore, #tpu.memory_space<semaphore_mem>>) attributes {dimension_semantics = [#tpu.dimension_semantics<core_parallel>, #tpu.dimension_semantics<subcore_parallel>], iteration_bounds = array<i64: 2, 16>, scalar_prefetch = 0 : i64, scratch_operands = 13 : i64, tpu.core_type = #tpu.core_type<sc_vector_subcore>, window_params = [{transform_indices = #map}, {transform_indices = #map}, {transform_indices = #map1}, {transform_indices = #map1}, {transform_indices = #map1}, {transform_indices = #map1}]} {
    %mul3A = arith.constant 16 : i32
    %mul3A_0 = arith.muli %arg0, %mul3A : i32
    %add3A = arith.addi %mul3A_0, %arg1 : i32
    %scan3A = arith.constant 0 : i32
    %scan3A_1 = arith.constant 128 : i32
    %scan3A_2 = arith.addi %scan3A, %scan3A_1 : i32
    %scan3A_3 = arith.constant 1 : i32
    scf.for %scan3A_187 = %scan3A to %scan3A_2 step %scan3A_3  : i32 {
      %mul3A_188 = arith.constant 1 : i32
      %mul3A_189 = arith.muli %scan3A_187, %mul3A_188 : i32
      %add3A_190 = arith.constant 0 : i32
      %add3A_191 = arith.addi %add3A_190, %mul3A_189 : i32
      %broadcast_in_dim3A = arith.constant 0.000000e+00 : f32
      %broadcast_in_dim3A_192 = vector.broadcast %broadcast_in_dim3A : f32 to vector<16xf32>
      %swap3A = arith.index_cast %add3A_191 : i32 to index
      %swap3A_193 = arith.constant 0 : index
      %swap3A_194 = tpu.vector_load %arg10[%swap3A, %swap3A_193] {strides = array<i32>} : memref<128x64xf32, #tpu.memory_space<vmem>>, vector<1x16xf32>,
      %swap3A_195 = vector.shape_cast %swap3A_194 : vector<1x16xf32> to vector<16xf32>
      %swap3A_196 = vector.shape_cast %broadcast_in_dim3A_192 : vector<16xf32> to vector<1x16xf32>
      tpu.vector_store %arg10[%swap3A, %swap3A_193], %swap3A_196 {strides = array<i32>} : memref<128x64xf32, #tpu.memory_space<vmem>>, vector<1x16xf32>,
      %broadcast_in_dim3A_197 = arith.constant 0.000000e+00 : f32
      %broadcast_in_dim3A_198 = vector.broadcast %broadcast_in_dim3A_197 : f32 to vector<16xf32>
      %swap3A_199 = arith.index_cast %add3A_191 : i32 to index
      %swap3A_200 = arith.constant 16 : index
      %swap3A_201 = tpu.vector_load %arg10[%swap3A_199, %swap3A_200] {strides = array<i32>} : memref<128x64xf32, #tpu.memory_space<vmem>>, vector<1x16xf32>,
      %swap3A_202 = vector.shape_cast %swap3A_201 : vector<1x16xf32> to vector<16xf32>
      %swap3A_203 = vector.shape_cast %broadcast_in_dim3A_198 : vector<16xf32> to vector<1x16xf32>
      tpu.vector_store %arg10[%swap3A_199, %swap3A_200], %swap3A_203 {strides = array<i32>} : memref<128x64xf32, #tpu.memory_space<vmem>>, vector<1x16xf32>,
      %broadcast_in_dim3A_204 = arith.constant 0.000000e+00 : f32
      %broadcast_in_dim3A_205 = vector.broadcast %broadcast_in_dim3A_204 : f32 to vector<16xf32>
      %swap3A_206 = arith.index_cast %add3A_191 : i32 to index
      %swap3A_207 = arith.constant 32 : index
      %swap3A_208 = tpu.vector_load %arg10[%swap3A_206, %swap3A_207] {strides = array<i32>} : memref<128x64xf32, #tpu.memory_space<vmem>>, vector<1x16xf32>,
      %swap3A_209 = vector.shape_cast %swap3A_208 : vector<1x16xf32> to vector<16xf32>
      %swap3A_210 = vector.shape_cast %broadcast_in_dim3A_205 : vector<16xf32> to vector<1x16xf32>
      tpu.vector_store %arg10[%swap3A_206, %swap3A_207], %swap3A_210 {strides = array<i32>} : memref<128x64xf32, #tpu.memory_space<vmem>>, vector<1x16xf32>,
      %broadcast_in_dim3A_211 = arith.constant 0.000000e+00 : f32
      %broadcast_in_dim3A_212 = vector.broadcast %broadcast_in_dim3A_211 : f32 to vector<16xf32>
      %swap3A_213 = arith.index_cast %add3A_191 : i32 to index
      %swap3A_214 = arith.constant 48 : index
      %swap3A_215 = tpu.vector_load %arg10[%swap3A_213, %swap3A_214] {strides = array<i32>} : memref<128x64xf32, #tpu.memory_space<vmem>>, vector<1x16xf32>,
      %swap3A_216 = vector.shape_cast %swap3A_215 : vector<1x16xf32> to vector<16xf32>
      %swap3A_217 = vector.shape_cast %broadcast_in_dim3A_212 : vector<16xf32> to vector<1x16xf32>
      tpu.vector_store %arg10[%swap3A_213, %swap3A_214], %swap3A_217 {strides = array<i32>} : memref<128x64xf32, #tpu.memory_space<vmem>>, vector<1x16xf32>,
    }
    %scan3A_4 = arith.constant 128 : i32
    "tpu.region"() ({
      %run_scoped3A_187 = tpu.sem_alloc : memref<!tpu.dma_semaphore, #tpu.memory_space<semaphore_mem>>
      %dma_start3A_188 = arith.constant 0 : i32
      %dma_start3A_189 = arith.constant 0 : i32
      %dma_start3A_190 = tpu.memref_slice %arg4[%add3A, %dma_start3A_188, %dma_start3A_189] : memref<32x80x128xi32, #tpu.memory_space<hbm>> -> memref<1x80x128xi32, #tpu.memory_space<hbm>>
      %dma_start3A_191 = tpu.memref_squeeze %dma_start3A_190 : memref<1x80x128xi32, #tpu.memory_space<hbm>> -> memref<80x128xi32, #tpu.memory_space<hbm>>
      %dma_start3A_192 = arith.constant 0 : i32
      %dma_start3A_193 = arith.constant 0 : i32
      %dma_start3A_194 = tpu.memref_slice %arg4[%add3A, %dma_start3A_192, %dma_start3A_193] : memref<32x80x128xi32, #tpu.memory_space<hbm>> -> memref<1x80x128xi32, #tpu.memory_space<hbm>>
      %dma_start3A_195 = tpu.memref_squeeze %dma_start3A_194 : memref<1x80x128xi32, #tpu.memory_space<hbm>> -> memref<80x128xi32, #tpu.memory_space<hbm>>
      tpu.enqueue_dma source(%dma_start3A_195 : memref<80x128xi32, #tpu.memory_space<hbm>>) target(%arg8 : memref<80x128xi32, #tpu.memory_space<vmem>>) target_semaphore(%run_scoped3A_187 : memref<!tpu.dma_semaphore, #tpu.memory_space<semaphore_mem>>)
      %dma_wait3A_196 = arith.constant 0 : i32
      %dma_wait3A_197 = arith.constant 0 : i32
      %dma_wait3A_198 = tpu.memref_slice %arg4[%add3A, %dma_wait3A_196, %dma_wait3A_197] : memref<32x80x128xi32, #tpu.memory_space<hbm>> -> memref<1x80x128xi32, #tpu.memory_space<hbm>>
      %dma_wait3A_199 = tpu.memref_squeeze %dma_wait3A_198 : memref<1x80x128xi32, #tpu.memory_space<hbm>> -> memref<80x128xi32, #tpu.memory_space<hbm>>
      %dma_wait3A_200 = arith.constant 0 : i32
      %dma_wait3A_201 = arith.constant 0 : i32
      %dma_wait3A_202 = tpu.memref_slice %arg4[%add3A, %dma_wait3A_200, %dma_wait3A_201] : memref<32x80x128xi32, #tpu.memory_space<hbm>> -> memref<1x80x128xi32, #tpu.memory_space<hbm>>
      %dma_wait3A_203 = tpu.memref_squeeze %dma_wait3A_202 : memref<1x80x128xi32, #tpu.memory_space<hbm>> -> memref<80x128xi32, #tpu.memory_space<hbm>>
      tpu.wait_dma2 semaphore(%run_scoped3A_187 : memref<!tpu.dma_semaphore, #tpu.memory_space<semaphore_mem>>) src(%dma_wait3A_203 : memref<80x128xi32, #tpu.memory_space<hbm>>) dst(%arg8 : memref<80x128xi32, #tpu.memory_space<vmem>>)
      tpu.yield
    }) : () -> ()
    "tpu.region"() ({
      %run_scoped3A_187 = tpu.sem_alloc : memref<!tpu.dma_semaphore, #tpu.memory_space<semaphore_mem>>
      %dma_start3A_188 = arith.constant 0 : i32
      %dma_start3A_189 = arith.constant 0 : i32
      %dma_start3A_190 = tpu.memref_slice %arg5[%add3A, %dma_start3A_188, %dma_start3A_189] : memref<32x80x128xi32, #tpu.memory_space<hbm>> -> memref<1x80x128xi32, #tpu.memory_space<hbm>>
      %dma_start3A_191 = tpu.memref_squeeze %dma_start3A_190 : memref<1x80x128xi32, #tpu.memory_space<hbm>> -> memref<80x128xi32, #tpu.memory_space<hbm>>
      %dma_start3A_192 = arith.constant 0 : i32
      %dma_start3A_193 = arith.constant 0 : i32
      %dma_start3A_194 = tpu.memref_slice %arg5[%add3A, %dma_start3A_192, %dma_start3A_193] : memref<32x80x128xi32, #tpu.memory_space<hbm>> -> memref<1x80x128xi32, #tpu.memory_space<hbm>>
      %dma_start3A_195 = tpu.memref_squeeze %dma_start3A_194 : memref<1x80x128xi32, #tpu.memory_space<hbm>> -> memref<80x128xi32, #tpu.memory_space<hbm>>
      tpu.enqueue_dma source(%dma_start3A_195 : memref<80x128xi32, #tpu.memory_space<hbm>>) target(%arg9 : memref<80x128xi32, #tpu.memory_space<vmem>>) target_semaphore(%run_scoped3A_187 : memref<!tpu.dma_semaphore, #tpu.memory_space<semaphore_mem>>)
      %dma_wait3A_196 = arith.constant 0 : i32
      %dma_wait3A_197 = arith.constant 0 : i32
      %dma_wait3A_198 = tpu.memref_slice %arg5[%add3A, %dma_wait3A_196, %dma_wait3A_197] : memref<32x80x128xi32, #tpu.memory_space<hbm>> -> memref<1x80x128xi32, #tpu.memory_space<hbm>>
      %dma_wait3A_199 = tpu.memref_squeeze %dma_wait3A_198 : memref<1x80x128xi32, #tpu.memory_space<hbm>> -> memref<80x128xi32, #tpu.memory_space<hbm>>
      %dma_wait3A_200 = arith.constant 0 : i32
      %dma_wait3A_201 = arith.constant 0 : i32
      %dma_wait3A_202 = tpu.memref_slice %arg5[%add3A, %dma_wait3A_200, %dma_wait3A_201] : memref<32x80x128xi32, #tpu.memory_space<hbm>> -> memref<1x80x128xi32, #tpu.memory_space<hbm>>
      %dma_wait3A_203 = tpu.memref_squeeze %dma_wait3A_202 : memref<1x80x128xi32, #tpu.memory_space<hbm>> -> memref<80x128xi32, #tpu.memory_space<hbm>>
      tpu.wait_dma2 semaphore(%run_scoped3A_187 : memref<!tpu.dma_semaphore, #tpu.memory_space<semaphore_mem>>) src(%dma_wait3A_203 : memref<80x128xi32, #tpu.memory_space<hbm>>) dst(%arg9 : memref<80x128xi32, #tpu.memory_space<vmem>>)
      tpu.yield
    }) : () -> ()
    %mul3A_5 = arith.constant 640 : i32
    %mul3A_6 = arith.muli %arg1, %mul3A_5 : i32
    %dma_start3A = arith.constant 0 : i32
    %dma_start3A_7 = arith.constant 0 : i32
    %dma_start3A_8 = tpu.memref_slice %arg8[%dma_start3A, %dma_start3A_7] : memref<80x128xi32, #tpu.memory_space<vmem>> -> memref<1x128xi32, #tpu.memory_space<vmem>>
    %dma_start3A_9 = tpu.memref_squeeze %dma_start3A_8 : memref<1x128xi32, #tpu.memory_space<vmem>> -> memref<128xi32, #tpu.memory_space<vmem>>
    %dma_start3A_10 = arith.constant 0 : i32
    %dma_start3A_11 = arith.constant 0 : i32
    %dma_start3A_12 = tpu.memref_slice %arg2[%dma_start3A_10, %dma_start3A_11] : memref<10000x64xf32, #tpu.memory_space<hbm>> -> memref<10000x64xf32, #tpu.memory_space<hbm>>
    tpu.enqueue_indirect_dma source(%dma_start3A_12 : memref<10000x64xf32, #tpu.memory_space<hbm>>) target(%arg11 : memref<128x64xf32, #tpu.memory_space<vmem>>) offsets(%dma_start3A_9 : memref<128xi32, #tpu.memory_space<vmem>>) semaphore(%arg16 : memref<!tpu.dma_semaphore, #tpu.memory_space<semaphore_mem>>)
    %dma_start3A_13 = arith.constant 1 : i32
    %dma_start3A_14 = arith.constant 0 : i32
    %dma_start3A_15 = tpu.memref_slice %arg8[%dma_start3A_13, %dma_start3A_14] : memref<80x128xi32, #tpu.memory_space<vmem>> -> memref<1x128xi32, #tpu.memory_space<vmem>>
    %dma_start3A_16 = tpu.memref_squeeze %dma_start3A_15 : memref<1x128xi32, #tpu.memory_space<vmem>> -> memref<128xi32, #tpu.memory_space<vmem>>
    %dma_start3A_17 = arith.constant 0 : i32
    %dma_start3A_18 = arith.constant 0 : i32
    %dma_start3A_19 = tpu.memref_slice %arg2[%dma_start3A_17, %dma_start3A_18] : memref<10000x64xf32, #tpu.memory_space<hbm>> -> memref<10000x64xf32, #tpu.memory_space<hbm>>
    tpu.enqueue_indirect_dma source(%dma_start3A_19 : memref<10000x64xf32, #tpu.memory_space<hbm>>) target(%arg12 : memref<128x64xf32, #tpu.memory_space<vmem>>) offsets(%dma_start3A_16 : memref<128xi32, #tpu.memory_space<vmem>>) semaphore(%arg17 : memref<!tpu.dma_semaphore, #tpu.memory_space<semaphore_mem>>)
    %dma_start3A_20 = arith.constant 2 : i32
    %dma_start3A_21 = arith.constant 0 : i32
    %dma_start3A_22 = tpu.memref_slice %arg8[%dma_start3A_20, %dma_start3A_21] : memref<80x128xi32, #tpu.memory_space<vmem>> -> memref<1x128xi32, #tpu.memory_space<vmem>>
    %dma_start3A_23 = tpu.memref_squeeze %dma_start3A_22 : memref<1x128xi32, #tpu.memory_space<vmem>> -> memref<128xi32, #tpu.memory_space<vmem>>
    %dma_start3A_24 = arith.constant 0 : i32
    %dma_start3A_25 = arith.constant 0 : i32
    %dma_start3A_26 = tpu.memref_slice %arg2[%dma_start3A_24, %dma_start3A_25] : memref<10000x64xf32, #tpu.memory_space<hbm>> -> memref<10000x64xf32, #tpu.memory_space<hbm>>
    tpu.enqueue_indirect_dma source(%dma_start3A_26 : memref<10000x64xf32, #tpu.memory_space<hbm>>) target(%arg13 : memref<128x64xf32, #tpu.memory_space<vmem>>) offsets(%dma_start3A_23 : memref<128xi32, #tpu.memory_space<vmem>>) semaphore(%arg18 : memref<!tpu.dma_semaphore, #tpu.memory_space<semaphore_mem>>)
    %dma_start3A_27 = arith.constant 3 : i32
    %dma_start3A_28 = arith.constant 0 : i32
    %dma_start3A_29 = tpu.memref_slice %arg8[%dma_start3A_27, %dma_start3A_28] : memref<80x128xi32, #tpu.memory_space<vmem>> -> memref<1x128xi32, #tpu.memory_space<vmem>>
    %dma_start3A_30 = tpu.memref_squeeze %dma_start3A_29 : memref<1x128xi32, #tpu.memory_space<vmem>> -> memref<128xi32, #tpu.memory_space<vmem>>
    %dma_start3A_31 = arith.constant 0 : i32
    %dma_start3A_32 = arith.constant 0 : i32
    %dma_start3A_33 = tpu.memref_slice %arg2[%dma_start3A_31, %dma_start3A_32] : memref<10000x64xf32, #tpu.memory_space<hbm>> -> memref<10000x64xf32, #tpu.memory_space<hbm>>
    tpu.enqueue_indirect_dma source(%dma_start3A_33 : memref<10000x64xf32, #tpu.memory_space<hbm>>) target(%arg14 : memref<128x64xf32, #tpu.memory_space<vmem>>) offsets(%dma_start3A_30 : memref<128xi32, #tpu.memory_space<vmem>>) semaphore(%arg19 : memref<!tpu.dma_semaphore, #tpu.memory_space<semaphore_mem>>)
    %mul3A_34 = arith.constant 640 : i32
    %mul3A_35 = arith.muli %arg1, %mul3A_34 : i32
    %add3A_36 = arith.constant 0 : i32
    %add3A_37 = arith.addi %mul3A_35, %add3A_36 : i32
    "tpu.region"() ({
      %run_scoped3A_187 = tpu.sem_alloc : memref<!tpu.dma_semaphore, #tpu.memory_space<semaphore_mem>>
      %dma_start3A_188 = arith.constant 0 : i32
      %dma_start3A_189 = tpu.memref_slice %arg15[%add3A_37, %dma_start3A_188] : memref<10240x64xf32, #tpu.memory_space<vmem_shared>> -> memref<128x64xf32, #tpu.memory_space<vmem_shared>>
      %dma_start3A_190 = arith.constant 0 : i32
      %dma_start3A_191 = tpu.memref_slice %arg15[%add3A_37, %dma_start3A_190] : memref<10240x64xf32, #tpu.memory_space<vmem_shared>> -> memref<128x64xf32, #tpu.memory_space<vmem_shared>>
      tpu.enqueue_dma source(%arg10 : memref<128x64xf32, #tpu.memory_space<vmem>>) target(%dma_start3A_191 : memref<128x64xf32, #tpu.memory_space<vmem_shared>>) target_semaphore(%run_scoped3A_187 : memref<!tpu.dma_semaphore, #tpu.memory_space<semaphore_mem>>)
      %dma_wait3A_192 = arith.constant 0 : i32
      %dma_wait3A_193 = tpu.memref_slice %arg15[%add3A_37, %dma_wait3A_192] : memref<10240x64xf32, #tpu.memory_space<vmem_shared>> -> memref<128x64xf32, #tpu.memory_space<vmem_shared>>
      %dma_wait3A_194 = arith.constant 0 : i32
      %dma_wait3A_195 = tpu.memref_slice %arg15[%add3A_37, %dma_wait3A_194] : memref<10240x64xf32, #tpu.memory_space<vmem_shared>> -> memref<128x64xf32, #tpu.memory_space<vmem_shared>>
      tpu.wait_dma2 semaphore(%run_scoped3A_187 : memref<!tpu.dma_semaphore, #tpu.memory_space<semaphore_mem>>) src(%arg10 : memref<128x64xf32, #tpu.memory_space<vmem>>) dst(%dma_wait3A_195 : memref<128x64xf32, #tpu.memory_space<vmem_shared>>)
      tpu.yield
    }) : () -> ()
    %mul3A_38 = arith.constant 640 : i32
    %mul3A_39 = arith.muli %arg1, %mul3A_38 : i32
    %add3A_40 = arith.constant 128 : i32
    %add3A_41 = arith.addi %mul3A_39, %add3A_40 : i32
    "tpu.region"() ({
      %run_scoped3A_187 = tpu.sem_alloc : memref<!tpu.dma_semaphore, #tpu.memory_space<semaphore_mem>>
      %dma_start3A_188 = arith.constant 0 : i32
      %dma_start3A_189 = tpu.memref_slice %arg15[%add3A_41, %dma_start3A_188] : memref<10240x64xf32, #tpu.memory_space<vmem_shared>> -> memref<128x64xf32, #tpu.memory_space<vmem_shared>>
      %dma_start3A_190 = arith.constant 0 : i32
      %dma_start3A_191 = tpu.memref_slice %arg15[%add3A_41, %dma_start3A_190] : memref<10240x64xf32, #tpu.memory_space<vmem_shared>> -> memref<128x64xf32, #tpu.memory_space<vmem_shared>>
      tpu.enqueue_dma source(%arg10 : memref<128x64xf32, #tpu.memory_space<vmem>>) target(%dma_start3A_191 : memref<128x64xf32, #tpu.memory_space<vmem_shared>>) target_semaphore(%run_scoped3A_187 : memref<!tpu.dma_semaphore, #tpu.memory_space<semaphore_mem>>)
      %dma_wait3A_192 = arith.constant 0 : i32
      %dma_wait3A_193 = tpu.memref_slice %arg15[%add3A_41, %dma_wait3A_192] : memref<10240x64xf32, #tpu.memory_space<vmem_shared>> -> memref<128x64xf32, #tpu.memory_space<vmem_shared>>
      %dma_wait3A_194 = arith.constant 0 : i32
      %dma_wait3A_195 = tpu.memref_slice %arg15[%add3A_41, %dma_wait3A_194] : memref<10240x64xf32, #tpu.memory_space<vmem_shared>> -> memref<128x64xf32, #tpu.memory_space<vmem_shared>>
      tpu.wait_dma2 semaphore(%run_scoped3A_187 : memref<!tpu.dma_semaphore, #tpu.memory_space<semaphore_mem>>) src(%arg10 : memref<128x64xf32, #tpu.memory_space<vmem>>) dst(%dma_wait3A_195 : memref<128x64xf32, #tpu.memory_space<vmem_shared>>)
      tpu.yield
    }) : () -> ()
    %mul3A_42 = arith.constant 640 : i32
    %mul3A_43 = arith.muli %arg1, %mul3A_42 : i32
    %add3A_44 = arith.constant 256 : i32
    %add3A_45 = arith.addi %mul3A_43, %add3A_44 : i32
    "tpu.region"() ({
      %run_scoped3A_187 = tpu.sem_alloc : memref<!tpu.dma_semaphore, #tpu.memory_space<semaphore_mem>>
      %dma_start3A_188 = arith.constant 0 : i32
      %dma_start3A_189 = tpu.memref_slice %arg15[%add3A_45, %dma_start3A_188] : memref<10240x64xf32, #tpu.memory_space<vmem_shared>> -> memref<128x64xf32, #tpu.memory_space<vmem_shared>>
      %dma_start3A_190 = arith.constant 0 : i32
      %dma_start3A_191 = tpu.memref_slice %arg15[%add3A_45, %dma_start3A_190] : memref<10240x64xf32, #tpu.memory_space<vmem_shared>> -> memref<128x64xf32, #tpu.memory_space<vmem_shared>>
      tpu.enqueue_dma source(%arg10 : memref<128x64xf32, #tpu.memory_space<vmem>>) target(%dma_start3A_191 : memref<128x64xf32, #tpu.memory_space<vmem_shared>>) target_semaphore(%run_scoped3A_187 : memref<!tpu.dma_semaphore, #tpu.memory_space<semaphore_mem>>)
      %dma_wait3A_192 = arith.constant 0 : i32
      %dma_wait3A_193 = tpu.memref_slice %arg15[%add3A_45, %dma_wait3A_192] : memref<10240x64xf32, #tpu.memory_space<vmem_shared>> -> memref<128x64xf32, #tpu.memory_space<vmem_shared>>
      %dma_wait3A_194 = arith.constant 0 : i32
      %dma_wait3A_195 = tpu.memref_slice %arg15[%add3A_45, %dma_wait3A_194] : memref<10240x64xf32, #tpu.memory_space<vmem_shared>> -> memref<128x64xf32, #tpu.memory_space<vmem_shared>>
      tpu.wait_dma2 semaphore(%run_scoped3A_187 : memref<!tpu.dma_semaphore, #tpu.memory_space<semaphore_mem>>) src(%arg10 : memref<128x64xf32, #tpu.memory_space<vmem>>) dst(%dma_wait3A_195 : memref<128x64xf32, #tpu.memory_space<vmem_shared>>)
      tpu.yield
    }) : () -> ()
    %mul3A_46 = arith.constant 640 : i32
    %mul3A_47 = arith.muli %arg1, %mul3A_46 : i32
    %add3A_48 = arith.constant 384 : i32
    %add3A_49 = arith.addi %mul3A_47, %add3A_48 : i32
    "tpu.region"() ({
      %run_scoped3A_187 = tpu.sem_alloc : memref<!tpu.dma_semaphore, #tpu.memory_space<semaphore_mem>>
      %dma_start3A_188 = arith.constant 0 : i32
      %dma_start3A_189 = tpu.memref_slice %arg15[%add3A_49, %dma_start3A_188] : memref<10240x64xf32, #tpu.memory_space<vmem_shared>> -> memref<128x64xf32, #tpu.memory_space<vmem_shared>>
      %dma_start3A_190 = arith.constant 0 : i32
      %dma_start3A_191 = tpu.memref_slice %arg15[%add3A_49, %dma_start3A_190] : memref<10240x64xf32, #tpu.memory_space<vmem_shared>> -> memref<128x64xf32, #tpu.memory_space<vmem_shared>>
      tpu.enqueue_dma source(%arg10 : memref<128x64xf32, #tpu.memory_space<vmem>>) target(%dma_start3A_191 : memref<128x64xf32, #tpu.memory_space<vmem_shared>>) target_semaphore(%run_scoped3A_187 : memref<!tpu.dma_semaphore, #tpu.memory_space<semaphore_mem>>)
      %dma_wait3A_192 = arith.constant 0 : i32
      %dma_wait3A_193 = tpu.memref_slice %arg15[%add3A_49, %dma_wait3A_192] : memref<10240x64xf32, #tpu.memory_space<vmem_shared>> -> memref<128x64xf32, #tpu.memory_space<vmem_shared>>
      %dma_wait3A_194 = arith.constant 0 : i32
      %dma_wait3A_195 = tpu.memref_slice %arg15[%add3A_49, %dma_wait3A_194] : memref<10240x64xf32, #tpu.memory_space<vmem_shared>> -> memref<128x64xf32, #tpu.memory_space<vmem_shared>>
      tpu.wait_dma2 semaphore(%run_scoped3A_187 : memref<!tpu.dma_semaphore, #tpu.memory_space<semaphore_mem>>) src(%arg10 : memref<128x64xf32, #tpu.memory_space<vmem>>) dst(%dma_wait3A_195 : memref<128x64xf32, #tpu.memory_space<vmem_shared>>)
      tpu.yield
    }) : () -> ()
    %mul3A_50 = arith.constant 640 : i32
    %mul3A_51 = arith.muli %arg1, %mul3A_50 : i32
    %add3A_52 = arith.constant 512 : i32
    %add3A_53 = arith.addi %mul3A_51, %add3A_52 : i32
    "tpu.region"() ({
      %run_scoped3A_187 = tpu.sem_alloc : memref<!tpu.dma_semaphore, #tpu.memory_space<semaphore_mem>>
      %dma_start3A_188 = arith.constant 0 : i32
      %dma_start3A_189 = tpu.memref_slice %arg15[%add3A_53, %dma_start3A_188] : memref<10240x64xf32, #tpu.memory_space<vmem_shared>> -> memref<128x64xf32, #tpu.memory_space<vmem_shared>>
      %dma_start3A_190 = arith.constant 0 : i32
      %dma_start3A_191 = tpu.memref_slice %arg15[%add3A_53, %dma_start3A_190] : memref<10240x64xf32, #tpu.memory_space<vmem_shared>> -> memref<128x64xf32, #tpu.memory_space<vmem_shared>>
      tpu.enqueue_dma source(%arg10 : memref<128x64xf32, #tpu.memory_space<vmem>>) target(%dma_start3A_191 : memref<128x64xf32, #tpu.memory_space<vmem_shared>>) target_semaphore(%run_scoped3A_187 : memref<!tpu.dma_semaphore, #tpu.memory_space<semaphore_mem>>)
      %dma_wait3A_192 = arith.constant 0 : i32
      %dma_wait3A_193 = tpu.memref_slice %arg15[%add3A_53, %dma_wait3A_192] : memref<10240x64xf32, #tpu.memory_space<vmem_shared>> -> memref<128x64xf32, #tpu.memory_space<vmem_shared>>
      %dma_wait3A_194 = arith.constant 0 : i32
      %dma_wait3A_195 = tpu.memref_slice %arg15[%add3A_53, %dma_wait3A_194] : memref<10240x64xf32, #tpu.memory_space<vmem_shared>> -> memref<128x64xf32, #tpu.memory_space<vmem_shared>>
      tpu.wait_dma2 semaphore(%run_scoped3A_187 : memref<!tpu.dma_semaphore, #tpu.memory_space<semaphore_mem>>) src(%arg10 : memref<128x64xf32, #tpu.memory_space<vmem>>) dst(%dma_wait3A_195 : memref<128x64xf32, #tpu.memory_space<vmem_shared>>)
      tpu.yield
    }) : () -> ()
    %barrier3A = arith.constant 0 : index
    tpu.barrier barrier_id(%barrier3A)
    %scan3A_54 = arith.constant 0 : i32
    %scan3A_55 = arith.constant 19 : i32
    %scan3A_56 = arith.addi %scan3A_54, %scan3A_55 : i32
    %scan3A_57 = arith.constant 1 : i32
    scf.for %scan3A_187 = %scan3A_54 to %scan3A_56 step %scan3A_57  : i32 {
      %mul3A_188 = arith.constant 4 : i32
      %mul3A_189 = arith.muli %scan3A_187, %mul3A_188 : i32
      %add3A_190 = arith.constant 0 : i32
      %add3A_191 = arith.addi %add3A_190, %mul3A_189 : i32
      %add3A_192 = arith.constant 0 : i32
      %add3A_193 = arith.addi %add3A_191, %add3A_192 : i32
      %dma_wait3A_194 = arith.constant 0 : i32
      %dma_wait3A_195 = tpu.memref_slice %arg8[%add3A_193, %dma_wait3A_194] : memref<80x128xi32, #tpu.memory_space<vmem>> -> memref<1x128xi32, #tpu.memory_space<vmem>>
      %dma_wait3A_196 = tpu.memref_squeeze %dma_wait3A_195 : memref<1x128xi32, #tpu.memory_space<vmem>> -> memref<128xi32, #tpu.memory_space<vmem>>
      %dma_wait3A_197 = arith.constant 0 : i32
      %dma_wait3A_198 = arith.constant 0 : i32
      %dma_wait3A_199 = tpu.memref_slice %arg2[%dma_wait3A_197, %dma_wait3A_198] : memref<10000x64xf32, #tpu.memory_space<hbm>> -> memref<10000x64xf32, #tpu.memory_space<hbm>>
      tpu.wait_indirect_dma semaphore(%arg16 : memref<!tpu.dma_semaphore, #tpu.memory_space<semaphore_mem>>) src(%dma_wait3A_199 : memref<10000x64xf32, #tpu.memory_space<hbm>>) dst(%arg11 : memref<128x64xf32, #tpu.memory_space<vmem>>)
      "tpu.region"() ({
        %run_scoped3A_256 = tpu.sem_alloc : memref<!tpu.dma_semaphore, #tpu.memory_space<semaphore_mem>>
        %dma_start3A_257 = arith.constant 0 : i32
        %dma_start3A_258 = tpu.memref_slice %arg9[%add3A_193, %dma_start3A_257] : memref<80x128xi32, #tpu.memory_space<vmem>> -> memref<1x128xi32, #tpu.memory_space<vmem>>
        %dma_start3A_259 = tpu.memref_squeeze %dma_start3A_258 : memref<1x128xi32, #tpu.memory_space<vmem>> -> memref<128xi32, #tpu.memory_space<vmem>>
        %dma_start3A_260 = arith.constant 0 : i32
        %dma_start3A_261 = arith.constant 0 : i32
        %dma_start3A_262 = tpu.memref_slice %arg15[%dma_start3A_260, %dma_start3A_261] : memref<10240x64xf32, #tpu.memory_space<vmem_shared>> -> memref<10240x64xf32, #tpu.memory_space<vmem_shared>>
        tpu.enqueue_indirect_dma source(%arg11 : memref<128x64xf32, #tpu.memory_space<vmem>>) target(%dma_start3A_262 : memref<10240x64xf32, #tpu.memory_space<vmem_shared>>) offsets(%dma_start3A_259 : memref<128xi32, #tpu.memory_space<vmem>>) semaphore(%run_scoped3A_256 : memref<!tpu.dma_semaphore, #tpu.memory_space<semaphore_mem>>) {add = true}
        %dma_wait3A_263 = arith.constant 0 : i32
        %dma_wait3A_264 = tpu.memref_slice %arg9[%add3A_193, %dma_wait3A_263] : memref<80x128xi32, #tpu.memory_space<vmem>> -> memref<1x128xi32, #tpu.memory_space<vmem>>
        %dma_wait3A_265 = tpu.memref_squeeze %dma_wait3A_264 : memref<1x128xi32, #tpu.memory_space<vmem>> -> memref<128xi32, #tpu.memory_space<vmem>>
        %dma_wait3A_266 = arith.constant 0 : i32
        %dma_wait3A_267 = arith.constant 0 : i32
        %dma_wait3A_268 = tpu.memref_slice %arg15[%dma_wait3A_266, %dma_wait3A_267] : memref<10240x64xf32, #tpu.memory_space<vmem_shared>> -> memref<10240x64xf32, #tpu.memory_space<vmem_shared>>
        tpu.wait_indirect_dma semaphore(%run_scoped3A_256 : memref<!tpu.dma_semaphore, #tpu.memory_space<semaphore_mem>>) src(%arg11 : memref<128x64xf32, #tpu.memory_space<vmem>>) dst(%dma_wait3A_268 : memref<10240x64xf32, #tpu.memory_space<vmem_shared>>)
        tpu.yield
      }) : () -> ()
      %add3A_200 = arith.constant 4 : i32
      %add3A_201 = arith.addi %add3A_193, %add3A_200 : i32
      %dma_start3A_202 = arith.constant 0 : i32
      %dma_start3A_203 = tpu.memref_slice %arg8[%add3A_201, %dma_start3A_202] : memref<80x128xi32, #tpu.memory_space<vmem>> -> memref<1x128xi32, #tpu.memory_space<vmem>>
      %dma_start3A_204 = tpu.memref_squeeze %dma_start3A_203 : memref<1x128xi32, #tpu.memory_space<vmem>> -> memref<128xi32, #tpu.memory_space<vmem>>
      %dma_start3A_205 = arith.constant 0 : i32
      %dma_start3A_206 = arith.constant 0 : i32
      %dma_start3A_207 = tpu.memref_slice %arg2[%dma_start3A_205, %dma_start3A_206] : memref<10000x64xf32, #tpu.memory_space<hbm>> -> memref<10000x64xf32, #tpu.memory_space<hbm>>
      tpu.enqueue_indirect_dma source(%dma_start3A_207 : memref<10000x64xf32, #tpu.memory_space<hbm>>) target(%arg11 : memref<128x64xf32, #tpu.memory_space<vmem>>) offsets(%dma_start3A_204 : memref<128xi32, #tpu.memory_space<vmem>>) semaphore(%arg16 : memref<!tpu.dma_semaphore, #tpu.memory_space<semaphore_mem>>)
      %add3A_208 = arith.constant 1 : i32
      %add3A_209 = arith.addi %add3A_191, %add3A_208 : i32
      %dma_wait3A_210 = arith.constant 0 : i32
      %dma_wait3A_211 = tpu.memref_slice %arg8[%add3A_209, %dma_wait3A_210] : memref<80x128xi32, #tpu.memory_space<vmem>> -> memref<1x128xi32, #tpu.memory_space<vmem>>
      %dma_wait3A_212 = tpu.memref_squeeze %dma_wait3A_211 : memref<1x128xi32, #tpu.memory_space<vmem>> -> memref<128xi32, #tpu.memory_space<vmem>>
      %dma_wait3A_213 = arith.constant 0 : i32
      %dma_wait3A_214 = arith.constant 0 : i32
      %dma_wait3A_215 = tpu.memref_slice %arg2[%dma_wait3A_213, %dma_wait3A_214] : memref<10000x64xf32, #tpu.memory_space<hbm>> -> memref<10000x64xf32, #tpu.memory_space<hbm>>
      tpu.wait_indirect_dma semaphore(%arg17 : memref<!tpu.dma_semaphore, #tpu.memory_space<semaphore_mem>>) src(%dma_wait3A_215 : memref<10000x64xf32, #tpu.memory_space<hbm>>) dst(%arg12 : memref<128x64xf32, #tpu.memory_space<vmem>>)
      "tpu.region"() ({
        %run_scoped3A_256 = tpu.sem_alloc : memref<!tpu.dma_semaphore, #tpu.memory_space<semaphore_mem>>
        %dma_start3A_257 = arith.constant 0 : i32
        %dma_start3A_258 = tpu.memref_slice %arg9[%add3A_209, %dma_start3A_257] : memref<80x128xi32, #tpu.memory_space<vmem>> -> memref<1x128xi32, #tpu.memory_space<vmem>>
        %dma_start3A_259 = tpu.memref_squeeze %dma_start3A_258 : memref<1x128xi32, #tpu.memory_space<vmem>> -> memref<128xi32, #tpu.memory_space<vmem>>
        %dma_start3A_260 = arith.constant 0 : i32
        %dma_start3A_261 = arith.constant 0 : i32
        %dma_start3A_262 = tpu.memref_slice %arg15[%dma_start3A_260, %dma_start3A_261] : memref<10240x64xf32, #tpu.memory_space<vmem_shared>> -> memref<10240x64xf32, #tpu.memory_space<vmem_shared>>
        tpu.enqueue_indirect_dma source(%arg12 : memref<128x64xf32, #tpu.memory_space<vmem>>) target(%dma_start3A_262 : memref<10240x64xf32, #tpu.memory_space<vmem_shared>>) offsets(%dma_start3A_259 : memref<128xi32, #tpu.memory_space<vmem>>) semaphore(%run_scoped3A_256 : memref<!tpu.dma_semaphore, #tpu.memory_space<semaphore_mem>>) {add = true}
        %dma_wait3A_263 = arith.constant 0 : i32
        %dma_wait3A_264 = tpu.memref_slice %arg9[%add3A_209, %dma_wait3A_263] : memref<80x128xi32, #tpu.memory_space<vmem>> -> memref<1x128xi32, #tpu.memory_space<vmem>>
        %dma_wait3A_265 = tpu.memref_squeeze %dma_wait3A_264 : memref<1x128xi32, #tpu.memory_space<vmem>> -> memref<128xi32, #tpu.memory_space<vmem>>
        %dma_wait3A_266 = arith.constant 0 : i32
        %dma_wait3A_267 = arith.constant 0 : i32
        %dma_wait3A_268 = tpu.memref_slice %arg15[%dma_wait3A_266, %dma_wait3A_267] : memref<10240x64xf32, #tpu.memory_space<vmem_shared>> -> memref<10240x64xf32, #tpu.memory_space<vmem_shared>>
        tpu.wait_indirect_dma semaphore(%run_scoped3A_256 : memref<!tpu.dma_semaphore, #tpu.memory_space<semaphore_mem>>) src(%arg12 : memref<128x64xf32, #tpu.memory_space<vmem>>) dst(%dma_wait3A_268 : memref<10240x64xf32, #tpu.memory_space<vmem_shared>>)
        tpu.yield
      }) : () -> ()
      %add3A_216 = arith.constant 4 : i32
      %add3A_217 = arith.addi %add3A_209, %add3A_216 : i32
      %dma_start3A_218 = arith.constant 0 : i32
      %dma_start3A_219 = tpu.memref_slice %arg8[%add3A_217, %dma_start3A_218] : memref<80x128xi32, #tpu.memory_space<vmem>> -> memref<1x128xi32, #tpu.memory_space<vmem>>
      %dma_start3A_220 = tpu.memref_squeeze %dma_start3A_219 : memref<1x128xi32, #tpu.memory_space<vmem>> -> memref<128xi32, #tpu.memory_space<vmem>>
      %dma_start3A_221 = arith.constant 0 : i32
      %dma_start3A_222 = arith.constant 0 : i32
      %dma_start3A_223 = tpu.memref_slice %arg2[%dma_start3A_221, %dma_start3A_222] : memref<10000x64xf32, #tpu.memory_space<hbm>> -> memref<10000x64xf32, #tpu.memory_space<hbm>>
      tpu.enqueue_indirect_dma source(%dma_start3A_223 : memref<10000x64xf32, #tpu.memory_space<hbm>>) target(%arg12 : memref<128x64xf32, #tpu.memory_space<vmem>>) offsets(%dma_start3A_220 : memref<128xi32, #tpu.memory_space<vmem>>) semaphore(%arg17 : memref<!tpu.dma_semaphore, #tpu.memory_space<semaphore_mem>>)
      %add3A_224 = arith.constant 2 : i32
      %add3A_225 = arith.addi %add3A_191, %add3A_224 : i32
      %dma_wait3A_226 = arith.constant 0 : i32
      %dma_wait3A_227 = tpu.memref_slice %arg8[%add3A_225, %dma_wait3A_226] : memref<80x128xi32, #tpu.memory_space<vmem>> -> memref<1x128xi32, #tpu.memory_space<vmem>>
      %dma_wait3A_228 = tpu.memref_squeeze %dma_wait3A_227 : memref<1x128xi32, #tpu.memory_space<vmem>> -> memref<128xi32, #tpu.memory_space<vmem>>
      %dma_wait3A_229 = arith.constant 0 : i32
      %dma_wait3A_230 = arith.constant 0 : i32
      %dma_wait3A_231 = tpu.memref_slice %arg2[%dma_wait3A_229, %dma_wait3A_230] : memref<10000x64xf32, #tpu.memory_space<hbm>> -> memref<10000x64xf32, #tpu.memory_space<hbm>>
      tpu.wait_indirect_dma semaphore(%arg18 : memref<!tpu.dma_semaphore, #tpu.memory_space<semaphore_mem>>) src(%dma_wait3A_231 : memref<10000x64xf32, #tpu.memory_space<hbm>>) dst(%arg13 : memref<128x64xf32, #tpu.memory_space<vmem>>)
      "tpu.region"() ({
        %run_scoped3A_256 = tpu.sem_alloc : memref<!tpu.dma_semaphore, #tpu.memory_space<semaphore_mem>>
        %dma_start3A_257 = arith.constant 0 : i32
        %dma_start3A_258 = tpu.memref_slice %arg9[%add3A_225, %dma_start3A_257] : memref<80x128xi32, #tpu.memory_space<vmem>> -> memref<1x128xi32, #tpu.memory_space<vmem>>
        %dma_start3A_259 = tpu.memref_squeeze %dma_start3A_258 : memref<1x128xi32, #tpu.memory_space<vmem>> -> memref<128xi32, #tpu.memory_space<vmem>>
        %dma_start3A_260 = arith.constant 0 : i32
        %dma_start3A_261 = arith.constant 0 : i32
        %dma_start3A_262 = tpu.memref_slice %arg15[%dma_start3A_260, %dma_start3A_261] : memref<10240x64xf32, #tpu.memory_space<vmem_shared>> -> memref<10240x64xf32, #tpu.memory_space<vmem_shared>>
        tpu.enqueue_indirect_dma source(%arg13 : memref<128x64xf32, #tpu.memory_space<vmem>>) target(%dma_start3A_262 : memref<10240x64xf32, #tpu.memory_space<vmem_shared>>) offsets(%dma_start3A_259 : memref<128xi32, #tpu.memory_space<vmem>>) semaphore(%run_scoped3A_256 : memref<!tpu.dma_semaphore, #tpu.memory_space<semaphore_mem>>) {add = true}
        %dma_wait3A_263 = arith.constant 0 : i32
        %dma_wait3A_264 = tpu.memref_slice %arg9[%add3A_225, %dma_wait3A_263] : memref<80x128xi32, #tpu.memory_space<vmem>> -> memref<1x128xi32, #tpu.memory_space<vmem>>
        %dma_wait3A_265 = tpu.memref_squeeze %dma_wait3A_264 : memref<1x128xi32, #tpu.memory_space<vmem>> -> memref<128xi32, #tpu.memory_space<vmem>>
        %dma_wait3A_266 = arith.constant 0 : i32
        %dma_wait3A_267 = arith.constant 0 : i32
        %dma_wait3A_268 = tpu.memref_slice %arg15[%dma_wait3A_266, %dma_wait3A_267] : memref<10240x64xf32, #tpu.memory_space<vmem_shared>> -> memref<10240x64xf32, #tpu.memory_space<vmem_shared>>
        tpu.wait_indirect_dma semaphore(%run_scoped3A_256 : memref<!tpu.dma_semaphore, #tpu.memory_space<semaphore_mem>>) src(%arg13 : memref<128x64xf32, #tpu.memory_space<vmem>>) dst(%dma_wait3A_268 : memref<10240x64xf32, #tpu.memory_space<vmem_shared>>)
        tpu.yield
      }) : () -> ()
      %add3A_232 = arith.constant 4 : i32
      %add3A_233 = arith.addi %add3A_225, %add3A_232 : i32
      %dma_start3A_234 = arith.constant 0 : i32
      %dma_start3A_235 = tpu.memref_slice %arg8[%add3A_233, %dma_start3A_234] : memref<80x128xi32, #tpu.memory_space<vmem>> -> memref<1x128xi32, #tpu.memory_space<vmem>>
      %dma_start3A_236 = tpu.memref_squeeze %dma_start3A_235 : memref<1x128xi32, #tpu.memory_space<vmem>> -> memref<128xi32, #tpu.memory_space<vmem>>
      %dma_start3A_237 = arith.constant 0 : i32
      %dma_start3A_238 = arith.constant 0 : i32
      %dma_start3A_239 = tpu.memref_slice %arg2[%dma_start3A_237, %dma_start3A_238] : memref<10000x64xf32, #tpu.memory_space<hbm>> -> memref<10000x64xf32, #tpu.memory_space<hbm>>
      tpu.enqueue_indirect_dma source(%dma_start3A_239 : memref<10000x64xf32, #tpu.memory_space<hbm>>) target(%arg13 : memref<128x64xf32, #tpu.memory_space<vmem>>) offsets(%dma_start3A_236 : memref<128xi32, #tpu.memory_space<vmem>>) semaphore(%arg18 : memref<!tpu.dma_semaphore, #tpu.memory_space<semaphore_mem>>)
      %add3A_240 = arith.constant 3 : i32
      %add3A_241 = arith.addi %add3A_191, %add3A_240 : i32
      %dma_wait3A_242 = arith.constant 0 : i32
      %dma_wait3A_243 = tpu.memref_slice %arg8[%add3A_241, %dma_wait3A_242] : memref<80x128xi32, #tpu.memory_space<vmem>> -> memref<1x128xi32, #tpu.memory_space<vmem>>
      %dma_wait3A_244 = tpu.memref_squeeze %dma_wait3A_243 : memref<1x128xi32, #tpu.memory_space<vmem>> -> memref<128xi32, #tpu.memory_space<vmem>>
      %dma_wait3A_245 = arith.constant 0 : i32
      %dma_wait3A_246 = arith.constant 0 : i32
      %dma_wait3A_247 = tpu.memref_slice %arg2[%dma_wait3A_245, %dma_wait3A_246] : memref<10000x64xf32, #tpu.memory_space<hbm>> -> memref<10000x64xf32, #tpu.memory_space<hbm>>
      tpu.wait_indirect_dma semaphore(%arg19 : memref<!tpu.dma_semaphore, #tpu.memory_space<semaphore_mem>>) src(%dma_wait3A_247 : memref<10000x64xf32, #tpu.memory_space<hbm>>) dst(%arg14 : memref<128x64xf32, #tpu.memory_space<vmem>>)
      "tpu.region"() ({
        %run_scoped3A_256 = tpu.sem_alloc : memref<!tpu.dma_semaphore, #tpu.memory_space<semaphore_mem>>
        %dma_start3A_257 = arith.constant 0 : i32
        %dma_start3A_258 = tpu.memref_slice %arg9[%add3A_241, %dma_start3A_257] : memref<80x128xi32, #tpu.memory_space<vmem>> -> memref<1x128xi32, #tpu.memory_space<vmem>>
        %dma_start3A_259 = tpu.memref_squeeze %dma_start3A_258 : memref<1x128xi32, #tpu.memory_space<vmem>> -> memref<128xi32, #tpu.memory_space<vmem>>
        %dma_start3A_260 = arith.constant 0 : i32
        %dma_start3A_261 = arith.constant 0 : i32
        %dma_start3A_262 = tpu.memref_slice %arg15[%dma_start3A_260, %dma_start3A_261] : memref<10240x64xf32, #tpu.memory_space<vmem_shared>> -> memref<10240x64xf32, #tpu.memory_space<vmem_shared>>
        tpu.enqueue_indirect_dma source(%arg14 : memref<128x64xf32, #tpu.memory_space<vmem>>) target(%dma_start3A_262 : memref<10240x64xf32, #tpu.memory_space<vmem_shared>>) offsets(%dma_start3A_259 : memref<128xi32, #tpu.memory_space<vmem>>) semaphore(%run_scoped3A_256 : memref<!tpu.dma_semaphore, #tpu.memory_space<semaphore_mem>>) {add = true}
        %dma_wait3A_263 = arith.constant 0 : i32
        %dma_wait3A_264 = tpu.memref_slice %arg9[%add3A_241, %dma_wait3A_263] : memref<80x128xi32, #tpu.memory_space<vmem>> -> memref<1x128xi32, #tpu.memory_space<vmem>>
        %dma_wait3A_265 = tpu.memref_squeeze %dma_wait3A_264 : memref<1x128xi32, #tpu.memory_space<vmem>> -> memref<128xi32, #tpu.memory_space<vmem>>
        %dma_wait3A_266 = arith.constant 0 : i32
        %dma_wait3A_267 = arith.constant 0 : i32
        %dma_wait3A_268 = tpu.memref_slice %arg15[%dma_wait3A_266, %dma_wait3A_267] : memref<10240x64xf32, #tpu.memory_space<vmem_shared>> -> memref<10240x64xf32, #tpu.memory_space<vmem_shared>>
        tpu.wait_indirect_dma semaphore(%run_scoped3A_256 : memref<!tpu.dma_semaphore, #tpu.memory_space<semaphore_mem>>) src(%arg14 : memref<128x64xf32, #tpu.memory_space<vmem>>) dst(%dma_wait3A_268 : memref<10240x64xf32, #tpu.memory_space<vmem_shared>>)
        tpu.yield
      }) : () -> ()
      %add3A_248 = arith.constant 4 : i32
      %add3A_249 = arith.addi %add3A_241, %add3A_248 : i32
      %dma_start3A_250 = arith.constant 0 : i32
      %dma_start3A_251 = tpu.memref_slice %arg8[%add3A_249, %dma_start3A_250] : memref<80x128xi32, #tpu.memory_space<vmem>> -> memref<1x128xi32, #tpu.memory_space<vmem>>
      %dma_start3A_252 = tpu.memref_squeeze %dma_start3A_251 : memref<1x128xi32, #tpu.memory_space<vmem>> -> memref<128xi32, #tpu.memory_space<vmem>>
      %dma_start3A_253 = arith.constant 0 : i32
      %dma_start3A_254 = arith.constant 0 : i32
      %dma_start3A_255 = tpu.memref_slice %arg2[%dma_start3A_253, %dma_start3A_254] : memref<10000x64xf32, #tpu.memory_space<hbm>> -> memref<10000x64xf32, #tpu.memory_space<hbm>>
      tpu.enqueue_indirect_dma source(%dma_start3A_255 : memref<10000x64xf32, #tpu.memory_space<hbm>>) target(%arg14 : memref<128x64xf32, #tpu.memory_space<vmem>>) offsets(%dma_start3A_252 : memref<128xi32, #tpu.memory_space<vmem>>) semaphore(%arg19 : memref<!tpu.dma_semaphore, #tpu.memory_space<semaphore_mem>>)
    }
    %scan3A_58 = arith.constant 19 : i32
    %dma_wait3A = arith.constant 76 : i32
    %dma_wait3A_59 = arith.constant 0 : i32
    %dma_wait3A_60 = tpu.memref_slice %arg8[%dma_wait3A, %dma_wait3A_59] : memref<80x128xi32, #tpu.memory_space<vmem>> -> memref<1x128xi32, #tpu.memory_space<vmem>>
    %dma_wait3A_61 = tpu.memref_squeeze %dma_wait3A_60 : memref<1x128xi32, #tpu.memory_space<vmem>> -> memref<128xi32, #tpu.memory_space<vmem>>
    %dma_wait3A_62 = arith.constant 0 : i32
    %dma_wait3A_63 = arith.constant 0 : i32
    %dma_wait3A_64 = tpu.memref_slice %arg2[%dma_wait3A_62, %dma_wait3A_63] : memref<10000x64xf32, #tpu.memory_space<hbm>> -> memref<10000x64xf32, #tpu.memory_space<hbm>>
    tpu.wait_indirect_dma semaphore(%arg16 : memref<!tpu.dma_semaphore, #tpu.memory_space<semaphore_mem>>) src(%dma_wait3A_64 : memref<10000x64xf32, #tpu.memory_space<hbm>>) dst(%arg11 : memref<128x64xf32, #tpu.memory_space<vmem>>)
    %run_scoped3A = arith.constant 76 : i32
    "tpu.region"() ({
      %run_scoped3A_187 = tpu.sem_alloc : memref<!tpu.dma_semaphore, #tpu.memory_space<semaphore_mem>>
      %dma_start3A_188 = arith.constant 0 : i32
      %dma_start3A_189 = tpu.memref_slice %arg9[%run_scoped3A, %dma_start3A_188] : memref<80x128xi32, #tpu.memory_space<vmem>> -> memref<1x128xi32, #tpu.memory_space<vmem>>
      %dma_start3A_190 = tpu.memref_squeeze %dma_start3A_189 : memref<1x128xi32, #tpu.memory_space<vmem>> -> memref<128xi32, #tpu.memory_space<vmem>>
      %dma_start3A_191 = arith.constant 0 : i32
      %dma_start3A_192 = arith.constant 0 : i32
      %dma_start3A_193 = tpu.memref_slice %arg15[%dma_start3A_191, %dma_start3A_192] : memref<10240x64xf32, #tpu.memory_space<vmem_shared>> -> memref<10240x64xf32, #tpu.memory_space<vmem_shared>>
      tpu.enqueue_indirect_dma source(%arg11 : memref<128x64xf32, #tpu.memory_space<vmem>>) target(%dma_start3A_193 : memref<10240x64xf32, #tpu.memory_space<vmem_shared>>) offsets(%dma_start3A_190 : memref<128xi32, #tpu.memory_space<vmem>>) semaphore(%run_scoped3A_187 : memref<!tpu.dma_semaphore, #tpu.memory_space<semaphore_mem>>) {add = true}
      %dma_wait3A_194 = arith.constant 0 : i32
      %dma_wait3A_195 = tpu.memref_slice %arg9[%run_scoped3A, %dma_wait3A_194] : memref<80x128xi32, #tpu.memory_space<vmem>> -> memref<1x128xi32, #tpu.memory_space<vmem>>
      %dma_wait3A_196 = tpu.memref_squeeze %dma_wait3A_195 : memref<1x128xi32, #tpu.memory_space<vmem>> -> memref<128xi32, #tpu.memory_space<vmem>>
      %dma_wait3A_197 = arith.constant 0 : i32
      %dma_wait3A_198 = arith.constant 0 : i32
      %dma_wait3A_199 = tpu.memref_slice %arg15[%dma_wait3A_197, %dma_wait3A_198] : memref<10240x64xf32, #tpu.memory_space<vmem_shared>> -> memref<10240x64xf32, #tpu.memory_space<vmem_shared>>
      tpu.wait_indirect_dma semaphore(%run_scoped3A_187 : memref<!tpu.dma_semaphore, #tpu.memory_space<semaphore_mem>>) src(%arg11 : memref<128x64xf32, #tpu.memory_space<vmem>>) dst(%dma_wait3A_199 : memref<10240x64xf32, #tpu.memory_space<vmem_shared>>)
      tpu.yield
    }) : () -> ()
    %dma_wait3A_65 = arith.constant 77 : i32
    %dma_wait3A_66 = arith.constant 0 : i32
    %dma_wait3A_67 = tpu.memref_slice %arg8[%dma_wait3A_65, %dma_wait3A_66] : memref<80x128xi32, #tpu.memory_space<vmem>> -> memref<1x128xi32, #tpu.memory_space<vmem>>
    %dma_wait3A_68 = tpu.memref_squeeze %dma_wait3A_67 : memref<1x128xi32, #tpu.memory_space<vmem>> -> memref<128xi32, #tpu.memory_space<vmem>>
    %dma_wait3A_69 = arith.constant 0 : i32
    %dma_wait3A_70 = arith.constant 0 : i32
    %dma_wait3A_71 = tpu.memref_slice %arg2[%dma_wait3A_69, %dma_wait3A_70] : memref<10000x64xf32, #tpu.memory_space<hbm>> -> memref<10000x64xf32, #tpu.memory_space<hbm>>
    tpu.wait_indirect_dma semaphore(%arg17 : memref<!tpu.dma_semaphore, #tpu.memory_space<semaphore_mem>>) src(%dma_wait3A_71 : memref<10000x64xf32, #tpu.memory_space<hbm>>) dst(%arg12 : memref<128x64xf32, #tpu.memory_space<vmem>>)
    %run_scoped3A_72 = arith.constant 77 : i32
    "tpu.region"() ({
      %run_scoped3A_187 = tpu.sem_alloc : memref<!tpu.dma_semaphore, #tpu.memory_space<semaphore_mem>>
      %dma_start3A_188 = arith.constant 0 : i32
      %dma_start3A_189 = tpu.memref_slice %arg9[%run_scoped3A_72, %dma_start3A_188] : memref<80x128xi32, #tpu.memory_space<vmem>> -> memref<1x128xi32, #tpu.memory_space<vmem>>
      %dma_start3A_190 = tpu.memref_squeeze %dma_start3A_189 : memref<1x128xi32, #tpu.memory_space<vmem>> -> memref<128xi32, #tpu.memory_space<vmem>>
      %dma_start3A_191 = arith.constant 0 : i32
      %dma_start3A_192 = arith.constant 0 : i32
      %dma_start3A_193 = tpu.memref_slice %arg15[%dma_start3A_191, %dma_start3A_192] : memref<10240x64xf32, #tpu.memory_space<vmem_shared>> -> memref<10240x64xf32, #tpu.memory_space<vmem_shared>>
      tpu.enqueue_indirect_dma source(%arg12 : memref<128x64xf32, #tpu.memory_space<vmem>>) target(%dma_start3A_193 : memref<10240x64xf32, #tpu.memory_space<vmem_shared>>) offsets(%dma_start3A_190 : memref<128xi32, #tpu.memory_space<vmem>>) semaphore(%run_scoped3A_187 : memref<!tpu.dma_semaphore, #tpu.memory_space<semaphore_mem>>) {add = true}
      %dma_wait3A_194 = arith.constant 0 : i32
      %dma_wait3A_195 = tpu.memref_slice %arg9[%run_scoped3A_72, %dma_wait3A_194] : memref<80x128xi32, #tpu.memory_space<vmem>> -> memref<1x128xi32, #tpu.memory_space<vmem>>
      %dma_wait3A_196 = tpu.memref_squeeze %dma_wait3A_195 : memref<1x128xi32, #tpu.memory_space<vmem>> -> memref<128xi32, #tpu.memory_space<vmem>>
      %dma_wait3A_197 = arith.constant 0 : i32
      %dma_wait3A_198 = arith.constant 0 : i32
      %dma_wait3A_199 = tpu.memref_slice %arg15[%dma_wait3A_197, %dma_wait3A_198] : memref<10240x64xf32, #tpu.memory_space<vmem_shared>> -> memref<10240x64xf32, #tpu.memory_space<vmem_shared>>
      tpu.wait_indirect_dma semaphore(%run_scoped3A_187 : memref<!tpu.dma_semaphore, #tpu.memory_space<semaphore_mem>>) src(%arg12 : memref<128x64xf32, #tpu.memory_space<vmem>>) dst(%dma_wait3A_199 : memref<10240x64xf32, #tpu.memory_space<vmem_shared>>)
      tpu.yield
    }) : () -> ()
    %dma_wait3A_73 = arith.constant 78 : i32
    %dma_wait3A_74 = arith.constant 0 : i32
    %dma_wait3A_75 = tpu.memref_slice %arg8[%dma_wait3A_73, %dma_wait3A_74] : memref<80x128xi32, #tpu.memory_space<vmem>> -> memref<1x128xi32, #tpu.memory_space<vmem>>
    %dma_wait3A_76 = tpu.memref_squeeze %dma_wait3A_75 : memref<1x128xi32, #tpu.memory_space<vmem>> -> memref<128xi32, #tpu.memory_space<vmem>>
    %dma_wait3A_77 = arith.constant 0 : i32
    %dma_wait3A_78 = arith.constant 0 : i32
    %dma_wait3A_79 = tpu.memref_slice %arg2[%dma_wait3A_77, %dma_wait3A_78] : memref<10000x64xf32, #tpu.memory_space<hbm>> -> memref<10000x64xf32, #tpu.memory_space<hbm>>
    tpu.wait_indirect_dma semaphore(%arg18 : memref<!tpu.dma_semaphore, #tpu.memory_space<semaphore_mem>>) src(%dma_wait3A_79 : memref<10000x64xf32, #tpu.memory_space<hbm>>) dst(%arg13 : memref<128x64xf32, #tpu.memory_space<vmem>>)
    %run_scoped3A_80 = arith.constant 78 : i32
    "tpu.region"() ({
      %run_scoped3A_187 = tpu.sem_alloc : memref<!tpu.dma_semaphore, #tpu.memory_space<semaphore_mem>>
      %dma_start3A_188 = arith.constant 0 : i32
      %dma_start3A_189 = tpu.memref_slice %arg9[%run_scoped3A_80, %dma_start3A_188] : memref<80x128xi32, #tpu.memory_space<vmem>> -> memref<1x128xi32, #tpu.memory_space<vmem>>
      %dma_start3A_190 = tpu.memref_squeeze %dma_start3A_189 : memref<1x128xi32, #tpu.memory_space<vmem>> -> memref<128xi32, #tpu.memory_space<vmem>>
      %dma_start3A_191 = arith.constant 0 : i32
      %dma_start3A_192 = arith.constant 0 : i32
      %dma_start3A_193 = tpu.memref_slice %arg15[%dma_start3A_191, %dma_start3A_192] : memref<10240x64xf32, #tpu.memory_space<vmem_shared>> -> memref<10240x64xf32, #tpu.memory_space<vmem_shared>>
      tpu.enqueue_indirect_dma source(%arg13 : memref<128x64xf32, #tpu.memory_space<vmem>>) target(%dma_start3A_193 : memref<10240x64xf32, #tpu.memory_space<vmem_shared>>) offsets(%dma_start3A_190 : memref<128xi32, #tpu.memory_space<vmem>>) semaphore(%run_scoped3A_187 : memref<!tpu.dma_semaphore, #tpu.memory_space<semaphore_mem>>) {add = true}
      %dma_wait3A_194 = arith.constant 0 : i32
      %dma_wait3A_195 = tpu.memref_slice %arg9[%run_scoped3A_80, %dma_wait3A_194] : memref<80x128xi32, #tpu.memory_space<vmem>> -> memref<1x128xi32, #tpu.memory_space<vmem>>
      %dma_wait3A_196 = tpu.memref_squeeze %dma_wait3A_195 : memref<1x128xi32, #tpu.memory_space<vmem>> -> memref<128xi32, #tpu.memory_space<vmem>>
      %dma_wait3A_197 = arith.constant 0 : i32
      %dma_wait3A_198 = arith.constant 0 : i32
      %dma_wait3A_199 = tpu.memref_slice %arg15[%dma_wait3A_197, %dma_wait3A_198] : memref<10240x64xf32, #tpu.memory_space<vmem_shared>> -> memref<10240x64xf32, #tpu.memory_space<vmem_shared>>
      tpu.wait_indirect_dma semaphore(%run_scoped3A_187 : memref<!tpu.dma_semaphore, #tpu.memory_space<semaphore_mem>>) src(%arg13 : memref<128x64xf32, #tpu.memory_space<vmem>>) dst(%dma_wait3A_199 : memref<10240x64xf32, #tpu.memory_space<vmem_shared>>)
      tpu.yield
    }) : () -> ()
    %dma_wait3A_81 = arith.constant 79 : i32
    %dma_wait3A_82 = arith.constant 0 : i32
    %dma_wait3A_83 = tpu.memref_slice %arg8[%dma_wait3A_81, %dma_wait3A_82] : memref<80x128xi32, #tpu.memory_space<vmem>> -> memref<1x128xi32, #tpu.memory_space<vmem>>
    %dma_wait3A_84 = tpu.memref_squeeze %dma_wait3A_83 : memref<1x128xi32, #tpu.memory_space<vmem>> -> memref<128xi32, #tpu.memory_space<vmem>>
    %dma_wait3A_85 = arith.constant 0 : i32
    %dma_wait3A_86 = arith.constant 0 : i32
    %dma_wait3A_87 = tpu.memref_slice %arg2[%dma_wait3A_85, %dma_wait3A_86] : memref<10000x64xf32, #tpu.memory_space<hbm>> -> memref<10000x64xf32, #tpu.memory_space<hbm>>
    tpu.wait_indirect_dma semaphore(%arg19 : memref<!tpu.dma_semaphore, #tpu.memory_space<semaphore_mem>>) src(%dma_wait3A_87 : memref<10000x64xf32, #tpu.memory_space<hbm>>) dst(%arg14 : memref<128x64xf32, #tpu.memory_space<vmem>>)
    %run_scoped3A_88 = arith.constant 79 : i32
    "tpu.region"() ({
      %run_scoped3A_187 = tpu.sem_alloc : memref<!tpu.dma_semaphore, #tpu.memory_space<semaphore_mem>>
      %dma_start3A_188 = arith.constant 0 : i32
      %dma_start3A_189 = tpu.memref_slice %arg9[%run_scoped3A_88, %dma_start3A_188] : memref<80x128xi32, #tpu.memory_space<vmem>> -> memref<1x128xi32, #tpu.memory_space<vmem>>
      %dma_start3A_190 = tpu.memref_squeeze %dma_start3A_189 : memref<1x128xi32, #tpu.memory_space<vmem>> -> memref<128xi32, #tpu.memory_space<vmem>>
      %dma_start3A_191 = arith.constant 0 : i32
      %dma_start3A_192 = arith.constant 0 : i32
      %dma_start3A_193 = tpu.memref_slice %arg15[%dma_start3A_191, %dma_start3A_192] : memref<10240x64xf32, #tpu.memory_space<vmem_shared>> -> memref<10240x64xf32, #tpu.memory_space<vmem_shared>>
      tpu.enqueue_indirect_dma source(%arg14 : memref<128x64xf32, #tpu.memory_space<vmem>>) target(%dma_start3A_193 : memref<10240x64xf32, #tpu.memory_space<vmem_shared>>) offsets(%dma_start3A_190 : memref<128xi32, #tpu.memory_space<vmem>>) semaphore(%run_scoped3A_187 : memref<!tpu.dma_semaphore, #tpu.memory_space<semaphore_mem>>) {add = true}
      %dma_wait3A_194 = arith.constant 0 : i32
      %dma_wait3A_195 = tpu.memref_slice %arg9[%run_scoped3A_88, %dma_wait3A_194] : memref<80x128xi32, #tpu.memory_space<vmem>> -> memref<1x128xi32, #tpu.memory_space<vmem>>
      %dma_wait3A_196 = tpu.memref_squeeze %dma_wait3A_195 : memref<1x128xi32, #tpu.memory_space<vmem>> -> memref<128xi32, #tpu.memory_space<vmem>>
      %dma_wait3A_197 = arith.constant 0 : i32
      %dma_wait3A_198 = arith.constant 0 : i32
      %dma_wait3A_199 = tpu.memref_slice %arg15[%dma_wait3A_197, %dma_wait3A_198] : memref<10240x64xf32, #tpu.memory_space<vmem_shared>> -> memref<10240x64xf32, #tpu.memory_space<vmem_shared>>
      tpu.wait_indirect_dma semaphore(%run_scoped3A_187 : memref<!tpu.dma_semaphore, #tpu.memory_space<semaphore_mem>>) src(%arg14 : memref<128x64xf32, #tpu.memory_space<vmem>>) dst(%dma_wait3A_199 : memref<10240x64xf32, #tpu.memory_space<vmem_shared>>)
      tpu.yield
    }) : () -> ()
    %barrier3A_89 = arith.constant 0 : index
    tpu.barrier barrier_id(%barrier3A_89)
    %dma_start3A_90 = arith.constant 0 : i32
    %dma_start3A_91 = tpu.memref_slice %arg6[%arg0, %mul3A_6, %dma_start3A_90] : memref<2x10240x64xf32, #tpu.memory_space<hbm>> -> memref<1x640x64xf32, #tpu.memory_space<hbm>>
    %dma_start3A_92 = tpu.memref_squeeze %dma_start3A_91 : memref<1x640x64xf32, #tpu.memory_space<hbm>> -> memref<640x64xf32, #tpu.memory_space<hbm>>
    %dma_start3A_93 = arith.constant 0 : i32
    %dma_start3A_94 = tpu.memref_slice %arg15[%mul3A_6, %dma_start3A_93] : memref<10240x64xf32, #tpu.memory_space<vmem_shared>> -> memref<640x64xf32, #tpu.memory_space<vmem_shared>>
    tpu.enqueue_dma source(%dma_start3A_94 : memref<640x64xf32, #tpu.memory_space<vmem_shared>>) target(%dma_start3A_92 : memref<640x64xf32, #tpu.memory_space<hbm>>) target_semaphore(%arg20 : memref<!tpu.dma_semaphore, #tpu.memory_space<semaphore_mem>>)
    %dma_start3A_95 = arith.constant 0 : i32
    %dma_start3A_96 = arith.constant 0 : i32
    %dma_start3A_97 = tpu.memref_slice %arg8[%dma_start3A_95, %dma_start3A_96] : memref<80x128xi32, #tpu.memory_space<vmem>> -> memref<1x128xi32, #tpu.memory_space<vmem>>
    %dma_start3A_98 = tpu.memref_squeeze %dma_start3A_97 : memref<1x128xi32, #tpu.memory_space<vmem>> -> memref<128xi32, #tpu.memory_space<vmem>>
    %dma_start3A_99 = arith.constant 0 : i32
    %dma_start3A_100 = arith.constant 0 : i32
    %dma_start3A_101 = tpu.memref_slice %arg3[%dma_start3A_99, %dma_start3A_100] : memref<10000x64xf32, #tpu.memory_space<hbm>> -> memref<10000x64xf32, #tpu.memory_space<hbm>>
    tpu.enqueue_indirect_dma source(%dma_start3A_101 : memref<10000x64xf32, #tpu.memory_space<hbm>>) target(%arg11 : memref<128x64xf32, #tpu.memory_space<vmem>>) offsets(%dma_start3A_98 : memref<128xi32, #tpu.memory_space<vmem>>) semaphore(%arg16 : memref<!tpu.dma_semaphore, #tpu.memory_space<semaphore_mem>>)
    %dma_start3A_102 = arith.constant 1 : i32
    %dma_start3A_103 = arith.constant 0 : i32
    %dma_start3A_104 = tpu.memref_slice %arg8[%dma_start3A_102, %dma_start3A_103] : memref<80x128xi32, #tpu.memory_space<vmem>> -> memref<1x128xi32, #tpu.memory_space<vmem>>
    %dma_start3A_105 = tpu.memref_squeeze %dma_start3A_104 : memref<1x128xi32, #tpu.memory_space<vmem>> -> memref<128xi32, #tpu.memory_space<vmem>>
    %dma_start3A_106 = arith.constant 0 : i32
    %dma_start3A_107 = arith.constant 0 : i32
    %dma_start3A_108 = tpu.memref_slice %arg3[%dma_start3A_106, %dma_start3A_107] : memref<10000x64xf32, #tpu.memory_space<hbm>> -> memref<10000x64xf32, #tpu.memory_space<hbm>>
    tpu.enqueue_indirect_dma source(%dma_start3A_108 : memref<10000x64xf32, #tpu.memory_space<hbm>>) target(%arg12 : memref<128x64xf32, #tpu.memory_space<vmem>>) offsets(%dma_start3A_105 : memref<128xi32, #tpu.memory_space<vmem>>) semaphore(%arg17 : memref<!tpu.dma_semaphore, #tpu.memory_space<semaphore_mem>>)
    %dma_start3A_109 = arith.constant 2 : i32
    %dma_start3A_110 = arith.constant 0 : i32
    %dma_start3A_111 = tpu.memref_slice %arg8[%dma_start3A_109, %dma_start3A_110] : memref<80x128xi32, #tpu.memory_space<vmem>> -> memref<1x128xi32, #tpu.memory_space<vmem>>
    %dma_start3A_112 = tpu.memref_squeeze %dma_start3A_111 : memref<1x128xi32, #tpu.memory_space<vmem>> -> memref<128xi32, #tpu.memory_space<vmem>>
    %dma_start3A_113 = arith.constant 0 : i32
    %dma_start3A_114 = arith.constant 0 : i32
    %dma_start3A_115 = tpu.memref_slice %arg3[%dma_start3A_113, %dma_start3A_114] : memref<10000x64xf32, #tpu.memory_space<hbm>> -> memref<10000x64xf32, #tpu.memory_space<hbm>>
    tpu.enqueue_indirect_dma source(%dma_start3A_115 : memref<10000x64xf32, #tpu.memory_space<hbm>>) target(%arg13 : memref<128x64xf32, #tpu.memory_space<vmem>>) offsets(%dma_start3A_112 : memref<128xi32, #tpu.memory_space<vmem>>) semaphore(%arg18 : memref<!tpu.dma_semaphore, #tpu.memory_space<semaphore_mem>>)
    %dma_start3A_116 = arith.constant 3 : i32
    %dma_start3A_117 = arith.constant 0 : i32
    %dma_start3A_118 = tpu.memref_slice %arg8[%dma_start3A_116, %dma_start3A_117] : memref<80x128xi32, #tpu.memory_space<vmem>> -> memref<1x128xi32, #tpu.memory_space<vmem>>
    %dma_start3A_119 = tpu.memref_squeeze %dma_start3A_118 : memref<1x128xi32, #tpu.memory_space<vmem>> -> memref<128xi32, #tpu.memory_space<vmem>>
    %dma_start3A_120 = arith.constant 0 : i32
    %dma_start3A_121 = arith.constant 0 : i32
    %dma_start3A_122 = tpu.memref_slice %arg3[%dma_start3A_120, %dma_start3A_121] : memref<10000x64xf32, #tpu.memory_space<hbm>> -> memref<10000x64xf32, #tpu.memory_space<hbm>>
    tpu.enqueue_indirect_dma source(%dma_start3A_122 : memref<10000x64xf32, #tpu.memory_space<hbm>>) target(%arg14 : memref<128x64xf32, #tpu.memory_space<vmem>>) offsets(%dma_start3A_119 : memref<128xi32, #tpu.memory_space<vmem>>) semaphore(%arg19 : memref<!tpu.dma_semaphore, #tpu.memory_space<semaphore_mem>>)
    %dma_wait3A_123 = arith.constant 0 : i32
    %dma_wait3A_124 = tpu.memref_slice %arg6[%arg0, %mul3A_6, %dma_wait3A_123] : memref<2x10240x64xf32, #tpu.memory_space<hbm>> -> memref<1x640x64xf32, #tpu.memory_space<hbm>>
    %dma_wait3A_125 = tpu.memref_squeeze %dma_wait3A_124 : memref<1x640x64xf32, #tpu.memory_space<hbm>> -> memref<640x64xf32, #tpu.memory_space<hbm>>
    %dma_wait3A_126 = arith.constant 0 : i32
    %dma_wait3A_127 = tpu.memref_slice %arg15[%mul3A_6, %dma_wait3A_126] : memref<10240x64xf32, #tpu.memory_space<vmem_shared>> -> memref<640x64xf32, #tpu.memory_space<vmem_shared>>
    tpu.wait_dma2 semaphore(%arg20 : memref<!tpu.dma_semaphore, #tpu.memory_space<semaphore_mem>>) src(%dma_wait3A_127 : memref<640x64xf32, #tpu.memory_space<vmem_shared>>) dst(%dma_wait3A_125 : memref<640x64xf32, #tpu.memory_space<hbm>>)
    %mul3A_128 = arith.constant 640 : i32
    %mul3A_129 = arith.muli %arg1, %mul3A_128 : i32
    %add3A_130 = arith.constant 0 : i32
    %add3A_131 = arith.addi %mul3A_129, %add3A_130 : i32
    "tpu.region"() ({
      %run_scoped3A_187 = tpu.sem_alloc : memref<!tpu.dma_semaphore, #tpu.memory_space<semaphore_mem>>
      %dma_start3A_188 = arith.constant 0 : i32
      %dma_start3A_189 = tpu.memref_slice %arg15[%add3A_131, %dma_start3A_188] : memref<10240x64xf32, #tpu.memory_space<vmem_shared>> -> memref<128x64xf32, #tpu.memory_space<vmem_shared>>
      %dma_start3A_190 = arith.constant 0 : i32
      %dma_start3A_191 = tpu.memref_slice %arg15[%add3A_131, %dma_start3A_190] : memref<10240x64xf32, #tpu.memory_space<vmem_shared>> -> memref<128x64xf32, #tpu.memory_space<vmem_shared>>
      tpu.enqueue_dma source(%arg10 : memref<128x64xf32, #tpu.memory_space<vmem>>) target(%dma_start3A_191 : memref<128x64xf32, #tpu.memory_space<vmem_shared>>) target_semaphore(%run_scoped3A_187 : memref<!tpu.dma_semaphore, #tpu.memory_space<semaphore_mem>>)
      %dma_wait3A_192 = arith.constant 0 : i32
      %dma_wait3A_193 = tpu.memref_slice %arg15[%add3A_131, %dma_wait3A_192] : memref<10240x64xf32, #tpu.memory_space<vmem_shared>> -> memref<128x64xf32, #tpu.memory_space<vmem_shared>>
      %dma_wait3A_194 = arith.constant 0 : i32
      %dma_wait3A_195 = tpu.memref_slice %arg15[%add3A_131, %dma_wait3A_194] : memref<10240x64xf32, #tpu.memory_space<vmem_shared>> -> memref<128x64xf32, #tpu.memory_space<vmem_shared>>
      tpu.wait_dma2 semaphore(%run_scoped3A_187 : memref<!tpu.dma_semaphore, #tpu.memory_space<semaphore_mem>>) src(%arg10 : memref<128x64xf32, #tpu.memory_space<vmem>>) dst(%dma_wait3A_195 : memref<128x64xf32, #tpu.memory_space<vmem_shared>>)
      tpu.yield
    }) : () -> ()
    %mul3A_132 = arith.constant 640 : i32
    %mul3A_133 = arith.muli %arg1, %mul3A_132 : i32
    %add3A_134 = arith.constant 128 : i32
    %add3A_135 = arith.addi %mul3A_133, %add3A_134 : i32
    "tpu.region"() ({
      %run_scoped3A_187 = tpu.sem_alloc : memref<!tpu.dma_semaphore, #tpu.memory_space<semaphore_mem>>
      %dma_start3A_188 = arith.constant 0 : i32
      %dma_start3A_189 = tpu.memref_slice %arg15[%add3A_135, %dma_start3A_188] : memref<10240x64xf32, #tpu.memory_space<vmem_shared>> -> memref<128x64xf32, #tpu.memory_space<vmem_shared>>
      %dma_start3A_190 = arith.constant 0 : i32
      %dma_start3A_191 = tpu.memref_slice %arg15[%add3A_135, %dma_start3A_190] : memref<10240x64xf32, #tpu.memory_space<vmem_shared>> -> memref<128x64xf32, #tpu.memory_space<vmem_shared>>
      tpu.enqueue_dma source(%arg10 : memref<128x64xf32, #tpu.memory_space<vmem>>) target(%dma_start3A_191 : memref<128x64xf32, #tpu.memory_space<vmem_shared>>) target_semaphore(%run_scoped3A_187 : memref<!tpu.dma_semaphore, #tpu.memory_space<semaphore_mem>>)
      %dma_wait3A_192 = arith.constant 0 : i32
      %dma_wait3A_193 = tpu.memref_slice %arg15[%add3A_135, %dma_wait3A_192] : memref<10240x64xf32, #tpu.memory_space<vmem_shared>> -> memref<128x64xf32, #tpu.memory_space<vmem_shared>>
      %dma_wait3A_194 = arith.constant 0 : i32
      %dma_wait3A_195 = tpu.memref_slice %arg15[%add3A_135, %dma_wait3A_194] : memref<10240x64xf32, #tpu.memory_space<vmem_shared>> -> memref<128x64xf32, #tpu.memory_space<vmem_shared>>
      tpu.wait_dma2 semaphore(%run_scoped3A_187 : memref<!tpu.dma_semaphore, #tpu.memory_space<semaphore_mem>>) src(%arg10 : memref<128x64xf32, #tpu.memory_space<vmem>>) dst(%dma_wait3A_195 : memref<128x64xf32, #tpu.memory_space<vmem_shared>>)
      tpu.yield
    }) : () -> ()
    %mul3A_136 = arith.constant 640 : i32
    %mul3A_137 = arith.muli %arg1, %mul3A_136 : i32
    %add3A_138 = arith.constant 256 : i32
    %add3A_139 = arith.addi %mul3A_137, %add3A_138 : i32
    "tpu.region"() ({
      %run_scoped3A_187 = tpu.sem_alloc : memref<!tpu.dma_semaphore, #tpu.memory_space<semaphore_mem>>
      %dma_start3A_188 = arith.constant 0 : i32
      %dma_start3A_189 = tpu.memref_slice %arg15[%add3A_139, %dma_start3A_188] : memref<10240x64xf32, #tpu.memory_space<vmem_shared>> -> memref<128x64xf32, #tpu.memory_space<vmem_shared>>
      %dma_start3A_190 = arith.constant 0 : i32
      %dma_start3A_191 = tpu.memref_slice %arg15[%add3A_139, %dma_start3A_190] : memref<10240x64xf32, #tpu.memory_space<vmem_shared>> -> memref<128x64xf32, #tpu.memory_space<vmem_shared>>
      tpu.enqueue_dma source(%arg10 : memref<128x64xf32, #tpu.memory_space<vmem>>) target(%dma_start3A_191 : memref<128x64xf32, #tpu.memory_space<vmem_shared>>) target_semaphore(%run_scoped3A_187 : memref<!tpu.dma_semaphore, #tpu.memory_space<semaphore_mem>>)
      %dma_wait3A_192 = arith.constant 0 : i32
      %dma_wait3A_193 = tpu.memref_slice %arg15[%add3A_139, %dma_wait3A_192] : memref<10240x64xf32, #tpu.memory_space<vmem_shared>> -> memref<128x64xf32, #tpu.memory_space<vmem_shared>>
      %dma_wait3A_194 = arith.constant 0 : i32
      %dma_wait3A_195 = tpu.memref_slice %arg15[%add3A_139, %dma_wait3A_194] : memref<10240x64xf32, #tpu.memory_space<vmem_shared>> -> memref<128x64xf32, #tpu.memory_space<vmem_shared>>
      tpu.wait_dma2 semaphore(%run_scoped3A_187 : memref<!tpu.dma_semaphore, #tpu.memory_space<semaphore_mem>>) src(%arg10 : memref<128x64xf32, #tpu.memory_space<vmem>>) dst(%dma_wait3A_195 : memref<128x64xf32, #tpu.memory_space<vmem_shared>>)
      tpu.yield
    }) : () -> ()
    %mul3A_140 = arith.constant 640 : i32
    %mul3A_141 = arith.muli %arg1, %mul3A_140 : i32
    %add3A_142 = arith.constant 384 : i32
    %add3A_143 = arith.addi %mul3A_141, %add3A_142 : i32
    "tpu.region"() ({
      %run_scoped3A_187 = tpu.sem_alloc : memref<!tpu.dma_semaphore, #tpu.memory_space<semaphore_mem>>
      %dma_start3A_188 = arith.constant 0 : i32
      %dma_start3A_189 = tpu.memref_slice %arg15[%add3A_143, %dma_start3A_188] : memref<10240x64xf32, #tpu.memory_space<vmem_shared>> -> memref<128x64xf32, #tpu.memory_space<vmem_shared>>
      %dma_start3A_190 = arith.constant 0 : i32
      %dma_start3A_191 = tpu.memref_slice %arg15[%add3A_143, %dma_start3A_190] : memref<10240x64xf32, #tpu.memory_space<vmem_shared>> -> memref<128x64xf32, #tpu.memory_space<vmem_shared>>
      tpu.enqueue_dma source(%arg10 : memref<128x64xf32, #tpu.memory_space<vmem>>) target(%dma_start3A_191 : memref<128x64xf32, #tpu.memory_space<vmem_shared>>) target_semaphore(%run_scoped3A_187 : memref<!tpu.dma_semaphore, #tpu.memory_space<semaphore_mem>>)
      %dma_wait3A_192 = arith.constant 0 : i32
      %dma_wait3A_193 = tpu.memref_slice %arg15[%add3A_143, %dma_wait3A_192] : memref<10240x64xf32, #tpu.memory_space<vmem_shared>> -> memref<128x64xf32, #tpu.memory_space<vmem_shared>>
      %dma_wait3A_194 = arith.constant 0 : i32
      %dma_wait3A_195 = tpu.memref_slice %arg15[%add3A_143, %dma_wait3A_194] : memref<10240x64xf32, #tpu.memory_space<vmem_shared>> -> memref<128x64xf32, #tpu.memory_space<vmem_shared>>
      tpu.wait_dma2 semaphore(%run_scoped3A_187 : memref<!tpu.dma_semaphore, #tpu.memory_space<semaphore_mem>>) src(%arg10 : memref<128x64xf32, #tpu.memory_space<vmem>>) dst(%dma_wait3A_195 : memref<128x64xf32, #tpu.memory_space<vmem_shared>>)
      tpu.yield
    }) : () -> ()
    %mul3A_144 = arith.constant 640 : i32
    %mul3A_145 = arith.muli %arg1, %mul3A_144 : i32
    %add3A_146 = arith.constant 512 : i32
    %add3A_147 = arith.addi %mul3A_145, %add3A_146 : i32
    "tpu.region"() ({
      %run_scoped3A_187 = tpu.sem_alloc : memref<!tpu.dma_semaphore, #tpu.memory_space<semaphore_mem>>
      %dma_start3A_188 = arith.constant 0 : i32
      %dma_start3A_189 = tpu.memref_slice %arg15[%add3A_147, %dma_start3A_188] : memref<10240x64xf32, #tpu.memory_space<vmem_shared>> -> memref<128x64xf32, #tpu.memory_space<vmem_shared>>
      %dma_start3A_190 = arith.constant 0 : i32
      %dma_start3A_191 = tpu.memref_slice %arg15[%add3A_147, %dma_start3A_190] : memref<10240x64xf32, #tpu.memory_space<vmem_shared>> -> memref<128x64xf32, #tpu.memory_space<vmem_shared>>
      tpu.enqueue_dma source(%arg10 : memref<128x64xf32, #tpu.memory_space<vmem>>) target(%dma_start3A_191 : memref<128x64xf32, #tpu.memory_space<vmem_shared>>) target_semaphore(%run_scoped3A_187 : memref<!tpu.dma_semaphore, #tpu.memory_space<semaphore_mem>>)
      %dma_wait3A_192 = arith.constant 0 : i32
      %dma_wait3A_193 = tpu.memref_slice %arg15[%add3A_147, %dma_wait3A_192] : memref<10240x64xf32, #tpu.memory_space<vmem_shared>> -> memref<128x64xf32, #tpu.memory_space<vmem_shared>>
      %dma_wait3A_194 = arith.constant 0 : i32
      %dma_wait3A_195 = tpu.memref_slice %arg15[%add3A_147, %dma_wait3A_194] : memref<10240x64xf32, #tpu.memory_space<vmem_shared>> -> memref<128x64xf32, #tpu.memory_space<vmem_shared>>
      tpu.wait_dma2 semaphore(%run_scoped3A_187 : memref<!tpu.dma_semaphore, #tpu.memory_space<semaphore_mem>>) src(%arg10 : memref<128x64xf32, #tpu.memory_space<vmem>>) dst(%dma_wait3A_195 : memref<128x64xf32, #tpu.memory_space<vmem_shared>>)
      tpu.yield
    }) : () -> ()
    %barrier3A_148 = arith.constant 0 : index
    tpu.barrier barrier_id(%barrier3A_148)
    %scan3A_149 = arith.constant 0 : i32
    %scan3A_150 = arith.constant 19 : i32
    %scan3A_151 = arith.addi %scan3A_149, %scan3A_150 : i32
    %scan3A_152 = arith.constant 1 : i32
    scf.for %scan3A_187 = %scan3A_149 to %scan3A_151 step %scan3A_152  : i32 {
      %mul3A_188 = arith.constant 4 : i32
      %mul3A_189 = arith.muli %scan3A_187, %mul3A_188 : i32
      %add3A_190 = arith.constant 0 : i32
      %add3A_191 = arith.addi %add3A_190, %mul3A_189 : i32
      %add3A_192 = arith.constant 0 : i32
      %add3A_193 = arith.addi %add3A_191, %add3A_192 : i32
      %dma_wait3A_194 = arith.constant 0 : i32
      %dma_wait3A_195 = tpu.memref_slice %arg8[%add3A_193, %dma_wait3A_194] : memref<80x128xi32, #tpu.memory_space<vmem>> -> memref<1x128xi32, #tpu.memory_space<vmem>>
      %dma_wait3A_196 = tpu.memref_squeeze %dma_wait3A_195 : memref<1x128xi32, #tpu.memory_space<vmem>> -> memref<128xi32, #tpu.memory_space<vmem>>
      %dma_wait3A_197 = arith.constant 0 : i32
      %dma_wait3A_198 = arith.constant 0 : i32
      %dma_wait3A_199 = tpu.memref_slice %arg3[%dma_wait3A_197, %dma_wait3A_198] : memref<10000x64xf32, #tpu.memory_space<hbm>> -> memref<10000x64xf32, #tpu.memory_space<hbm>>
      tpu.wait_indirect_dma semaphore(%arg16 : memref<!tpu.dma_semaphore, #tpu.memory_space<semaphore_mem>>) src(%dma_wait3A_199 : memref<10000x64xf32, #tpu.memory_space<hbm>>) dst(%arg11 : memref<128x64xf32, #tpu.memory_space<vmem>>)
      "tpu.region"() ({
        %run_scoped3A_256 = tpu.sem_alloc : memref<!tpu.dma_semaphore, #tpu.memory_space<semaphore_mem>>
        %dma_start3A_257 = arith.constant 0 : i32
        %dma_start3A_258 = tpu.memref_slice %arg9[%add3A_193, %dma_start3A_257] : memref<80x128xi32, #tpu.memory_space<vmem>> -> memref<1x128xi32, #tpu.memory_space<vmem>>
        %dma_start3A_259 = tpu.memref_squeeze %dma_start3A_258 : memref<1x128xi32, #tpu.memory_space<vmem>> -> memref<128xi32, #tpu.memory_space<vmem>>
        %dma_start3A_260 = arith.constant 0 : i32
        %dma_start3A_261 = arith.constant 0 : i32
        %dma_start3A_262 = tpu.memref_slice %arg15[%dma_start3A_260, %dma_start3A_261] : memref<10240x64xf32, #tpu.memory_space<vmem_shared>> -> memref<10240x64xf32, #tpu.memory_space<vmem_shared>>
        tpu.enqueue_indirect_dma source(%arg11 : memref<128x64xf32, #tpu.memory_space<vmem>>) target(%dma_start3A_262 : memref<10240x64xf32, #tpu.memory_space<vmem_shared>>) offsets(%dma_start3A_259 : memref<128xi32, #tpu.memory_space<vmem>>) semaphore(%run_scoped3A_256 : memref<!tpu.dma_semaphore, #tpu.memory_space<semaphore_mem>>) {add = true}
        %dma_wait3A_263 = arith.constant 0 : i32
        %dma_wait3A_264 = tpu.memref_slice %arg9[%add3A_193, %dma_wait3A_263] : memref<80x128xi32, #tpu.memory_space<vmem>> -> memref<1x128xi32, #tpu.memory_space<vmem>>
        %dma_wait3A_265 = tpu.memref_squeeze %dma_wait3A_264 : memref<1x128xi32, #tpu.memory_space<vmem>> -> memref<128xi32, #tpu.memory_space<vmem>>
        %dma_wait3A_266 = arith.constant 0 : i32
        %dma_wait3A_267 = arith.constant 0 : i32
        %dma_wait3A_268 = tpu.memref_slice %arg15[%dma_wait3A_266, %dma_wait3A_267] : memref<10240x64xf32, #tpu.memory_space<vmem_shared>> -> memref<10240x64xf32, #tpu.memory_space<vmem_shared>>
        tpu.wait_indirect_dma semaphore(%run_scoped3A_256 : memref<!tpu.dma_semaphore, #tpu.memory_space<semaphore_mem>>) src(%arg11 : memref<128x64xf32, #tpu.memory_space<vmem>>) dst(%dma_wait3A_268 : memref<10240x64xf32, #tpu.memory_space<vmem_shared>>)
        tpu.yield
      }) : () -> ()
      %add3A_200 = arith.constant 4 : i32
      %add3A_201 = arith.addi %add3A_193, %add3A_200 : i32
      %dma_start3A_202 = arith.constant 0 : i32
      %dma_start3A_203 = tpu.memref_slice %arg8[%add3A_201, %dma_start3A_202] : memref<80x128xi32, #tpu.memory_space<vmem>> -> memref<1x128xi32, #tpu.memory_space<vmem>>
      %dma_start3A_204 = tpu.memref_squeeze %dma_start3A_203 : memref<1x128xi32, #tpu.memory_space<vmem>> -> memref<128xi32, #tpu.memory_space<vmem>>
      %dma_start3A_205 = arith.constant 0 : i32
      %dma_start3A_206 = arith.constant 0 : i32
      %dma_start3A_207 = tpu.memref_slice %arg3[%dma_start3A_205, %dma_start3A_206] : memref<10000x64xf32, #tpu.memory_space<hbm>> -> memref<10000x64xf32, #tpu.memory_space<hbm>>
      tpu.enqueue_indirect_dma source(%dma_start3A_207 : memref<10000x64xf32, #tpu.memory_space<hbm>>) target(%arg11 : memref<128x64xf32, #tpu.memory_space<vmem>>) offsets(%dma_start3A_204 : memref<128xi32, #tpu.memory_space<vmem>>) semaphore(%arg16 : memref<!tpu.dma_semaphore, #tpu.memory_space<semaphore_mem>>)
      %add3A_208 = arith.constant 1 : i32
      %add3A_209 = arith.addi %add3A_191, %add3A_208 : i32
      %dma_wait3A_210 = arith.constant 0 : i32
      %dma_wait3A_211 = tpu.memref_slice %arg8[%add3A_209, %dma_wait3A_210] : memref<80x128xi32, #tpu.memory_space<vmem>> -> memref<1x128xi32, #tpu.memory_space<vmem>>
      %dma_wait3A_212 = tpu.memref_squeeze %dma_wait3A_211 : memref<1x128xi32, #tpu.memory_space<vmem>> -> memref<128xi32, #tpu.memory_space<vmem>>
      %dma_wait3A_213 = arith.constant 0 : i32
      %dma_wait3A_214 = arith.constant 0 : i32
      %dma_wait3A_215 = tpu.memref_slice %arg3[%dma_wait3A_213, %dma_wait3A_214] : memref<10000x64xf32, #tpu.memory_space<hbm>> -> memref<10000x64xf32, #tpu.memory_space<hbm>>
      tpu.wait_indirect_dma semaphore(%arg17 : memref<!tpu.dma_semaphore, #tpu.memory_space<semaphore_mem>>) src(%dma_wait3A_215 : memref<10000x64xf32, #tpu.memory_space<hbm>>) dst(%arg12 : memref<128x64xf32, #tpu.memory_space<vmem>>)
      "tpu.region"() ({
        %run_scoped3A_256 = tpu.sem_alloc : memref<!tpu.dma_semaphore, #tpu.memory_space<semaphore_mem>>
        %dma_start3A_257 = arith.constant 0 : i32
        %dma_start3A_258 = tpu.memref_slice %arg9[%add3A_209, %dma_start3A_257] : memref<80x128xi32, #tpu.memory_space<vmem>> -> memref<1x128xi32, #tpu.memory_space<vmem>>
        %dma_start3A_259 = tpu.memref_squeeze %dma_start3A_258 : memref<1x128xi32, #tpu.memory_space<vmem>> -> memref<128xi32, #tpu.memory_space<vmem>>
        %dma_start3A_260 = arith.constant 0 : i32
        %dma_start3A_261 = arith.constant 0 : i32
        %dma_start3A_262 = tpu.memref_slice %arg15[%dma_start3A_260, %dma_start3A_261] : memref<10240x64xf32, #tpu.memory_space<vmem_shared>> -> memref<10240x64xf32, #tpu.memory_space<vmem_shared>>
        tpu.enqueue_indirect_dma source(%arg12 : memref<128x64xf32, #tpu.memory_space<vmem>>) target(%dma_start3A_262 : memref<10240x64xf32, #tpu.memory_space<vmem_shared>>) offsets(%dma_start3A_259 : memref<128xi32, #tpu.memory_space<vmem>>) semaphore(%run_scoped3A_256 : memref<!tpu.dma_semaphore, #tpu.memory_space<semaphore_mem>>) {add = true}
        %dma_wait3A_263 = arith.constant 0 : i32
        %dma_wait3A_264 = tpu.memref_slice %arg9[%add3A_209, %dma_wait3A_263] : memref<80x128xi32, #tpu.memory_space<vmem>> -> memref<1x128xi32, #tpu.memory_space<vmem>>
        %dma_wait3A_265 = tpu.memref_squeeze %dma_wait3A_264 : memref<1x128xi32, #tpu.memory_space<vmem>> -> memref<128xi32, #tpu.memory_space<vmem>>
        %dma_wait3A_266 = arith.constant 0 : i32
        %dma_wait3A_267 = arith.constant 0 : i32
        %dma_wait3A_268 = tpu.memref_slice %arg15[%dma_wait3A_266, %dma_wait3A_267] : memref<10240x64xf32, #tpu.memory_space<vmem_shared>> -> memref<10240x64xf32, #tpu.memory_space<vmem_shared>>
        tpu.wait_indirect_dma semaphore(%run_scoped3A_256 : memref<!tpu.dma_semaphore, #tpu.memory_space<semaphore_mem>>) src(%arg12 : memref<128x64xf32, #tpu.memory_space<vmem>>) dst(%dma_wait3A_268 : memref<10240x64xf32, #tpu.memory_space<vmem_shared>>)
        tpu.yield
      }) : () -> ()
      %add3A_216 = arith.constant 4 : i32
      %add3A_217 = arith.addi %add3A_209, %add3A_216 : i32
      %dma_start3A_218 = arith.constant 0 : i32
      %dma_start3A_219 = tpu.memref_slice %arg8[%add3A_217, %dma_start3A_218] : memref<80x128xi32, #tpu.memory_space<vmem>> -> memref<1x128xi32, #tpu.memory_space<vmem>>
      %dma_start3A_220 = tpu.memref_squeeze %dma_start3A_219 : memref<1x128xi32, #tpu.memory_space<vmem>> -> memref<128xi32, #tpu.memory_space<vmem>>
      %dma_start3A_221 = arith.constant 0 : i32
      %dma_start3A_222 = arith.constant 0 : i32
      %dma_start3A_223 = tpu.memref_slice %arg3[%dma_start3A_221, %dma_start3A_222] : memref<10000x64xf32, #tpu.memory_space<hbm>> -> memref<10000x64xf32, #tpu.memory_space<hbm>>
      tpu.enqueue_indirect_dma source(%dma_start3A_223 : memref<10000x64xf32, #tpu.memory_space<hbm>>) target(%arg12 : memref<128x64xf32, #tpu.memory_space<vmem>>) offsets(%dma_start3A_220 : memref<128xi32, #tpu.memory_space<vmem>>) semaphore(%arg17 : memref<!tpu.dma_semaphore, #tpu.memory_space<semaphore_mem>>)
      %add3A_224 = arith.constant 2 : i32
      %add3A_225 = arith.addi %add3A_191, %add3A_224 : i32
      %dma_wait3A_226 = arith.constant 0 : i32
      %dma_wait3A_227 = tpu.memref_slice %arg8[%add3A_225, %dma_wait3A_226] : memref<80x128xi32, #tpu.memory_space<vmem>> -> memref<1x128xi32, #tpu.memory_space<vmem>>
      %dma_wait3A_228 = tpu.memref_squeeze %dma_wait3A_227 : memref<1x128xi32, #tpu.memory_space<vmem>> -> memref<128xi32, #tpu.memory_space<vmem>>
      %dma_wait3A_229 = arith.constant 0 : i32
      %dma_wait3A_230 = arith.constant 0 : i32
      %dma_wait3A_231 = tpu.memref_slice %arg3[%dma_wait3A_229, %dma_wait3A_230] : memref<10000x64xf32, #tpu.memory_space<hbm>> -> memref<10000x64xf32, #tpu.memory_space<hbm>>
      tpu.wait_indirect_dma semaphore(%arg18 : memref<!tpu.dma_semaphore, #tpu.memory_space<semaphore_mem>>) src(%dma_wait3A_231 : memref<10000x64xf32, #tpu.memory_space<hbm>>) dst(%arg13 : memref<128x64xf32, #tpu.memory_space<vmem>>)
      "tpu.region"() ({
        %run_scoped3A_256 = tpu.sem_alloc : memref<!tpu.dma_semaphore, #tpu.memory_space<semaphore_mem>>
        %dma_start3A_257 = arith.constant 0 : i32
        %dma_start3A_258 = tpu.memref_slice %arg9[%add3A_225, %dma_start3A_257] : memref<80x128xi32, #tpu.memory_space<vmem>> -> memref<1x128xi32, #tpu.memory_space<vmem>>
        %dma_start3A_259 = tpu.memref_squeeze %dma_start3A_258 : memref<1x128xi32, #tpu.memory_space<vmem>> -> memref<128xi32, #tpu.memory_space<vmem>>
        %dma_start3A_260 = arith.constant 0 : i32
        %dma_start3A_261 = arith.constant 0 : i32
        %dma_start3A_262 = tpu.memref_slice %arg15[%dma_start3A_260, %dma_start3A_261] : memref<10240x64xf32, #tpu.memory_space<vmem_shared>> -> memref<10240x64xf32, #tpu.memory_space<vmem_shared>>
        tpu.enqueue_indirect_dma source(%arg13 : memref<128x64xf32, #tpu.memory_space<vmem>>) target(%dma_start3A_262 : memref<10240x64xf32, #tpu.memory_space<vmem_shared>>) offsets(%dma_start3A_259 : memref<128xi32, #tpu.memory_space<vmem>>) semaphore(%run_scoped3A_256 : memref<!tpu.dma_semaphore, #tpu.memory_space<semaphore_mem>>) {add = true}
        %dma_wait3A_263 = arith.constant 0 : i32
        %dma_wait3A_264 = tpu.memref_slice %arg9[%add3A_225, %dma_wait3A_263] : memref<80x128xi32, #tpu.memory_space<vmem>> -> memref<1x128xi32, #tpu.memory_space<vmem>>
        %dma_wait3A_265 = tpu.memref_squeeze %dma_wait3A_264 : memref<1x128xi32, #tpu.memory_space<vmem>> -> memref<128xi32, #tpu.memory_space<vmem>>
        %dma_wait3A_266 = arith.constant 0 : i32
        %dma_wait3A_267 = arith.constant 0 : i32
        %dma_wait3A_268 = tpu.memref_slice %arg15[%dma_wait3A_266, %dma_wait3A_267] : memref<10240x64xf32, #tpu.memory_space<vmem_shared>> -> memref<10240x64xf32, #tpu.memory_space<vmem_shared>>
        tpu.wait_indirect_dma semaphore(%run_scoped3A_256 : memref<!tpu.dma_semaphore, #tpu.memory_space<semaphore_mem>>) src(%arg13 : memref<128x64xf32, #tpu.memory_space<vmem>>) dst(%dma_wait3A_268 : memref<10240x64xf32, #tpu.memory_space<vmem_shared>>)
        tpu.yield
      }) : () -> ()
      %add3A_232 = arith.constant 4 : i32
      %add3A_233 = arith.addi %add3A_225, %add3A_232 : i32
      %dma_start3A_234 = arith.constant 0 : i32
      %dma_start3A_235 = tpu.memref_slice %arg8[%add3A_233, %dma_start3A_234] : memref<80x128xi32, #tpu.memory_space<vmem>> -> memref<1x128xi32, #tpu.memory_space<vmem>>
      %dma_start3A_236 = tpu.memref_squeeze %dma_start3A_235 : memref<1x128xi32, #tpu.memory_space<vmem>> -> memref<128xi32, #tpu.memory_space<vmem>>
      %dma_start3A_237 = arith.constant 0 : i32
      %dma_start3A_238 = arith.constant 0 : i32
      %dma_start3A_239 = tpu.memref_slice %arg3[%dma_start3A_237, %dma_start3A_238] : memref<10000x64xf32, #tpu.memory_space<hbm>> -> memref<10000x64xf32, #tpu.memory_space<hbm>>
      tpu.enqueue_indirect_dma source(%dma_start3A_239 : memref<10000x64xf32, #tpu.memory_space<hbm>>) target(%arg13 : memref<128x64xf32, #tpu.memory_space<vmem>>) offsets(%dma_start3A_236 : memref<128xi32, #tpu.memory_space<vmem>>) semaphore(%arg18 : memref<!tpu.dma_semaphore, #tpu.memory_space<semaphore_mem>>)
      %add3A_240 = arith.constant 3 : i32
      %add3A_241 = arith.addi %add3A_191, %add3A_240 : i32
      %dma_wait3A_242 = arith.constant 0 : i32
      %dma_wait3A_243 = tpu.memref_slice %arg8[%add3A_241, %dma_wait3A_242] : memref<80x128xi32, #tpu.memory_space<vmem>> -> memref<1x128xi32, #tpu.memory_space<vmem>>
      %dma_wait3A_244 = tpu.memref_squeeze %dma_wait3A_243 : memref<1x128xi32, #tpu.memory_space<vmem>> -> memref<128xi32, #tpu.memory_space<vmem>>
      %dma_wait3A_245 = arith.constant 0 : i32
      %dma_wait3A_246 = arith.constant 0 : i32
      %dma_wait3A_247 = tpu.memref_slice %arg3[%dma_wait3A_245, %dma_wait3A_246] : memref<10000x64xf32, #tpu.memory_space<hbm>> -> memref<10000x64xf32, #tpu.memory_space<hbm>>
      tpu.wait_indirect_dma semaphore(%arg19 : memref<!tpu.dma_semaphore, #tpu.memory_space<semaphore_mem>>) src(%dma_wait3A_247 : memref<10000x64xf32, #tpu.memory_space<hbm>>) dst(%arg14 : memref<128x64xf32, #tpu.memory_space<vmem>>)
      "tpu.region"() ({
        %run_scoped3A_256 = tpu.sem_alloc : memref<!tpu.dma_semaphore, #tpu.memory_space<semaphore_mem>>
        %dma_start3A_257 = arith.constant 0 : i32
        %dma_start3A_258 = tpu.memref_slice %arg9[%add3A_241, %dma_start3A_257] : memref<80x128xi32, #tpu.memory_space<vmem>> -> memref<1x128xi32, #tpu.memory_space<vmem>>
        %dma_start3A_259 = tpu.memref_squeeze %dma_start3A_258 : memref<1x128xi32, #tpu.memory_space<vmem>> -> memref<128xi32, #tpu.memory_space<vmem>>
        %dma_start3A_260 = arith.constant 0 : i32
        %dma_start3A_261 = arith.constant 0 : i32
        %dma_start3A_262 = tpu.memref_slice %arg15[%dma_start3A_260, %dma_start3A_261] : memref<10240x64xf32, #tpu.memory_space<vmem_shared>> -> memref<10240x64xf32, #tpu.memory_space<vmem_shared>>
        tpu.enqueue_indirect_dma source(%arg14 : memref<128x64xf32, #tpu.memory_space<vmem>>) target(%dma_start3A_262 : memref<10240x64xf32, #tpu.memory_space<vmem_shared>>) offsets(%dma_start3A_259 : memref<128xi32, #tpu.memory_space<vmem>>) semaphore(%run_scoped3A_256 : memref<!tpu.dma_semaphore, #tpu.memory_space<semaphore_mem>>) {add = true}
        %dma_wait3A_263 = arith.constant 0 : i32
        %dma_wait3A_264 = tpu.memref_slice %arg9[%add3A_241, %dma_wait3A_263] : memref<80x128xi32, #tpu.memory_space<vmem>> -> memref<1x128xi32, #tpu.memory_space<vmem>>
        %dma_wait3A_265 = tpu.memref_squeeze %dma_wait3A_264 : memref<1x128xi32, #tpu.memory_space<vmem>> -> memref<128xi32, #tpu.memory_space<vmem>>
        %dma_wait3A_266 = arith.constant 0 : i32
        %dma_wait3A_267 = arith.constant 0 : i32
        %dma_wait3A_268 = tpu.memref_slice %arg15[%dma_wait3A_266, %dma_wait3A_267] : memref<10240x64xf32, #tpu.memory_space<vmem_shared>> -> memref<10240x64xf32, #tpu.memory_space<vmem_shared>>
        tpu.wait_indirect_dma semaphore(%run_scoped3A_256 : memref<!tpu.dma_semaphore, #tpu.memory_space<semaphore_mem>>) src(%arg14 : memref<128x64xf32, #tpu.memory_space<vmem>>) dst(%dma_wait3A_268 : memref<10240x64xf32, #tpu.memory_space<vmem_shared>>)
        tpu.yield
      }) : () -> ()
      %add3A_248 = arith.constant 4 : i32
      %add3A_249 = arith.addi %add3A_241, %add3A_248 : i32
      %dma_start3A_250 = arith.constant 0 : i32
      %dma_start3A_251 = tpu.memref_slice %arg8[%add3A_249, %dma_start3A_250] : memref<80x128xi32, #tpu.memory_space<vmem>> -> memref<1x128xi32, #tpu.memory_space<vmem>>
      %dma_start3A_252 = tpu.memref_squeeze %dma_start3A_251 : memref<1x128xi32, #tpu.memory_space<vmem>> -> memref<128xi32, #tpu.memory_space<vmem>>
      %dma_start3A_253 = arith.constant 0 : i32
      %dma_start3A_254 = arith.constant 0 : i32
      %dma_start3A_255 = tpu.memref_slice %arg3[%dma_start3A_253, %dma_start3A_254] : memref<10000x64xf32, #tpu.memory_space<hbm>> -> memref<10000x64xf32, #tpu.memory_space<hbm>>
      tpu.enqueue_indirect_dma source(%dma_start3A_255 : memref<10000x64xf32, #tpu.memory_space<hbm>>) target(%arg14 : memref<128x64xf32, #tpu.memory_space<vmem>>) offsets(%dma_start3A_252 : memref<128xi32, #tpu.memory_space<vmem>>) semaphore(%arg19 : memref<!tpu.dma_semaphore, #tpu.memory_space<semaphore_mem>>)
    }
    %scan3A_153 = arith.constant 19 : i32
    %dma_wait3A_154 = arith.constant 76 : i32
    %dma_wait3A_155 = arith.constant 0 : i32
    %dma_wait3A_156 = tpu.memref_slice %arg8[%dma_wait3A_154, %dma_wait3A_155] : memref<80x128xi32, #tpu.memory_space<vmem>> -> memref<1x128xi32, #tpu.memory_space<vmem>>
    %dma_wait3A_157 = tpu.memref_squeeze %dma_wait3A_156 : memref<1x128xi32, #tpu.memory_space<vmem>> -> memref<128xi32, #tpu.memory_space<vmem>>
    %dma_wait3A_158 = arith.constant 0 : i32
    %dma_wait3A_159 = arith.constant 0 : i32
    %dma_wait3A_160 = tpu.memref_slice %arg3[%dma_wait3A_158, %dma_wait3A_159] : memref<10000x64xf32, #tpu.memory_space<hbm>> -> memref<10000x64xf32, #tpu.memory_space<hbm>>
    tpu.wait_indirect_dma semaphore(%arg16 : memref<!tpu.dma_semaphore, #tpu.memory_space<semaphore_mem>>) src(%dma_wait3A_160 : memref<10000x64xf32, #tpu.memory_space<hbm>>) dst(%arg11 : memref<128x64xf32, #tpu.memory_space<vmem>>)
    %run_scoped3A_161 = arith.constant 76 : i32
    "tpu.region"() ({
      %run_scoped3A_187 = tpu.sem_alloc : memref<!tpu.dma_semaphore, #tpu.memory_space<semaphore_mem>>
      %dma_start3A_188 = arith.constant 0 : i32
      %dma_start3A_189 = tpu.memref_slice %arg9[%run_scoped3A_161, %dma_start3A_188] : memref<80x128xi32, #tpu.memory_space<vmem>> -> memref<1x128xi32, #tpu.memory_space<vmem>>
      %dma_start3A_190 = tpu.memref_squeeze %dma_start3A_189 : memref<1x128xi32, #tpu.memory_space<vmem>> -> memref<128xi32, #tpu.memory_space<vmem>>
      %dma_start3A_191 = arith.constant 0 : i32
      %dma_start3A_192 = arith.constant 0 : i32
      %dma_start3A_193 = tpu.memref_slice %arg15[%dma_start3A_191, %dma_start3A_192] : memref<10240x64xf32, #tpu.memory_space<vmem_shared>> -> memref<10240x64xf32, #tpu.memory_space<vmem_shared>>
      tpu.enqueue_indirect_dma source(%arg11 : memref<128x64xf32, #tpu.memory_space<vmem>>) target(%dma_start3A_193 : memref<10240x64xf32, #tpu.memory_space<vmem_shared>>) offsets(%dma_start3A_190 : memref<128xi32, #tpu.memory_space<vmem>>) semaphore(%run_scoped3A_187 : memref<!tpu.dma_semaphore, #tpu.memory_space<semaphore_mem>>) {add = true}
      %dma_wait3A_194 = arith.constant 0 : i32
      %dma_wait3A_195 = tpu.memref_slice %arg9[%run_scoped3A_161, %dma_wait3A_194] : memref<80x128xi32, #tpu.memory_space<vmem>> -> memref<1x128xi32, #tpu.memory_space<vmem>>
      %dma_wait3A_196 = tpu.memref_squeeze %dma_wait3A_195 : memref<1x128xi32, #tpu.memory_space<vmem>> -> memref<128xi32, #tpu.memory_space<vmem>>
      %dma_wait3A_197 = arith.constant 0 : i32
      %dma_wait3A_198 = arith.constant 0 : i32
      %dma_wait3A_199 = tpu.memref_slice %arg15[%dma_wait3A_197, %dma_wait3A_198] : memref<10240x64xf32, #tpu.memory_space<vmem_shared>> -> memref<10240x64xf32, #tpu.memory_space<vmem_shared>>
      tpu.wait_indirect_dma semaphore(%run_scoped3A_187 : memref<!tpu.dma_semaphore, #tpu.memory_space<semaphore_mem>>) src(%arg11 : memref<128x64xf32, #tpu.memory_space<vmem>>) dst(%dma_wait3A_199 : memref<10240x64xf32, #tpu.memory_space<vmem_shared>>)
      tpu.yield
    }) : () -> ()
    %dma_wait3A_162 = arith.constant 77 : i32
    %dma_wait3A_163 = arith.constant 0 : i32
    %dma_wait3A_164 = tpu.memref_slice %arg8[%dma_wait3A_162, %dma_wait3A_163] : memref<80x128xi32, #tpu.memory_space<vmem>> -> memref<1x128xi32, #tpu.memory_space<vmem>>
    %dma_wait3A_165 = tpu.memref_squeeze %dma_wait3A_164 : memref<1x128xi32, #tpu.memory_space<vmem>> -> memref<128xi32, #tpu.memory_space<vmem>>
    %dma_wait3A_166 = arith.constant 0 : i32
    %dma_wait3A_167 = arith.constant 0 : i32
    %dma_wait3A_168 = tpu.memref_slice %arg3[%dma_wait3A_166, %dma_wait3A_167] : memref<10000x64xf32, #tpu.memory_space<hbm>> -> memref<10000x64xf32, #tpu.memory_space<hbm>>
    tpu.wait_indirect_dma semaphore(%arg17 : memref<!tpu.dma_semaphore, #tpu.memory_space<semaphore_mem>>) src(%dma_wait3A_168 : memref<10000x64xf32, #tpu.memory_space<hbm>>) dst(%arg12 : memref<128x64xf32, #tpu.memory_space<vmem>>)
    %run_scoped3A_169 = arith.constant 77 : i32
    "tpu.region"() ({
      %run_scoped3A_187 = tpu.sem_alloc : memref<!tpu.dma_semaphore, #tpu.memory_space<semaphore_mem>>
      %dma_start3A_188 = arith.constant 0 : i32
      %dma_start3A_189 = tpu.memref_slice %arg9[%run_scoped3A_169, %dma_start3A_188] : memref<80x128xi32, #tpu.memory_space<vmem>> -> memref<1x128xi32, #tpu.memory_space<vmem>>
      %dma_start3A_190 = tpu.memref_squeeze %dma_start3A_189 : memref<1x128xi32, #tpu.memory_space<vmem>> -> memref<128xi32, #tpu.memory_space<vmem>>
      %dma_start3A_191 = arith.constant 0 : i32
      %dma_start3A_192 = arith.constant 0 : i32
      %dma_start3A_193 = tpu.memref_slice %arg15[%dma_start3A_191, %dma_start3A_192] : memref<10240x64xf32, #tpu.memory_space<vmem_shared>> -> memref<10240x64xf32, #tpu.memory_space<vmem_shared>>
      tpu.enqueue_indirect_dma source(%arg12 : memref<128x64xf32, #tpu.memory_space<vmem>>) target(%dma_start3A_193 : memref<10240x64xf32, #tpu.memory_space<vmem_shared>>) offsets(%dma_start3A_190 : memref<128xi32, #tpu.memory_space<vmem>>) semaphore(%run_scoped3A_187 : memref<!tpu.dma_semaphore, #tpu.memory_space<semaphore_mem>>) {add = true}
      %dma_wait3A_194 = arith.constant 0 : i32
      %dma_wait3A_195 = tpu.memref_slice %arg9[%run_scoped3A_169, %dma_wait3A_194] : memref<80x128xi32, #tpu.memory_space<vmem>> -> memref<1x128xi32, #tpu.memory_space<vmem>>
      %dma_wait3A_196 = tpu.memref_squeeze %dma_wait3A_195 : memref<1x128xi32, #tpu.memory_space<vmem>> -> memref<128xi32, #tpu.memory_space<vmem>>
      %dma_wait3A_197 = arith.constant 0 : i32
      %dma_wait3A_198 = arith.constant 0 : i32
      %dma_wait3A_199 = tpu.memref_slice %arg15[%dma_wait3A_197, %dma_wait3A_198] : memref<10240x64xf32, #tpu.memory_space<vmem_shared>> -> memref<10240x64xf32, #tpu.memory_space<vmem_shared>>
      tpu.wait_indirect_dma semaphore(%run_scoped3A_187 : memref<!tpu.dma_semaphore, #tpu.memory_space<semaphore_mem>>) src(%arg12 : memref<128x64xf32, #tpu.memory_space<vmem>>) dst(%dma_wait3A_199 : memref<10240x64xf32, #tpu.memory_space<vmem_shared>>)
      tpu.yield
    }) : () -> ()
    %dma_wait3A_170 = arith.constant 78 : i32
    %dma_wait3A_171 = arith.constant 0 : i32
    %dma_wait3A_172 = tpu.memref_slice %arg8[%dma_wait3A_170, %dma_wait3A_171] : memref<80x128xi32, #tpu.memory_space<vmem>> -> memref<1x128xi32, #tpu.memory_space<vmem>>
    %dma_wait3A_173 = tpu.memref_squeeze %dma_wait3A_172 : memref<1x128xi32, #tpu.memory_space<vmem>> -> memref<128xi32, #tpu.memory_space<vmem>>
    %dma_wait3A_174 = arith.constant 0 : i32
    %dma_wait3A_175 = arith.constant 0 : i32
    %dma_wait3A_176 = tpu.memref_slice %arg3[%dma_wait3A_174, %dma_wait3A_175] : memref<10000x64xf32, #tpu.memory_space<hbm>> -> memref<10000x64xf32, #tpu.memory_space<hbm>>
    tpu.wait_indirect_dma semaphore(%arg18 : memref<!tpu.dma_semaphore, #tpu.memory_space<semaphore_mem>>) src(%dma_wait3A_176 : memref<10000x64xf32, #tpu.memory_space<hbm>>) dst(%arg13 : memref<128x64xf32, #tpu.memory_space<vmem>>)
    %run_scoped3A_177 = arith.constant 78 : i32
    "tpu.region"() ({
      %run_scoped3A_187 = tpu.sem_alloc : memref<!tpu.dma_semaphore, #tpu.memory_space<semaphore_mem>>
      %dma_start3A_188 = arith.constant 0 : i32
      %dma_start3A_189 = tpu.memref_slice %arg9[%run_scoped3A_177, %dma_start3A_188] : memref<80x128xi32, #tpu.memory_space<vmem>> -> memref<1x128xi32, #tpu.memory_space<vmem>>
      %dma_start3A_190 = tpu.memref_squeeze %dma_start3A_189 : memref<1x128xi32, #tpu.memory_space<vmem>> -> memref<128xi32, #tpu.memory_space<vmem>>
      %dma_start3A_191 = arith.constant 0 : i32
      %dma_start3A_192 = arith.constant 0 : i32
      %dma_start3A_193 = tpu.memref_slice %arg15[%dma_start3A_191, %dma_start3A_192] : memref<10240x64xf32, #tpu.memory_space<vmem_shared>> -> memref<10240x64xf32, #tpu.memory_space<vmem_shared>>
      tpu.enqueue_indirect_dma source(%arg13 : memref<128x64xf32, #tpu.memory_space<vmem>>) target(%dma_start3A_193 : memref<10240x64xf32, #tpu.memory_space<vmem_shared>>) offsets(%dma_start3A_190 : memref<128xi32, #tpu.memory_space<vmem>>) semaphore(%run_scoped3A_187 : memref<!tpu.dma_semaphore, #tpu.memory_space<semaphore_mem>>) {add = true}
      %dma_wait3A_194 = arith.constant 0 : i32
      %dma_wait3A_195 = tpu.memref_slice %arg9[%run_scoped3A_177, %dma_wait3A_194] : memref<80x128xi32, #tpu.memory_space<vmem>> -> memref<1x128xi32, #tpu.memory_space<vmem>>
      %dma_wait3A_196 = tpu.memref_squeeze %dma_wait3A_195 : memref<1x128xi32, #tpu.memory_space<vmem>> -> memref<128xi32, #tpu.memory_space<vmem>>
      %dma_wait3A_197 = arith.constant 0 : i32
      %dma_wait3A_198 = arith.constant 0 : i32
      %dma_wait3A_199 = tpu.memref_slice %arg15[%dma_wait3A_197, %dma_wait3A_198] : memref<10240x64xf32, #tpu.memory_space<vmem_shared>> -> memref<10240x64xf32, #tpu.memory_space<vmem_shared>>
      tpu.wait_indirect_dma semaphore(%run_scoped3A_187 : memref<!tpu.dma_semaphore, #tpu.memory_space<semaphore_mem>>) src(%arg13 : memref<128x64xf32, #tpu.memory_space<vmem>>) dst(%dma_wait3A_199 : memref<10240x64xf32, #tpu.memory_space<vmem_shared>>)
      tpu.yield
    }) : () -> ()
    %dma_wait3A_178 = arith.constant 79 : i32
    %dma_wait3A_179 = arith.constant 0 : i32
    %dma_wait3A_180 = tpu.memref_slice %arg8[%dma_wait3A_178, %dma_wait3A_179] : memref<80x128xi32, #tpu.memory_space<vmem>> -> memref<1x128xi32, #tpu.memory_space<vmem>>
    %dma_wait3A_181 = tpu.memref_squeeze %dma_wait3A_180 : memref<1x128xi32, #tpu.memory_space<vmem>> -> memref<128xi32, #tpu.memory_space<vmem>>
    %dma_wait3A_182 = arith.constant 0 : i32
    %dma_wait3A_183 = arith.constant 0 : i32
    %dma_wait3A_184 = tpu.memref_slice %arg3[%dma_wait3A_182, %dma_wait3A_183] : memref<10000x64xf32, #tpu.memory_space<hbm>> -> memref<10000x64xf32, #tpu.memory_space<hbm>>
    tpu.wait_indirect_dma semaphore(%arg19 : memref<!tpu.dma_semaphore, #tpu.memory_space<semaphore_mem>>) src(%dma_wait3A_184 : memref<10000x64xf32, #tpu.memory_space<hbm>>) dst(%arg14 : memref<128x64xf32, #tpu.memory_space<vmem>>)
    %run_scoped3A_185 = arith.constant 79 : i32
    "tpu.region"() ({
      %run_scoped3A_187 = tpu.sem_alloc : memref<!tpu.dma_semaphore, #tpu.memory_space<semaphore_mem>>
      %dma_start3A_188 = arith.constant 0 : i32
      %dma_start3A_189 = tpu.memref_slice %arg9[%run_scoped3A_185, %dma_start3A_188] : memref<80x128xi32, #tpu.memory_space<vmem>> -> memref<1x128xi32, #tpu.memory_space<vmem>>
      %dma_start3A_190 = tpu.memref_squeeze %dma_start3A_189 : memref<1x128xi32, #tpu.memory_space<vmem>> -> memref<128xi32, #tpu.memory_space<vmem>>
      %dma_start3A_191 = arith.constant 0 : i32
      %dma_start3A_192 = arith.constant 0 : i32
      %dma_start3A_193 = tpu.memref_slice %arg15[%dma_start3A_191, %dma_start3A_192] : memref<10240x64xf32, #tpu.memory_space<vmem_shared>> -> memref<10240x64xf32, #tpu.memory_space<vmem_shared>>
      tpu.enqueue_indirect_dma source(%arg14 : memref<128x64xf32, #tpu.memory_space<vmem>>) target(%dma_start3A_193 : memref<10240x64xf32, #tpu.memory_space<vmem_shared>>) offsets(%dma_start3A_190 : memref<128xi32, #tpu.memory_space<vmem>>) semaphore(%run_scoped3A_187 : memref<!tpu.dma_semaphore, #tpu.memory_space<semaphore_mem>>) {add = true}
      %dma_wait3A_194 = arith.constant 0 : i32
      %dma_wait3A_195 = tpu.memref_slice %arg9[%run_scoped3A_185, %dma_wait3A_194] : memref<80x128xi32, #tpu.memory_space<vmem>> -> memref<1x128xi32, #tpu.memory_space<vmem>>
      %dma_wait3A_196 = tpu.memref_squeeze %dma_wait3A_195 : memref<1x128xi32, #tpu.memory_space<vmem>> -> memref<128xi32, #tpu.memory_space<vmem>>
      %dma_wait3A_197 = arith.constant 0 : i32
      %dma_wait3A_198 = arith.constant 0 : i32
      %dma_wait3A_199 = tpu.memref_slice %arg15[%dma_wait3A_197, %dma_wait3A_198] : memref<10240x64xf32, #tpu.memory_space<vmem_shared>> -> memref<10240x64xf32, #tpu.memory_space<vmem_shared>>
      tpu.wait_indirect_dma semaphore(%run_scoped3A_187 : memref<!tpu.dma_semaphore, #tpu.memory_space<semaphore_mem>>) src(%arg14 : memref<128x64xf32, #tpu.memory_space<vmem>>) dst(%dma_wait3A_199 : memref<10240x64xf32, #tpu.memory_space<vmem_shared>>)
      tpu.yield
    }) : () -> ()
    %barrier3A_186 = arith.constant 0 : index
    tpu.barrier barrier_id(%barrier3A_186)
    "tpu.region"() ({
      %run_scoped3A_187 = tpu.sem_alloc : memref<!tpu.dma_semaphore, #tpu.memory_space<semaphore_mem>>
      %dma_start3A_188 = arith.constant 0 : i32
      %dma_start3A_189 = tpu.memref_slice %arg7[%arg0, %mul3A_6, %dma_start3A_188] : memref<2x10240x64xf32, #tpu.memory_space<hbm>> -> memref<1x640x64xf32, #tpu.memory_space<hbm>>
      %dma_start3A_190 = tpu.memref_squeeze %dma_start3A_189 : memref<1x640x64xf32, #tpu.memory_space<hbm>> -> memref<640x64xf32, #tpu.memory_space<hbm>>
      %dma_start3A_191 = arith.constant 0 : i32
      %dma_start3A_192 = tpu.memref_slice %arg15[%mul3A_6, %dma_start3A_191] : memref<10240x64xf32, #tpu.memory_space<vmem_shared>> -> memref<640x64xf32, #tpu.memory_space<vmem_shared>>
      tpu.enqueue_dma source(%dma_start3A_192 : memref<640x64xf32, #tpu.memory_space<vmem_shared>>) target(%dma_start3A_190 : memref<640x64xf32, #tpu.memory_space<hbm>>) target_semaphore(%run_scoped3A_187 : memref<!tpu.dma_semaphore, #tpu.memory_space<semaphore_mem>>)
      %dma_wait3A_193 = arith.constant 0 : i32
      %dma_wait3A_194 = tpu.memref_slice %arg7[%arg0, %mul3A_6, %dma_wait3A_193] : memref<2x10240x64xf32, #tpu.memory_space<hbm>> -> memref<1x640x64xf32, #tpu.memory_space<hbm>>
      %dma_wait3A_195 = tpu.memref_squeeze %dma_wait3A_194 : memref<1x640x64xf32, #tpu.memory_space<hbm>> -> memref<640x64xf32, #tpu.memory_space<hbm>>
      %dma_wait3A_196 = arith.constant 0 : i32
      %dma_wait3A_197 = tpu.memref_slice %arg15[%mul3A_6, %dma_wait3A_196] : memref<10240x64xf32, #tpu.memory_space<vmem_shared>> -> memref<640x64xf32, #tpu.memory_space<vmem_shared>>
      tpu.wait_dma2 semaphore(%run_scoped3A_187 : memref<!tpu.dma_semaphore, #tpu.memory_space<semaphore_mem>>) src(%dma_wait3A_197 : memref<640x64xf32, #tpu.memory_space<vmem_shared>>) dst(%dma_wait3A_195 : memref<640x64xf32, #tpu.memory_space<hbm>>)
      tpu.yield
    }) : () -> ()
    return
  }
}

#map = affine_map<(d0, d1) -> (0, 0)>
#map1 = affine_map<(d0, d1) -> (0, 0, 0)>
module attributes {stable_mosaic.version = 14 : i64} {
  func.func @_sc_scatter(%arg0: i32, %arg1: i32, %arg2: memref<10000x64xf32, #tpu.memory_space<hbm>>, %arg3: memref<10000x64xf32, #tpu.memory_space<hbm>>, %arg4: memref<32x80x128xi32, #tpu.memory_space<hbm>>, %arg5: memref<32x80x128xi32, #tpu.memory_space<hbm>>, %arg6: memref<2x10240x64xf32, #tpu.memory_space<hbm>>, %arg7: memref<2x10240x64xf32, #tpu.memory_space<hbm>>, %arg8: memref<80x128xi32, #tpu.memory_space<vmem>>, %arg9: memref<80x128xi32, #tpu.memory_space<vmem>>, %arg10: memref<128x64xf32, #tpu.memory_space<vmem>>, %arg11: memref<128x64xf32, #tpu.memory_space<vmem>>, %arg12: memref<128x64xf32, #tpu.memory_space<vmem>>, %arg13: memref<128x64xf32, #tpu.memory_space<vmem>>, %arg14: memref<128x64xf32, #tpu.memory_space<vmem>>, %arg15: memref<10240x64xf32, #tpu.memory_space<vmem_shared>>, %arg16: memref<!tpu.dma_semaphore, #tpu.memory_space<semaphore_mem>>, %arg17: memref<!tpu.dma_semaphore, #tpu.memory_space<semaphore_mem>>, %arg18: memref<!tpu.dma_semaphore, #tpu.memory_space<semaphore_mem>>, %arg19: memref<!tpu.dma_semaphore, #tpu.memory_space<semaphore_mem>>, %arg20: memref<!tpu.dma_semaphore, #tpu.memory_space<semaphore_mem>>) attributes {dimension_semantics = [#tpu.dimension_semantics<core_parallel>, #tpu.dimension_semantics<subcore_parallel>], iteration_bounds = array<i64: 2, 16>, scalar_prefetch = 0 : i64, scratch_operands = 13 : i64, tpu.core_type = #tpu.core_type<sc_vector_subcore>, window_params = [{transform_indices = #map}, {transform_indices = #map}, {transform_indices = #map1}, {transform_indices = #map1}, {transform_indices = #map1}, {transform_indices = #map1}]} {
    %mul3A = arith.constant 16 : i32
    %mul3A_0 = arith.muli %arg0, %mul3A : i32
    %add3A = arith.addi %mul3A_0, %arg1 : i32
    %scan3A = arith.constant 0 : i32
    %scan3A_1 = arith.constant 128 : i32
    %scan3A_2 = arith.addi %scan3A, %scan3A_1 : i32
    %scan3A_3 = arith.constant 1 : i32
    scf.for %scan3A_187 = %scan3A to %scan3A_2 step %scan3A_3  : i32 {
      %mul3A_188 = arith.constant 1 : i32
      %mul3A_189 = arith.muli %scan3A_187, %mul3A_188 : i32
      %add3A_190 = arith.constant 0 : i32
      %add3A_191 = arith.addi %add3A_190, %mul3A_189 : i32
      %broadcast_in_dim3A = arith.constant 0.000000e+00 : f32
      %broadcast_in_dim3A_192 = vector.broadcast %broadcast_in_dim3A : f32 to vector<16xf32>
      %swap3A = arith.index_cast %add3A_191 : i32 to index
      %swap3A_193 = arith.constant 0 : index
      %swap3A_194 = tpu.vector_load %arg10[%swap3A, %swap3A_193] {strides = array<i32>} : memref<128x64xf32, #tpu.memory_space<vmem>>, vector<1x16xf32>,
      %swap3A_195 = vector.shape_cast %swap3A_194 : vector<1x16xf32> to vector<16xf32>
      %swap3A_196 = vector.shape_cast %broadcast_in_dim3A_192 : vector<16xf32> to vector<1x16xf32>
      tpu.vector_store %arg10[%swap3A, %swap3A_193], %swap3A_196 {strides = array<i32>} : memref<128x64xf32, #tpu.memory_space<vmem>>, vector<1x16xf32>,
      %broadcast_in_dim3A_197 = arith.constant 0.000000e+00 : f32
      %broadcast_in_dim3A_198 = vector.broadcast %broadcast_in_dim3A_197 : f32 to vector<16xf32>
      %swap3A_199 = arith.index_cast %add3A_191 : i32 to index
      %swap3A_200 = arith.constant 16 : index
      %swap3A_201 = tpu.vector_load %arg10[%swap3A_199, %swap3A_200] {strides = array<i32>} : memref<128x64xf32, #tpu.memory_space<vmem>>, vector<1x16xf32>,
      %swap3A_202 = vector.shape_cast %swap3A_201 : vector<1x16xf32> to vector<16xf32>
      %swap3A_203 = vector.shape_cast %broadcast_in_dim3A_198 : vector<16xf32> to vector<1x16xf32>
      tpu.vector_store %arg10[%swap3A_199, %swap3A_200], %swap3A_203 {strides = array<i32>} : memref<128x64xf32, #tpu.memory_space<vmem>>, vector<1x16xf32>,
      %broadcast_in_dim3A_204 = arith.constant 0.000000e+00 : f32
      %broadcast_in_dim3A_205 = vector.broadcast %broadcast_in_dim3A_204 : f32 to vector<16xf32>
      %swap3A_206 = arith.index_cast %add3A_191 : i32 to index
      %swap3A_207 = arith.constant 32 : index
      %swap3A_208 = tpu.vector_load %arg10[%swap3A_206, %swap3A_207] {strides = array<i32>} : memref<128x64xf32, #tpu.memory_space<vmem>>, vector<1x16xf32>,
      %swap3A_209 = vector.shape_cast %swap3A_208 : vector<1x16xf32> to vector<16xf32>
      %swap3A_210 = vector.shape_cast %broadcast_in_dim3A_205 : vector<16xf32> to vector<1x16xf32>
      tpu.vector_store %arg10[%swap3A_206, %swap3A_207], %swap3A_210 {strides = array<i32>} : memref<128x64xf32, #tpu.memory_space<vmem>>, vector<1x16xf32>,
      %broadcast_in_dim3A_211 = arith.constant 0.000000e+00 : f32
      %broadcast_in_dim3A_212 = vector.broadcast %broadcast_in_dim3A_211 : f32 to vector<16xf32>
      %swap3A_213 = arith.index_cast %add3A_191 : i32 to index
      %swap3A_214 = arith.constant 48 : index
      %swap3A_215 = tpu.vector_load %arg10[%swap3A_213, %swap3A_214] {strides = array<i32>} : memref<128x64xf32, #tpu.memory_space<vmem>>, vector<1x16xf32>,
      %swap3A_216 = vector.shape_cast %swap3A_215 : vector<1x16xf32> to vector<16xf32>
      %swap3A_217 = vector.shape_cast %broadcast_in_dim3A_212 : vector<16xf32> to vector<1x16xf32>
      tpu.vector_store %arg10[%swap3A_213, %swap3A_214], %swap3A_217 {strides = array<i32>} : memref<128x64xf32, #tpu.memory_space<vmem>>, vector<1x16xf32>,
    }
    %scan3A_4 = arith.constant 128 : i32
    "tpu.region"() ({
      %run_scoped3A_187 = tpu.sem_alloc : memref<!tpu.dma_semaphore, #tpu.memory_space<semaphore_mem>>
      %dma_start3A_188 = arith.constant 0 : i32
      %dma_start3A_189 = arith.constant 0 : i32
      %dma_start3A_190 = tpu.memref_slice %arg4[%add3A, %dma_start3A_188, %dma_start3A_189] : memref<32x80x128xi32, #tpu.memory_space<hbm>> -> memref<1x80x128xi32, #tpu.memory_space<hbm>>
      %dma_start3A_191 = tpu.memref_squeeze %dma_start3A_190 : memref<1x80x128xi32, #tpu.memory_space<hbm>> -> memref<80x128xi32, #tpu.memory_space<hbm>>
      %dma_start3A_192 = arith.constant 0 : i32
      %dma_start3A_193 = arith.constant 0 : i32
      %dma_start3A_194 = tpu.memref_slice %arg4[%add3A, %dma_start3A_192, %dma_start3A_193] : memref<32x80x128xi32, #tpu.memory_space<hbm>> -> memref<1x80x128xi32, #tpu.memory_space<hbm>>
      %dma_start3A_195 = tpu.memref_squeeze %dma_start3A_194 : memref<1x80x128xi32, #tpu.memory_space<hbm>> -> memref<80x128xi32, #tpu.memory_space<hbm>>
      tpu.enqueue_dma source(%dma_start3A_195 : memref<80x128xi32, #tpu.memory_space<hbm>>) target(%arg8 : memref<80x128xi32, #tpu.memory_space<vmem>>) target_semaphore(%run_scoped3A_187 : memref<!tpu.dma_semaphore, #tpu.memory_space<semaphore_mem>>)
      %dma_wait3A_196 = arith.constant 0 : i32
      %dma_wait3A_197 = arith.constant 0 : i32
      %dma_wait3A_198 = tpu.memref_slice %arg4[%add3A, %dma_wait3A_196, %dma_wait3A_197] : memref<32x80x128xi32, #tpu.memory_space<hbm>> -> memref<1x80x128xi32, #tpu.memory_space<hbm>>
      %dma_wait3A_199 = tpu.memref_squeeze %dma_wait3A_198 : memref<1x80x128xi32, #tpu.memory_space<hbm>> -> memref<80x128xi32, #tpu.memory_space<hbm>>
      %dma_wait3A_200 = arith.constant 0 : i32
      %dma_wait3A_201 = arith.constant 0 : i32
      %dma_wait3A_202 = tpu.memref_slice %arg4[%add3A, %dma_wait3A_200, %dma_wait3A_201] : memref<32x80x128xi32, #tpu.memory_space<hbm>> -> memref<1x80x128xi32, #tpu.memory_space<hbm>>
      %dma_wait3A_203 = tpu.memref_squeeze %dma_wait3A_202 : memref<1x80x128xi32, #tpu.memory_space<hbm>> -> memref<80x128xi32, #tpu.memory_space<hbm>>
      tpu.wait_dma2 semaphore(%run_scoped3A_187 : memref<!tpu.dma_semaphore, #tpu.memory_space<semaphore_mem>>) src(%dma_wait3A_203 : memref<80x128xi32, #tpu.memory_space<hbm>>) dst(%arg8 : memref<80x128xi32, #tpu.memory_space<vmem>>)
      tpu.yield
    }) : () -> ()
    "tpu.region"() ({
      %run_scoped3A_187 = tpu.sem_alloc : memref<!tpu.dma_semaphore, #tpu.memory_space<semaphore_mem>>
      %dma_start3A_188 = arith.constant 0 : i32
      %dma_start3A_189 = arith.constant 0 : i32
      %dma_start3A_190 = tpu.memref_slice %arg5[%add3A, %dma_start3A_188, %dma_start3A_189] : memref<32x80x128xi32, #tpu.memory_space<hbm>> -> memref<1x80x128xi32, #tpu.memory_space<hbm>>
      %dma_start3A_191 = tpu.memref_squeeze %dma_start3A_190 : memref<1x80x128xi32, #tpu.memory_space<hbm>> -> memref<80x128xi32, #tpu.memory_space<hbm>>
      %dma_start3A_192 = arith.constant 0 : i32
      %dma_start3A_193 = arith.constant 0 : i32
      %dma_start3A_194 = tpu.memref_slice %arg5[%add3A, %dma_start3A_192, %dma_start3A_193] : memref<32x80x128xi32, #tpu.memory_space<hbm>> -> memref<1x80x128xi32, #tpu.memory_space<hbm>>
      %dma_start3A_195 = tpu.memref_squeeze %dma_start3A_194 : memref<1x80x128xi32, #tpu.memory_space<hbm>> -> memref<80x128xi32, #tpu.memory_space<hbm>>
      tpu.enqueue_dma source(%dma_start3A_195 : memref<80x128xi32, #tpu.memory_space<hbm>>) target(%arg9 : memref<80x128xi32, #tpu.memory_space<vmem>>) target_semaphore(%run_scoped3A_187 : memref<!tpu.dma_semaphore, #tpu.memory_space<semaphore_mem>>)
      %dma_wait3A_196 = arith.constant 0 : i32
      %dma_wait3A_197 = arith.constant 0 : i32
      %dma_wait3A_198 = tpu.memref_slice %arg5[%add3A, %dma_wait3A_196, %dma_wait3A_197] : memref<32x80x128xi32, #tpu.memory_space<hbm>> -> memref<1x80x128xi32, #tpu.memory_space<hbm>>
      %dma_wait3A_199 = tpu.memref_squeeze %dma_wait3A_198 : memref<1x80x128xi32, #tpu.memory_space<hbm>> -> memref<80x128xi32, #tpu.memory_space<hbm>>
      %dma_wait3A_200 = arith.constant 0 : i32
      %dma_wait3A_201 = arith.constant 0 : i32
      %dma_wait3A_202 = tpu.memref_slice %arg5[%add3A, %dma_wait3A_200, %dma_wait3A_201] : memref<32x80x128xi32, #tpu.memory_space<hbm>> -> memref<1x80x128xi32, #tpu.memory_space<hbm>>
      %dma_wait3A_203 = tpu.memref_squeeze %dma_wait3A_202 : memref<1x80x128xi32, #tpu.memory_space<hbm>> -> memref<80x128xi32, #tpu.memory_space<hbm>>
      tpu.wait_dma2 semaphore(%run_scoped3A_187 : memref<!tpu.dma_semaphore, #tpu.memory_space<semaphore_mem>>) src(%dma_wait3A_203 : memref<80x128xi32, #tpu.memory_space<hbm>>) dst(%arg9 : memref<80x128xi32, #tpu.memory_space<vmem>>)
      tpu.yield
    }) : () -> ()
    %mul3A_5 = arith.constant 640 : i32
    %mul3A_6 = arith.muli %arg1, %mul3A_5 : i32
    %dma_start3A = arith.constant 0 : i32
    %dma_start3A_7 = arith.constant 0 : i32
    %dma_start3A_8 = tpu.memref_slice %arg8[%dma_start3A, %dma_start3A_7] : memref<80x128xi32, #tpu.memory_space<vmem>> -> memref<1x128xi32, #tpu.memory_space<vmem>>
    %dma_start3A_9 = tpu.memref_squeeze %dma_start3A_8 : memref<1x128xi32, #tpu.memory_space<vmem>> -> memref<128xi32, #tpu.memory_space<vmem>>
    %dma_start3A_10 = arith.constant 0 : i32
    %dma_start3A_11 = arith.constant 0 : i32
    %dma_start3A_12 = tpu.memref_slice %arg2[%dma_start3A_10, %dma_start3A_11] : memref<10000x64xf32, #tpu.memory_space<hbm>> -> memref<10000x64xf32, #tpu.memory_space<hbm>>
    tpu.enqueue_indirect_dma source(%dma_start3A_12 : memref<10000x64xf32, #tpu.memory_space<hbm>>) target(%arg11 : memref<128x64xf32, #tpu.memory_space<vmem>>) offsets(%dma_start3A_9 : memref<128xi32, #tpu.memory_space<vmem>>) semaphore(%arg16 : memref<!tpu.dma_semaphore, #tpu.memory_space<semaphore_mem>>)
    %dma_start3A_13 = arith.constant 1 : i32
    %dma_start3A_14 = arith.constant 0 : i32
    %dma_start3A_15 = tpu.memref_slice %arg8[%dma_start3A_13, %dma_start3A_14] : memref<80x128xi32, #tpu.memory_space<vmem>> -> memref<1x128xi32, #tpu.memory_space<vmem>>
    %dma_start3A_16 = tpu.memref_squeeze %dma_start3A_15 : memref<1x128xi32, #tpu.memory_space<vmem>> -> memref<128xi32, #tpu.memory_space<vmem>>
    %dma_start3A_17 = arith.constant 0 : i32
    %dma_start3A_18 = arith.constant 0 : i32
    %dma_start3A_19 = tpu.memref_slice %arg2[%dma_start3A_17, %dma_start3A_18] : memref<10000x64xf32, #tpu.memory_space<hbm>> -> memref<10000x64xf32, #tpu.memory_space<hbm>>
    tpu.enqueue_indirect_dma source(%dma_start3A_19 : memref<10000x64xf32, #tpu.memory_space<hbm>>) target(%arg12 : memref<128x64xf32, #tpu.memory_space<vmem>>) offsets(%dma_start3A_16 : memref<128xi32, #tpu.memory_space<vmem>>) semaphore(%arg17 : memref<!tpu.dma_semaphore, #tpu.memory_space<semaphore_mem>>)
    %dma_start3A_20 = arith.constant 2 : i32
    %dma_start3A_21 = arith.constant 0 : i32
    %dma_start3A_22 = tpu.memref_slice %arg8[%dma_start3A_20, %dma_start3A_21] : memref<80x128xi32, #tpu.memory_space<vmem>> -> memref<1x128xi32, #tpu.memory_space<vmem>>
    %dma_start3A_23 = tpu.memref_squeeze %dma_start3A_22 : memref<1x128xi32, #tpu.memory_space<vmem>> -> memref<128xi32, #tpu.memory_space<vmem>>
    %dma_start3A_24 = arith.constant 0 : i32
    %dma_start3A_25 = arith.constant 0 : i32
    %dma_start3A_26 = tpu.memref_slice %arg2[%dma_start3A_24, %dma_start3A_25] : memref<10000x64xf32, #tpu.memory_space<hbm>> -> memref<10000x64xf32, #tpu.memory_space<hbm>>
    tpu.enqueue_indirect_dma source(%dma_start3A_26 : memref<10000x64xf32, #tpu.memory_space<hbm>>) target(%arg13 : memref<128x64xf32, #tpu.memory_space<vmem>>) offsets(%dma_start3A_23 : memref<128xi32, #tpu.memory_space<vmem>>) semaphore(%arg18 : memref<!tpu.dma_semaphore, #tpu.memory_space<semaphore_mem>>)
    %dma_start3A_27 = arith.constant 3 : i32
    %dma_start3A_28 = arith.constant 0 : i32
    %dma_start3A_29 = tpu.memref_slice %arg8[%dma_start3A_27, %dma_start3A_28] : memref<80x128xi32, #tpu.memory_space<vmem>> -> memref<1x128xi32, #tpu.memory_space<vmem>>
    %dma_start3A_30 = tpu.memref_squeeze %dma_start3A_29 : memref<1x128xi32, #tpu.memory_space<vmem>> -> memref<128xi32, #tpu.memory_space<vmem>>
    %dma_start3A_31 = arith.constant 0 : i32
    %dma_start3A_32 = arith.constant 0 : i32
    %dma_start3A_33 = tpu.memref_slice %arg2[%dma_start3A_31, %dma_start3A_32] : memref<10000x64xf32, #tpu.memory_space<hbm>> -> memref<10000x64xf32, #tpu.memory_space<hbm>>
    tpu.enqueue_indirect_dma source(%dma_start3A_33 : memref<10000x64xf32, #tpu.memory_space<hbm>>) target(%arg14 : memref<128x64xf32, #tpu.memory_space<vmem>>) offsets(%dma_start3A_30 : memref<128xi32, #tpu.memory_space<vmem>>) semaphore(%arg19 : memref<!tpu.dma_semaphore, #tpu.memory_space<semaphore_mem>>)
    %mul3A_34 = arith.constant 640 : i32
    %mul3A_35 = arith.muli %arg1, %mul3A_34 : i32
    %add3A_36 = arith.constant 0 : i32
    %add3A_37 = arith.addi %mul3A_35, %add3A_36 : i32
    "tpu.region"() ({
      %run_scoped3A_187 = tpu.sem_alloc : memref<!tpu.dma_semaphore, #tpu.memory_space<semaphore_mem>>
      %dma_start3A_188 = arith.constant 0 : i32
      %dma_start3A_189 = tpu.memref_slice %arg15[%add3A_37, %dma_start3A_188] : memref<10240x64xf32, #tpu.memory_space<vmem_shared>> -> memref<128x64xf32, #tpu.memory_space<vmem_shared>>
      %dma_start3A_190 = arith.constant 0 : i32
      %dma_start3A_191 = tpu.memref_slice %arg15[%add3A_37, %dma_start3A_190] : memref<10240x64xf32, #tpu.memory_space<vmem_shared>> -> memref<128x64xf32, #tpu.memory_space<vmem_shared>>
      tpu.enqueue_dma source(%arg10 : memref<128x64xf32, #tpu.memory_space<vmem>>) target(%dma_start3A_191 : memref<128x64xf32, #tpu.memory_space<vmem_shared>>) target_semaphore(%run_scoped3A_187 : memref<!tpu.dma_semaphore, #tpu.memory_space<semaphore_mem>>)
      %dma_wait3A_192 = arith.constant 0 : i32
      %dma_wait3A_193 = tpu.memref_slice %arg15[%add3A_37, %dma_wait3A_192] : memref<10240x64xf32, #tpu.memory_space<vmem_shared>> -> memref<128x64xf32, #tpu.memory_space<vmem_shared>>
      %dma_wait3A_194 = arith.constant 0 : i32
      %dma_wait3A_195 = tpu.memref_slice %arg15[%add3A_37, %dma_wait3A_194] : memref<10240x64xf32, #tpu.memory_space<vmem_shared>> -> memref<128x64xf32, #tpu.memory_space<vmem_shared>>
      tpu.wait_dma2 semaphore(%run_scoped3A_187 : memref<!tpu.dma_semaphore, #tpu.memory_space<semaphore_mem>>) src(%arg10 : memref<128x64xf32, #tpu.memory_space<vmem>>) dst(%dma_wait3A_195 : memref<128x64xf32, #tpu.memory_space<vmem_shared>>)
      tpu.yield
    }) : () -> ()
    %mul3A_38 = arith.constant 640 : i32
    %mul3A_39 = arith.muli %arg1, %mul3A_38 : i32
    %add3A_40 = arith.constant 128 : i32
    %add3A_41 = arith.addi %mul3A_39, %add3A_40 : i32
    "tpu.region"() ({
      %run_scoped3A_187 = tpu.sem_alloc : memref<!tpu.dma_semaphore, #tpu.memory_space<semaphore_mem>>
      %dma_start3A_188 = arith.constant 0 : i32
      %dma_start3A_189 = tpu.memref_slice %arg15[%add3A_41, %dma_start3A_188] : memref<10240x64xf32, #tpu.memory_space<vmem_shared>> -> memref<128x64xf32, #tpu.memory_space<vmem_shared>>
      %dma_start3A_190 = arith.constant 0 : i32
      %dma_start3A_191 = tpu.memref_slice %arg15[%add3A_41, %dma_start3A_190] : memref<10240x64xf32, #tpu.memory_space<vmem_shared>> -> memref<128x64xf32, #tpu.memory_space<vmem_shared>>
      tpu.enqueue_dma source(%arg10 : memref<128x64xf32, #tpu.memory_space<vmem>>) target(%dma_start3A_191 : memref<128x64xf32, #tpu.memory_space<vmem_shared>>) target_semaphore(%run_scoped3A_187 : memref<!tpu.dma_semaphore, #tpu.memory_space<semaphore_mem>>)
      %dma_wait3A_192 = arith.constant 0 : i32
      %dma_wait3A_193 = tpu.memref_slice %arg15[%add3A_41, %dma_wait3A_192] : memref<10240x64xf32, #tpu.memory_space<vmem_shared>> -> memref<128x64xf32, #tpu.memory_space<vmem_shared>>
      %dma_wait3A_194 = arith.constant 0 : i32
      %dma_wait3A_195 = tpu.memref_slice %arg15[%add3A_41, %dma_wait3A_194] : memref<10240x64xf32, #tpu.memory_space<vmem_shared>> -> memref<128x64xf32, #tpu.memory_space<vmem_shared>>
      tpu.wait_dma2 semaphore(%run_scoped3A_187 : memref<!tpu.dma_semaphore, #tpu.memory_space<semaphore_mem>>) src(%arg10 : memref<128x64xf32, #tpu.memory_space<vmem>>) dst(%dma_wait3A_195 : memref<128x64xf32, #tpu.memory_space<vmem_shared>>)
      tpu.yield
    }) : () -> ()
    %mul3A_42 = arith.constant 640 : i32
    %mul3A_43 = arith.muli %arg1, %mul3A_42 : i32
    %add3A_44 = arith.constant 256 : i32
    %add3A_45 = arith.addi %mul3A_43, %add3A_44 : i32
    "tpu.region"() ({
      %run_scoped3A_187 = tpu.sem_alloc : memref<!tpu.dma_semaphore, #tpu.memory_space<semaphore_mem>>
      %dma_start3A_188 = arith.constant 0 : i32
      %dma_start3A_189 = tpu.memref_slice %arg15[%add3A_45, %dma_start3A_188] : memref<10240x64xf32, #tpu.memory_space<vmem_shared>> -> memref<128x64xf32, #tpu.memory_space<vmem_shared>>
      %dma_start3A_190 = arith.constant 0 : i32
      %dma_start3A_191 = tpu.memref_slice %arg15[%add3A_45, %dma_start3A_190] : memref<10240x64xf32, #tpu.memory_space<vmem_shared>> -> memref<128x64xf32, #tpu.memory_space<vmem_shared>>
      tpu.enqueue_dma source(%arg10 : memref<128x64xf32, #tpu.memory_space<vmem>>) target(%dma_start3A_191 : memref<128x64xf32, #tpu.memory_space<vmem_shared>>) target_semaphore(%run_scoped3A_187 : memref<!tpu.dma_semaphore, #tpu.memory_space<semaphore_mem>>)
      %dma_wait3A_192 = arith.constant 0 : i32
      %dma_wait3A_193 = tpu.memref_slice %arg15[%add3A_45, %dma_wait3A_192] : memref<10240x64xf32, #tpu.memory_space<vmem_shared>> -> memref<128x64xf32, #tpu.memory_space<vmem_shared>>
      %dma_wait3A_194 = arith.constant 0 : i32
      %dma_wait3A_195 = tpu.memref_slice %arg15[%add3A_45, %dma_wait3A_194] : memref<10240x64xf32, #tpu.memory_space<vmem_shared>> -> memref<128x64xf32, #tpu.memory_space<vmem_shared>>
      tpu.wait_dma2 semaphore(%run_scoped3A_187 : memref<!tpu.dma_semaphore, #tpu.memory_space<semaphore_mem>>) src(%arg10 : memref<128x64xf32, #tpu.memory_space<vmem>>) dst(%dma_wait3A_195 : memref<128x64xf32, #tpu.memory_space<vmem_shared>>)
      tpu.yield
    }) : () -> ()
    %mul3A_46 = arith.constant 640 : i32
    %mul3A_47 = arith.muli %arg1, %mul3A_46 : i32
    %add3A_48 = arith.constant 384 : i32
    %add3A_49 = arith.addi %mul3A_47, %add3A_48 : i32
    "tpu.region"() ({
      %run_scoped3A_187 = tpu.sem_alloc : memref<!tpu.dma_semaphore, #tpu.memory_space<semaphore_mem>>
      %dma_start3A_188 = arith.constant 0 : i32
      %dma_start3A_189 = tpu.memref_slice %arg15[%add3A_49, %dma_start3A_188] : memref<10240x64xf32, #tpu.memory_space<vmem_shared>> -> memref<128x64xf32, #tpu.memory_space<vmem_shared>>
      %dma_start3A_190 = arith.constant 0 : i32
      %dma_start3A_191 = tpu.memref_slice %arg15[%add3A_49, %dma_start3A_190] : memref<10240x64xf32, #tpu.memory_space<vmem_shared>> -> memref<128x64xf32, #tpu.memory_space<vmem_shared>>
      tpu.enqueue_dma source(%arg10 : memref<128x64xf32, #tpu.memory_space<vmem>>) target(%dma_start3A_191 : memref<128x64xf32, #tpu.memory_space<vmem_shared>>) target_semaphore(%run_scoped3A_187 : memref<!tpu.dma_semaphore, #tpu.memory_space<semaphore_mem>>)
      %dma_wait3A_192 = arith.constant 0 : i32
      %dma_wait3A_193 = tpu.memref_slice %arg15[%add3A_49, %dma_wait3A_192] : memref<10240x64xf32, #tpu.memory_space<vmem_shared>> -> memref<128x64xf32, #tpu.memory_space<vmem_shared>>
      %dma_wait3A_194 = arith.constant 0 : i32
      %dma_wait3A_195 = tpu.memref_slice %arg15[%add3A_49, %dma_wait3A_194] : memref<10240x64xf32, #tpu.memory_space<vmem_shared>> -> memref<128x64xf32, #tpu.memory_space<vmem_shared>>
      tpu.wait_dma2 semaphore(%run_scoped3A_187 : memref<!tpu.dma_semaphore, #tpu.memory_space<semaphore_mem>>) src(%arg10 : memref<128x64xf32, #tpu.memory_space<vmem>>) dst(%dma_wait3A_195 : memref<128x64xf32, #tpu.memory_space<vmem_shared>>)
      tpu.yield
    }) : () -> ()
    %mul3A_50 = arith.constant 640 : i32
    %mul3A_51 = arith.muli %arg1, %mul3A_50 : i32
    %add3A_52 = arith.constant 512 : i32
    %add3A_53 = arith.addi %mul3A_51, %add3A_52 : i32
    "tpu.region"() ({
      %run_scoped3A_187 = tpu.sem_alloc : memref<!tpu.dma_semaphore, #tpu.memory_space<semaphore_mem>>
      %dma_start3A_188 = arith.constant 0 : i32
      %dma_start3A_189 = tpu.memref_slice %arg15[%add3A_53, %dma_start3A_188] : memref<10240x64xf32, #tpu.memory_space<vmem_shared>> -> memref<128x64xf32, #tpu.memory_space<vmem_shared>>
      %dma_start3A_190 = arith.constant 0 : i32
      %dma_start3A_191 = tpu.memref_slice %arg15[%add3A_53, %dma_start3A_190] : memref<10240x64xf32, #tpu.memory_space<vmem_shared>> -> memref<128x64xf32, #tpu.memory_space<vmem_shared>>
      tpu.enqueue_dma source(%arg10 : memref<128x64xf32, #tpu.memory_space<vmem>>) target(%dma_start3A_191 : memref<128x64xf32, #tpu.memory_space<vmem_shared>>) target_semaphore(%run_scoped3A_187 : memref<!tpu.dma_semaphore, #tpu.memory_space<semaphore_mem>>)
      %dma_wait3A_192 = arith.constant 0 : i32
      %dma_wait3A_193 = tpu.memref_slice %arg15[%add3A_53, %dma_wait3A_192] : memref<10240x64xf32, #tpu.memory_space<vmem_shared>> -> memref<128x64xf32, #tpu.memory_space<vmem_shared>>
      %dma_wait3A_194 = arith.constant 0 : i32
      %dma_wait3A_195 = tpu.memref_slice %arg15[%add3A_53, %dma_wait3A_194] : memref<10240x64xf32, #tpu.memory_space<vmem_shared>> -> memref<128x64xf32, #tpu.memory_space<vmem_shared>>
      tpu.wait_dma2 semaphore(%run_scoped3A_187 : memref<!tpu.dma_semaphore, #tpu.memory_space<semaphore_mem>>) src(%arg10 : memref<128x64xf32, #tpu.memory_space<vmem>>) dst(%dma_wait3A_195 : memref<128x64xf32, #tpu.memory_space<vmem_shared>>)
      tpu.yield
    }) : () -> ()
    %barrier3A = arith.constant 0 : index
    tpu.barrier barrier_id(%barrier3A)
    %scan3A_54 = arith.constant 0 : i32
    %scan3A_55 = arith.constant 19 : i32
    %scan3A_56 = arith.addi %scan3A_54, %scan3A_55 : i32
    %scan3A_57 = arith.constant 1 : i32
    scf.for %scan3A_187 = %scan3A_54 to %scan3A_56 step %scan3A_57  : i32 {
      %mul3A_188 = arith.constant 4 : i32
      %mul3A_189 = arith.muli %scan3A_187, %mul3A_188 : i32
      %add3A_190 = arith.constant 0 : i32
      %add3A_191 = arith.addi %add3A_190, %mul3A_189 : i32
      %add3A_192 = arith.constant 0 : i32
      %add3A_193 = arith.addi %add3A_191, %add3A_192 : i32
      %dma_wait3A_194 = arith.constant 0 : i32
      %dma_wait3A_195 = tpu.memref_slice %arg8[%add3A_193, %dma_wait3A_194] : memref<80x128xi32, #tpu.memory_space<vmem>> -> memref<1x128xi32, #tpu.memory_space<vmem>>
      %dma_wait3A_196 = tpu.memref_squeeze %dma_wait3A_195 : memref<1x128xi32, #tpu.memory_space<vmem>> -> memref<128xi32, #tpu.memory_space<vmem>>
      %dma_wait3A_197 = arith.constant 0 : i32
      %dma_wait3A_198 = arith.constant 0 : i32
      %dma_wait3A_199 = tpu.memref_slice %arg2[%dma_wait3A_197, %dma_wait3A_198] : memref<10000x64xf32, #tpu.memory_space<hbm>> -> memref<10000x64xf32, #tpu.memory_space<hbm>>
      tpu.wait_indirect_dma semaphore(%arg16 : memref<!tpu.dma_semaphore, #tpu.memory_space<semaphore_mem>>) src(%dma_wait3A_199 : memref<10000x64xf32, #tpu.memory_space<hbm>>) dst(%arg11 : memref<128x64xf32, #tpu.memory_space<vmem>>)
      "tpu.region"() ({
        %run_scoped3A_256 = tpu.sem_alloc : memref<!tpu.dma_semaphore, #tpu.memory_space<semaphore_mem>>
        %dma_start3A_257 = arith.constant 0 : i32
        %dma_start3A_258 = tpu.memref_slice %arg9[%add3A_193, %dma_start3A_257] : memref<80x128xi32, #tpu.memory_space<vmem>> -> memref<1x128xi32, #tpu.memory_space<vmem>>
        %dma_start3A_259 = tpu.memref_squeeze %dma_start3A_258 : memref<1x128xi32, #tpu.memory_space<vmem>> -> memref<128xi32, #tpu.memory_space<vmem>>
        %dma_start3A_260 = arith.constant 0 : i32
        %dma_start3A_261 = arith.constant 0 : i32
        %dma_start3A_262 = tpu.memref_slice %arg15[%dma_start3A_260, %dma_start3A_261] : memref<10240x64xf32, #tpu.memory_space<vmem_shared>> -> memref<10240x64xf32, #tpu.memory_space<vmem_shared>>
        tpu.enqueue_indirect_dma source(%arg11 : memref<128x64xf32, #tpu.memory_space<vmem>>) target(%dma_start3A_262 : memref<10240x64xf32, #tpu.memory_space<vmem_shared>>) offsets(%dma_start3A_259 : memref<128xi32, #tpu.memory_space<vmem>>) semaphore(%run_scoped3A_256 : memref<!tpu.dma_semaphore, #tpu.memory_space<semaphore_mem>>) {add = true}
        %dma_wait3A_263 = arith.constant 0 : i32
        %dma_wait3A_264 = tpu.memref_slice %arg9[%add3A_193, %dma_wait3A_263] : memref<80x128xi32, #tpu.memory_space<vmem>> -> memref<1x128xi32, #tpu.memory_space<vmem>>
        %dma_wait3A_265 = tpu.memref_squeeze %dma_wait3A_264 : memref<1x128xi32, #tpu.memory_space<vmem>> -> memref<128xi32, #tpu.memory_space<vmem>>
        %dma_wait3A_266 = arith.constant 0 : i32
        %dma_wait3A_267 = arith.constant 0 : i32
        %dma_wait3A_268 = tpu.memref_slice %arg15[%dma_wait3A_266, %dma_wait3A_267] : memref<10240x64xf32, #tpu.memory_space<vmem_shared>> -> memref<10240x64xf32, #tpu.memory_space<vmem_shared>>
        tpu.wait_indirect_dma semaphore(%run_scoped3A_256 : memref<!tpu.dma_semaphore, #tpu.memory_space<semaphore_mem>>) src(%arg11 : memref<128x64xf32, #tpu.memory_space<vmem>>) dst(%dma_wait3A_268 : memref<10240x64xf32, #tpu.memory_space<vmem_shared>>)
        tpu.yield
      }) : () -> ()
      %add3A_200 = arith.constant 4 : i32
      %add3A_201 = arith.addi %add3A_193, %add3A_200 : i32
      %dma_start3A_202 = arith.constant 0 : i32
      %dma_start3A_203 = tpu.memref_slice %arg8[%add3A_201, %dma_start3A_202] : memref<80x128xi32, #tpu.memory_space<vmem>> -> memref<1x128xi32, #tpu.memory_space<vmem>>
      %dma_start3A_204 = tpu.memref_squeeze %dma_start3A_203 : memref<1x128xi32, #tpu.memory_space<vmem>> -> memref<128xi32, #tpu.memory_space<vmem>>
      %dma_start3A_205 = arith.constant 0 : i32
      %dma_start3A_206 = arith.constant 0 : i32
      %dma_start3A_207 = tpu.memref_slice %arg2[%dma_start3A_205, %dma_start3A_206] : memref<10000x64xf32, #tpu.memory_space<hbm>> -> memref<10000x64xf32, #tpu.memory_space<hbm>>
      tpu.enqueue_indirect_dma source(%dma_start3A_207 : memref<10000x64xf32, #tpu.memory_space<hbm>>) target(%arg11 : memref<128x64xf32, #tpu.memory_space<vmem>>) offsets(%dma_start3A_204 : memref<128xi32, #tpu.memory_space<vmem>>) semaphore(%arg16 : memref<!tpu.dma_semaphore, #tpu.memory_space<semaphore_mem>>)
      %add3A_208 = arith.constant 1 : i32
      %add3A_209 = arith.addi %add3A_191, %add3A_208 : i32
      %dma_wait3A_210 = arith.constant 0 : i32
      %dma_wait3A_211 = tpu.memref_slice %arg8[%add3A_209, %dma_wait3A_210] : memref<80x128xi32, #tpu.memory_space<vmem>> -> memref<1x128xi32, #tpu.memory_space<vmem>>
      %dma_wait3A_212 = tpu.memref_squeeze %dma_wait3A_211 : memref<1x128xi32, #tpu.memory_space<vmem>> -> memref<128xi32, #tpu.memory_space<vmem>>
      %dma_wait3A_213 = arith.constant 0 : i32
      %dma_wait3A_214 = arith.constant 0 : i32
      %dma_wait3A_215 = tpu.memref_slice %arg2[%dma_wait3A_213, %dma_wait3A_214] : memref<10000x64xf32, #tpu.memory_space<hbm>> -> memref<10000x64xf32, #tpu.memory_space<hbm>>
      tpu.wait_indirect_dma semaphore(%arg17 : memref<!tpu.dma_semaphore, #tpu.memory_space<semaphore_mem>>) src(%dma_wait3A_215 : memref<10000x64xf32, #tpu.memory_space<hbm>>) dst(%arg12 : memref<128x64xf32, #tpu.memory_space<vmem>>)
      "tpu.region"() ({
        %run_scoped3A_256 = tpu.sem_alloc : memref<!tpu.dma_semaphore, #tpu.memory_space<semaphore_mem>>
        %dma_start3A_257 = arith.constant 0 : i32
        %dma_start3A_258 = tpu.memref_slice %arg9[%add3A_209, %dma_start3A_257] : memref<80x128xi32, #tpu.memory_space<vmem>> -> memref<1x128xi32, #tpu.memory_space<vmem>>
        %dma_start3A_259 = tpu.memref_squeeze %dma_start3A_258 : memref<1x128xi32, #tpu.memory_space<vmem>> -> memref<128xi32, #tpu.memory_space<vmem>>
        %dma_start3A_260 = arith.constant 0 : i32
        %dma_start3A_261 = arith.constant 0 : i32
        %dma_start3A_262 = tpu.memref_slice %arg15[%dma_start3A_260, %dma_start3A_261] : memref<10240x64xf32, #tpu.memory_space<vmem_shared>> -> memref<10240x64xf32, #tpu.memory_space<vmem_shared>>
        tpu.enqueue_indirect_dma source(%arg12 : memref<128x64xf32, #tpu.memory_space<vmem>>) target(%dma_start3A_262 : memref<10240x64xf32, #tpu.memory_space<vmem_shared>>) offsets(%dma_start3A_259 : memref<128xi32, #tpu.memory_space<vmem>>) semaphore(%run_scoped3A_256 : memref<!tpu.dma_semaphore, #tpu.memory_space<semaphore_mem>>) {add = true}
        %dma_wait3A_263 = arith.constant 0 : i32
        %dma_wait3A_264 = tpu.memref_slice %arg9[%add3A_209, %dma_wait3A_263] : memref<80x128xi32, #tpu.memory_space<vmem>> -> memref<1x128xi32, #tpu.memory_space<vmem>>
        %dma_wait3A_265 = tpu.memref_squeeze %dma_wait3A_264 : memref<1x128xi32, #tpu.memory_space<vmem>> -> memref<128xi32, #tpu.memory_space<vmem>>
        %dma_wait3A_266 = arith.constant 0 : i32
        %dma_wait3A_267 = arith.constant 0 : i32
        %dma_wait3A_268 = tpu.memref_slice %arg15[%dma_wait3A_266, %dma_wait3A_267] : memref<10240x64xf32, #tpu.memory_space<vmem_shared>> -> memref<10240x64xf32, #tpu.memory_space<vmem_shared>>
        tpu.wait_indirect_dma semaphore(%run_scoped3A_256 : memref<!tpu.dma_semaphore, #tpu.memory_space<semaphore_mem>>) src(%arg12 : memref<128x64xf32, #tpu.memory_space<vmem>>) dst(%dma_wait3A_268 : memref<10240x64xf32, #tpu.memory_space<vmem_shared>>)
        tpu.yield
      }) : () -> ()
      %add3A_216 = arith.constant 4 : i32
      %add3A_217 = arith.addi %add3A_209, %add3A_216 : i32
      %dma_start3A_218 = arith.constant 0 : i32
      %dma_start3A_219 = tpu.memref_slice %arg8[%add3A_217, %dma_start3A_218] : memref<80x128xi32, #tpu.memory_space<vmem>> -> memref<1x128xi32, #tpu.memory_space<vmem>>
      %dma_start3A_220 = tpu.memref_squeeze %dma_start3A_219 : memref<1x128xi32, #tpu.memory_space<vmem>> -> memref<128xi32, #tpu.memory_space<vmem>>
      %dma_start3A_221 = arith.constant 0 : i32
      %dma_start3A_222 = arith.constant 0 : i32
      %dma_start3A_223 = tpu.memref_slice %arg2[%dma_start3A_221, %dma_start3A_222] : memref<10000x64xf32, #tpu.memory_space<hbm>> -> memref<10000x64xf32, #tpu.memory_space<hbm>>
      tpu.enqueue_indirect_dma source(%dma_start3A_223 : memref<10000x64xf32, #tpu.memory_space<hbm>>) target(%arg12 : memref<128x64xf32, #tpu.memory_space<vmem>>) offsets(%dma_start3A_220 : memref<128xi32, #tpu.memory_space<vmem>>) semaphore(%arg17 : memref<!tpu.dma_semaphore, #tpu.memory_space<semaphore_mem>>)
      %add3A_224 = arith.constant 2 : i32
      %add3A_225 = arith.addi %add3A_191, %add3A_224 : i32
      %dma_wait3A_226 = arith.constant 0 : i32
      %dma_wait3A_227 = tpu.memref_slice %arg8[%add3A_225, %dma_wait3A_226] : memref<80x128xi32, #tpu.memory_space<vmem>> -> memref<1x128xi32, #tpu.memory_space<vmem>>
      %dma_wait3A_228 = tpu.memref_squeeze %dma_wait3A_227 : memref<1x128xi32, #tpu.memory_space<vmem>> -> memref<128xi32, #tpu.memory_space<vmem>>
      %dma_wait3A_229 = arith.constant 0 : i32
      %dma_wait3A_230 = arith.constant 0 : i32
      %dma_wait3A_231 = tpu.memref_slice %arg2[%dma_wait3A_229, %dma_wait3A_230] : memref<10000x64xf32, #tpu.memory_space<hbm>> -> memref<10000x64xf32, #tpu.memory_space<hbm>>
      tpu.wait_indirect_dma semaphore(%arg18 : memref<!tpu.dma_semaphore, #tpu.memory_space<semaphore_mem>>) src(%dma_wait3A_231 : memref<10000x64xf32, #tpu.memory_space<hbm>>) dst(%arg13 : memref<128x64xf32, #tpu.memory_space<vmem>>)
      "tpu.region"() ({
        %run_scoped3A_256 = tpu.sem_alloc : memref<!tpu.dma_semaphore, #tpu.memory_space<semaphore_mem>>
        %dma_start3A_257 = arith.constant 0 : i32
        %dma_start3A_258 = tpu.memref_slice %arg9[%add3A_225, %dma_start3A_257] : memref<80x128xi32, #tpu.memory_space<vmem>> -> memref<1x128xi32, #tpu.memory_space<vmem>>
        %dma_start3A_259 = tpu.memref_squeeze %dma_start3A_258 : memref<1x128xi32, #tpu.memory_space<vmem>> -> memref<128xi32, #tpu.memory_space<vmem>>
        %dma_start3A_260 = arith.constant 0 : i32
        %dma_start3A_261 = arith.constant 0 : i32
        %dma_start3A_262 = tpu.memref_slice %arg15[%dma_start3A_260, %dma_start3A_261] : memref<10240x64xf32, #tpu.memory_space<vmem_shared>> -> memref<10240x64xf32, #tpu.memory_space<vmem_shared>>
        tpu.enqueue_indirect_dma source(%arg13 : memref<128x64xf32, #tpu.memory_space<vmem>>) target(%dma_start3A_262 : memref<10240x64xf32, #tpu.memory_space<vmem_shared>>) offsets(%dma_start3A_259 : memref<128xi32, #tpu.memory_space<vmem>>) semaphore(%run_scoped3A_256 : memref<!tpu.dma_semaphore, #tpu.memory_space<semaphore_mem>>) {add = true}
        %dma_wait3A_263 = arith.constant 0 : i32
        %dma_wait3A_264 = tpu.memref_slice %arg9[%add3A_225, %dma_wait3A_263] : memref<80x128xi32, #tpu.memory_space<vmem>> -> memref<1x128xi32, #tpu.memory_space<vmem>>
        %dma_wait3A_265 = tpu.memref_squeeze %dma_wait3A_264 : memref<1x128xi32, #tpu.memory_space<vmem>> -> memref<128xi32, #tpu.memory_space<vmem>>
        %dma_wait3A_266 = arith.constant 0 : i32
        %dma_wait3A_267 = arith.constant 0 : i32
        %dma_wait3A_268 = tpu.memref_slice %arg15[%dma_wait3A_266, %dma_wait3A_267] : memref<10240x64xf32, #tpu.memory_space<vmem_shared>> -> memref<10240x64xf32, #tpu.memory_space<vmem_shared>>
        tpu.wait_indirect_dma semaphore(%run_scoped3A_256 : memref<!tpu.dma_semaphore, #tpu.memory_space<semaphore_mem>>) src(%arg13 : memref<128x64xf32, #tpu.memory_space<vmem>>) dst(%dma_wait3A_268 : memref<10240x64xf32, #tpu.memory_space<vmem_shared>>)
        tpu.yield
      }) : () -> ()
      %add3A_232 = arith.constant 4 : i32
      %add3A_233 = arith.addi %add3A_225, %add3A_232 : i32
      %dma_start3A_234 = arith.constant 0 : i32
      %dma_start3A_235 = tpu.memref_slice %arg8[%add3A_233, %dma_start3A_234] : memref<80x128xi32, #tpu.memory_space<vmem>> -> memref<1x128xi32, #tpu.memory_space<vmem>>
      %dma_start3A_236 = tpu.memref_squeeze %dma_start3A_235 : memref<1x128xi32, #tpu.memory_space<vmem>> -> memref<128xi32, #tpu.memory_space<vmem>>
      %dma_start3A_237 = arith.constant 0 : i32
      %dma_start3A_238 = arith.constant 0 : i32
      %dma_start3A_239 = tpu.memref_slice %arg2[%dma_start3A_237, %dma_start3A_238] : memref<10000x64xf32, #tpu.memory_space<hbm>> -> memref<10000x64xf32, #tpu.memory_space<hbm>>
      tpu.enqueue_indirect_dma source(%dma_start3A_239 : memref<10000x64xf32, #tpu.memory_space<hbm>>) target(%arg13 : memref<128x64xf32, #tpu.memory_space<vmem>>) offsets(%dma_start3A_236 : memref<128xi32, #tpu.memory_space<vmem>>) semaphore(%arg18 : memref<!tpu.dma_semaphore, #tpu.memory_space<semaphore_mem>>)
      %add3A_240 = arith.constant 3 : i32
      %add3A_241 = arith.addi %add3A_191, %add3A_240 : i32
      %dma_wait3A_242 = arith.constant 0 : i32
      %dma_wait3A_243 = tpu.memref_slice %arg8[%add3A_241, %dma_wait3A_242] : memref<80x128xi32, #tpu.memory_space<vmem>> -> memref<1x128xi32, #tpu.memory_space<vmem>>
      %dma_wait3A_244 = tpu.memref_squeeze %dma_wait3A_243 : memref<1x128xi32, #tpu.memory_space<vmem>> -> memref<128xi32, #tpu.memory_space<vmem>>
      %dma_wait3A_245 = arith.constant 0 : i32
      %dma_wait3A_246 = arith.constant 0 : i32
      %dma_wait3A_247 = tpu.memref_slice %arg2[%dma_wait3A_245, %dma_wait3A_246] : memref<10000x64xf32, #tpu.memory_space<hbm>> -> memref<10000x64xf32, #tpu.memory_space<hbm>>
      tpu.wait_indirect_dma semaphore(%arg19 : memref<!tpu.dma_semaphore, #tpu.memory_space<semaphore_mem>>) src(%dma_wait3A_247 : memref<10000x64xf32, #tpu.memory_space<hbm>>) dst(%arg14 : memref<128x64xf32, #tpu.memory_space<vmem>>)
      "tpu.region"() ({
        %run_scoped3A_256 = tpu.sem_alloc : memref<!tpu.dma_semaphore, #tpu.memory_space<semaphore_mem>>
        %dma_start3A_257 = arith.constant 0 : i32
        %dma_start3A_258 = tpu.memref_slice %arg9[%add3A_241, %dma_start3A_257] : memref<80x128xi32, #tpu.memory_space<vmem>> -> memref<1x128xi32, #tpu.memory_space<vmem>>
        %dma_start3A_259 = tpu.memref_squeeze %dma_start3A_258 : memref<1x128xi32, #tpu.memory_space<vmem>> -> memref<128xi32, #tpu.memory_space<vmem>>
        %dma_start3A_260 = arith.constant 0 : i32
        %dma_start3A_261 = arith.constant 0 : i32
        %dma_start3A_262 = tpu.memref_slice %arg15[%dma_start3A_260, %dma_start3A_261] : memref<10240x64xf32, #tpu.memory_space<vmem_shared>> -> memref<10240x64xf32, #tpu.memory_space<vmem_shared>>
        tpu.enqueue_indirect_dma source(%arg14 : memref<128x64xf32, #tpu.memory_space<vmem>>) target(%dma_start3A_262 : memref<10240x64xf32, #tpu.memory_space<vmem_shared>>) offsets(%dma_start3A_259 : memref<128xi32, #tpu.memory_space<vmem>>) semaphore(%run_scoped3A_256 : memref<!tpu.dma_semaphore, #tpu.memory_space<semaphore_mem>>) {add = true}
        %dma_wait3A_263 = arith.constant 0 : i32
        %dma_wait3A_264 = tpu.memref_slice %arg9[%add3A_241, %dma_wait3A_263] : memref<80x128xi32, #tpu.memory_space<vmem>> -> memref<1x128xi32, #tpu.memory_space<vmem>>
        %dma_wait3A_265 = tpu.memref_squeeze %dma_wait3A_264 : memref<1x128xi32, #tpu.memory_space<vmem>> -> memref<128xi32, #tpu.memory_space<vmem>>
        %dma_wait3A_266 = arith.constant 0 : i32
        %dma_wait3A_267 = arith.constant 0 : i32
        %dma_wait3A_268 = tpu.memref_slice %arg15[%dma_wait3A_266, %dma_wait3A_267] : memref<10240x64xf32, #tpu.memory_space<vmem_shared>> -> memref<10240x64xf32, #tpu.memory_space<vmem_shared>>
        tpu.wait_indirect_dma semaphore(%run_scoped3A_256 : memref<!tpu.dma_semaphore, #tpu.memory_space<semaphore_mem>>) src(%arg14 : memref<128x64xf32, #tpu.memory_space<vmem>>) dst(%dma_wait3A_268 : memref<10240x64xf32, #tpu.memory_space<vmem_shared>>)
        tpu.yield
      }) : () -> ()
      %add3A_248 = arith.constant 4 : i32
      %add3A_249 = arith.addi %add3A_241, %add3A_248 : i32
      %dma_start3A_250 = arith.constant 0 : i32
      %dma_start3A_251 = tpu.memref_slice %arg8[%add3A_249, %dma_start3A_250] : memref<80x128xi32, #tpu.memory_space<vmem>> -> memref<1x128xi32, #tpu.memory_space<vmem>>
      %dma_start3A_252 = tpu.memref_squeeze %dma_start3A_251 : memref<1x128xi32, #tpu.memory_space<vmem>> -> memref<128xi32, #tpu.memory_space<vmem>>
      %dma_start3A_253 = arith.constant 0 : i32
      %dma_start3A_254 = arith.constant 0 : i32
      %dma_start3A_255 = tpu.memref_slice %arg2[%dma_start3A_253, %dma_start3A_254] : memref<10000x64xf32, #tpu.memory_space<hbm>> -> memref<10000x64xf32, #tpu.memory_space<hbm>>
      tpu.enqueue_indirect_dma source(%dma_start3A_255 : memref<10000x64xf32, #tpu.memory_space<hbm>>) target(%arg14 : memref<128x64xf32, #tpu.memory_space<vmem>>) offsets(%dma_start3A_252 : memref<128xi32, #tpu.memory_space<vmem>>) semaphore(%arg19 : memref<!tpu.dma_semaphore, #tpu.memory_space<semaphore_mem>>)
    }
    %scan3A_58 = arith.constant 19 : i32
    %dma_wait3A = arith.constant 76 : i32
    %dma_wait3A_59 = arith.constant 0 : i32
    %dma_wait3A_60 = tpu.memref_slice %arg8[%dma_wait3A, %dma_wait3A_59] : memref<80x128xi32, #tpu.memory_space<vmem>> -> memref<1x128xi32, #tpu.memory_space<vmem>>
    %dma_wait3A_61 = tpu.memref_squeeze %dma_wait3A_60 : memref<1x128xi32, #tpu.memory_space<vmem>> -> memref<128xi32, #tpu.memory_space<vmem>>
    %dma_wait3A_62 = arith.constant 0 : i32
    %dma_wait3A_63 = arith.constant 0 : i32
    %dma_wait3A_64 = tpu.memref_slice %arg2[%dma_wait3A_62, %dma_wait3A_63] : memref<10000x64xf32, #tpu.memory_space<hbm>> -> memref<10000x64xf32, #tpu.memory_space<hbm>>
    tpu.wait_indirect_dma semaphore(%arg16 : memref<!tpu.dma_semaphore, #tpu.memory_space<semaphore_mem>>) src(%dma_wait3A_64 : memref<10000x64xf32, #tpu.memory_space<hbm>>) dst(%arg11 : memref<128x64xf32, #tpu.memory_space<vmem>>)
    %run_scoped3A = arith.constant 76 : i32
    "tpu.region"() ({
      %run_scoped3A_187 = tpu.sem_alloc : memref<!tpu.dma_semaphore, #tpu.memory_space<semaphore_mem>>
      %dma_start3A_188 = arith.constant 0 : i32
      %dma_start3A_189 = tpu.memref_slice %arg9[%run_scoped3A, %dma_start3A_188] : memref<80x128xi32, #tpu.memory_space<vmem>> -> memref<1x128xi32, #tpu.memory_space<vmem>>
      %dma_start3A_190 = tpu.memref_squeeze %dma_start3A_189 : memref<1x128xi32, #tpu.memory_space<vmem>> -> memref<128xi32, #tpu.memory_space<vmem>>
      %dma_start3A_191 = arith.constant 0 : i32
      %dma_start3A_192 = arith.constant 0 : i32
      %dma_start3A_193 = tpu.memref_slice %arg15[%dma_start3A_191, %dma_start3A_192] : memref<10240x64xf32, #tpu.memory_space<vmem_shared>> -> memref<10240x64xf32, #tpu.memory_space<vmem_shared>>
      tpu.enqueue_indirect_dma source(%arg11 : memref<128x64xf32, #tpu.memory_space<vmem>>) target(%dma_start3A_193 : memref<10240x64xf32, #tpu.memory_space<vmem_shared>>) offsets(%dma_start3A_190 : memref<128xi32, #tpu.memory_space<vmem>>) semaphore(%run_scoped3A_187 : memref<!tpu.dma_semaphore, #tpu.memory_space<semaphore_mem>>) {add = true}
      %dma_wait3A_194 = arith.constant 0 : i32
      %dma_wait3A_195 = tpu.memref_slice %arg9[%run_scoped3A, %dma_wait3A_194] : memref<80x128xi32, #tpu.memory_space<vmem>> -> memref<1x128xi32, #tpu.memory_space<vmem>>
      %dma_wait3A_196 = tpu.memref_squeeze %dma_wait3A_195 : memref<1x128xi32, #tpu.memory_space<vmem>> -> memref<128xi32, #tpu.memory_space<vmem>>
      %dma_wait3A_197 = arith.constant 0 : i32
      %dma_wait3A_198 = arith.constant 0 : i32
      %dma_wait3A_199 = tpu.memref_slice %arg15[%dma_wait3A_197, %dma_wait3A_198] : memref<10240x64xf32, #tpu.memory_space<vmem_shared>> -> memref<10240x64xf32, #tpu.memory_space<vmem_shared>>
      tpu.wait_indirect_dma semaphore(%run_scoped3A_187 : memref<!tpu.dma_semaphore, #tpu.memory_space<semaphore_mem>>) src(%arg11 : memref<128x64xf32, #tpu.memory_space<vmem>>) dst(%dma_wait3A_199 : memref<10240x64xf32, #tpu.memory_space<vmem_shared>>)
      tpu.yield
    }) : () -> ()
    %dma_wait3A_65 = arith.constant 77 : i32
    %dma_wait3A_66 = arith.constant 0 : i32
    %dma_wait3A_67 = tpu.memref_slice %arg8[%dma_wait3A_65, %dma_wait3A_66] : memref<80x128xi32, #tpu.memory_space<vmem>> -> memref<1x128xi32, #tpu.memory_space<vmem>>
    %dma_wait3A_68 = tpu.memref_squeeze %dma_wait3A_67 : memref<1x128xi32, #tpu.memory_space<vmem>> -> memref<128xi32, #tpu.memory_space<vmem>>
    %dma_wait3A_69 = arith.constant 0 : i32
    %dma_wait3A_70 = arith.constant 0 : i32
    %dma_wait3A_71 = tpu.memref_slice %arg2[%dma_wait3A_69, %dma_wait3A_70] : memref<10000x64xf32, #tpu.memory_space<hbm>> -> memref<10000x64xf32, #tpu.memory_space<hbm>>
    tpu.wait_indirect_dma semaphore(%arg17 : memref<!tpu.dma_semaphore, #tpu.memory_space<semaphore_mem>>) src(%dma_wait3A_71 : memref<10000x64xf32, #tpu.memory_space<hbm>>) dst(%arg12 : memref<128x64xf32, #tpu.memory_space<vmem>>)
    %run_scoped3A_72 = arith.constant 77 : i32
    "tpu.region"() ({
      %run_scoped3A_187 = tpu.sem_alloc : memref<!tpu.dma_semaphore, #tpu.memory_space<semaphore_mem>>
      %dma_start3A_188 = arith.constant 0 : i32
      %dma_start3A_189 = tpu.memref_slice %arg9[%run_scoped3A_72, %dma_start3A_188] : memref<80x128xi32, #tpu.memory_space<vmem>> -> memref<1x128xi32, #tpu.memory_space<vmem>>
      %dma_start3A_190 = tpu.memref_squeeze %dma_start3A_189 : memref<1x128xi32, #tpu.memory_space<vmem>> -> memref<128xi32, #tpu.memory_space<vmem>>
      %dma_start3A_191 = arith.constant 0 : i32
      %dma_start3A_192 = arith.constant 0 : i32
      %dma_start3A_193 = tpu.memref_slice %arg15[%dma_start3A_191, %dma_start3A_192] : memref<10240x64xf32, #tpu.memory_space<vmem_shared>> -> memref<10240x64xf32, #tpu.memory_space<vmem_shared>>
      tpu.enqueue_indirect_dma source(%arg12 : memref<128x64xf32, #tpu.memory_space<vmem>>) target(%dma_start3A_193 : memref<10240x64xf32, #tpu.memory_space<vmem_shared>>) offsets(%dma_start3A_190 : memref<128xi32, #tpu.memory_space<vmem>>) semaphore(%run_scoped3A_187 : memref<!tpu.dma_semaphore, #tpu.memory_space<semaphore_mem>>) {add = true}
      %dma_wait3A_194 = arith.constant 0 : i32
      %dma_wait3A_195 = tpu.memref_slice %arg9[%run_scoped3A_72, %dma_wait3A_194] : memref<80x128xi32, #tpu.memory_space<vmem>> -> memref<1x128xi32, #tpu.memory_space<vmem>>
      %dma_wait3A_196 = tpu.memref_squeeze %dma_wait3A_195 : memref<1x128xi32, #tpu.memory_space<vmem>> -> memref<128xi32, #tpu.memory_space<vmem>>
      %dma_wait3A_197 = arith.constant 0 : i32
      %dma_wait3A_198 = arith.constant 0 : i32
      %dma_wait3A_199 = tpu.memref_slice %arg15[%dma_wait3A_197, %dma_wait3A_198] : memref<10240x64xf32, #tpu.memory_space<vmem_shared>> -> memref<10240x64xf32, #tpu.memory_space<vmem_shared>>
      tpu.wait_indirect_dma semaphore(%run_scoped3A_187 : memref<!tpu.dma_semaphore, #tpu.memory_space<semaphore_mem>>) src(%arg12 : memref<128x64xf32, #tpu.memory_space<vmem>>) dst(%dma_wait3A_199 : memref<10240x64xf32, #tpu.memory_space<vmem_shared>>)
      tpu.yield
    }) : () -> ()
    %dma_wait3A_73 = arith.constant 78 : i32
    %dma_wait3A_74 = arith.constant 0 : i32
    %dma_wait3A_75 = tpu.memref_slice %arg8[%dma_wait3A_73, %dma_wait3A_74] : memref<80x128xi32, #tpu.memory_space<vmem>> -> memref<1x128xi32, #tpu.memory_space<vmem>>
    %dma_wait3A_76 = tpu.memref_squeeze %dma_wait3A_75 : memref<1x128xi32, #tpu.memory_space<vmem>> -> memref<128xi32, #tpu.memory_space<vmem>>
    %dma_wait3A_77 = arith.constant 0 : i32
    %dma_wait3A_78 = arith.constant 0 : i32
    %dma_wait3A_79 = tpu.memref_slice %arg2[%dma_wait3A_77, %dma_wait3A_78] : memref<10000x64xf32, #tpu.memory_space<hbm>> -> memref<10000x64xf32, #tpu.memory_space<hbm>>
    tpu.wait_indirect_dma semaphore(%arg18 : memref<!tpu.dma_semaphore, #tpu.memory_space<semaphore_mem>>) src(%dma_wait3A_79 : memref<10000x64xf32, #tpu.memory_space<hbm>>) dst(%arg13 : memref<128x64xf32, #tpu.memory_space<vmem>>)
    %run_scoped3A_80 = arith.constant 78 : i32
    "tpu.region"() ({
      %run_scoped3A_187 = tpu.sem_alloc : memref<!tpu.dma_semaphore, #tpu.memory_space<semaphore_mem>>
      %dma_start3A_188 = arith.constant 0 : i32
      %dma_start3A_189 = tpu.memref_slice %arg9[%run_scoped3A_80, %dma_start3A_188] : memref<80x128xi32, #tpu.memory_space<vmem>> -> memref<1x128xi32, #tpu.memory_space<vmem>>
      %dma_start3A_190 = tpu.memref_squeeze %dma_start3A_189 : memref<1x128xi32, #tpu.memory_space<vmem>> -> memref<128xi32, #tpu.memory_space<vmem>>
      %dma_start3A_191 = arith.constant 0 : i32
      %dma_start3A_192 = arith.constant 0 : i32
      %dma_start3A_193 = tpu.memref_slice %arg15[%dma_start3A_191, %dma_start3A_192] : memref<10240x64xf32, #tpu.memory_space<vmem_shared>> -> memref<10240x64xf32, #tpu.memory_space<vmem_shared>>
      tpu.enqueue_indirect_dma source(%arg13 : memref<128x64xf32, #tpu.memory_space<vmem>>) target(%dma_start3A_193 : memref<10240x64xf32, #tpu.memory_space<vmem_shared>>) offsets(%dma_start3A_190 : memref<128xi32, #tpu.memory_space<vmem>>) semaphore(%run_scoped3A_187 : memref<!tpu.dma_semaphore, #tpu.memory_space<semaphore_mem>>) {add = true}
      %dma_wait3A_194 = arith.constant 0 : i32
      %dma_wait3A_195 = tpu.memref_slice %arg9[%run_scoped3A_80, %dma_wait3A_194] : memref<80x128xi32, #tpu.memory_space<vmem>> -> memref<1x128xi32, #tpu.memory_space<vmem>>
      %dma_wait3A_196 = tpu.memref_squeeze %dma_wait3A_195 : memref<1x128xi32, #tpu.memory_space<vmem>> -> memref<128xi32, #tpu.memory_space<vmem>>
      %dma_wait3A_197 = arith.constant 0 : i32
      %dma_wait3A_198 = arith.constant 0 : i32
      %dma_wait3A_199 = tpu.memref_slice %arg15[%dma_wait3A_197, %dma_wait3A_198] : memref<10240x64xf32, #tpu.memory_space<vmem_shared>> -> memref<10240x64xf32, #tpu.memory_space<vmem_shared>>
      tpu.wait_indirect_dma semaphore(%run_scoped3A_187 : memref<!tpu.dma_semaphore, #tpu.memory_space<semaphore_mem>>) src(%arg13 : memref<128x64xf32, #tpu.memory_space<vmem>>) dst(%dma_wait3A_199 : memref<10240x64xf32, #tpu.memory_space<vmem_shared>>)
      tpu.yield
    }) : () -> ()
    %dma_wait3A_81 = arith.constant 79 : i32
    %dma_wait3A_82 = arith.constant 0 : i32
    %dma_wait3A_83 = tpu.memref_slice %arg8[%dma_wait3A_81, %dma_wait3A_82] : memref<80x128xi32, #tpu.memory_space<vmem>> -> memref<1x128xi32, #tpu.memory_space<vmem>>
    %dma_wait3A_84 = tpu.memref_squeeze %dma_wait3A_83 : memref<1x128xi32, #tpu.memory_space<vmem>> -> memref<128xi32, #tpu.memory_space<vmem>>
    %dma_wait3A_85 = arith.constant 0 : i32
    %dma_wait3A_86 = arith.constant 0 : i32
    %dma_wait3A_87 = tpu.memref_slice %arg2[%dma_wait3A_85, %dma_wait3A_86] : memref<10000x64xf32, #tpu.memory_space<hbm>> -> memref<10000x64xf32, #tpu.memory_space<hbm>>
    tpu.wait_indirect_dma semaphore(%arg19 : memref<!tpu.dma_semaphore, #tpu.memory_space<semaphore_mem>>) src(%dma_wait3A_87 : memref<10000x64xf32, #tpu.memory_space<hbm>>) dst(%arg14 : memref<128x64xf32, #tpu.memory_space<vmem>>)
    %run_scoped3A_88 = arith.constant 79 : i32
    "tpu.region"() ({
      %run_scoped3A_187 = tpu.sem_alloc : memref<!tpu.dma_semaphore, #tpu.memory_space<semaphore_mem>>
      %dma_start3A_188 = arith.constant 0 : i32
      %dma_start3A_189 = tpu.memref_slice %arg9[%run_scoped3A_88, %dma_start3A_188] : memref<80x128xi32, #tpu.memory_space<vmem>> -> memref<1x128xi32, #tpu.memory_space<vmem>>
      %dma_start3A_190 = tpu.memref_squeeze %dma_start3A_189 : memref<1x128xi32, #tpu.memory_space<vmem>> -> memref<128xi32, #tpu.memory_space<vmem>>
      %dma_start3A_191 = arith.constant 0 : i32
      %dma_start3A_192 = arith.constant 0 : i32
      %dma_start3A_193 = tpu.memref_slice %arg15[%dma_start3A_191, %dma_start3A_192] : memref<10240x64xf32, #tpu.memory_space<vmem_shared>> -> memref<10240x64xf32, #tpu.memory_space<vmem_shared>>
      tpu.enqueue_indirect_dma source(%arg14 : memref<128x64xf32, #tpu.memory_space<vmem>>) target(%dma_start3A_193 : memref<10240x64xf32, #tpu.memory_space<vmem_shared>>) offsets(%dma_start3A_190 : memref<128xi32, #tpu.memory_space<vmem>>) semaphore(%run_scoped3A_187 : memref<!tpu.dma_semaphore, #tpu.memory_space<semaphore_mem>>) {add = true}
      %dma_wait3A_194 = arith.constant 0 : i32
      %dma_wait3A_195 = tpu.memref_slice %arg9[%run_scoped3A_88, %dma_wait3A_194] : memref<80x128xi32, #tpu.memory_space<vmem>> -> memref<1x128xi32, #tpu.memory_space<vmem>>
      %dma_wait3A_196 = tpu.memref_squeeze %dma_wait3A_195 : memref<1x128xi32, #tpu.memory_space<vmem>> -> memref<128xi32, #tpu.memory_space<vmem>>
      %dma_wait3A_197 = arith.constant 0 : i32
      %dma_wait3A_198 = arith.constant 0 : i32
      %dma_wait3A_199 = tpu.memref_slice %arg15[%dma_wait3A_197, %dma_wait3A_198] : memref<10240x64xf32, #tpu.memory_space<vmem_shared>> -> memref<10240x64xf32, #tpu.memory_space<vmem_shared>>
      tpu.wait_indirect_dma semaphore(%run_scoped3A_187 : memref<!tpu.dma_semaphore, #tpu.memory_space<semaphore_mem>>) src(%arg14 : memref<128x64xf32, #tpu.memory_space<vmem>>) dst(%dma_wait3A_199 : memref<10240x64xf32, #tpu.memory_space<vmem_shared>>)
      tpu.yield
    }) : () -> ()
    %barrier3A_89 = arith.constant 0 : index
    tpu.barrier barrier_id(%barrier3A_89)
    %dma_start3A_90 = arith.constant 0 : i32
    %dma_start3A_91 = tpu.memref_slice %arg6[%arg0, %mul3A_6, %dma_start3A_90] : memref<2x10240x64xf32, #tpu.memory_space<hbm>> -> memref<1x640x64xf32, #tpu.memory_space<hbm>>
    %dma_start3A_92 = tpu.memref_squeeze %dma_start3A_91 : memref<1x640x64xf32, #tpu.memory_space<hbm>> -> memref<640x64xf32, #tpu.memory_space<hbm>>
    %dma_start3A_93 = arith.constant 0 : i32
    %dma_start3A_94 = tpu.memref_slice %arg15[%mul3A_6, %dma_start3A_93] : memref<10240x64xf32, #tpu.memory_space<vmem_shared>> -> memref<640x64xf32, #tpu.memory_space<vmem_shared>>
    tpu.enqueue_dma source(%dma_start3A_94 : memref<640x64xf32, #tpu.memory_space<vmem_shared>>) target(%dma_start3A_92 : memref<640x64xf32, #tpu.memory_space<hbm>>) target_semaphore(%arg20 : memref<!tpu.dma_semaphore, #tpu.memory_space<semaphore_mem>>)
    %dma_start3A_95 = arith.constant 0 : i32
    %dma_start3A_96 = arith.constant 0 : i32
    %dma_start3A_97 = tpu.memref_slice %arg8[%dma_start3A_95, %dma_start3A_96] : memref<80x128xi32, #tpu.memory_space<vmem>> -> memref<1x128xi32, #tpu.memory_space<vmem>>
    %dma_start3A_98 = tpu.memref_squeeze %dma_start3A_97 : memref<1x128xi32, #tpu.memory_space<vmem>> -> memref<128xi32, #tpu.memory_space<vmem>>
    %dma_start3A_99 = arith.constant 0 : i32
    %dma_start3A_100 = arith.constant 0 : i32
    %dma_start3A_101 = tpu.memref_slice %arg3[%dma_start3A_99, %dma_start3A_100] : memref<10000x64xf32, #tpu.memory_space<hbm>> -> memref<10000x64xf32, #tpu.memory_space<hbm>>
    tpu.enqueue_indirect_dma source(%dma_start3A_101 : memref<10000x64xf32, #tpu.memory_space<hbm>>) target(%arg11 : memref<128x64xf32, #tpu.memory_space<vmem>>) offsets(%dma_start3A_98 : memref<128xi32, #tpu.memory_space<vmem>>) semaphore(%arg16 : memref<!tpu.dma_semaphore, #tpu.memory_space<semaphore_mem>>)
    %dma_start3A_102 = arith.constant 1 : i32
    %dma_start3A_103 = arith.constant 0 : i32
    %dma_start3A_104 = tpu.memref_slice %arg8[%dma_start3A_102, %dma_start3A_103] : memref<80x128xi32, #tpu.memory_space<vmem>> -> memref<1x128xi32, #tpu.memory_space<vmem>>
    %dma_start3A_105 = tpu.memref_squeeze %dma_start3A_104 : memref<1x128xi32, #tpu.memory_space<vmem>> -> memref<128xi32, #tpu.memory_space<vmem>>
    %dma_start3A_106 = arith.constant 0 : i32
    %dma_start3A_107 = arith.constant 0 : i32
    %dma_start3A_108 = tpu.memref_slice %arg3[%dma_start3A_106, %dma_start3A_107] : memref<10000x64xf32, #tpu.memory_space<hbm>> -> memref<10000x64xf32, #tpu.memory_space<hbm>>
    tpu.enqueue_indirect_dma source(%dma_start3A_108 : memref<10000x64xf32, #tpu.memory_space<hbm>>) target(%arg12 : memref<128x64xf32, #tpu.memory_space<vmem>>) offsets(%dma_start3A_105 : memref<128xi32, #tpu.memory_space<vmem>>) semaphore(%arg17 : memref<!tpu.dma_semaphore, #tpu.memory_space<semaphore_mem>>)
    %dma_start3A_109 = arith.constant 2 : i32
    %dma_start3A_110 = arith.constant 0 : i32
    %dma_start3A_111 = tpu.memref_slice %arg8[%dma_start3A_109, %dma_start3A_110] : memref<80x128xi32, #tpu.memory_space<vmem>> -> memref<1x128xi32, #tpu.memory_space<vmem>>
    %dma_start3A_112 = tpu.memref_squeeze %dma_start3A_111 : memref<1x128xi32, #tpu.memory_space<vmem>> -> memref<128xi32, #tpu.memory_space<vmem>>
    %dma_start3A_113 = arith.constant 0 : i32
    %dma_start3A_114 = arith.constant 0 : i32
    %dma_start3A_115 = tpu.memref_slice %arg3[%dma_start3A_113, %dma_start3A_114] : memref<10000x64xf32, #tpu.memory_space<hbm>> -> memref<10000x64xf32, #tpu.memory_space<hbm>>
    tpu.enqueue_indirect_dma source(%dma_start3A_115 : memref<10000x64xf32, #tpu.memory_space<hbm>>) target(%arg13 : memref<128x64xf32, #tpu.memory_space<vmem>>) offsets(%dma_start3A_112 : memref<128xi32, #tpu.memory_space<vmem>>) semaphore(%arg18 : memref<!tpu.dma_semaphore, #tpu.memory_space<semaphore_mem>>)
    %dma_start3A_116 = arith.constant 3 : i32
    %dma_start3A_117 = arith.constant 0 : i32
    %dma_start3A_118 = tpu.memref_slice %arg8[%dma_start3A_116, %dma_start3A_117] : memref<80x128xi32, #tpu.memory_space<vmem>> -> memref<1x128xi32, #tpu.memory_space<vmem>>
    %dma_start3A_119 = tpu.memref_squeeze %dma_start3A_118 : memref<1x128xi32, #tpu.memory_space<vmem>> -> memref<128xi32, #tpu.memory_space<vmem>>
    %dma_start3A_120 = arith.constant 0 : i32
    %dma_start3A_121 = arith.constant 0 : i32
    %dma_start3A_122 = tpu.memref_slice %arg3[%dma_start3A_120, %dma_start3A_121] : memref<10000x64xf32, #tpu.memory_space<hbm>> -> memref<10000x64xf32, #tpu.memory_space<hbm>>
    tpu.enqueue_indirect_dma source(%dma_start3A_122 : memref<10000x64xf32, #tpu.memory_space<hbm>>) target(%arg14 : memref<128x64xf32, #tpu.memory_space<vmem>>) offsets(%dma_start3A_119 : memref<128xi32, #tpu.memory_space<vmem>>) semaphore(%arg19 : memref<!tpu.dma_semaphore, #tpu.memory_space<semaphore_mem>>)
    %dma_wait3A_123 = arith.constant 0 : i32
    %dma_wait3A_124 = tpu.memref_slice %arg6[%arg0, %mul3A_6, %dma_wait3A_123] : memref<2x10240x64xf32, #tpu.memory_space<hbm>> -> memref<1x640x64xf32, #tpu.memory_space<hbm>>
    %dma_wait3A_125 = tpu.memref_squeeze %dma_wait3A_124 : memref<1x640x64xf32, #tpu.memory_space<hbm>> -> memref<640x64xf32, #tpu.memory_space<hbm>>
    %dma_wait3A_126 = arith.constant 0 : i32
    %dma_wait3A_127 = tpu.memref_slice %arg15[%mul3A_6, %dma_wait3A_126] : memref<10240x64xf32, #tpu.memory_space<vmem_shared>> -> memref<640x64xf32, #tpu.memory_space<vmem_shared>>
    tpu.wait_dma2 semaphore(%arg20 : memref<!tpu.dma_semaphore, #tpu.memory_space<semaphore_mem>>) src(%dma_wait3A_127 : memref<640x64xf32, #tpu.memory_space<vmem_shared>>) dst(%dma_wait3A_125 : memref<640x64xf32, #tpu.memory_space<hbm>>)
    %mul3A_128 = arith.constant 640 : i32
    %mul3A_129 = arith.muli %arg1, %mul3A_128 : i32
    %add3A_130 = arith.constant 0 : i32
    %add3A_131 = arith.addi %mul3A_129, %add3A_130 : i32
    "tpu.region"() ({
      %run_scoped3A_187 = tpu.sem_alloc : memref<!tpu.dma_semaphore, #tpu.memory_space<semaphore_mem>>
      %dma_start3A_188 = arith.constant 0 : i32
      %dma_start3A_189 = tpu.memref_slice %arg15[%add3A_131, %dma_start3A_188] : memref<10240x64xf32, #tpu.memory_space<vmem_shared>> -> memref<128x64xf32, #tpu.memory_space<vmem_shared>>
      %dma_start3A_190 = arith.constant 0 : i32
      %dma_start3A_191 = tpu.memref_slice %arg15[%add3A_131, %dma_start3A_190] : memref<10240x64xf32, #tpu.memory_space<vmem_shared>> -> memref<128x64xf32, #tpu.memory_space<vmem_shared>>
      tpu.enqueue_dma source(%arg10 : memref<128x64xf32, #tpu.memory_space<vmem>>) target(%dma_start3A_191 : memref<128x64xf32, #tpu.memory_space<vmem_shared>>) target_semaphore(%run_scoped3A_187 : memref<!tpu.dma_semaphore, #tpu.memory_space<semaphore_mem>>)
      %dma_wait3A_192 = arith.constant 0 : i32
      %dma_wait3A_193 = tpu.memref_slice %arg15[%add3A_131, %dma_wait3A_192] : memref<10240x64xf32, #tpu.memory_space<vmem_shared>> -> memref<128x64xf32, #tpu.memory_space<vmem_shared>>
      %dma_wait3A_194 = arith.constant 0 : i32
      %dma_wait3A_195 = tpu.memref_slice %arg15[%add3A_131, %dma_wait3A_194] : memref<10240x64xf32, #tpu.memory_space<vmem_shared>> -> memref<128x64xf32, #tpu.memory_space<vmem_shared>>
      tpu.wait_dma2 semaphore(%run_scoped3A_187 : memref<!tpu.dma_semaphore, #tpu.memory_space<semaphore_mem>>) src(%arg10 : memref<128x64xf32, #tpu.memory_space<vmem>>) dst(%dma_wait3A_195 : memref<128x64xf32, #tpu.memory_space<vmem_shared>>)
      tpu.yield
    }) : () -> ()
    %mul3A_132 = arith.constant 640 : i32
    %mul3A_133 = arith.muli %arg1, %mul3A_132 : i32
    %add3A_134 = arith.constant 128 : i32
    %add3A_135 = arith.addi %mul3A_133, %add3A_134 : i32
    "tpu.region"() ({
      %run_scoped3A_187 = tpu.sem_alloc : memref<!tpu.dma_semaphore, #tpu.memory_space<semaphore_mem>>
      %dma_start3A_188 = arith.constant 0 : i32
      %dma_start3A_189 = tpu.memref_slice %arg15[%add3A_135, %dma_start3A_188] : memref<10240x64xf32, #tpu.memory_space<vmem_shared>> -> memref<128x64xf32, #tpu.memory_space<vmem_shared>>
      %dma_start3A_190 = arith.constant 0 : i32
      %dma_start3A_191 = tpu.memref_slice %arg15[%add3A_135, %dma_start3A_190] : memref<10240x64xf32, #tpu.memory_space<vmem_shared>> -> memref<128x64xf32, #tpu.memory_space<vmem_shared>>
      tpu.enqueue_dma source(%arg10 : memref<128x64xf32, #tpu.memory_space<vmem>>) target(%dma_start3A_191 : memref<128x64xf32, #tpu.memory_space<vmem_shared>>) target_semaphore(%run_scoped3A_187 : memref<!tpu.dma_semaphore, #tpu.memory_space<semaphore_mem>>)
      %dma_wait3A_192 = arith.constant 0 : i32
      %dma_wait3A_193 = tpu.memref_slice %arg15[%add3A_135, %dma_wait3A_192] : memref<10240x64xf32, #tpu.memory_space<vmem_shared>> -> memref<128x64xf32, #tpu.memory_space<vmem_shared>>
      %dma_wait3A_194 = arith.constant 0 : i32
      %dma_wait3A_195 = tpu.memref_slice %arg15[%add3A_135, %dma_wait3A_194] : memref<10240x64xf32, #tpu.memory_space<vmem_shared>> -> memref<128x64xf32, #tpu.memory_space<vmem_shared>>
      tpu.wait_dma2 semaphore(%run_scoped3A_187 : memref<!tpu.dma_semaphore, #tpu.memory_space<semaphore_mem>>) src(%arg10 : memref<128x64xf32, #tpu.memory_space<vmem>>) dst(%dma_wait3A_195 : memref<128x64xf32, #tpu.memory_space<vmem_shared>>)
      tpu.yield
    }) : () -> ()
    %mul3A_136 = arith.constant 640 : i32
    %mul3A_137 = arith.muli %arg1, %mul3A_136 : i32
    %add3A_138 = arith.constant 256 : i32
    %add3A_139 = arith.addi %mul3A_137, %add3A_138 : i32
    "tpu.region"() ({
      %run_scoped3A_187 = tpu.sem_alloc : memref<!tpu.dma_semaphore, #tpu.memory_space<semaphore_mem>>
      %dma_start3A_188 = arith.constant 0 : i32
      %dma_start3A_189 = tpu.memref_slice %arg15[%add3A_139, %dma_start3A_188] : memref<10240x64xf32, #tpu.memory_space<vmem_shared>> -> memref<128x64xf32, #tpu.memory_space<vmem_shared>>
      %dma_start3A_190 = arith.constant 0 : i32
      %dma_start3A_191 = tpu.memref_slice %arg15[%add3A_139, %dma_start3A_190] : memref<10240x64xf32, #tpu.memory_space<vmem_shared>> -> memref<128x64xf32, #tpu.memory_space<vmem_shared>>
      tpu.enqueue_dma source(%arg10 : memref<128x64xf32, #tpu.memory_space<vmem>>) target(%dma_start3A_191 : memref<128x64xf32, #tpu.memory_space<vmem_shared>>) target_semaphore(%run_scoped3A_187 : memref<!tpu.dma_semaphore, #tpu.memory_space<semaphore_mem>>)
      %dma_wait3A_192 = arith.constant 0 : i32
      %dma_wait3A_193 = tpu.memref_slice %arg15[%add3A_139, %dma_wait3A_192] : memref<10240x64xf32, #tpu.memory_space<vmem_shared>> -> memref<128x64xf32, #tpu.memory_space<vmem_shared>>
      %dma_wait3A_194 = arith.constant 0 : i32
      %dma_wait3A_195 = tpu.memref_slice %arg15[%add3A_139, %dma_wait3A_194] : memref<10240x64xf32, #tpu.memory_space<vmem_shared>> -> memref<128x64xf32, #tpu.memory_space<vmem_shared>>
      tpu.wait_dma2 semaphore(%run_scoped3A_187 : memref<!tpu.dma_semaphore, #tpu.memory_space<semaphore_mem>>) src(%arg10 : memref<128x64xf32, #tpu.memory_space<vmem>>) dst(%dma_wait3A_195 : memref<128x64xf32, #tpu.memory_space<vmem_shared>>)
      tpu.yield
    }) : () -> ()
    %mul3A_140 = arith.constant 640 : i32
    %mul3A_141 = arith.muli %arg1, %mul3A_140 : i32
    %add3A_142 = arith.constant 384 : i32
    %add3A_143 = arith.addi %mul3A_141, %add3A_142 : i32
    "tpu.region"() ({
      %run_scoped3A_187 = tpu.sem_alloc : memref<!tpu.dma_semaphore, #tpu.memory_space<semaphore_mem>>
      %dma_start3A_188 = arith.constant 0 : i32
      %dma_start3A_189 = tpu.memref_slice %arg15[%add3A_143, %dma_start3A_188] : memref<10240x64xf32, #tpu.memory_space<vmem_shared>> -> memref<128x64xf32, #tpu.memory_space<vmem_shared>>
      %dma_start3A_190 = arith.constant 0 : i32
      %dma_start3A_191 = tpu.memref_slice %arg15[%add3A_143, %dma_start3A_190] : memref<10240x64xf32, #tpu.memory_space<vmem_shared>> -> memref<128x64xf32, #tpu.memory_space<vmem_shared>>
      tpu.enqueue_dma source(%arg10 : memref<128x64xf32, #tpu.memory_space<vmem>>) target(%dma_start3A_191 : memref<128x64xf32, #tpu.memory_space<vmem_shared>>) target_semaphore(%run_scoped3A_187 : memref<!tpu.dma_semaphore, #tpu.memory_space<semaphore_mem>>)
      %dma_wait3A_192 = arith.constant 0 : i32
      %dma_wait3A_193 = tpu.memref_slice %arg15[%add3A_143, %dma_wait3A_192] : memref<10240x64xf32, #tpu.memory_space<vmem_shared>> -> memref<128x64xf32, #tpu.memory_space<vmem_shared>>
      %dma_wait3A_194 = arith.constant 0 : i32
      %dma_wait3A_195 = tpu.memref_slice %arg15[%add3A_143, %dma_wait3A_194] : memref<10240x64xf32, #tpu.memory_space<vmem_shared>> -> memref<128x64xf32, #tpu.memory_space<vmem_shared>>
      tpu.wait_dma2 semaphore(%run_scoped3A_187 : memref<!tpu.dma_semaphore, #tpu.memory_space<semaphore_mem>>) src(%arg10 : memref<128x64xf32, #tpu.memory_space<vmem>>) dst(%dma_wait3A_195 : memref<128x64xf32, #tpu.memory_space<vmem_shared>>)
      tpu.yield
    }) : () -> ()
    %mul3A_144 = arith.constant 640 : i32
    %mul3A_145 = arith.muli %arg1, %mul3A_144 : i32
    %add3A_146 = arith.constant 512 : i32
    %add3A_147 = arith.addi %mul3A_145, %add3A_146 : i32
    "tpu.region"() ({
      %run_scoped3A_187 = tpu.sem_alloc : memref<!tpu.dma_semaphore, #tpu.memory_space<semaphore_mem>>
      %dma_start3A_188 = arith.constant 0 : i32
      %dma_start3A_189 = tpu.memref_slice %arg15[%add3A_147, %dma_start3A_188] : memref<10240x64xf32, #tpu.memory_space<vmem_shared>> -> memref<128x64xf32, #tpu.memory_space<vmem_shared>>
      %dma_start3A_190 = arith.constant 0 : i32
      %dma_start3A_191 = tpu.memref_slice %arg15[%add3A_147, %dma_start3A_190] : memref<10240x64xf32, #tpu.memory_space<vmem_shared>> -> memref<128x64xf32, #tpu.memory_space<vmem_shared>>
      tpu.enqueue_dma source(%arg10 : memref<128x64xf32, #tpu.memory_space<vmem>>) target(%dma_start3A_191 : memref<128x64xf32, #tpu.memory_space<vmem_shared>>) target_semaphore(%run_scoped3A_187 : memref<!tpu.dma_semaphore, #tpu.memory_space<semaphore_mem>>)
      %dma_wait3A_192 = arith.constant 0 : i32
      %dma_wait3A_193 = tpu.memref_slice %arg15[%add3A_147, %dma_wait3A_192] : memref<10240x64xf32, #tpu.memory_space<vmem_shared>> -> memref<128x64xf32, #tpu.memory_space<vmem_shared>>
      %dma_wait3A_194 = arith.constant 0 : i32
      %dma_wait3A_195 = tpu.memref_slice %arg15[%add3A_147, %dma_wait3A_194] : memref<10240x64xf32, #tpu.memory_space<vmem_shared>> -> memref<128x64xf32, #tpu.memory_space<vmem_shared>>
      tpu.wait_dma2 semaphore(%run_scoped3A_187 : memref<!tpu.dma_semaphore, #tpu.memory_space<semaphore_mem>>) src(%arg10 : memref<128x64xf32, #tpu.memory_space<vmem>>) dst(%dma_wait3A_195 : memref<128x64xf32, #tpu.memory_space<vmem_shared>>)
      tpu.yield
    }) : () -> ()
    %barrier3A_148 = arith.constant 0 : index
    tpu.barrier barrier_id(%barrier3A_148)
    %scan3A_149 = arith.constant 0 : i32
    %scan3A_150 = arith.constant 19 : i32
    %scan3A_151 = arith.addi %scan3A_149, %scan3A_150 : i32
    %scan3A_152 = arith.constant 1 : i32
    scf.for %scan3A_187 = %scan3A_149 to %scan3A_151 step %scan3A_152  : i32 {
      %mul3A_188 = arith.constant 4 : i32
      %mul3A_189 = arith.muli %scan3A_187, %mul3A_188 : i32
      %add3A_190 = arith.constant 0 : i32
      %add3A_191 = arith.addi %add3A_190, %mul3A_189 : i32
      %add3A_192 = arith.constant 0 : i32
      %add3A_193 = arith.addi %add3A_191, %add3A_192 : i32
      %dma_wait3A_194 = arith.constant 0 : i32
      %dma_wait3A_195 = tpu.memref_slice %arg8[%add3A_193, %dma_wait3A_194] : memref<80x128xi32, #tpu.memory_space<vmem>> -> memref<1x128xi32, #tpu.memory_space<vmem>>
      %dma_wait3A_196 = tpu.memref_squeeze %dma_wait3A_195 : memref<1x128xi32, #tpu.memory_space<vmem>> -> memref<128xi32, #tpu.memory_space<vmem>>
      %dma_wait3A_197 = arith.constant 0 : i32
      %dma_wait3A_198 = arith.constant 0 : i32
      %dma_wait3A_199 = tpu.memref_slice %arg3[%dma_wait3A_197, %dma_wait3A_198] : memref<10000x64xf32, #tpu.memory_space<hbm>> -> memref<10000x64xf32, #tpu.memory_space<hbm>>
      tpu.wait_indirect_dma semaphore(%arg16 : memref<!tpu.dma_semaphore, #tpu.memory_space<semaphore_mem>>) src(%dma_wait3A_199 : memref<10000x64xf32, #tpu.memory_space<hbm>>) dst(%arg11 : memref<128x64xf32, #tpu.memory_space<vmem>>)
      "tpu.region"() ({
        %run_scoped3A_256 = tpu.sem_alloc : memref<!tpu.dma_semaphore, #tpu.memory_space<semaphore_mem>>
        %dma_start3A_257 = arith.constant 0 : i32
        %dma_start3A_258 = tpu.memref_slice %arg9[%add3A_193, %dma_start3A_257] : memref<80x128xi32, #tpu.memory_space<vmem>> -> memref<1x128xi32, #tpu.memory_space<vmem>>
        %dma_start3A_259 = tpu.memref_squeeze %dma_start3A_258 : memref<1x128xi32, #tpu.memory_space<vmem>> -> memref<128xi32, #tpu.memory_space<vmem>>
        %dma_start3A_260 = arith.constant 0 : i32
        %dma_start3A_261 = arith.constant 0 : i32
        %dma_start3A_262 = tpu.memref_slice %arg15[%dma_start3A_260, %dma_start3A_261] : memref<10240x64xf32, #tpu.memory_space<vmem_shared>> -> memref<10240x64xf32, #tpu.memory_space<vmem_shared>>
        tpu.enqueue_indirect_dma source(%arg11 : memref<128x64xf32, #tpu.memory_space<vmem>>) target(%dma_start3A_262 : memref<10240x64xf32, #tpu.memory_space<vmem_shared>>) offsets(%dma_start3A_259 : memref<128xi32, #tpu.memory_space<vmem>>) semaphore(%run_scoped3A_256 : memref<!tpu.dma_semaphore, #tpu.memory_space<semaphore_mem>>) {add = true}
        %dma_wait3A_263 = arith.constant 0 : i32
        %dma_wait3A_264 = tpu.memref_slice %arg9[%add3A_193, %dma_wait3A_263] : memref<80x128xi32, #tpu.memory_space<vmem>> -> memref<1x128xi32, #tpu.memory_space<vmem>>
        %dma_wait3A_265 = tpu.memref_squeeze %dma_wait3A_264 : memref<1x128xi32, #tpu.memory_space<vmem>> -> memref<128xi32, #tpu.memory_space<vmem>>
        %dma_wait3A_266 = arith.constant 0 : i32
        %dma_wait3A_267 = arith.constant 0 : i32
        %dma_wait3A_268 = tpu.memref_slice %arg15[%dma_wait3A_266, %dma_wait3A_267] : memref<10240x64xf32, #tpu.memory_space<vmem_shared>> -> memref<10240x64xf32, #tpu.memory_space<vmem_shared>>
        tpu.wait_indirect_dma semaphore(%run_scoped3A_256 : memref<!tpu.dma_semaphore, #tpu.memory_space<semaphore_mem>>) src(%arg11 : memref<128x64xf32, #tpu.memory_space<vmem>>) dst(%dma_wait3A_268 : memref<10240x64xf32, #tpu.memory_space<vmem_shared>>)
        tpu.yield
      }) : () -> ()
      %add3A_200 = arith.constant 4 : i32
      %add3A_201 = arith.addi %add3A_193, %add3A_200 : i32
      %dma_start3A_202 = arith.constant 0 : i32
      %dma_start3A_203 = tpu.memref_slice %arg8[%add3A_201, %dma_start3A_202] : memref<80x128xi32, #tpu.memory_space<vmem>> -> memref<1x128xi32, #tpu.memory_space<vmem>>
      %dma_start3A_204 = tpu.memref_squeeze %dma_start3A_203 : memref<1x128xi32, #tpu.memory_space<vmem>> -> memref<128xi32, #tpu.memory_space<vmem>>
      %dma_start3A_205 = arith.constant 0 : i32
      %dma_start3A_206 = arith.constant 0 : i32
      %dma_start3A_207 = tpu.memref_slice %arg3[%dma_start3A_205, %dma_start3A_206] : memref<10000x64xf32, #tpu.memory_space<hbm>> -> memref<10000x64xf32, #tpu.memory_space<hbm>>
      tpu.enqueue_indirect_dma source(%dma_start3A_207 : memref<10000x64xf32, #tpu.memory_space<hbm>>) target(%arg11 : memref<128x64xf32, #tpu.memory_space<vmem>>) offsets(%dma_start3A_204 : memref<128xi32, #tpu.memory_space<vmem>>) semaphore(%arg16 : memref<!tpu.dma_semaphore, #tpu.memory_space<semaphore_mem>>)
      %add3A_208 = arith.constant 1 : i32
      %add3A_209 = arith.addi %add3A_191, %add3A_208 : i32
      %dma_wait3A_210 = arith.constant 0 : i32
      %dma_wait3A_211 = tpu.memref_slice %arg8[%add3A_209, %dma_wait3A_210] : memref<80x128xi32, #tpu.memory_space<vmem>> -> memref<1x128xi32, #tpu.memory_space<vmem>>
      %dma_wait3A_212 = tpu.memref_squeeze %dma_wait3A_211 : memref<1x128xi32, #tpu.memory_space<vmem>> -> memref<128xi32, #tpu.memory_space<vmem>>
      %dma_wait3A_213 = arith.constant 0 : i32
      %dma_wait3A_214 = arith.constant 0 : i32
      %dma_wait3A_215 = tpu.memref_slice %arg3[%dma_wait3A_213, %dma_wait3A_214] : memref<10000x64xf32, #tpu.memory_space<hbm>> -> memref<10000x64xf32, #tpu.memory_space<hbm>>
      tpu.wait_indirect_dma semaphore(%arg17 : memref<!tpu.dma_semaphore, #tpu.memory_space<semaphore_mem>>) src(%dma_wait3A_215 : memref<10000x64xf32, #tpu.memory_space<hbm>>) dst(%arg12 : memref<128x64xf32, #tpu.memory_space<vmem>>)
      "tpu.region"() ({
        %run_scoped3A_256 = tpu.sem_alloc : memref<!tpu.dma_semaphore, #tpu.memory_space<semaphore_mem>>
        %dma_start3A_257 = arith.constant 0 : i32
        %dma_start3A_258 = tpu.memref_slice %arg9[%add3A_209, %dma_start3A_257] : memref<80x128xi32, #tpu.memory_space<vmem>> -> memref<1x128xi32, #tpu.memory_space<vmem>>
        %dma_start3A_259 = tpu.memref_squeeze %dma_start3A_258 : memref<1x128xi32, #tpu.memory_space<vmem>> -> memref<128xi32, #tpu.memory_space<vmem>>
        %dma_start3A_260 = arith.constant 0 : i32
        %dma_start3A_261 = arith.constant 0 : i32
        %dma_start3A_262 = tpu.memref_slice %arg15[%dma_start3A_260, %dma_start3A_261] : memref<10240x64xf32, #tpu.memory_space<vmem_shared>> -> memref<10240x64xf32, #tpu.memory_space<vmem_shared>>
        tpu.enqueue_indirect_dma source(%arg12 : memref<128x64xf32, #tpu.memory_space<vmem>>) target(%dma_start3A_262 : memref<10240x64xf32, #tpu.memory_space<vmem_shared>>) offsets(%dma_start3A_259 : memref<128xi32, #tpu.memory_space<vmem>>) semaphore(%run_scoped3A_256 : memref<!tpu.dma_semaphore, #tpu.memory_space<semaphore_mem>>) {add = true}
        %dma_wait3A_263 = arith.constant 0 : i32
        %dma_wait3A_264 = tpu.memref_slice %arg9[%add3A_209, %dma_wait3A_263] : memref<80x128xi32, #tpu.memory_space<vmem>> -> memref<1x128xi32, #tpu.memory_space<vmem>>
        %dma_wait3A_265 = tpu.memref_squeeze %dma_wait3A_264 : memref<1x128xi32, #tpu.memory_space<vmem>> -> memref<128xi32, #tpu.memory_space<vmem>>
        %dma_wait3A_266 = arith.constant 0 : i32
        %dma_wait3A_267 = arith.constant 0 : i32
        %dma_wait3A_268 = tpu.memref_slice %arg15[%dma_wait3A_266, %dma_wait3A_267] : memref<10240x64xf32, #tpu.memory_space<vmem_shared>> -> memref<10240x64xf32, #tpu.memory_space<vmem_shared>>
        tpu.wait_indirect_dma semaphore(%run_scoped3A_256 : memref<!tpu.dma_semaphore, #tpu.memory_space<semaphore_mem>>) src(%arg12 : memref<128x64xf32, #tpu.memory_space<vmem>>) dst(%dma_wait3A_268 : memref<10240x64xf32, #tpu.memory_space<vmem_shared>>)
        tpu.yield
      }) : () -> ()
      %add3A_216 = arith.constant 4 : i32
      %add3A_217 = arith.addi %add3A_209, %add3A_216 : i32
      %dma_start3A_218 = arith.constant 0 : i32
      %dma_start3A_219 = tpu.memref_slice %arg8[%add3A_217, %dma_start3A_218] : memref<80x128xi32, #tpu.memory_space<vmem>> -> memref<1x128xi32, #tpu.memory_space<vmem>>
      %dma_start3A_220 = tpu.memref_squeeze %dma_start3A_219 : memref<1x128xi32, #tpu.memory_space<vmem>> -> memref<128xi32, #tpu.memory_space<vmem>>
      %dma_start3A_221 = arith.constant 0 : i32
      %dma_start3A_222 = arith.constant 0 : i32
      %dma_start3A_223 = tpu.memref_slice %arg3[%dma_start3A_221, %dma_start3A_222] : memref<10000x64xf32, #tpu.memory_space<hbm>> -> memref<10000x64xf32, #tpu.memory_space<hbm>>
      tpu.enqueue_indirect_dma source(%dma_start3A_223 : memref<10000x64xf32, #tpu.memory_space<hbm>>) target(%arg12 : memref<128x64xf32, #tpu.memory_space<vmem>>) offsets(%dma_start3A_220 : memref<128xi32, #tpu.memory_space<vmem>>) semaphore(%arg17 : memref<!tpu.dma_semaphore, #tpu.memory_space<semaphore_mem>>)
      %add3A_224 = arith.constant 2 : i32
      %add3A_225 = arith.addi %add3A_191, %add3A_224 : i32
      %dma_wait3A_226 = arith.constant 0 : i32
      %dma_wait3A_227 = tpu.memref_slice %arg8[%add3A_225, %dma_wait3A_226] : memref<80x128xi32, #tpu.memory_space<vmem>> -> memref<1x128xi32, #tpu.memory_space<vmem>>
      %dma_wait3A_228 = tpu.memref_squeeze %dma_wait3A_227 : memref<1x128xi32, #tpu.memory_space<vmem>> -> memref<128xi32, #tpu.memory_space<vmem>>
      %dma_wait3A_229 = arith.constant 0 : i32
      %dma_wait3A_230 = arith.constant 0 : i32
      %dma_wait3A_231 = tpu.memref_slice %arg3[%dma_wait3A_229, %dma_wait3A_230] : memref<10000x64xf32, #tpu.memory_space<hbm>> -> memref<10000x64xf32, #tpu.memory_space<hbm>>
      tpu.wait_indirect_dma semaphore(%arg18 : memref<!tpu.dma_semaphore, #tpu.memory_space<semaphore_mem>>) src(%dma_wait3A_231 : memref<10000x64xf32, #tpu.memory_space<hbm>>) dst(%arg13 : memref<128x64xf32, #tpu.memory_space<vmem>>)
      "tpu.region"() ({
        %run_scoped3A_256 = tpu.sem_alloc : memref<!tpu.dma_semaphore, #tpu.memory_space<semaphore_mem>>
        %dma_start3A_257 = arith.constant 0 : i32
        %dma_start3A_258 = tpu.memref_slice %arg9[%add3A_225, %dma_start3A_257] : memref<80x128xi32, #tpu.memory_space<vmem>> -> memref<1x128xi32, #tpu.memory_space<vmem>>
        %dma_start3A_259 = tpu.memref_squeeze %dma_start3A_258 : memref<1x128xi32, #tpu.memory_space<vmem>> -> memref<128xi32, #tpu.memory_space<vmem>>
        %dma_start3A_260 = arith.constant 0 : i32
        %dma_start3A_261 = arith.constant 0 : i32
        %dma_start3A_262 = tpu.memref_slice %arg15[%dma_start3A_260, %dma_start3A_261] : memref<10240x64xf32, #tpu.memory_space<vmem_shared>> -> memref<10240x64xf32, #tpu.memory_space<vmem_shared>>
        tpu.enqueue_indirect_dma source(%arg13 : memref<128x64xf32, #tpu.memory_space<vmem>>) target(%dma_start3A_262 : memref<10240x64xf32, #tpu.memory_space<vmem_shared>>) offsets(%dma_start3A_259 : memref<128xi32, #tpu.memory_space<vmem>>) semaphore(%run_scoped3A_256 : memref<!tpu.dma_semaphore, #tpu.memory_space<semaphore_mem>>) {add = true}
        %dma_wait3A_263 = arith.constant 0 : i32
        %dma_wait3A_264 = tpu.memref_slice %arg9[%add3A_225, %dma_wait3A_263] : memref<80x128xi32, #tpu.memory_space<vmem>> -> memref<1x128xi32, #tpu.memory_space<vmem>>
        %dma_wait3A_265 = tpu.memref_squeeze %dma_wait3A_264 : memref<1x128xi32, #tpu.memory_space<vmem>> -> memref<128xi32, #tpu.memory_space<vmem>>
        %dma_wait3A_266 = arith.constant 0 : i32
        %dma_wait3A_267 = arith.constant 0 : i32
        %dma_wait3A_268 = tpu.memref_slice %arg15[%dma_wait3A_266, %dma_wait3A_267] : memref<10240x64xf32, #tpu.memory_space<vmem_shared>> -> memref<10240x64xf32, #tpu.memory_space<vmem_shared>>
        tpu.wait_indirect_dma semaphore(%run_scoped3A_256 : memref<!tpu.dma_semaphore, #tpu.memory_space<semaphore_mem>>) src(%arg13 : memref<128x64xf32, #tpu.memory_space<vmem>>) dst(%dma_wait3A_268 : memref<10240x64xf32, #tpu.memory_space<vmem_shared>>)
        tpu.yield
      }) : () -> ()
      %add3A_232 = arith.constant 4 : i32
      %add3A_233 = arith.addi %add3A_225, %add3A_232 : i32
      %dma_start3A_234 = arith.constant 0 : i32
      %dma_start3A_235 = tpu.memref_slice %arg8[%add3A_233, %dma_start3A_234] : memref<80x128xi32, #tpu.memory_space<vmem>> -> memref<1x128xi32, #tpu.memory_space<vmem>>
      %dma_start3A_236 = tpu.memref_squeeze %dma_start3A_235 : memref<1x128xi32, #tpu.memory_space<vmem>> -> memref<128xi32, #tpu.memory_space<vmem>>
      %dma_start3A_237 = arith.constant 0 : i32
      %dma_start3A_238 = arith.constant 0 : i32
      %dma_start3A_239 = tpu.memref_slice %arg3[%dma_start3A_237, %dma_start3A_238] : memref<10000x64xf32, #tpu.memory_space<hbm>> -> memref<10000x64xf32, #tpu.memory_space<hbm>>
      tpu.enqueue_indirect_dma source(%dma_start3A_239 : memref<10000x64xf32, #tpu.memory_space<hbm>>) target(%arg13 : memref<128x64xf32, #tpu.memory_space<vmem>>) offsets(%dma_start3A_236 : memref<128xi32, #tpu.memory_space<vmem>>) semaphore(%arg18 : memref<!tpu.dma_semaphore, #tpu.memory_space<semaphore_mem>>)
      %add3A_240 = arith.constant 3 : i32
      %add3A_241 = arith.addi %add3A_191, %add3A_240 : i32
      %dma_wait3A_242 = arith.constant 0 : i32
      %dma_wait3A_243 = tpu.memref_slice %arg8[%add3A_241, %dma_wait3A_242] : memref<80x128xi32, #tpu.memory_space<vmem>> -> memref<1x128xi32, #tpu.memory_space<vmem>>
      %dma_wait3A_244 = tpu.memref_squeeze %dma_wait3A_243 : memref<1x128xi32, #tpu.memory_space<vmem>> -> memref<128xi32, #tpu.memory_space<vmem>>
      %dma_wait3A_245 = arith.constant 0 : i32
      %dma_wait3A_246 = arith.constant 0 : i32
      %dma_wait3A_247 = tpu.memref_slice %arg3[%dma_wait3A_245, %dma_wait3A_246] : memref<10000x64xf32, #tpu.memory_space<hbm>> -> memref<10000x64xf32, #tpu.memory_space<hbm>>
      tpu.wait_indirect_dma semaphore(%arg19 : memref<!tpu.dma_semaphore, #tpu.memory_space<semaphore_mem>>) src(%dma_wait3A_247 : memref<10000x64xf32, #tpu.memory_space<hbm>>) dst(%arg14 : memref<128x64xf32, #tpu.memory_space<vmem>>)
      "tpu.region"() ({
        %run_scoped3A_256 = tpu.sem_alloc : memref<!tpu.dma_semaphore, #tpu.memory_space<semaphore_mem>>
        %dma_start3A_257 = arith.constant 0 : i32
        %dma_start3A_258 = tpu.memref_slice %arg9[%add3A_241, %dma_start3A_257] : memref<80x128xi32, #tpu.memory_space<vmem>> -> memref<1x128xi32, #tpu.memory_space<vmem>>
        %dma_start3A_259 = tpu.memref_squeeze %dma_start3A_258 : memref<1x128xi32, #tpu.memory_space<vmem>> -> memref<128xi32, #tpu.memory_space<vmem>>
        %dma_start3A_260 = arith.constant 0 : i32
        %dma_start3A_261 = arith.constant 0 : i32
        %dma_start3A_262 = tpu.memref_slice %arg15[%dma_start3A_260, %dma_start3A_261] : memref<10240x64xf32, #tpu.memory_space<vmem_shared>> -> memref<10240x64xf32, #tpu.memory_space<vmem_shared>>
        tpu.enqueue_indirect_dma source(%arg14 : memref<128x64xf32, #tpu.memory_space<vmem>>) target(%dma_start3A_262 : memref<10240x64xf32, #tpu.memory_space<vmem_shared>>) offsets(%dma_start3A_259 : memref<128xi32, #tpu.memory_space<vmem>>) semaphore(%run_scoped3A_256 : memref<!tpu.dma_semaphore, #tpu.memory_space<semaphore_mem>>) {add = true}
        %dma_wait3A_263 = arith.constant 0 : i32
        %dma_wait3A_264 = tpu.memref_slice %arg9[%add3A_241, %dma_wait3A_263] : memref<80x128xi32, #tpu.memory_space<vmem>> -> memref<1x128xi32, #tpu.memory_space<vmem>>
        %dma_wait3A_265 = tpu.memref_squeeze %dma_wait3A_264 : memref<1x128xi32, #tpu.memory_space<vmem>> -> memref<128xi32, #tpu.memory_space<vmem>>
        %dma_wait3A_266 = arith.constant 0 : i32
        %dma_wait3A_267 = arith.constant 0 : i32
        %dma_wait3A_268 = tpu.memref_slice %arg15[%dma_wait3A_266, %dma_wait3A_267] : memref<10240x64xf32, #tpu.memory_space<vmem_shared>> -> memref<10240x64xf32, #tpu.memory_space<vmem_shared>>
        tpu.wait_indirect_dma semaphore(%run_scoped3A_256 : memref<!tpu.dma_semaphore, #tpu.memory_space<semaphore_mem>>) src(%arg14 : memref<128x64xf32, #tpu.memory_space<vmem>>) dst(%dma_wait3A_268 : memref<10240x64xf32, #tpu.memory_space<vmem_shared>>)
        tpu.yield
      }) : () -> ()
      %add3A_248 = arith.constant 4 : i32
      %add3A_249 = arith.addi %add3A_241, %add3A_248 : i32
      %dma_start3A_250 = arith.constant 0 : i32
      %dma_start3A_251 = tpu.memref_slice %arg8[%add3A_249, %dma_start3A_250] : memref<80x128xi32, #tpu.memory_space<vmem>> -> memref<1x128xi32, #tpu.memory_space<vmem>>
      %dma_start3A_252 = tpu.memref_squeeze %dma_start3A_251 : memref<1x128xi32, #tpu.memory_space<vmem>> -> memref<128xi32, #tpu.memory_space<vmem>>
      %dma_start3A_253 = arith.constant 0 : i32
      %dma_start3A_254 = arith.constant 0 : i32
      %dma_start3A_255 = tpu.memref_slice %arg3[%dma_start3A_253, %dma_start3A_254] : memref<10000x64xf32, #tpu.memory_space<hbm>> -> memref<10000x64xf32, #tpu.memory_space<hbm>>
      tpu.enqueue_indirect_dma source(%dma_start3A_255 : memref<10000x64xf32, #tpu.memory_space<hbm>>) target(%arg14 : memref<128x64xf32, #tpu.memory_space<vmem>>) offsets(%dma_start3A_252 : memref<128xi32, #tpu.memory_space<vmem>>) semaphore(%arg19 : memref<!tpu.dma_semaphore, #tpu.memory_space<semaphore_mem>>)
    }
    %scan3A_153 = arith.constant 19 : i32
    %dma_wait3A_154 = arith.constant 76 : i32
    %dma_wait3A_155 = arith.constant 0 : i32
    %dma_wait3A_156 = tpu.memref_slice %arg8[%dma_wait3A_154, %dma_wait3A_155] : memref<80x128xi32, #tpu.memory_space<vmem>> -> memref<1x128xi32, #tpu.memory_space<vmem>>
    %dma_wait3A_157 = tpu.memref_squeeze %dma_wait3A_156 : memref<1x128xi32, #tpu.memory_space<vmem>> -> memref<128xi32, #tpu.memory_space<vmem>>
    %dma_wait3A_158 = arith.constant 0 : i32
    %dma_wait3A_159 = arith.constant 0 : i32
    %dma_wait3A_160 = tpu.memref_slice %arg3[%dma_wait3A_158, %dma_wait3A_159] : memref<10000x64xf32, #tpu.memory_space<hbm>> -> memref<10000x64xf32, #tpu.memory_space<hbm>>
    tpu.wait_indirect_dma semaphore(%arg16 : memref<!tpu.dma_semaphore, #tpu.memory_space<semaphore_mem>>) src(%dma_wait3A_160 : memref<10000x64xf32, #tpu.memory_space<hbm>>) dst(%arg11 : memref<128x64xf32, #tpu.memory_space<vmem>>)
    %run_scoped3A_161 = arith.constant 76 : i32
    "tpu.region"() ({
      %run_scoped3A_187 = tpu.sem_alloc : memref<!tpu.dma_semaphore, #tpu.memory_space<semaphore_mem>>
      %dma_start3A_188 = arith.constant 0 : i32
      %dma_start3A_189 = tpu.memref_slice %arg9[%run_scoped3A_161, %dma_start3A_188] : memref<80x128xi32, #tpu.memory_space<vmem>> -> memref<1x128xi32, #tpu.memory_space<vmem>>
      %dma_start3A_190 = tpu.memref_squeeze %dma_start3A_189 : memref<1x128xi32, #tpu.memory_space<vmem>> -> memref<128xi32, #tpu.memory_space<vmem>>
      %dma_start3A_191 = arith.constant 0 : i32
      %dma_start3A_192 = arith.constant 0 : i32
      %dma_start3A_193 = tpu.memref_slice %arg15[%dma_start3A_191, %dma_start3A_192] : memref<10240x64xf32, #tpu.memory_space<vmem_shared>> -> memref<10240x64xf32, #tpu.memory_space<vmem_shared>>
      tpu.enqueue_indirect_dma source(%arg11 : memref<128x64xf32, #tpu.memory_space<vmem>>) target(%dma_start3A_193 : memref<10240x64xf32, #tpu.memory_space<vmem_shared>>) offsets(%dma_start3A_190 : memref<128xi32, #tpu.memory_space<vmem>>) semaphore(%run_scoped3A_187 : memref<!tpu.dma_semaphore, #tpu.memory_space<semaphore_mem>>) {add = true}
      %dma_wait3A_194 = arith.constant 0 : i32
      %dma_wait3A_195 = tpu.memref_slice %arg9[%run_scoped3A_161, %dma_wait3A_194] : memref<80x128xi32, #tpu.memory_space<vmem>> -> memref<1x128xi32, #tpu.memory_space<vmem>>
      %dma_wait3A_196 = tpu.memref_squeeze %dma_wait3A_195 : memref<1x128xi32, #tpu.memory_space<vmem>> -> memref<128xi32, #tpu.memory_space<vmem>>
      %dma_wait3A_197 = arith.constant 0 : i32
      %dma_wait3A_198 = arith.constant 0 : i32
      %dma_wait3A_199 = tpu.memref_slice %arg15[%dma_wait3A_197, %dma_wait3A_198] : memref<10240x64xf32, #tpu.memory_space<vmem_shared>> -> memref<10240x64xf32, #tpu.memory_space<vmem_shared>>
      tpu.wait_indirect_dma semaphore(%run_scoped3A_187 : memref<!tpu.dma_semaphore, #tpu.memory_space<semaphore_mem>>) src(%arg11 : memref<128x64xf32, #tpu.memory_space<vmem>>) dst(%dma_wait3A_199 : memref<10240x64xf32, #tpu.memory_space<vmem_shared>>)
      tpu.yield
    }) : () -> ()
    %dma_wait3A_162 = arith.constant 77 : i32
    %dma_wait3A_163 = arith.constant 0 : i32
    %dma_wait3A_164 = tpu.memref_slice %arg8[%dma_wait3A_162, %dma_wait3A_163] : memref<80x128xi32, #tpu.memory_space<vmem>> -> memref<1x128xi32, #tpu.memory_space<vmem>>
    %dma_wait3A_165 = tpu.memref_squeeze %dma_wait3A_164 : memref<1x128xi32, #tpu.memory_space<vmem>> -> memref<128xi32, #tpu.memory_space<vmem>>
    %dma_wait3A_166 = arith.constant 0 : i32
    %dma_wait3A_167 = arith.constant 0 : i32
    %dma_wait3A_168 = tpu.memref_slice %arg3[%dma_wait3A_166, %dma_wait3A_167] : memref<10000x64xf32, #tpu.memory_space<hbm>> -> memref<10000x64xf32, #tpu.memory_space<hbm>>
    tpu.wait_indirect_dma semaphore(%arg17 : memref<!tpu.dma_semaphore, #tpu.memory_space<semaphore_mem>>) src(%dma_wait3A_168 : memref<10000x64xf32, #tpu.memory_space<hbm>>) dst(%arg12 : memref<128x64xf32, #tpu.memory_space<vmem>>)
    %run_scoped3A_169 = arith.constant 77 : i32
    "tpu.region"() ({
      %run_scoped3A_187 = tpu.sem_alloc : memref<!tpu.dma_semaphore, #tpu.memory_space<semaphore_mem>>
      %dma_start3A_188 = arith.constant 0 : i32
      %dma_start3A_189 = tpu.memref_slice %arg9[%run_scoped3A_169, %dma_start3A_188] : memref<80x128xi32, #tpu.memory_space<vmem>> -> memref<1x128xi32, #tpu.memory_space<vmem>>
      %dma_start3A_190 = tpu.memref_squeeze %dma_start3A_189 : memref<1x128xi32, #tpu.memory_space<vmem>> -> memref<128xi32, #tpu.memory_space<vmem>>
      %dma_start3A_191 = arith.constant 0 : i32
      %dma_start3A_192 = arith.constant 0 : i32
      %dma_start3A_193 = tpu.memref_slice %arg15[%dma_start3A_191, %dma_start3A_192] : memref<10240x64xf32, #tpu.memory_space<vmem_shared>> -> memref<10240x64xf32, #tpu.memory_space<vmem_shared>>
      tpu.enqueue_indirect_dma source(%arg12 : memref<128x64xf32, #tpu.memory_space<vmem>>) target(%dma_start3A_193 : memref<10240x64xf32, #tpu.memory_space<vmem_shared>>) offsets(%dma_start3A_190 : memref<128xi32, #tpu.memory_space<vmem>>) semaphore(%run_scoped3A_187 : memref<!tpu.dma_semaphore, #tpu.memory_space<semaphore_mem>>) {add = true}
      %dma_wait3A_194 = arith.constant 0 : i32
      %dma_wait3A_195 = tpu.memref_slice %arg9[%run_scoped3A_169, %dma_wait3A_194] : memref<80x128xi32, #tpu.memory_space<vmem>> -> memref<1x128xi32, #tpu.memory_space<vmem>>
      %dma_wait3A_196 = tpu.memref_squeeze %dma_wait3A_195 : memref<1x128xi32, #tpu.memory_space<vmem>> -> memref<128xi32, #tpu.memory_space<vmem>>
      %dma_wait3A_197 = arith.constant 0 : i32
      %dma_wait3A_198 = arith.constant 0 : i32
      %dma_wait3A_199 = tpu.memref_slice %arg15[%dma_wait3A_197, %dma_wait3A_198] : memref<10240x64xf32, #tpu.memory_space<vmem_shared>> -> memref<10240x64xf32, #tpu.memory_space<vmem_shared>>
      tpu.wait_indirect_dma semaphore(%run_scoped3A_187 : memref<!tpu.dma_semaphore, #tpu.memory_space<semaphore_mem>>) src(%arg12 : memref<128x64xf32, #tpu.memory_space<vmem>>) dst(%dma_wait3A_199 : memref<10240x64xf32, #tpu.memory_space<vmem_shared>>)
      tpu.yield
    }) : () -> ()
    %dma_wait3A_170 = arith.constant 78 : i32
    %dma_wait3A_171 = arith.constant 0 : i32
    %dma_wait3A_172 = tpu.memref_slice %arg8[%dma_wait3A_170, %dma_wait3A_171] : memref<80x128xi32, #tpu.memory_space<vmem>> -> memref<1x128xi32, #tpu.memory_space<vmem>>
    %dma_wait3A_173 = tpu.memref_squeeze %dma_wait3A_172 : memref<1x128xi32, #tpu.memory_space<vmem>> -> memref<128xi32, #tpu.memory_space<vmem>>
    %dma_wait3A_174 = arith.constant 0 : i32
    %dma_wait3A_175 = arith.constant 0 : i32
    %dma_wait3A_176 = tpu.memref_slice %arg3[%dma_wait3A_174, %dma_wait3A_175] : memref<10000x64xf32, #tpu.memory_space<hbm>> -> memref<10000x64xf32, #tpu.memory_space<hbm>>
    tpu.wait_indirect_dma semaphore(%arg18 : memref<!tpu.dma_semaphore, #tpu.memory_space<semaphore_mem>>) src(%dma_wait3A_176 : memref<10000x64xf32, #tpu.memory_space<hbm>>) dst(%arg13 : memref<128x64xf32, #tpu.memory_space<vmem>>)
    %run_scoped3A_177 = arith.constant 78 : i32
    "tpu.region"() ({
      %run_scoped3A_187 = tpu.sem_alloc : memref<!tpu.dma_semaphore, #tpu.memory_space<semaphore_mem>>
      %dma_start3A_188 = arith.constant 0 : i32
      %dma_start3A_189 = tpu.memref_slice %arg9[%run_scoped3A_177, %dma_start3A_188] : memref<80x128xi32, #tpu.memory_space<vmem>> -> memref<1x128xi32, #tpu.memory_space<vmem>>
      %dma_start3A_190 = tpu.memref_squeeze %dma_start3A_189 : memref<1x128xi32, #tpu.memory_space<vmem>> -> memref<128xi32, #tpu.memory_space<vmem>>
      %dma_start3A_191 = arith.constant 0 : i32
      %dma_start3A_192 = arith.constant 0 : i32
      %dma_start3A_193 = tpu.memref_slice %arg15[%dma_start3A_191, %dma_start3A_192] : memref<10240x64xf32, #tpu.memory_space<vmem_shared>> -> memref<10240x64xf32, #tpu.memory_space<vmem_shared>>
      tpu.enqueue_indirect_dma source(%arg13 : memref<128x64xf32, #tpu.memory_space<vmem>>) target(%dma_start3A_193 : memref<10240x64xf32, #tpu.memory_space<vmem_shared>>) offsets(%dma_start3A_190 : memref<128xi32, #tpu.memory_space<vmem>>) semaphore(%run_scoped3A_187 : memref<!tpu.dma_semaphore, #tpu.memory_space<semaphore_mem>>) {add = true}
      %dma_wait3A_194 = arith.constant 0 : i32
      %dma_wait3A_195 = tpu.memref_slice %arg9[%run_scoped3A_177, %dma_wait3A_194] : memref<80x128xi32, #tpu.memory_space<vmem>> -> memref<1x128xi32, #tpu.memory_space<vmem>>
      %dma_wait3A_196 = tpu.memref_squeeze %dma_wait3A_195 : memref<1x128xi32, #tpu.memory_space<vmem>> -> memref<128xi32, #tpu.memory_space<vmem>>
      %dma_wait3A_197 = arith.constant 0 : i32
      %dma_wait3A_198 = arith.constant 0 : i32
      %dma_wait3A_199 = tpu.memref_slice %arg15[%dma_wait3A_197, %dma_wait3A_198] : memref<10240x64xf32, #tpu.memory_space<vmem_shared>> -> memref<10240x64xf32, #tpu.memory_space<vmem_shared>>
      tpu.wait_indirect_dma semaphore(%run_scoped3A_187 : memref<!tpu.dma_semaphore, #tpu.memory_space<semaphore_mem>>) src(%arg13 : memref<128x64xf32, #tpu.memory_space<vmem>>) dst(%dma_wait3A_199 : memref<10240x64xf32, #tpu.memory_space<vmem_shared>>)
      tpu.yield
    }) : () -> ()
    %dma_wait3A_178 = arith.constant 79 : i32
    %dma_wait3A_179 = arith.constant 0 : i32
    %dma_wait3A_180 = tpu.memref_slice %arg8[%dma_wait3A_178, %dma_wait3A_179] : memref<80x128xi32, #tpu.memory_space<vmem>> -> memref<1x128xi32, #tpu.memory_space<vmem>>
    %dma_wait3A_181 = tpu.memref_squeeze %dma_wait3A_180 : memref<1x128xi32, #tpu.memory_space<vmem>> -> memref<128xi32, #tpu.memory_space<vmem>>
    %dma_wait3A_182 = arith.constant 0 : i32
    %dma_wait3A_183 = arith.constant 0 : i32
    %dma_wait3A_184 = tpu.memref_slice %arg3[%dma_wait3A_182, %dma_wait3A_183] : memref<10000x64xf32, #tpu.memory_space<hbm>> -> memref<10000x64xf32, #tpu.memory_space<hbm>>
    tpu.wait_indirect_dma semaphore(%arg19 : memref<!tpu.dma_semaphore, #tpu.memory_space<semaphore_mem>>) src(%dma_wait3A_184 : memref<10000x64xf32, #tpu.memory_space<hbm>>) dst(%arg14 : memref<128x64xf32, #tpu.memory_space<vmem>>)
    %run_scoped3A_185 = arith.constant 79 : i32
    "tpu.region"() ({
      %run_scoped3A_187 = tpu.sem_alloc : memref<!tpu.dma_semaphore, #tpu.memory_space<semaphore_mem>>
      %dma_start3A_188 = arith.constant 0 : i32
      %dma_start3A_189 = tpu.memref_slice %arg9[%run_scoped3A_185, %dma_start3A_188] : memref<80x128xi32, #tpu.memory_space<vmem>> -> memref<1x128xi32, #tpu.memory_space<vmem>>
      %dma_start3A_190 = tpu.memref_squeeze %dma_start3A_189 : memref<1x128xi32, #tpu.memory_space<vmem>> -> memref<128xi32, #tpu.memory_space<vmem>>
      %dma_start3A_191 = arith.constant 0 : i32
      %dma_start3A_192 = arith.constant 0 : i32
      %dma_start3A_193 = tpu.memref_slice %arg15[%dma_start3A_191, %dma_start3A_192] : memref<10240x64xf32, #tpu.memory_space<vmem_shared>> -> memref<10240x64xf32, #tpu.memory_space<vmem_shared>>
      tpu.enqueue_indirect_dma source(%arg14 : memref<128x64xf32, #tpu.memory_space<vmem>>) target(%dma_start3A_193 : memref<10240x64xf32, #tpu.memory_space<vmem_shared>>) offsets(%dma_start3A_190 : memref<128xi32, #tpu.memory_space<vmem>>) semaphore(%run_scoped3A_187 : memref<!tpu.dma_semaphore, #tpu.memory_space<semaphore_mem>>) {add = true}
      %dma_wait3A_194 = arith.constant 0 : i32
      %dma_wait3A_195 = tpu.memref_slice %arg9[%run_scoped3A_185, %dma_wait3A_194] : memref<80x128xi32, #tpu.memory_space<vmem>> -> memref<1x128xi32, #tpu.memory_space<vmem>>
      %dma_wait3A_196 = tpu.memref_squeeze %dma_wait3A_195 : memref<1x128xi32, #tpu.memory_space<vmem>> -> memref<128xi32, #tpu.memory_space<vmem>>
      %dma_wait3A_197 = arith.constant 0 : i32
      %dma_wait3A_198 = arith.constant 0 : i32
      %dma_wait3A_199 = tpu.memref_slice %arg15[%dma_wait3A_197, %dma_wait3A_198] : memref<10240x64xf32, #tpu.memory_space<vmem_shared>> -> memref<10240x64xf32, #tpu.memory_space<vmem_shared>>
      tpu.wait_indirect_dma semaphore(%run_scoped3A_187 : memref<!tpu.dma_semaphore, #tpu.memory_space<semaphore_mem>>) src(%arg14 : memref<128x64xf32, #tpu.memory_space<vmem>>) dst(%dma_wait3A_199 : memref<10240x64xf32, #tpu.memory_space<vmem_shared>>)
      tpu.yield
    }) : () -> ()
    %barrier3A_186 = arith.constant 0 : index
    tpu.barrier barrier_id(%barrier3A_186)
    "tpu.region"() ({
      %run_scoped3A_187 = tpu.sem_alloc : memref<!tpu.dma_semaphore, #tpu.memory_space<semaphore_mem>>
      %dma_start3A_188 = arith.constant 0 : i32
      %dma_start3A_189 = tpu.memref_slice %arg7[%arg0, %mul3A_6, %dma_start3A_188] : memref<2x10240x64xf32, #tpu.memory_space<hbm>> -> memref<1x640x64xf32, #tpu.memory_space<hbm>>
      %dma_start3A_190 = tpu.memref_squeeze %dma_start3A_189 : memref<1x640x64xf32, #tpu.memory_space<hbm>> -> memref<640x64xf32, #tpu.memory_space<hbm>>
      %dma_start3A_191 = arith.constant 0 : i32
      %dma_start3A_192 = tpu.memref_slice %arg15[%mul3A_6, %dma_start3A_191] : memref<10240x64xf32, #tpu.memory_space<vmem_shared>> -> memref<640x64xf32, #tpu.memory_space<vmem_shared>>
      tpu.enqueue_dma source(%dma_start3A_192 : memref<640x64xf32, #tpu.memory_space<vmem_shared>>) target(%dma_start3A_190 : memref<640x64xf32, #tpu.memory_space<hbm>>) target_semaphore(%run_scoped3A_187 : memref<!tpu.dma_semaphore, #tpu.memory_space<semaphore_mem>>)
      %dma_wait3A_193 = arith.constant 0 : i32
      %dma_wait3A_194 = tpu.memref_slice %arg7[%arg0, %mul3A_6, %dma_wait3A_193] : memref<2x10240x64xf32, #tpu.memory_space<hbm>> -> memref<1x640x64xf32, #tpu.memory_space<hbm>>
      %dma_wait3A_195 = tpu.memref_squeeze %dma_wait3A_194 : memref<1x640x64xf32, #tpu.memory_space<hbm>> -> memref<640x64xf32, #tpu.memory_space<hbm>>
      %dma_wait3A_196 = arith.constant 0 : i32
      %dma_wait3A_197 = tpu.memref_slice %arg15[%mul3A_6, %dma_wait3A_196] : memref<10240x64xf32, #tpu.memory_space<vmem_shared>> -> memref<640x64xf32, #tpu.memory_space<vmem_shared>>
      tpu.wait_dma2 semaphore(%run_scoped3A_187 : memref<!tpu.dma_semaphore, #tpu.memory_space<semaphore_mem>>) src(%dma_wait3A_197 : memref<640x64xf32, #tpu.memory_space<vmem_shared>>) dst(%dma_wait3A_195 : memref<640x64xf32, #tpu.memory_space<hbm>>)
      tpu.yield
    }) : () -> ()
    return
  }
}

#map = affine_map<(d0, d1) -> (0, 0, 0)>
#map1 = affine_map<(d0, d1) -> (0, 0)>
module attributes {stable_mosaic.version = 14 : i64} {
  func.func @_sc_degree(%arg0: i32, %arg1: i32, %arg2: memref<32x80x128xi32, #tpu.memory_space<hbm>>, %arg3: memref<128x8xf32, #tpu.memory_space<hbm>>, %arg4: memref<640x8xf32, #tpu.memory_space<hbm>>, %arg5: memref<2x10240x8xf32, #tpu.memory_space<hbm>>, %arg6: memref<80x128xi32, #tpu.memory_space<vmem>>, %arg7: memref<128x8xf32, #tpu.memory_space<vmem>>, %arg8: memref<10240x8xf32, #tpu.memory_space<vmem_shared>>, %arg9: memref<!tpu.dma_semaphore, #tpu.memory_space<semaphore_mem>>) attributes {dimension_semantics = [#tpu.dimension_semantics<core_parallel>, #tpu.dimension_semantics<subcore_parallel>], iteration_bounds = array<i64: 2, 16>, scalar_prefetch = 0 : i64, scratch_operands = 4 : i64, tpu.core_type = #tpu.core_type<sc_vector_subcore>, window_params = [{transform_indices = #map}, {transform_indices = #map1}, {transform_indices = #map1}, {transform_indices = #map}]} {
    %mul3A = arith.constant 16 : i32
    %mul3A_0 = arith.muli %arg0, %mul3A : i32
    %add3A = arith.addi %mul3A_0, %arg1 : i32
    "tpu.region"() ({
      %run_scoped3A = tpu.sem_alloc : memref<!tpu.dma_semaphore, #tpu.memory_space<semaphore_mem>>
      tpu.enqueue_dma source(%arg3 : memref<128x8xf32, #tpu.memory_space<hbm>>) target(%arg7 : memref<128x8xf32, #tpu.memory_space<vmem>>) target_semaphore(%run_scoped3A : memref<!tpu.dma_semaphore, #tpu.memory_space<semaphore_mem>>)
      tpu.wait_dma2 semaphore(%run_scoped3A : memref<!tpu.dma_semaphore, #tpu.memory_space<semaphore_mem>>) src(%arg3 : memref<128x8xf32, #tpu.memory_space<hbm>>) dst(%arg7 : memref<128x8xf32, #tpu.memory_space<vmem>>)
      tpu.yield
    }) : () -> ()
    "tpu.region"() ({
      %run_scoped3A = tpu.sem_alloc : memref<!tpu.dma_semaphore, #tpu.memory_space<semaphore_mem>>
      %dma_start3A = arith.constant 0 : i32
      %dma_start3A_17 = arith.constant 0 : i32
      %dma_start3A_18 = tpu.memref_slice %arg2[%add3A, %dma_start3A, %dma_start3A_17] : memref<32x80x128xi32, #tpu.memory_space<hbm>> -> memref<1x80x128xi32, #tpu.memory_space<hbm>>
      %dma_start3A_19 = tpu.memref_squeeze %dma_start3A_18 : memref<1x80x128xi32, #tpu.memory_space<hbm>> -> memref<80x128xi32, #tpu.memory_space<hbm>>
      %dma_start3A_20 = arith.constant 0 : i32
      %dma_start3A_21 = arith.constant 0 : i32
      %dma_start3A_22 = tpu.memref_slice %arg2[%add3A, %dma_start3A_20, %dma_start3A_21] : memref<32x80x128xi32, #tpu.memory_space<hbm>> -> memref<1x80x128xi32, #tpu.memory_space<hbm>>
      %dma_start3A_23 = tpu.memref_squeeze %dma_start3A_22 : memref<1x80x128xi32, #tpu.memory_space<hbm>> -> memref<80x128xi32, #tpu.memory_space<hbm>>
      tpu.enqueue_dma source(%dma_start3A_23 : memref<80x128xi32, #tpu.memory_space<hbm>>) target(%arg6 : memref<80x128xi32, #tpu.memory_space<vmem>>) target_semaphore(%run_scoped3A : memref<!tpu.dma_semaphore, #tpu.memory_space<semaphore_mem>>)
      %dma_wait3A = arith.constant 0 : i32
      %dma_wait3A_24 = arith.constant 0 : i32
      %dma_wait3A_25 = tpu.memref_slice %arg2[%add3A, %dma_wait3A, %dma_wait3A_24] : memref<32x80x128xi32, #tpu.memory_space<hbm>> -> memref<1x80x128xi32, #tpu.memory_space<hbm>>
      %dma_wait3A_26 = tpu.memref_squeeze %dma_wait3A_25 : memref<1x80x128xi32, #tpu.memory_space<hbm>> -> memref<80x128xi32, #tpu.memory_space<hbm>>
      %dma_wait3A_27 = arith.constant 0 : i32
      %dma_wait3A_28 = arith.constant 0 : i32
      %dma_wait3A_29 = tpu.memref_slice %arg2[%add3A, %dma_wait3A_27, %dma_wait3A_28] : memref<32x80x128xi32, #tpu.memory_space<hbm>> -> memref<1x80x128xi32, #tpu.memory_space<hbm>>
      %dma_wait3A_30 = tpu.memref_squeeze %dma_wait3A_29 : memref<1x80x128xi32, #tpu.memory_space<hbm>> -> memref<80x128xi32, #tpu.memory_space<hbm>>
      tpu.wait_dma2 semaphore(%run_scoped3A : memref<!tpu.dma_semaphore, #tpu.memory_space<semaphore_mem>>) src(%dma_wait3A_30 : memref<80x128xi32, #tpu.memory_space<hbm>>) dst(%arg6 : memref<80x128xi32, #tpu.memory_space<vmem>>)
      tpu.yield
    }) : () -> ()
    %mul3A_1 = arith.constant 640 : i32
    %mul3A_2 = arith.muli %arg1, %mul3A_1 : i32
    "tpu.region"() ({
      %run_scoped3A = tpu.sem_alloc : memref<!tpu.dma_semaphore, #tpu.memory_space<semaphore_mem>>
      %dma_start3A = arith.constant 0 : i32
      %dma_start3A_17 = tpu.memref_slice %arg8[%mul3A_2, %dma_start3A] : memref<10240x8xf32, #tpu.memory_space<vmem_shared>> -> memref<640x8xf32, #tpu.memory_space<vmem_shared>>
      tpu.enqueue_dma source(%arg4 : memref<640x8xf32, #tpu.memory_space<hbm>>) target(%dma_start3A_17 : memref<640x8xf32, #tpu.memory_space<vmem_shared>>) target_semaphore(%run_scoped3A : memref<!tpu.dma_semaphore, #tpu.memory_space<semaphore_mem>>)
      %dma_wait3A = arith.constant 0 : i32
      %dma_wait3A_18 = tpu.memref_slice %arg8[%mul3A_2, %dma_wait3A] : memref<10240x8xf32, #tpu.memory_space<vmem_shared>> -> memref<640x8xf32, #tpu.memory_space<vmem_shared>>
      tpu.wait_dma2 semaphore(%run_scoped3A : memref<!tpu.dma_semaphore, #tpu.memory_space<semaphore_mem>>) src(%arg4 : memref<640x8xf32, #tpu.memory_space<hbm>>) dst(%dma_wait3A_18 : memref<640x8xf32, #tpu.memory_space<vmem_shared>>)
      tpu.yield
    }) : () -> ()
    %barrier3A = arith.constant 0 : index
    tpu.barrier barrier_id(%barrier3A)
    %scan3A = arith.constant 0 : i32
    %scan3A_3 = arith.constant 80 : i32
    %scan3A_4 = arith.addi %scan3A, %scan3A_3 : i32
    %scan3A_5 = arith.constant 1 : i32
    scf.for %scan3A_17 = %scan3A to %scan3A_4 step %scan3A_5  : i32 {
      %mul3A_18 = arith.constant 1 : i32
      %mul3A_19 = arith.muli %scan3A_17, %mul3A_18 : i32
      %add3A_20 = arith.constant 0 : i32
      %add3A_21 = arith.addi %add3A_20, %mul3A_19 : i32
      %dma_start3A = arith.constant 0 : i32
      %dma_start3A_22 = tpu.memref_slice %arg6[%add3A_21, %dma_start3A] : memref<80x128xi32, #tpu.memory_space<vmem>> -> memref<1x128xi32, #tpu.memory_space<vmem>>
      %dma_start3A_23 = tpu.memref_squeeze %dma_start3A_22 : memref<1x128xi32, #tpu.memory_space<vmem>> -> memref<128xi32, #tpu.memory_space<vmem>>
      %dma_start3A_24 = arith.constant 0 : i32
      %dma_start3A_25 = arith.constant 0 : i32
      %dma_start3A_26 = tpu.memref_slice %arg8[%dma_start3A_24, %dma_start3A_25] : memref<10240x8xf32, #tpu.memory_space<vmem_shared>> -> memref<10240x8xf32, #tpu.memory_space<vmem_shared>>
      tpu.enqueue_indirect_dma source(%arg7 : memref<128x8xf32, #tpu.memory_space<vmem>>) target(%dma_start3A_26 : memref<10240x8xf32, #tpu.memory_space<vmem_shared>>) offsets(%dma_start3A_23 : memref<128xi32, #tpu.memory_space<vmem>>) semaphore(%arg9 : memref<!tpu.dma_semaphore, #tpu.memory_space<semaphore_mem>>) {add = true}
    }
    %scan3A_6 = arith.constant 80 : i32
    %scan3A_7 = arith.constant 0 : i32
    %scan3A_8 = arith.constant 80 : i32
    %scan3A_9 = arith.addi %scan3A_7, %scan3A_8 : i32
    %scan3A_10 = arith.constant 1 : i32
    scf.for %scan3A_17 = %scan3A_7 to %scan3A_9 step %scan3A_10  : i32 {
      %mul3A_18 = arith.constant 1 : i32
      %mul3A_19 = arith.muli %scan3A_17, %mul3A_18 : i32
      %add3A_20 = arith.constant 0 : i32
      %add3A_21 = arith.addi %add3A_20, %mul3A_19 : i32
      %dma_wait3A = arith.constant 0 : i32
      %dma_wait3A_22 = tpu.memref_slice %arg6[%add3A_21, %dma_wait3A] : memref<80x128xi32, #tpu.memory_space<vmem>> -> memref<1x128xi32, #tpu.memory_space<vmem>>
      %dma_wait3A_23 = tpu.memref_squeeze %dma_wait3A_22 : memref<1x128xi32, #tpu.memory_space<vmem>> -> memref<128xi32, #tpu.memory_space<vmem>>
      %dma_wait3A_24 = arith.constant 0 : i32
      %dma_wait3A_25 = arith.constant 0 : i32
      %dma_wait3A_26 = tpu.memref_slice %arg8[%dma_wait3A_24, %dma_wait3A_25] : memref<10240x8xf32, #tpu.memory_space<vmem_shared>> -> memref<10240x8xf32, #tpu.memory_space<vmem_shared>>
      tpu.wait_indirect_dma semaphore(%arg9 : memref<!tpu.dma_semaphore, #tpu.memory_space<semaphore_mem>>) src(%arg7 : memref<128x8xf32, #tpu.memory_space<vmem>>) dst(%dma_wait3A_26 : memref<10240x8xf32, #tpu.memory_space<vmem_shared>>)
    }
    %scan3A_11 = arith.constant 80 : i32
    %barrier3A_12 = arith.constant 0 : index
    tpu.barrier barrier_id(%barrier3A_12)
    %mul3A_13 = arith.constant 640 : i32
    %mul3A_14 = arith.muli %arg1, %mul3A_13 : i32
    %mul3A_15 = arith.constant 640 : i32
    %mul3A_16 = arith.muli %arg1, %mul3A_15 : i32
    "tpu.region"() ({
      %run_scoped3A = tpu.sem_alloc : memref<!tpu.dma_semaphore, #tpu.memory_space<semaphore_mem>>
      %dma_start3A = arith.constant 0 : i32
      %dma_start3A_17 = tpu.memref_slice %arg5[%arg0, %mul3A_16, %dma_start3A] : memref<2x10240x8xf32, #tpu.memory_space<hbm>> -> memref<1x640x8xf32, #tpu.memory_space<hbm>>
      %dma_start3A_18 = tpu.memref_squeeze %dma_start3A_17 : memref<1x640x8xf32, #tpu.memory_space<hbm>> -> memref<640x8xf32, #tpu.memory_space<hbm>>
      %dma_start3A_19 = arith.constant 0 : i32
      %dma_start3A_20 = tpu.memref_slice %arg8[%mul3A_14, %dma_start3A_19] : memref<10240x8xf32, #tpu.memory_space<vmem_shared>> -> memref<640x8xf32, #tpu.memory_space<vmem_shared>>
      tpu.enqueue_dma source(%dma_start3A_20 : memref<640x8xf32, #tpu.memory_space<vmem_shared>>) target(%dma_start3A_18 : memref<640x8xf32, #tpu.memory_space<hbm>>) target_semaphore(%run_scoped3A : memref<!tpu.dma_semaphore, #tpu.memory_space<semaphore_mem>>)
      %dma_wait3A = arith.constant 0 : i32
      %dma_wait3A_21 = tpu.memref_slice %arg5[%arg0, %mul3A_16, %dma_wait3A] : memref<2x10240x8xf32, #tpu.memory_space<hbm>> -> memref<1x640x8xf32, #tpu.memory_space<hbm>>
      %dma_wait3A_22 = tpu.memref_squeeze %dma_wait3A_21 : memref<1x640x8xf32, #tpu.memory_space<hbm>> -> memref<640x8xf32, #tpu.memory_space<hbm>>
      %dma_wait3A_23 = arith.constant 0 : i32
      %dma_wait3A_24 = tpu.memref_slice %arg8[%mul3A_14, %dma_wait3A_23] : memref<10240x8xf32, #tpu.memory_space<vmem_shared>> -> memref<640x8xf32, #tpu.memory_space<vmem_shared>>
      tpu.wait_dma2 semaphore(%run_scoped3A : memref<!tpu.dma_semaphore, #tpu.memory_space<semaphore_mem>>) src(%dma_wait3A_24 : memref<640x8xf32, #tpu.memory_space<vmem_shared>>) dst(%dma_wait3A_22 : memref<640x8xf32, #tpu.memory_space<hbm>>)
      tpu.yield
    }) : () -> ()
    return
  }
}

module attributes {stable_mosaic.version = 14 : i64} {
  func.func @_stage1a_body(%arg0: i32, %arg1: memref<5000x128xf32, #tpu.memory_space<vmem>>, %arg2: memref<128x128xf32, #tpu.memory_space<vmem>>, %arg3: memref<5000x128xf32, #tpu.memory_space<vmem>>) attributes {dimension_semantics = [#tpu.dimension_semantics<arbitrary>], iteration_bounds = array<i64: 2>, scalar_prefetch = 0 : i64, scratch_operands = 0 : i64, tpu.core_type = #tpu.core_type<tc>, window_params = [{transform_indices = @transform_0, window_bounds = array<i64: 5000, 128>}, {pipeline_mode = #tpu.pipeline_mode<synchronous>, transform_indices = @transform_1, window_bounds = array<i64: 128, 128>}, {transform_indices = @transform_2, window_bounds = array<i64: 5000, 128>}]} {
    %get3A = arith.constant 0 : index
    %get3A_0 = arith.constant 0 : index
    %get3A_1 = vector.load %arg1[%get3A, %get3A_0] : memref<5000x128xf32, #tpu.memory_space<vmem>>, vector<5000x128xf32>
    %get3A_2 = arith.constant 0 : index
    %get3A_3 = arith.constant 0 : index
    %get3A_4 = vector.load %arg2[%get3A_2, %get3A_3] : memref<128x128xf32, #tpu.memory_space<vmem>>, vector<128x128xf32>
    %dot_general3A = arith.constant dense<0.000000e+00> : vector<5000x128xf32>
    %dot_general3A_5 = tpu.matmul %get3A_1, %get3A_4, %dot_general3A {dimension_numbers = #tpu.dot_dimension_numbers<[1], [0], [0], [1], [0, 0, 1, 1], [], []>, transpose_lhs_hint = false} : vector<5000x128xf32>, vector<128x128xf32>, vector<5000x128xf32> -> vector<5000x128xf32>
    %swap3A = arith.constant 0 : index
    %swap3A_6 = arith.constant 0 : index
    %swap3A_7 = vector.load %arg3[%swap3A, %swap3A_6] : memref<5000x128xf32, #tpu.memory_space<vmem>>, vector<5000x128xf32>
    tpu.vector_store %arg3[%swap3A, %swap3A_6], %dot_general3A_5 {strides = array<i32>} : memref<5000x128xf32, #tpu.memory_space<vmem>>, vector<5000x128xf32>,
    return
  }
  func.func @transform_0(%arg0: i32) -> (i32, i32) {
    %c0_i32 = arith.constant 0 : i32
    %c0_i32_0 = arith.constant 0 : i32
    return %arg0, %c0_i32 : i32, i32
  }
  func.func @transform_1(%arg0: i32) -> (i32, i32) {
    %c0_i32 = arith.constant 0 : i32
    %c0_i32_0 = arith.constant 0 : i32
    %c0_i32_1 = arith.constant 0 : i32
    return %c0_i32, %c0_i32_0 : i32, i32
  }
  func.func @transform_2(%arg0: i32) -> (i32, i32) {
    %c0_i32 = arith.constant 0 : i32
    %c0_i32_0 = arith.constant 0 : i32
    return %arg0, %c0_i32 : i32, i32
  }
}

module attributes {stable_mosaic.version = 14 : i64} {
  func.func @_stage1b_body(%arg0: i32, %arg1: memref<5000x128xf32, #tpu.memory_space<vmem>>, %arg2: memref<2x5000x8xf32, #tpu.memory_space<vmem>>, %arg3: memref<5000x64xf32, #tpu.memory_space<vmem>>, %arg4: memref<5000x64xf32, #tpu.memory_space<vmem>>, %arg5: memref<5000x1xf32, #tpu.memory_space<vmem>>) attributes {dimension_semantics = [#tpu.dimension_semantics<arbitrary>], iteration_bounds = array<i64: 2>, scalar_prefetch = 0 : i64, scratch_operands = 0 : i64, tpu.core_type = #tpu.core_type<tc>, window_params = [{transform_indices = @transform_0, window_bounds = array<i64: 5000, 128>}, {transform_indices = @transform_1, window_bounds = array<i64: 2, 5000, 8>}, {transform_indices = @transform_2, window_bounds = array<i64: 5000, 64>}, {transform_indices = @transform_3, window_bounds = array<i64: 5000, 64>}, {transform_indices = @transform_4, window_bounds = array<i64: 5000, 1>}]} {
    %get3A = arith.constant 0 : index
    %get3A_0 = arith.constant 0 : index
    %get3A_1 = arith.constant 0 : index
    %get3A_2 = vector.load %arg2[%get3A, %get3A_0, %get3A_1] : memref<2x5000x8xf32, #tpu.memory_space<vmem>>, vector<1x5000x1xf32>
    %get3A_3 = vector.shape_cast %get3A_2 : vector<1x5000x1xf32> to vector<5000x1xf32>
    %get3A_4 = arith.constant 1 : index
    %get3A_5 = arith.constant 0 : index
    %get3A_6 = arith.constant 0 : index
    %get3A_7 = vector.load %arg2[%get3A_4, %get3A_5, %get3A_6] : memref<2x5000x8xf32, #tpu.memory_space<vmem>>, vector<1x5000x1xf32>
    %get3A_8 = vector.shape_cast %get3A_7 : vector<1x5000x1xf32> to vector<5000x1xf32>
    %add3A = arith.addf %get3A_3, %get3A_8 : vector<5000x1xf32>
    %add3A_9 = arith.constant 1.000000e+00 : f32
    %add3A_10 = vector.broadcast %add3A_9 : f32 to vector<5000x1xf32>
    %add3A_11 = arith.addf %add3A, %add3A_10 : vector<5000x1xf32>
    %rsqrt3A = math.rsqrt %add3A_11 : vector<5000x1xf32>
    %get3A_12 = arith.constant 0 : index
    %get3A_13 = arith.constant 0 : index
    %get3A_14 = vector.load %arg1[%get3A_12, %get3A_13] : memref<5000x128xf32, #tpu.memory_space<vmem>>, vector<5000x128xf32>
    %mul3A = vector.broadcast %rsqrt3A : vector<5000x1xf32> to vector<5000x128xf32>
    %mul3A_15 = arith.mulf %get3A_14, %mul3A : vector<5000x128xf32>
    %slice3A = vector.extract_strided_slice %mul3A_15 {offsets = [0, 0], sizes = [5000, 64], strides = [1, 1]} : vector<5000x128xf32> to vector<5000x64xf32>
    %swap3A = arith.constant 0 : index
    %swap3A_16 = arith.constant 0 : index
    %swap3A_17 = vector.load %arg3[%swap3A, %swap3A_16] : memref<5000x64xf32, #tpu.memory_space<vmem>>, vector<5000x64xf32>
    tpu.vector_store %arg3[%swap3A, %swap3A_16], %slice3A {strides = array<i32>} : memref<5000x64xf32, #tpu.memory_space<vmem>>, vector<5000x64xf32>,
    %slice3A_18 = vector.extract_strided_slice %mul3A_15 {offsets = [0, 64], sizes = [5000, 64], strides = [1, 1]} : vector<5000x128xf32> to vector<5000x64xf32>
    %swap3A_19 = arith.constant 0 : index
    %swap3A_20 = arith.constant 0 : index
    %swap3A_21 = vector.load %arg4[%swap3A_19, %swap3A_20] : memref<5000x64xf32, #tpu.memory_space<vmem>>, vector<5000x64xf32>
    tpu.vector_store %arg4[%swap3A_19, %swap3A_20], %slice3A_18 {strides = array<i32>} : memref<5000x64xf32, #tpu.memory_space<vmem>>, vector<5000x64xf32>,
    %swap3A_22 = arith.constant 0 : index
    %swap3A_23 = arith.constant 0 : index
    %swap3A_24 = vector.load %arg5[%swap3A_22, %swap3A_23] : memref<5000x1xf32, #tpu.memory_space<vmem>>, vector<5000x1xf32>
    tpu.vector_store %arg5[%swap3A_22, %swap3A_23], %rsqrt3A {strides = array<i32>} : memref<5000x1xf32, #tpu.memory_space<vmem>>, vector<5000x1xf32>,
    return
  }
  func.func @transform_0(%arg0: i32) -> (i32, i32) {
    %c0_i32 = arith.constant 0 : i32
    %c0_i32_0 = arith.constant 0 : i32
    return %arg0, %c0_i32 : i32, i32
  }
  func.func @transform_1(%arg0: i32) -> (i32, i32, i32) {
    %c0_i32 = arith.constant 0 : i32
    %c0_i32_0 = arith.constant 0 : i32
    %c0_i32_1 = arith.constant 0 : i32
    return %c0_i32, %arg0, %c0_i32_0 : i32, i32, i32
  }
  func.func @transform_2(%arg0: i32) -> (i32, i32) {
    %c0_i32 = arith.constant 0 : i32
    %c0_i32_0 = arith.constant 0 : i32
    return %arg0, %c0_i32 : i32, i32
  }
  func.func @transform_3(%arg0: i32) -> (i32, i32) {
    %c0_i32 = arith.constant 0 : i32
    %c0_i32_0 = arith.constant 0 : i32
    return %arg0, %c0_i32 : i32, i32
  }
  func.func @transform_4(%arg0: i32) -> (i32, i32) {
    %c0_i32 = arith.constant 0 : i32
    %c0_i32_0 = arith.constant 0 : i32
    return %arg0, %c0_i32 : i32, i32
  }
}

module attributes {stable_mosaic.version = 14 : i64} {
  func.func @_stage2_body(%arg0: i32, %arg1: memref<2x5000x64xf32, #tpu.memory_space<vmem>>, %arg2: memref<2x5000x64xf32, #tpu.memory_space<vmem>>, %arg3: memref<5000x64xf32, #tpu.memory_space<vmem>>, %arg4: memref<5000x64xf32, #tpu.memory_space<vmem>>, %arg5: memref<5000x1xf32, #tpu.memory_space<vmem>>, %arg6: memref<1x128xf32, #tpu.memory_space<vmem>>, %arg7: memref<128x128xf32, #tpu.memory_space<vmem>>, %arg8: memref<5000x64xf32, #tpu.memory_space<vmem>>, %arg9: memref<5000x64xf32, #tpu.memory_space<vmem>>) attributes {dimension_semantics = [#tpu.dimension_semantics<arbitrary>], iteration_bounds = array<i64: 2>, scalar_prefetch = 0 : i64, scratch_operands = 0 : i64, tpu.core_type = #tpu.core_type<tc>, window_params = [{transform_indices = @transform_0, window_bounds = array<i64: 2, 5000, 64>}, {transform_indices = @transform_1, window_bounds = array<i64: 2, 5000, 64>}, {transform_indices = @transform_2, window_bounds = array<i64: 5000, 64>}, {transform_indices = @transform_3, window_bounds = array<i64: 5000, 64>}, {transform_indices = @transform_4, window_bounds = array<i64: 5000, 1>}, {pipeline_mode = #tpu.pipeline_mode<synchronous>, transform_indices = @transform_5, window_bounds = array<i64: 1, 128>}, {pipeline_mode = #tpu.pipeline_mode<synchronous>, transform_indices = @transform_6, window_bounds = array<i64: 128, 128>}, {transform_indices = @transform_7, window_bounds = array<i64: 5000, 64>}, {transform_indices = @transform_8, window_bounds = array<i64: 5000, 64>}]} {
    %get3A = arith.constant 0 : index
    %get3A_0 = arith.constant 0 : index
    %get3A_1 = vector.load %arg5[%get3A, %get3A_0] : memref<5000x1xf32, #tpu.memory_space<vmem>>, vector<5000x1xf32>
    %get3A_2 = arith.constant 0 : index
    %get3A_3 = arith.constant 0 : index
    %get3A_4 = arith.constant 0 : index
    %get3A_5 = vector.load %arg1[%get3A_2, %get3A_3, %get3A_4] : memref<2x5000x64xf32, #tpu.memory_space<vmem>>, vector<1x5000x64xf32>
    %get3A_6 = vector.shape_cast %get3A_5 : vector<1x5000x64xf32> to vector<5000x64xf32>
    %get3A_7 = arith.constant 1 : index
    %get3A_8 = arith.constant 0 : index
    %get3A_9 = arith.constant 0 : index
    %get3A_10 = vector.load %arg1[%get3A_7, %get3A_8, %get3A_9] : memref<2x5000x64xf32, #tpu.memory_space<vmem>>, vector<1x5000x64xf32>
    %get3A_11 = vector.shape_cast %get3A_10 : vector<1x5000x64xf32> to vector<5000x64xf32>
    %add3A = arith.addf %get3A_6, %get3A_11 : vector<5000x64xf32>
    %get3A_12 = arith.constant 0 : index
    %get3A_13 = arith.constant 0 : index
    %get3A_14 = vector.load %arg3[%get3A_12, %get3A_13] : memref<5000x64xf32, #tpu.memory_space<vmem>>, vector<5000x64xf32>
    %add3A_15 = arith.addf %add3A, %get3A_14 : vector<5000x64xf32>
    %get3A_16 = arith.constant 0 : index
    %get3A_17 = arith.constant 0 : index
    %get3A_18 = arith.constant 0 : index
    %get3A_19 = vector.load %arg2[%get3A_16, %get3A_17, %get3A_18] : memref<2x5000x64xf32, #tpu.memory_space<vmem>>, vector<1x5000x64xf32>
    %get3A_20 = vector.shape_cast %get3A_19 : vector<1x5000x64xf32> to vector<5000x64xf32>
    %get3A_21 = arith.constant 1 : index
    %get3A_22 = arith.constant 0 : index
    %get3A_23 = arith.constant 0 : index
    %get3A_24 = vector.load %arg2[%get3A_21, %get3A_22, %get3A_23] : memref<2x5000x64xf32, #tpu.memory_space<vmem>>, vector<1x5000x64xf32>
    %get3A_25 = vector.shape_cast %get3A_24 : vector<1x5000x64xf32> to vector<5000x64xf32>
    %add3A_26 = arith.addf %get3A_20, %get3A_25 : vector<5000x64xf32>
    %get3A_27 = arith.constant 0 : index
    %get3A_28 = arith.constant 0 : index
    %get3A_29 = vector.load %arg4[%get3A_27, %get3A_28] : memref<5000x64xf32, #tpu.memory_space<vmem>>, vector<5000x64xf32>
    %add3A_30 = arith.addf %add3A_26, %get3A_29 : vector<5000x64xf32>
    %concatenate3A = tpu.concatenate %add3A_15, %add3A_30 in 1 : vector<5000x64xf32>, vector<5000x64xf32> -> vector<5000x128xf32>
    %mul3A = vector.broadcast %get3A_1 : vector<5000x1xf32> to vector<5000x128xf32>
    %mul3A_31 = arith.mulf %mul3A, %concatenate3A : vector<5000x128xf32>
    %get3A_32 = arith.constant 0 : index
    %get3A_33 = arith.constant 0 : index
    %get3A_34 = vector.load %arg6[%get3A_32, %get3A_33] : memref<1x128xf32, #tpu.memory_space<vmem>>, vector<1x128xf32>
    %add3A_35 = vector.broadcast %get3A_34 : vector<1x128xf32> to vector<5000x128xf32>
    %add3A_36 = arith.addf %mul3A_31, %add3A_35 : vector<5000x128xf32>
    %max3A = arith.constant 0.000000e+00 : f32
    %max3A_37 = vector.broadcast %max3A : f32 to vector<5000x128xf32>
    %max3A_38 = arith.maximumf %add3A_36, %max3A_37 : vector<5000x128xf32>
    %get3A_39 = arith.constant 0 : index
    %get3A_40 = arith.constant 0 : index
    %get3A_41 = vector.load %arg7[%get3A_39, %get3A_40] : memref<128x128xf32, #tpu.memory_space<vmem>>, vector<128x128xf32>
    %dot_general3A = arith.constant dense<0.000000e+00> : vector<5000x128xf32>
    %dot_general3A_42 = tpu.matmul %max3A_38, %get3A_41, %dot_general3A {dimension_numbers = #tpu.dot_dimension_numbers<[1], [0], [0], [1], [0, 0, 1, 1], [], []>, transpose_lhs_hint = false} : vector<5000x128xf32>, vector<128x128xf32>, vector<5000x128xf32> -> vector<5000x128xf32>
    %mul3A_43 = vector.broadcast %get3A_1 : vector<5000x1xf32> to vector<5000x128xf32>
    %mul3A_44 = arith.mulf %dot_general3A_42, %mul3A_43 : vector<5000x128xf32>
    %slice3A = vector.extract_strided_slice %mul3A_44 {offsets = [0, 0], sizes = [5000, 64], strides = [1, 1]} : vector<5000x128xf32> to vector<5000x64xf32>
    %swap3A = arith.constant 0 : index
    %swap3A_45 = arith.constant 0 : index
    %swap3A_46 = vector.load %arg8[%swap3A, %swap3A_45] : memref<5000x64xf32, #tpu.memory_space<vmem>>, vector<5000x64xf32>
    tpu.vector_store %arg8[%swap3A, %swap3A_45], %slice3A {strides = array<i32>} : memref<5000x64xf32, #tpu.memory_space<vmem>>, vector<5000x64xf32>,
    %slice3A_47 = vector.extract_strided_slice %mul3A_44 {offsets = [0, 64], sizes = [5000, 64], strides = [1, 1]} : vector<5000x128xf32> to vector<5000x64xf32>
    %swap3A_48 = arith.constant 0 : index
    %swap3A_49 = arith.constant 0 : index
    %swap3A_50 = vector.load %arg9[%swap3A_48, %swap3A_49] : memref<5000x64xf32, #tpu.memory_space<vmem>>, vector<5000x64xf32>
    tpu.vector_store %arg9[%swap3A_48, %swap3A_49], %slice3A_47 {strides = array<i32>} : memref<5000x64xf32, #tpu.memory_space<vmem>>, vector<5000x64xf32>,
    return
  }
  func.func @transform_0(%arg0: i32) -> (i32, i32, i32) {
    %c0_i32 = arith.constant 0 : i32
    %c0_i32_0 = arith.constant 0 : i32
    %c0_i32_1 = arith.constant 0 : i32
    return %c0_i32, %arg0, %c0_i32_0 : i32, i32, i32
  }
  func.func @transform_1(%arg0: i32) -> (i32, i32, i32) {
    %c0_i32 = arith.constant 0 : i32
    %c0_i32_0 = arith.constant 0 : i32
    %c0_i32_1 = arith.constant 0 : i32
    return %c0_i32, %arg0, %c0_i32_0 : i32, i32, i32
  }
  func.func @transform_2(%arg0: i32) -> (i32, i32) {
    %c0_i32 = arith.constant 0 : i32
    %c0_i32_0 = arith.constant 0 : i32
    return %arg0, %c0_i32 : i32, i32
  }
  func.func @transform_3(%arg0: i32) -> (i32, i32) {
    %c0_i32 = arith.constant 0 : i32
    %c0_i32_0 = arith.constant 0 : i32
    return %arg0, %c0_i32 : i32, i32
  }
  func.func @transform_4(%arg0: i32) -> (i32, i32) {
    %c0_i32 = arith.constant 0 : i32
    %c0_i32_0 = arith.constant 0 : i32
    return %arg0, %c0_i32 : i32, i32
  }
  func.func @transform_5(%arg0: i32) -> (i32, i32) {
    %c0_i32 = arith.constant 0 : i32
    %c0_i32_0 = arith.constant 0 : i32
    %c0_i32_1 = arith.constant 0 : i32
    return %c0_i32, %c0_i32_0 : i32, i32
  }
  func.func @transform_6(%arg0: i32) -> (i32, i32) {
    %c0_i32 = arith.constant 0 : i32
    %c0_i32_0 = arith.constant 0 : i32
    %c0_i32_1 = arith.constant 0 : i32
    return %c0_i32, %c0_i32_0 : i32, i32
  }
  func.func @transform_7(%arg0: i32) -> (i32, i32) {
    %c0_i32 = arith.constant 0 : i32
    %c0_i32_0 = arith.constant 0 : i32
    return %arg0, %c0_i32 : i32, i32
  }
  func.func @transform_8(%arg0: i32) -> (i32, i32) {
    %c0_i32 = arith.constant 0 : i32
    %c0_i32_0 = arith.constant 0 : i32
    return %arg0, %c0_i32 : i32, i32
  }
}

module attributes {stable_mosaic.version = 14 : i64} {
  func.func @_stage3_body(%arg0: i32, %arg1: memref<2x5000x64xf32, #tpu.memory_space<vmem>>, %arg2: memref<2x5000x64xf32, #tpu.memory_space<vmem>>, %arg3: memref<5000x64xf32, #tpu.memory_space<vmem>>, %arg4: memref<5000x64xf32, #tpu.memory_space<vmem>>, %arg5: memref<5000x1xf32, #tpu.memory_space<vmem>>, %arg6: memref<1x128xf32, #tpu.memory_space<vmem>>, %arg7: memref<128x8xf32, #tpu.memory_space<vmem>>, %arg8: memref<1x8xf32, #tpu.memory_space<vmem>>, %arg9: memref<5000x8xf32, #tpu.memory_space<vmem>>) attributes {dimension_semantics = [#tpu.dimension_semantics<arbitrary>], iteration_bounds = array<i64: 2>, scalar_prefetch = 0 : i64, scratch_operands = 0 : i64, tpu.core_type = #tpu.core_type<tc>, window_params = [{transform_indices = @transform_0, window_bounds = array<i64: 2, 5000, 64>}, {transform_indices = @transform_1, window_bounds = array<i64: 2, 5000, 64>}, {transform_indices = @transform_2, window_bounds = array<i64: 5000, 64>}, {transform_indices = @transform_3, window_bounds = array<i64: 5000, 64>}, {transform_indices = @transform_4, window_bounds = array<i64: 5000, 1>}, {pipeline_mode = #tpu.pipeline_mode<synchronous>, transform_indices = @transform_5, window_bounds = array<i64: 1, 128>}, {pipeline_mode = #tpu.pipeline_mode<synchronous>, transform_indices = @transform_6, window_bounds = array<i64: 128, 8>}, {pipeline_mode = #tpu.pipeline_mode<synchronous>, transform_indices = @transform_7, window_bounds = array<i64: 1, 8>}, {transform_indices = @transform_8, window_bounds = array<i64: 5000, 8>}]} {
    %get3A = arith.constant 0 : index
    %get3A_0 = arith.constant 0 : index
    %get3A_1 = arith.constant 0 : index
    %get3A_2 = vector.load %arg1[%get3A, %get3A_0, %get3A_1] : memref<2x5000x64xf32, #tpu.memory_space<vmem>>, vector<1x5000x64xf32>
    %get3A_3 = vector.shape_cast %get3A_2 : vector<1x5000x64xf32> to vector<5000x64xf32>
    %get3A_4 = arith.constant 1 : index
    %get3A_5 = arith.constant 0 : index
    %get3A_6 = arith.constant 0 : index
    %get3A_7 = vector.load %arg1[%get3A_4, %get3A_5, %get3A_6] : memref<2x5000x64xf32, #tpu.memory_space<vmem>>, vector<1x5000x64xf32>
    %get3A_8 = vector.shape_cast %get3A_7 : vector<1x5000x64xf32> to vector<5000x64xf32>
    %add3A = arith.addf %get3A_3, %get3A_8 : vector<5000x64xf32>
    %get3A_9 = arith.constant 0 : index
    %get3A_10 = arith.constant 0 : index
    %get3A_11 = vector.load %arg3[%get3A_9, %get3A_10] : memref<5000x64xf32, #tpu.memory_space<vmem>>, vector<5000x64xf32>
    %add3A_12 = arith.addf %add3A, %get3A_11 : vector<5000x64xf32>
    %get3A_13 = arith.constant 0 : index
    %get3A_14 = arith.constant 0 : index
    %get3A_15 = arith.constant 0 : index
    %get3A_16 = vector.load %arg2[%get3A_13, %get3A_14, %get3A_15] : memref<2x5000x64xf32, #tpu.memory_space<vmem>>, vector<1x5000x64xf32>
    %get3A_17 = vector.shape_cast %get3A_16 : vector<1x5000x64xf32> to vector<5000x64xf32>
    %get3A_18 = arith.constant 1 : index
    %get3A_19 = arith.constant 0 : index
    %get3A_20 = arith.constant 0 : index
    %get3A_21 = vector.load %arg2[%get3A_18, %get3A_19, %get3A_20] : memref<2x5000x64xf32, #tpu.memory_space<vmem>>, vector<1x5000x64xf32>
    %get3A_22 = vector.shape_cast %get3A_21 : vector<1x5000x64xf32> to vector<5000x64xf32>
    %add3A_23 = arith.addf %get3A_17, %get3A_22 : vector<5000x64xf32>
    %get3A_24 = arith.constant 0 : index
    %get3A_25 = arith.constant 0 : index
    %get3A_26 = vector.load %arg4[%get3A_24, %get3A_25] : memref<5000x64xf32, #tpu.memory_space<vmem>>, vector<5000x64xf32>
    %add3A_27 = arith.addf %add3A_23, %get3A_26 : vector<5000x64xf32>
    %concatenate3A = tpu.concatenate %add3A_12, %add3A_27 in 1 : vector<5000x64xf32>, vector<5000x64xf32> -> vector<5000x128xf32>
    %get3A_28 = arith.constant 0 : index
    %get3A_29 = arith.constant 0 : index
    %get3A_30 = vector.load %arg5[%get3A_28, %get3A_29] : memref<5000x1xf32, #tpu.memory_space<vmem>>, vector<5000x1xf32>
    %mul3A = vector.broadcast %get3A_30 : vector<5000x1xf32> to vector<5000x128xf32>
    %mul3A_31 = arith.mulf %mul3A, %concatenate3A : vector<5000x128xf32>
    %get3A_32 = arith.constant 0 : index
    %get3A_33 = arith.constant 0 : index
    %get3A_34 = vector.load %arg6[%get3A_32, %get3A_33] : memref<1x128xf32, #tpu.memory_space<vmem>>, vector<1x128xf32>
    %add3A_35 = vector.broadcast %get3A_34 : vector<1x128xf32> to vector<5000x128xf32>
    %add3A_36 = arith.addf %mul3A_31, %add3A_35 : vector<5000x128xf32>
    %max3A = arith.constant 0.000000e+00 : f32
    %max3A_37 = vector.broadcast %max3A : f32 to vector<5000x128xf32>
    %max3A_38 = arith.maximumf %add3A_36, %max3A_37 : vector<5000x128xf32>
    %get3A_39 = arith.constant 0 : index
    %get3A_40 = arith.constant 0 : index
    %get3A_41 = vector.load %arg7[%get3A_39, %get3A_40] : memref<128x8xf32, #tpu.memory_space<vmem>>, vector<128x8xf32>
    %dot_general3A = arith.constant dense<0.000000e+00> : vector<5000x8xf32>
    %dot_general3A_42 = tpu.matmul %max3A_38, %get3A_41, %dot_general3A {dimension_numbers = #tpu.dot_dimension_numbers<[1], [0], [0], [1], [0, 0, 1, 1], [], []>, transpose_lhs_hint = false} : vector<5000x128xf32>, vector<128x8xf32>, vector<5000x8xf32> -> vector<5000x8xf32>
    %get3A_43 = arith.constant 0 : index
    %get3A_44 = arith.constant 0 : index
    %get3A_45 = vector.load %arg8[%get3A_43, %get3A_44] : memref<1x8xf32, #tpu.memory_space<vmem>>, vector<1x8xf32>
    %add3A_46 = vector.broadcast %get3A_45 : vector<1x8xf32> to vector<5000x8xf32>
    %add3A_47 = arith.addf %dot_general3A_42, %add3A_46 : vector<5000x8xf32>
    %swap3A = arith.constant 0 : index
    %swap3A_48 = arith.constant 0 : index
    %swap3A_49 = vector.load %arg9[%swap3A, %swap3A_48] : memref<5000x8xf32, #tpu.memory_space<vmem>>, vector<5000x8xf32>
    tpu.vector_store %arg9[%swap3A, %swap3A_48], %add3A_47 {strides = array<i32>} : memref<5000x8xf32, #tpu.memory_space<vmem>>, vector<5000x8xf32>,
    return
  }
  func.func @transform_0(%arg0: i32) -> (i32, i32, i32) {
    %c0_i32 = arith.constant 0 : i32
    %c0_i32_0 = arith.constant 0 : i32
    %c0_i32_1 = arith.constant 0 : i32
    return %c0_i32, %arg0, %c0_i32_0 : i32, i32, i32
  }
  func.func @transform_1(%arg0: i32) -> (i32, i32, i32) {
    %c0_i32 = arith.constant 0 : i32
    %c0_i32_0 = arith.constant 0 : i32
    %c0_i32_1 = arith.constant 0 : i32
    return %c0_i32, %arg0, %c0_i32_0 : i32, i32, i32
  }
  func.func @transform_2(%arg0: i32) -> (i32, i32) {
    %c0_i32 = arith.constant 0 : i32
    %c0_i32_0 = arith.constant 0 : i32
    return %arg0, %c0_i32 : i32, i32
  }
  func.func @transform_3(%arg0: i32) -> (i32, i32) {
    %c0_i32 = arith.constant 0 : i32
    %c0_i32_0 = arith.constant 0 : i32
    return %arg0, %c0_i32 : i32, i32
  }
  func.func @transform_4(%arg0: i32) -> (i32, i32) {
    %c0_i32 = arith.constant 0 : i32
    %c0_i32_0 = arith.constant 0 : i32
    return %arg0, %c0_i32 : i32, i32
  }
  func.func @transform_5(%arg0: i32) -> (i32, i32) {
    %c0_i32 = arith.constant 0 : i32
    %c0_i32_0 = arith.constant 0 : i32
    %c0_i32_1 = arith.constant 0 : i32
    return %c0_i32, %c0_i32_0 : i32, i32
  }
  func.func @transform_6(%arg0: i32) -> (i32, i32) {
    %c0_i32 = arith.constant 0 : i32
    %c0_i32_0 = arith.constant 0 : i32
    %c0_i32_1 = arith.constant 0 : i32
    return %c0_i32, %c0_i32_0 : i32, i32
  }
  func.func @transform_7(%arg0: i32) -> (i32, i32) {
    %c0_i32 = arith.constant 0 : i32
    %c0_i32_0 = arith.constant 0 : i32
    %c0_i32_1 = arith.constant 0 : i32
    return %c0_i32, %c0_i32_0 : i32, i32
  }
  func.func @transform_8(%arg0: i32) -> (i32, i32) {
    %c0_i32 = arith.constant 0 : i32
    %c0_i32_0 = arith.constant 0 : i32
    return %arg0, %c0_i32 : i32, i32
  }
}

</mosaic_0001>

<sc_bundles>
// kernel: kernel.12.cloned.1.call-start
scs
__scs_entry_jumppad:
0x0: {  	(pc) =	sbr.rel $0x88, $3  }
0x1: {  	(tag) =	ssettag $0x0;
	lr =	simm.s32 $0x1  }
0x2: {  	[smem:$0x3F99] =	sst lr;
	_ =	strace $0xD0000000  }
0x3: {  	_ = 	snop  }
0x4: {  	_ = 	snop  }
0x5: {  	_ = 	snop  }
0x6: {  	_ = 	snop  }
0x7: {  	_ = 	snop  }
__scs_overlays_trampoline_lowered:
0x8: {  	[smem:$0x3FA8] =	sst s0  }
0x9: {  	[smem:$0x3FA9] =	sst s1  }
0xa: {  	[smem:$0x3FAA] =	sst s2  }
0xb: {  	[smem:$0x3FAB] =	sst s3  }
0xc: {  	[smem:$0x3FAC] =	sst s4  }
0xd: {  	[smem:$0x3FAD] =	sst s5  }
0xe: {  	[smem:$0x3FAE] =	sst s6  }
0xf: {  	[smem:$0x3FAF] =	sst s7  }
0x10: {  	[smem:$0x3FB0] =	sst s8  }
0x11: {  	[smem:$0x3FB1] =	sst s9;
	s0 =	simm.s32 @!p0 $0x0  }
0x12: {  	s1 =	sld [smem:$0x3F97];
	s0 =	simm.s32 @p0 $0x1  }
0x13: {  	[smem:$0x3FB2] =	sst s0;
	s0 =	simm.s32 @!p1 $0x0  }
0x14: {  	s2 =	sld [smem:$0x3F96];
	s0 =	simm.s32 @p1 $0x1  }
0x15: {  	[smem:$0x3FB3] =	sst s0;
	s0 =	simm.s32 @!p2 $0x0  }
0x16: {  	s3 =	sld [smem:$0x3FDB];
	s0 =	simm.s32 @p2 $0x1  }
0x17: {  	s4 =	simm.s32 $0x1BF5;
	[smem:$0x3FB5] =	sst s0  }
0x18: {  	s0 =	sld [smem:$0x3F98];
	_ =	swait.ge [sflag:s4], $0x0  }
0x19: {  	s7 =	sld [smem:$0x3F99]  }
0x1a: {  	s8 =	sadd.s32 $0xFFFFE003, lr  }
0x1b: {  	s9 =	sadd.s32 $0xFFFFFEF7, lr;
	s5 =	simm.s32 $0xFFFFFFFF;
	p2 =	slt.u32 s8, $0xFFFFF086  }
0x1c: {  	p1 =	slt.u32 s9, $0xF7A;
	s5 =	simm.s32 @!p2 $0x0  }
0x1d: {  	s5 =	simm.s32 @p1 $0x1;
	p0 =	seq.s32 s7, s2  }
0x1e: {  	s7 =	smul.u32 @!p0 $0xF7A, s2;
	p2 =	seq.s32 @!p0 s5, $0x0  }
0x1f: {  	s9 =	smul.u32 $0xF7A, s1;
	s8 =	simm.s32 @!p0 $0x1BF5;
	p2 =	por !p2, p0  }
0x20: {  	[sflag:s8] =	ssyncset.s32 @!p0 $0xFFFFF086;
	s6 =	sadd.s32 @!p0 s3, s7;
	s7 =	simm.s32 @!p0 $0x108  }
0x21: {  	s3 =	sadd.s32 s3, s9;
	s6 =	sadd.s32 @!p0 $0x88, s6;
	s7 =	simm.s32 @p2 $0x1082  }
0x22: {  	[simem:s7], [sflag:s8] =	dma.local @!p0 [hbm:s6], $0xF7A  }
0x23: {  	s9 =	sor.u32 $0xD0000000, s2;
	s6 =	simm.s32 $0x108;
	_ =	swait.ge @!p0 [sflag:s8], $0x0  }
0x24: {  	s3 =	sadd.s32 $0x88, s3;
	s6 =	simm.s32 @!p1 $0x1082;
	[sflag:s4] =	ssyncset.s32 $0xFFFFF086  }
0x25: {  	[simem:s6], [sflag:s4] =	dma.local [hbm:s3], $0xF7A  }
0x26: {  	[smem:$0x3F99] =	sst s1;
	(tag) =	ssettag s2;
	_ =	strace s9  }
0x27: {  	s1 =	sld [smem:$0x3FA9]  }
0x28: {  	s2 =	sld [smem:$0x3FAA]  }
0x29: {  	s4 =	sld [smem:$0x3FAC]  }
0x2a: {  	p0 =	seq.s32 s5, $0x0;
	s5 =	sld [smem:$0x3FAD]  }
0x2b: {  	s6 =	sld [smem:$0x3FAE]  }
0x2c: {  	s7 =	sld [smem:$0x3FAF]  }
0x2d: {  	s3 =	simm.s32 $0x108;
	s8 =	sld [smem:$0x3FB0]  }
0x2e: {  	s3 =	simm.s32 @!p0 $0x1082;
	s9 =	sld [smem:$0x3FB1]  }
0x2f: {  	lr =	sadd.s32 s0, s3;
	s0 =	sld [smem:$0x3FA8]  }
0x30: {  	s3 =	sld [smem:$0x3FAB]  }
0x31: {  	[smem:$0x3FB4] =	sst s10  }
0x32: {  	s10 =	sld [smem:$0x3FB2];
	_ =	sdelay $0x3  }
0x33: {  	p0 =	seq.s32 s10, $0x1;
	s10 =	sld [smem:$0x3FB4];
	_ =	sdelay $0x3  }
0x34: {  	[smem:$0x3FB4] =	sst s10  }
0x35: {  	s10 =	sld [smem:$0x3FB3];
	_ =	sdelay $0x3  }
0x36: {  	p1 =	seq.s32 s10, $0x1;
	s10 =	sld [smem:$0x3FB4];
	_ =	sdelay $0x3  }
0x37: {  	[smem:$0x3FB4] =	sst s10  }
0x38: {  	s10 =	sld [smem:$0x3FB5]  }
0x39: {  	_ = 	snop;
	(pc) =	sbr.ind lr, $3  }
0x3a: {  	_ = 	snop  }
0x3b: {  	_ = 	snop  }
0x3c: {  	p2 =	seq.s32 s10, $0x1;
	s10 =	sld [smem:$0x3FB4]  }
0x3d: {  	_ =	shalt  }
0x3e: {  	_ =	shalt  }
0x3f: {  	_ =	shalt  }
0x40: {  	_ =	shalt  }
0x41: {  	_ =	shalt  }
0x42: {  	_ =	shalt  }
0x43: {  	_ =	shalt  }
0x44: {  	_ =	shalt  }
0x45: {  	_ =	shalt  }
0x46: {  	_ =	shalt  }
0x47: {  	_ =	shalt  }
0x48: {  	_ =	shalt  }
0x49: {  	_ =	shalt  }
0x4a: {  	_ =	shalt  }
0x4b: {  	_ =	shalt  }
0x4c: {  	_ =	shalt  }
0x4d: {  	_ =	shalt  }
0x4e: {  	_ =	shalt  }
0x4f: {  	_ =	shalt  }
0x50: {  	_ =	shalt  }
0x51: {  	_ =	shalt  }
0x52: {  	_ =	shalt  }
0x53: {  	_ =	shalt  }
0x54: {  	_ =	shalt  }
0x55: {  	_ =	shalt  }
0x56: {  	_ =	shalt  }
0x57: {  	_ =	shalt  }
0x58: {  	_ =	shalt  }
0x59: {  	_ =	shalt  }
0x5a: {  	_ =	shalt  }
0x5b: {  	_ =	shalt  }
0x5c: {  	_ =	shalt  }
0x5d: {  	_ =	shalt  }
0x5e: {  	_ =	shalt  }
0x5f: {  	_ =	shalt  }
0x60: {  	_ =	shalt  }
0x61: {  	_ =	shalt  }
0x62: {  	_ =	shalt  }
0x63: {  	_ =	shalt  }
0x64: {  	_ =	shalt  }
0x65: {  	_ =	shalt  }
0x66: {  	_ =	shalt  }
0x67: {  	_ =	shalt  }
0x68: {  	_ =	shalt  }
0x69: {  	_ =	shalt  }
0x6a: {  	_ =	shalt  }
0x6b: {  	_ =	shalt  }
0x6c: {  	_ =	shalt  }
0x6d: {  	_ =	shalt  }
0x6e: {  	_ =	shalt  }
0x6f: {  	_ =	shalt  }
0x70: {  	_ =	shalt  }
0x71: {  	_ =	shalt  }
0x72: {  	_ =	shalt  }
0x73: {  	_ =	shalt  }
0x74: {  	_ =	shalt  }
0x75: {  	_ =	shalt  }
0x76: {  	_ =	shalt  }
0x77: {  	_ =	shalt  }
0x78: {  	_ =	shalt  }
0x79: {  	_ =	shalt  }
0x7a: {  	_ =	shalt  }
0x7b: {  	_ =	shalt  }
0x7c: {  	_ =	shalt  }
0x7d: {  	_ =	shalt  }
0x7e: {  	_ =	shalt  }
0x7f: {  	_ =	shalt  }
0x80: {  	_ =	shalt  }
0x81: {  	_ =	shalt  }
0x82: {  	_ =	shalt  }
0x83: {  	_ =	shalt  }
0x84: {  	_ =	shalt  }
0x85: {  	_ =	shalt  }
0x86: {  	_ =	shalt  }
0x87: {  	_ =	shalt  }
.Lfunc_end0:
.L_simem_size_0:
called_computation.1_lowered:
.L_overlay_start_0:
0x88: {  	s2 =	sld [smem:$0x3FD9]  }
0x89: {  	s3 =	sld [smem:$0x3FFE];
	_ =	sdelay $0x1  }
0x8a: {  	s1 =	srdreg.scid  }
0x8b: {  	s0 =	sand.u32 $0x1, s1  }
0x8c: {  	s16 =	sshll.u32 s0, $0xA;
	s2 =	sadd.s32 s3, s2  }
0x8d: {  	s2 =	sadd.s32 s2, s16  }
0x8e: {  	[smem:$0x3FC0] =	sst s2  }
0x8f: {  	_ = 	snop  }
0x90: {  	(tm) =	ssettm $0x1  }
0x91: {  	s17 =	sld [smem:$0x3FFB];
	_ =	sdelay $0x3  }
0x92: {  	_ =	strace s17  }
0x93: {  	s2 =	sld [smem:$0x3FFC];
	_ =	sdelay $0x3  }
0x94: {  	_ =	strace s2  }
0x95: {  	s2 =	sld [smem:$0x3FFD];
	_ =	sdelay $0x3  }
0x96: {  	_ =	strace s2  }
0x97: {  	_ =	strace $0x8FFFFFFF  }
0x98: {  	s18 =	sld [smem:$0x3FDB];
	_ =	sdelay $0x1  }
0x99: {  	s19 =	simm.s32 $_scs_section_size  }
0x9a: {  	s4 =	simm.s32 $_size__tile_overlayer_lowered;
	s5 =	simm.s32 $_tile_overlayer_lowered  }
0x9b: {  	s22 =	simm.s32 $0x1BFF;
	s21 =	sshll.u32 s5, $0x1;
	s2 =	sadd.s32 s19, s18  }
0x9c: {  	s6 =	simm.s32 $0x0;
	s20 =	sshll.u32 s4, $0x1;
	s4 =	sadd.s32 s21, s2  }
0x9d: {  	[timem:s6], [sflag:s22] =	dma.local [hbm:s4], s20  }
0x9e: {  	_ =	swait.ge [sflag:s22], s20  }
0x9f: {  	s3 =	ssub.s32 $0x0, s20;
	[sflag:s22] =	ssyncset.done $0x0  }
0xa0: {  	[sflag:s22] =	ssyncadd.s32 s3;
	_ =	sdelay $0x1  }
0xa1: {  	s23 =	simm.s32 $0x1B8B  }
0xa2: {  	_ =	swait.ge [sflag:s23], $0x1  }
0xa3: {  	[sflag:s23] =	ssyncset.done $0x0  }
0xa4: {  	s25 =	simm.s32 $0x1B8E;
	s24 =	sld [smem:$0x3FFE];
	[sflag:s23] =	ssyncadd.s32 $0xFFFFFFFF  }
0xa5: {  	s26 =	simm.s32 $execute0_lowered;
	[smem:$0x3FD2] =	sst s25  }
0xa6: {  	s4 =	sshll.u32 s26, $0x1;
	_ =	strace $0x80000049;
	[dreg:$0x1] =	wrdreg $0xFFFFFFFF  }
0xa7: {  	s28 =	simm.s32 $_size_execute0_lowered;
	s2 =	sadd.s32 s2, s4;
	[dreg:$0x0] =	wrdreg $0x0  }
0xa8: {  	s4 =	sshll.u32 s28, $0x1;
	[dreg:$0x2] =	wrdreg s2  }
0xa9: {  	[dreg:$0x3] =	wrdreg s4  }
0xaa: {  	[dreg:$0x4] =	wrdreg $0xC0  }
0xab: {  	_ =	task [dreg:s6], $0x5FFFF  }
0xac: {  	[dreg:$0x1] =	wrdreg $0xFFFFFFFF  }
0xad: {  	[dreg:$0x0] =	wrdreg $0x60  }
0xae: {  	[dreg:$0x2] =	wrdreg s24  }
0xaf: {  	[dreg:$0x3] =	wrdreg $0xF0000  }
0xb0: {  	[dreg:$0x4] =	wrdreg $0x9  }
0xb1: {  	_ =	task.clear_ibuf [dreg:s6], $0x5FFFF;
	_ =	strace $0x90000049  }
0xb2: {  	s29 =	simm.s32 $0x9;
	_ =	strace $0x8000004B  }
0xb3: {  	_ =	swait.ge [sflag:s29], $0x1  }
0xb4: {  	[sflag:s29] =	ssyncadd.s32 $0xFFFFFFFF  }
0xb5: {  	_ =	strace $0x9000004B  }
0xb6: {  	_ =	sfence  }
0xb7: {  	s30 =	sld [smem:$0x0];
	_ =	sdelay $0x2  }
0xb8: {  	s31 =	sshll.u32 s1, $0xD;
	s1 =	sshrl.u32 s1, $0x2  }
0xb9: {  	s3 =	sand.u32 $0x4000, s31;
	s1 =	sadd.s32 s1, s30  }
0xba: {  	s0 =	sor.u32 s3, s0;
	s1 =	sshll.u32 s1, $0x11  }
0xbb: {  	s0 =	sor.u32 s1, s0  }
0xbc: {  	s0 =	sadd.s32 $0x8F2B, s0  }
0xbd: {  	[sflag:s0] =	ssyncadd.remote.s32 $0x1  }
0xbe: {  	_ =	sfence.sel $0xFFFF  }
0xbf: {  	[dreg:$0x0] =	wrdreg $0xFFFFFFFF;
	(pc) =	sbr.abs _section_cstart, $3  }
0xc0: {  	[dreg:$0x1] =	wrdreg $0xFFFFFFFF  }
0xc1: {  	_ =	task.clear_ibuf [dreg:s6], $0x2FFFF;
	_ =	strace $0x9FFFFFFF  }
0xc2: {  	(tm) =	ssettm $0x7FFFFFFF  }
0xc3: {  	_ =	shalt  }
tec
execute0_lowered:
.L_overlay_start_1:
0x0: {  	(tag) =	ssettag $0x1  }
0x1: {  	s0 =	rddreg [dreg:$0x0]  }
0x2: {  	s2 =	rddreg [dreg:$0x1];
	s1 =	srdreg.scid;
	s3 =	simm.s32 $0x0  }
0x3: {  	s9 =	stileid.u32;
	s16 =	simm.s32 $0x6;
	s18 =	simm.s32 $0x80  }
0x4: {  	s19 =	simm.s32 $0x7000;
	s20 =	simm.s32 $0x9000;
	s21 =	simm.s32 $0x100  }
0x5: {  	s28 =	simm.s32 $0x2;
	s29 =	simm.s32 $0x3;
	s30 =	simm.s32 $0x4  }
0x6: {  	s31 =	simm.s32 $0x4E00;
	s17 =	simm.s32 $0x4F00;
	s1 =	sand.u32 $0x1, s1  }
0x7: {  	[smem:$0x7FF] =	sst s3;
	s6 =	smul.u32 $0xA000, s9;
	s5 =	sadd.s32 $0x3FA00, s0  }
0x8: {  	s4 =	sshll.u32 s1, $0x4;
	_ =	strace $0x8000004A;
	s8 =	smul.u32 $0xA0000, s1  }
0x9: {  	s1 =	ssub.s32 $0x2, s1;
	s7 =	sor.u32 s9, s4;
	s4 =	sadd.s32 $0x7A600, s0  }
0xa: {  	s9 =	smul.u32 $0x28000, s9;
	s10 =	sshrl.u32 s1, $0x1;
	s8 =	sadd.s32 s6, s8  }
0xb: {  	s7 =	smul.u32 $0x500, s7;
	s1 =	ssub.s32 s1, s10;
	s8 =	sshrl.u32 s8, $0x3  }
0xc: {  	s22 =	sshrl.u32 s9, $0x2;
	s26 =	smax.u32 s1, $0x1;
	s1 =	simm.s32 $0x4F80  }
0xd: {  	s7 =	sadd.s32 s7, s0;
	s0 =	sadd.s32 s8, s0;
	s24 =	sadd.s32 s22, s2  }
0xe: {  	s8 =	sadd.s32 s6, s2;
	[dreg:$0x7] =	wrdreg s26;
	s22 =	simm.s32 $0xB000  }
0xf: {  	s26 =	simm.s32 $0x1;
	s6 =	simm.s32 $0x5;
	s23 =	sadd.s32 $0xE800, s7  }
0x10: {  	s7 =	sadd.s32 $0x4800, s7;
	s9 =	sadd.s32 $0x2000, s24;
	[dreg:$0x3] =	wrdreg s23  }
0x11: {  	s10 =	sadd.s32 $0x4000, s24;
	s25 =	sadd.s32 $0xDD200, s0;
	[dreg:$0x4] =	wrdreg s7  }
0x12: {  	s11 =	sadd.s32 $0x6000, s24;
	s0 =	sadd.s32 $0xB5200, s0;
	[dreg:$0x5] =	wrdreg s25  }
0x13: {  	s12 =	sadd.s32 $0x8000, s24;
	s24 =	simm.s32 $0xD000;
	[dreg:$0x6] =	wrdreg s0  }
0x14: {  	v0 =	vimm.f32 $0.0e+00;
	s23 =	simm.s32 $0x180;
	s25 =	simm.s32 $0x5000;
	s0 =	simm.s32 $0x4E80  }
.LBB2_1:
0x15: {  	s13 =	simm.s32 $0x100;
	s7 =	simm.s32 $0x0  }
.LBB2_2:
0x16: {  	p0 =	sne.s32 s13, $0x7F00;
	[tilespmem:s7+$0x5030] =	vst v0;
	s14 =	smov.u32 s13;
	s13 =	sadd.s32 $0x100, s13  }
.Ltmp0:
0x17: {  	[tilespmem:s7+$0x5020] =	vst v0;
	(pc) =	sbr.rel @p0 .LBB2_2-.Ltmp0, $3  }
0x18: {  	[tilespmem:s7+$0x5000] =	vst v0  }
0x19: {  	[tilespmem:s7+$0x5010] =	vst v0;
	_ =	sdelay $0x1  }
0x1a: {  	s7 =	sshra.s32 s14, $0x2  }
0x1b: {  	[tilespmem:s7+$0x5030] =	vst v0  }
0x1c: {  	[tilespmem:s7+$0x5020] =	vst v0  }
0x1d: {  	[tilespmem:s7+$0x5000] =	vst v0  }
0x1e: {  	[tilespmem:s7+$0x5010] =	vst v0;
	s7 =	simm.s32 $0x0;
	s13 =	rddreg [dreg:$0x3]  }
0x1f: {  	[tilespmem:s7], [sflag:$0x6] =	stream.linear.gather [hbm4b:s13+s7], $0x2800, $0x38;
	[tilespmem:$0x19000] =	vst v63  }
0x20: {  	_ =	swait.ge [sflag:s16], $0x2800  }
0x21: {  	[sflag:s16] =	ssyncset.done $0x0  }
0x22: {  	s14 =	simm.s32 $0x2800;
	s15 =	rddreg [dreg:$0x4];
	[sflag:s16] =	ssyncadd.s32 $0xFFFFD800  }
0x23: {  	[tilespmem:s14], [sflag:$0x6] =	stream.linear.gather [hbm4b:s15+s7], $0x2800, $0x38;
	[tilespmem:$0x19000] =	vst v63  }
0x24: {  	_ =	swait.ge [sflag:s16], $0x2800  }
0x25: {  	[sflag:s16] =	ssyncset.done $0x0  }
0x26: {  	[sflag:s16] =	ssyncadd.s32 $0xFFFFD800  }
0x27: {  	[tilespmem:s19], [sflag:$0x1] =	stream.indirect.gather [hbm4b:s4+s18], $0x40, s7, s18, $0xb8;
	[tilespmem:$0x19000] =	vst v63  }
0x28: {  	_ = 	snop  }
0x29: {  	[tilespmem:s20], [sflag:$0x2] =	stream.indirect.gather [hbm4b:s4+s18], $0x40, s18, s18, $0xb8;
	[tilespmem:$0x19000] =	vst v63  }
0x2a: {  	_ = 	snop  }
0x2b: {  	[tilespmem:s22], [sflag:$0x3] =	stream.indirect.gather [hbm4b:s4+s18], $0x40, s21, s18, $0xb8;
	[tilespmem:$0x19000] =	vst v63  }
0x2c: {  	_ = 	snop  }
0x2d: {  	[tilespmem:s24], [sflag:$0x4] =	stream.indirect.gather [hbm4b:s4+s18], $0x40, s23, s18, $0xb8;
	[tilespmem:$0x19000] =	vst v63  }
0x2e: {  	_ = 	snop  }
0x2f: {  	[spmem:s8] =	stream.linear.scatter [tilespmem:s25], [sflag:$0x6], $0x2000, $0x38;
	[tilespmem:$0x19000] =	vst v63  }
0x30: {  	_ =	swait.ge [sflag:s16], $0x2000  }
0x31: {  	[sflag:s16] =	ssyncset.done $0x0  }
0x32: {  	[sflag:s16] =	ssyncadd.s32 $0xFFFFE000  }
0x33: {  	[spmem:s9] =	stream.linear.scatter [tilespmem:s25], [sflag:$0x6], $0x2000, $0x38;
	[tilespmem:$0x19000] =	vst v63  }
0x34: {  	_ =	swait.ge [sflag:s16], $0x2000  }
0x35: {  	[sflag:s16] =	ssyncset.done $0x0  }
0x36: {  	[sflag:s16] =	ssyncadd.s32 $0xFFFFE000  }
0x37: {  	[spmem:s10] =	stream.linear.scatter [tilespmem:s25], [sflag:$0x6], $0x2000, $0x38;
	[tilespmem:$0x19000] =	vst v63  }
0x38: {  	_ =	swait.ge [sflag:s16], $0x2000  }
0x39: {  	[sflag:s16] =	ssyncset.done $0x0  }
0x3a: {  	[sflag:s16] =	ssyncadd.s32 $0xFFFFE000  }
0x3b: {  	[spmem:s11] =	stream.linear.scatter [tilespmem:s25], [sflag:$0x6], $0x2000, $0x38;
	[tilespmem:$0x19000] =	vst v63  }
0x3c: {  	_ =	swait.ge [sflag:s16], $0x2000  }
0x3d: {  	[sflag:s16] =	ssyncset.done $0x0  }
0x3e: {  	[sflag:s16] =	ssyncadd.s32 $0xFFFFE000  }
0x3f: {  	[spmem:s12] =	stream.linear.scatter [tilespmem:s25], [sflag:$0x6], $0x2000, $0x38;
	[tilespmem:$0x19000] =	vst v63  }
0x40: {  	_ =	swait.ge [sflag:s16], $0x2000  }
0x41: {  	[sflag:s16] =	ssyncset.done $0x0  }
0x42: {  	[sflag:s16] =	ssyncadd.s32 $0xFFFFE000  }
0x43: {  	[bflag:$0x0] =	sbarrier.arrive $0xFFFF  }
0x44: {  	_ =	swait.ge [sflag:s26], $0x2000  }
0x45: {  	[sflag:s26] =	ssyncset.done $0x0  }
0x46: {  	s15 =	simm.s32 $0x2800;
	[sflag:s26] =	ssyncadd.s32 $0xFFFFE000  }
0x47: {  	[spmem:s2] =	stream.indirect.scatter.add.f32 [tilespmem:s19], [sflag:$0x6], $0x40, s15, s18, $0xb8;
	[tilespmem:$0x19000] =	vst v63  }
0x48: {  	_ =	swait.ge [sflag:s16], $0x2000  }
0x49: {  	[sflag:s16] =	ssyncset.done $0x0  }
0x4a: {  	s13 =	simm.s32 $0x200;
	[sflag:s16] =	ssyncadd.s32 $0xFFFFE000  }
0x4b: {  	[tilespmem:s19], [sflag:$0x1] =	stream.indirect.gather [hbm4b:s4+s18], $0x40, s13, s18, $0xb8;
	[tilespmem:$0x19000] =	vst v63  }
0x4c: {  	_ =	swait.ge [sflag:s28], $0x2000  }
0x4d: {  	[sflag:s28] =	ssyncset.done $0x0  }
0x4e: {  	s14 =	simm.s32 $0x2880;
	[sflag:s28] =	ssyncadd.s32 $0xFFFFE000  }
0x4f: {  	[spmem:s2] =	stream.indirect.scatter.add.f32 [tilespmem:s20], [sflag:$0x6], $0x40, s14, s18, $0xb8;
	[tilespmem:$0x19000] =	vst v63  }
0x50: {  	_ =	swait.ge [sflag:s16], $0x2000  }
0x51: {  	[sflag:s16] =	ssyncset.done $0x0  }
0x52: {  	s15 =	simm.s32 $0x280;
	[sflag:s16] =	ssyncadd.s32 $0xFFFFE000  }
0x53: {  	[tilespmem:s20], [sflag:$0x2] =	stream.indirect.gather [hbm4b:s4+s18], $0x40, s15, s18, $0xb8;
	[tilespmem:$0x19000] =	vst v63  }
0x54: {  	_ =	swait.ge [sflag:s29], $0x2000  }
0x55: {  	[sflag:s29] =	ssyncset.done $0x0  }
0x56: {  	s13 =	simm.s32 $0x2900;
	[sflag:s29] =	ssyncadd.s32 $0xFFFFE000  }
0x57: {  	[spmem:s2] =	stream.indirect.scatter.add.f32 [tilespmem:s22], [sflag:$0x6], $0x40, s13, s18, $0xb8;
	[tilespmem:$0x19000] =	vst v63  }
0x58: {  	_ =	swait.ge [sflag:s16], $0x2000  }
0x59: {  	[sflag:s16] =	ssyncset.done $0x0  }
0x5a: {  	s14 =	simm.s32 $0x300;
	[sflag:s16] =	ssyncadd.s32 $0xFFFFE000  }
0x5b: {  	[tilespmem:s22], [sflag:$0x3] =	stream.indirect.gather [hbm4b:s4+s18], $0x40, s14, s18, $0xb8;
	[tilespmem:$0x19000] =	vst v63  }
0x5c: {  	_ =	swait.ge [sflag:s30], $0x2000  }
0x5d: {  	[sflag:s30] =	ssyncset.done $0x0  }
0x5e: {  	s15 =	simm.s32 $0x2980;
	[sflag:s30] =	ssyncadd.s32 $0xFFFFE000  }
0x5f: {  	[spmem:s2] =	stream.indirect.scatter.add.f32 [tilespmem:s24], [sflag:$0x6], $0x40, s15, s18, $0xb8;
	[tilespmem:$0x19000] =	vst v63  }
0x60: {  	_ =	swait.ge [sflag:s16], $0x2000  }
0x61: {  	[sflag:s16] =	ssyncset.done $0x0  }
0x62: {  	s7 =	simm.s32 $0x800;
	s13 =	simm.s32 $0x380;
	[sflag:s16] =	ssyncadd.s32 $0xFFFFE000  }
.LBB2_4:
0x63: {  	[tilespmem:s24], [sflag:$0x4] =	stream.indirect.gather [hbm4b:s4+s18], $0x40, s13, s18, $0xb8;
	[tilespmem:$0x19000] =	vst v63  }
0x64: {  	s13 =	smov.u32 s7  }
0x65: {  	p0 =	sne.s32 s7, $0x9000;
	s7 =	sadd.s32 $0x800, s7;
	_ =	swait.ge [sflag:s26], $0x2000  }
0x66: {  	s13 =	sshra.s32 s13, $0x2;
	[sflag:s26] =	ssyncset.done $0x0  }
0x67: {  	s14 =	sadd.s32 $0x2800, s13;
	[sflag:s26] =	ssyncadd.s32 $0xFFFFE000  }
0x68: {  	[spmem:s2] =	stream.indirect.scatter.add.f32 [tilespmem:s19], [sflag:$0x6], $0x40, s14, s18, $0xb8;
	[tilespmem:$0x19000] =	vst v63  }
0x69: {  	_ =	swait.ge [sflag:s16], $0x2000  }
0x6a: {  	[sflag:s16] =	ssyncset.done $0x0  }
0x6b: {  	s14 =	sadd.s32 $0x200, s13;
	[sflag:s16] =	ssyncadd.s32 $0xFFFFE000  }
0x6c: {  	[tilespmem:s19], [sflag:$0x1] =	stream.indirect.gather [hbm4b:s4+s18], $0x40, s14, s18, $0xb8;
	[tilespmem:$0x19000] =	vst v63  }
0x6d: {  	_ =	swait.ge [sflag:s28], $0x2000  }
0x6e: {  	[sflag:s28] =	ssyncset.done $0x0  }
0x6f: {  	s14 =	sadd.s32 $0x2880, s13;
	[sflag:s28] =	ssyncadd.s32 $0xFFFFE000  }
0x70: {  	[spmem:s2] =	stream.indirect.scatter.add.f32 [tilespmem:s20], [sflag:$0x6], $0x40, s14, s18, $0xb8;
	[tilespmem:$0x19000] =	vst v63  }
0x71: {  	_ =	swait.ge [sflag:s16], $0x2000  }
0x72: {  	[sflag:s16] =	ssyncset.done $0x0  }
0x73: {  	s14 =	sadd.s32 $0x280, s13;
	[sflag:s16] =	ssyncadd.s32 $0xFFFFE000  }
0x74: {  	[tilespmem:s20], [sflag:$0x2] =	stream.indirect.gather [hbm4b:s4+s18], $0x40, s14, s18, $0xb8;
	[tilespmem:$0x19000] =	vst v63  }
0x75: {  	_ =	swait.ge [sflag:s29], $0x2000  }
0x76: {  	[sflag:s29] =	ssyncset.done $0x0  }
0x77: {  	s14 =	sadd.s32 $0x2900, s13;
	[sflag:s29] =	ssyncadd.s32 $0xFFFFE000  }
0x78: {  	[spmem:s2] =	stream.indirect.scatter.add.f32 [tilespmem:s22], [sflag:$0x6], $0x40, s14, s18, $0xb8;
	[tilespmem:$0x19000] =	vst v63  }
0x79: {  	_ =	swait.ge [sflag:s16], $0x2000  }
0x7a: {  	[sflag:s16] =	ssyncset.done $0x0  }
0x7b: {  	s14 =	sadd.s32 $0x300, s13;
	[sflag:s16] =	ssyncadd.s32 $0xFFFFE000  }
0x7c: {  	[tilespmem:s22], [sflag:$0x3] =	stream.indirect.gather [hbm4b:s4+s18], $0x40, s14, s18, $0xb8;
	[tilespmem:$0x19000] =	vst v63  }
0x7d: {  	_ =	swait.ge [sflag:s30], $0x2000  }
0x7e: {  	[sflag:s30] =	ssyncset.done $0x0  }
.Ltmp1:
0x7f: {  	s14 =	sadd.s32 $0x2980, s13;
	[sflag:s30] =	ssyncadd.s32 $0xFFFFE000;
	(pc) =	sbr.rel @p0 .LBB2_4-.Ltmp1, $4  }
0x80: {  	[spmem:s2] =	stream.indirect.scatter.add.f32 [tilespmem:s24], [sflag:$0x6], $0x40, s14, s18, $0xb8;
	[tilespmem:$0x19000] =	vst v63  }
0x81: {  	_ =	swait.ge [sflag:s16], $0x2000  }
0x82: {  	[sflag:s16] =	ssyncset.done $0x0  }
0x83: {  	s13 =	sadd.s32 $0x380, s13;
	[sflag:s16] =	ssyncadd.s32 $0xFFFFE000  }
0x84: {  	[tilespmem:s24], [sflag:$0x4] =	stream.indirect.gather [hbm4b:s4+s18], $0x40, s13, s18, $0xb8;
	[tilespmem:$0x19000] =	vst v63  }
0x85: {  	_ =	swait.ge [sflag:s26], $0x2000  }
0x86: {  	[sflag:s26] =	ssyncset.done $0x0  }
0x87: {  	[sflag:s26] =	ssyncadd.s32 $0xFFFFE000  }
0x88: {  	[spmem:s2] =	stream.indirect.scatter.add.f32 [tilespmem:s19], [sflag:$0x6], $0x40, s31, s18, $0xb8;
	[tilespmem:$0x19000] =	vst v63  }
0x89: {  	_ =	swait.ge [sflag:s16], $0x2000  }
0x8a: {  	[sflag:s16] =	ssyncset.done $0x0  }
0x8b: {  	[sflag:s16] =	ssyncadd.s32 $0xFFFFE000  }
0x8c: {  	_ =	swait.ge [sflag:s28], $0x2000  }
0x8d: {  	[sflag:s28] =	ssyncset.done $0x0  }
0x8e: {  	[sflag:s28] =	ssyncadd.s32 $0xFFFFE000  }
0x8f: {  	[spmem:s2] =	stream.indirect.scatter.add.f32 [tilespmem:s20], [sflag:$0x6], $0x40, s0, s18, $0xb8;
	[tilespmem:$0x19000] =	vst v63  }
0x90: {  	_ =	swait.ge [sflag:s16], $0x2000  }
0x91: {  	[sflag:s16] =	ssyncset.done $0x0  }
0x92: {  	[sflag:s16] =	ssyncadd.s32 $0xFFFFE000  }
0x93: {  	_ =	swait.ge [sflag:s29], $0x2000  }
0x94: {  	[sflag:s29] =	ssyncset.done $0x0  }
0x95: {  	[sflag:s29] =	ssyncadd.s32 $0xFFFFE000  }
0x96: {  	[spmem:s2] =	stream.indirect.scatter.add.f32 [tilespmem:s22], [sflag:$0x6], $0x40, s17, s18, $0xb8;
	[tilespmem:$0x19000] =	vst v63  }
0x97: {  	_ =	swait.ge [sflag:s16], $0x2000  }
0x98: {  	[sflag:s16] =	ssyncset.done $0x0  }
0x99: {  	[sflag:s16] =	ssyncadd.s32 $0xFFFFE000  }
0x9a: {  	_ =	swait.ge [sflag:s30], $0x2000  }
0x9b: {  	[sflag:s30] =	ssyncset.done $0x0  }
0x9c: {  	[sflag:s30] =	ssyncadd.s32 $0xFFFFE000  }
0x9d: {  	[spmem:s2] =	stream.indirect.scatter.add.f32 [tilespmem:s24], [sflag:$0x6], $0x40, s1, s18, $0xb8;
	[tilespmem:$0x19000] =	vst v63  }
0x9e: {  	_ =	swait.ge [sflag:s16], $0x2000  }
0x9f: {  	[sflag:s16] =	ssyncset.done $0x0  }
0xa0: {  	s7 =	stileid.u32;
	[sflag:s16] =	ssyncadd.s32 $0xFFFFE000  }
0xa1: {  	s7 =	sshll.u32 s7, $0x6;
	[bflag:$0x0] =	sbarrier.arrive $0xFFFF  }
0xa2: {  	s13 =	sshrl.u32 s8, $0x3;
	s14 =	sor.u32 $0x1C05, s7;
	s15 =	rddreg [dreg:$0x5]  }
0xa3: {  	[hbm:s15], [sflag:s14] =	dma.local [spmem:s13], $0x1400  }
0xa4: {  	s15 =	simm.s32 $0x0  }
0xa5: {  	[tilespmem:s19], [sflag:$0x1] =	stream.indirect.gather [hbm4b:s5+s18], $0x40, s15, s18, $0xb8;
	[tilespmem:$0x19000] =	vst v63  }
0xa6: {  	_ = 	snop  }
0xa7: {  	[tilespmem:s20], [sflag:$0x2] =	stream.indirect.gather [hbm4b:s5+s18], $0x40, s18, s18, $0xb8;
	[tilespmem:$0x19000] =	vst v63  }
0xa8: {  	_ = 	snop  }
0xa9: {  	[tilespmem:s22], [sflag:$0x3] =	stream.indirect.gather [hbm4b:s5+s18], $0x40, s21, s18, $0xb8;
	[tilespmem:$0x19000] =	vst v63  }
0xaa: {  	_ = 	snop  }
0xab: {  	[tilespmem:s24], [sflag:$0x4] =	stream.indirect.gather [hbm4b:s5+s18], $0x40, s23, s18, $0xb8;
	[tilespmem:$0x19000] =	vst v63  }
0xac: {  	_ =	swait.ge [sflag:s6], $0x1400  }
0xad: {  	[sflag:s6] =	ssyncset.done $0x0  }
0xae: {  	[sflag:s6] =	ssyncadd.s32 $0xFFFFEC00  }
0xaf: {  	[spmem:s8] =	stream.linear.scatter [tilespmem:s25], [sflag:$0x6], $0x2000, $0x38;
	[tilespmem:$0x19000] =	vst v63  }
0xb0: {  	_ =	swait.ge [sflag:s16], $0x2000  }
0xb1: {  	[sflag:s16] =	ssyncset.done $0x0  }
0xb2: {  	[sflag:s16] =	ssyncadd.s32 $0xFFFFE000  }
0xb3: {  	[spmem:s9] =	stream.linear.scatter [tilespmem:s25], [sflag:$0x6], $0x2000, $0x38;
	[tilespmem:$0x19000] =	vst v63  }
0xb4: {  	_ =	swait.ge [sflag:s16], $0x2000  }
0xb5: {  	[sflag:s16] =	ssyncset.done $0x0  }
0xb6: {  	[sflag:s16] =	ssyncadd.s32 $0xFFFFE000  }
0xb7: {  	[spmem:s10] =	stream.linear.scatter [tilespmem:s25], [sflag:$0x6], $0x2000, $0x38;
	[tilespmem:$0x19000] =	vst v63  }
0xb8: {  	_ =	swait.ge [sflag:s16], $0x2000  }
0xb9: {  	[sflag:s16] =	ssyncset.done $0x0  }
0xba: {  	[sflag:s16] =	ssyncadd.s32 $0xFFFFE000  }
0xbb: {  	[spmem:s11] =	stream.linear.scatter [tilespmem:s25], [sflag:$0x6], $0x2000, $0x38;
	[tilespmem:$0x19000] =	vst v63  }
0xbc: {  	_ =	swait.ge [sflag:s16], $0x2000  }
0xbd: {  	[sflag:s16] =	ssyncset.done $0x0  }
0xbe: {  	[sflag:s16] =	ssyncadd.s32 $0xFFFFE000  }
0xbf: {  	[spmem:s12] =	stream.linear.scatter [tilespmem:s25], [sflag:$0x6], $0x2000, $0x38;
	[tilespmem:$0x19000] =	vst v63  }
0xc0: {  	_ =	swait.ge [sflag:s16], $0x2000  }
0xc1: {  	[sflag:s16] =	ssyncset.done $0x0  }
0xc2: {  	[sflag:s16] =	ssyncadd.s32 $0xFFFFE000  }
0xc3: {  	[bflag:$0x0] =	sbarrier.arrive $0xFFFF  }
0xc4: {  	_ =	swait.ge [sflag:s26], $0x2000  }
0xc5: {  	[sflag:s26] =	ssyncset.done $0x0  }
0xc6: {  	s21 =	simm.s32 $0x2800;
	[sflag:s26] =	ssyncadd.s32 $0xFFFFE000  }
0xc7: {  	[spmem:s2] =	stream.indirect.scatter.add.f32 [tilespmem:s19], [sflag:$0x6], $0x40, s21, s18, $0xb8;
	[tilespmem:$0x19000] =	vst v63  }
0xc8: {  	_ =	swait.ge [sflag:s16], $0x2000  }
0xc9: {  	[sflag:s16] =	ssyncset.done $0x0  }
0xca: {  	s15 =	simm.s32 $0x200;
	[sflag:s16] =	ssyncadd.s32 $0xFFFFE000  }
0xcb: {  	[tilespmem:s19], [sflag:$0x1] =	stream.indirect.gather [hbm4b:s5+s18], $0x40, s15, s18, $0xb8;
	[tilespmem:$0x19000] =	vst v63  }
0xcc: {  	_ =	swait.ge [sflag:s28], $0x2000  }
0xcd: {  	[sflag:s28] =	ssyncset.done $0x0  }
0xce: {  	s21 =	simm.s32 $0x2880;
	[sflag:s28] =	ssyncadd.s32 $0xFFFFE000  }
0xcf: {  	[spmem:s2] =	stream.indirect.scatter.add.f32 [tilespmem:s20], [sflag:$0x6], $0x40, s21, s18, $0xb8;
	[tilespmem:$0x19000] =	vst v63  }
0xd0: {  	_ =	swait.ge [sflag:s16], $0x2000  }
0xd1: {  	[sflag:s16] =	ssyncset.done $0x0  }
0xd2: {  	s15 =	simm.s32 $0x280;
	[sflag:s16] =	ssyncadd.s32 $0xFFFFE000  }
0xd3: {  	[tilespmem:s20], [sflag:$0x2] =	stream.indirect.gather [hbm4b:s5+s18], $0x40, s15, s18, $0xb8;
	[tilespmem:$0x19000] =	vst v63  }
0xd4: {  	_ =	swait.ge [sflag:s29], $0x2000  }
0xd5: {  	[sflag:s29] =	ssyncset.done $0x0  }
0xd6: {  	s21 =	simm.s32 $0x2900;
	[sflag:s29] =	ssyncadd.s32 $0xFFFFE000  }
0xd7: {  	[spmem:s2] =	stream.indirect.scatter.add.f32 [tilespmem:s22], [sflag:$0x6], $0x40, s21, s18, $0xb8;
	[tilespmem:$0x19000] =	vst v63  }
0xd8: {  	_ =	swait.ge [sflag:s16], $0x2000  }
0xd9: {  	[sflag:s16] =	ssyncset.done $0x0  }
0xda: {  	s15 =	simm.s32 $0x300;
	[sflag:s16] =	ssyncadd.s32 $0xFFFFE000  }
0xdb: {  	[tilespmem:s22], [sflag:$0x3] =	stream.indirect.gather [hbm4b:s5+s18], $0x40, s15, s18, $0xb8;
	[tilespmem:$0x19000] =	vst v63  }
0xdc: {  	_ =	swait.ge [sflag:s30], $0x2000  }
0xdd: {  	[sflag:s30] =	ssyncset.done $0x0  }
0xde: {  	s21 =	simm.s32 $0x2980;
	[sflag:s30] =	ssyncadd.s32 $0xFFFFE000  }
0xdf: {  	[spmem:s2] =	stream.indirect.scatter.add.f32 [tilespmem:s24], [sflag:$0x6], $0x40, s21, s18, $0xb8;
	[tilespmem:$0x19000] =	vst v63  }
0xe0: {  	_ =	swait.ge [sflag:s16], $0x2000  }
0xe1: {  	[sflag:s16] =	ssyncset.done $0x0  }
0xe2: {  	s14 =	simm.s32 $0x800;
	s21 =	simm.s32 $0x380;
	[sflag:s16] =	ssyncadd.s32 $0xFFFFE000  }
.LBB2_6:
0xe3: {  	[tilespmem:s24], [sflag:$0x4] =	stream.indirect.gather [hbm4b:s5+s18], $0x40, s21, s18, $0xb8;
	[tilespmem:$0x19000] =	vst v63  }
0xe4: {  	s21 =	smov.u32 s14  }
0xe5: {  	p0 =	sne.s32 s14, $0x9000;
	s14 =	sadd.s32 $0x800, s14;
	_ =	swait.ge [sflag:s26], $0x2000  }
0xe6: {  	s21 =	sshra.s32 s21, $0x2;
	[sflag:s26] =	ssyncset.done $0x0  }
0xe7: {  	s15 =	sadd.s32 $0x2800, s21;
	[sflag:s26] =	ssyncadd.s32 $0xFFFFE000  }
0xe8: {  	[spmem:s2] =	stream.indirect.scatter.add.f32 [tilespmem:s19], [sflag:$0x6], $0x40, s15, s18, $0xb8;
	[tilespmem:$0x19000] =	vst v63  }
0xe9: {  	_ =	swait.ge [sflag:s16], $0x2000  }
0xea: {  	[sflag:s16] =	ssyncset.done $0x0  }
0xeb: {  	s15 =	sadd.s32 $0x200, s21;
	[sflag:s16] =	ssyncadd.s32 $0xFFFFE000  }
0xec: {  	[tilespmem:s19], [sflag:$0x1] =	stream.indirect.gather [hbm4b:s5+s18], $0x40, s15, s18, $0xb8;
	[tilespmem:$0x19000] =	vst v63  }
0xed: {  	_ =	swait.ge [sflag:s28], $0x2000  }
0xee: {  	[sflag:s28] =	ssyncset.done $0x0  }
0xef: {  	s15 =	sadd.s32 $0x2880, s21;
	[sflag:s28] =	ssyncadd.s32 $0xFFFFE000  }
0xf0: {  	[spmem:s2] =	stream.indirect.scatter.add.f32 [tilespmem:s20], [sflag:$0x6], $0x40, s15, s18, $0xb8;
	[tilespmem:$0x19000] =	vst v63  }
0xf1: {  	_ =	swait.ge [sflag:s16], $0x2000  }
0xf2: {  	[sflag:s16] =	ssyncset.done $0x0  }
0xf3: {  	s15 =	sadd.s32 $0x280, s21;
	[sflag:s16] =	ssyncadd.s32 $0xFFFFE000  }
0xf4: {  	[tilespmem:s20], [sflag:$0x2] =	stream.indirect.gather [hbm4b:s5+s18], $0x40, s15, s18, $0xb8;
	[tilespmem:$0x19000] =	vst v63  }
0xf5: {  	_ =	swait.ge [sflag:s29], $0x2000  }
0xf6: {  	[sflag:s29] =	ssyncset.done $0x0  }
0xf7: {  	s15 =	sadd.s32 $0x2900, s21;
	[sflag:s29] =	ssyncadd.s32 $0xFFFFE000  }
0xf8: {  	[spmem:s2] =	stream.indirect.scatter.add.f32 [tilespmem:s22], [sflag:$0x6], $0x40, s15, s18, $0xb8;
	[tilespmem:$0x19000] =	vst v63  }
0xf9: {  	_ =	swait.ge [sflag:s16], $0x2000  }
0xfa: {  	[sflag:s16] =	ssyncset.done $0x0  }
0xfb: {  	s15 =	sadd.s32 $0x300, s21;
	[sflag:s16] =	ssyncadd.s32 $0xFFFFE000  }
0xfc: {  	[tilespmem:s22], [sflag:$0x3] =	stream.indirect.gather [hbm4b:s5+s18], $0x40, s15, s18, $0xb8;
	[tilespmem:$0x19000] =	vst v63  }
0xfd: {  	_ =	swait.ge [sflag:s30], $0x2000  }
0xfe: {  	[sflag:s30] =	ssyncset.done $0x0  }
.Ltmp2:
0xff: {  	s15 =	sadd.s32 $0x2980, s21;
	[sflag:s30] =	ssyncadd.s32 $0xFFFFE000;
	(pc) =	sbr.rel @p0 .LBB2_6-.Ltmp2, $4  }
0x100: {  	[spmem:s2] =	stream.indirect.scatter.add.f32 [tilespmem:s24], [sflag:$0x6], $0x40, s15, s18, $0xb8;
	[tilespmem:$0x19000] =	vst v63  }
0x101: {  	_ =	swait.ge [sflag:s16], $0x2000  }
0x102: {  	[sflag:s16] =	ssyncset.done $0x0  }
0x103: {  	s21 =	sadd.s32 $0x380, s21;
	[sflag:s16] =	ssyncadd.s32 $0xFFFFE000  }
0x104: {  	[tilespmem:s24], [sflag:$0x4] =	stream.indirect.gather [hbm4b:s5+s18], $0x40, s21, s18, $0xb8;
	[tilespmem:$0x19000] =	vst v63  }
0x105: {  	_ =	swait.ge [sflag:s26], $0x2000  }
0x106: {  	[sflag:s26] =	ssyncset.done $0x0  }
0x107: {  	[sflag:s26] =	ssyncadd.s32 $0xFFFFE000  }
0x108: {  	[spmem:s2] =	stream.indirect.scatter.add.f32 [tilespmem:s19], [sflag:$0x6], $0x40, s31, s18, $0xb8;
	[tilespmem:$0x19000] =	vst v63  }
0x109: {  	_ =	swait.ge [sflag:s16], $0x2000  }
0x10a: {  	[sflag:s16] =	ssyncset.done $0x0  }
0x10b: {  	[sflag:s16] =	ssyncadd.s32 $0xFFFFE000  }
0x10c: {  	_ =	swait.ge [sflag:s28], $0x2000  }
0x10d: {  	[sflag:s28] =	ssyncset.done $0x0  }
0x10e: {  	[sflag:s28] =	ssyncadd.s32 $0xFFFFE000  }
0x10f: {  	[spmem:s2] =	stream.indirect.scatter.add.f32 [tilespmem:s20], [sflag:$0x6], $0x40, s0, s18, $0xb8;
	[tilespmem:$0x19000] =	vst v63  }
0x110: {  	_ =	swait.ge [sflag:s16], $0x2000  }
0x111: {  	[sflag:s16] =	ssyncset.done $0x0  }
0x112: {  	[sflag:s16] =	ssyncadd.s32 $0xFFFFE000  }
0x113: {  	_ =	swait.ge [sflag:s29], $0x2000  }
0x114: {  	[sflag:s29] =	ssyncset.done $0x0  }
0x115: {  	[sflag:s29] =	ssyncadd.s32 $0xFFFFE000  }
0x116: {  	[spmem:s2] =	stream.indirect.scatter.add.f32 [tilespmem:s22], [sflag:$0x6], $0x40, s17, s18, $0xb8;
	[tilespmem:$0x19000] =	vst v63  }
0x117: {  	_ =	swait.ge [sflag:s16], $0x2000  }
0x118: {  	[sflag:s16] =	ssyncset.done $0x0  }
0x119: {  	[sflag:s16] =	ssyncadd.s32 $0xFFFFE000  }
0x11a: {  	_ =	swait.ge [sflag:s30], $0x2000  }
0x11b: {  	[sflag:s30] =	ssyncset.done $0x0  }
0x11c: {  	[sflag:s30] =	ssyncadd.s32 $0xFFFFE000  }
0x11d: {  	[spmem:s2] =	stream.indirect.scatter.add.f32 [tilespmem:s24], [sflag:$0x6], $0x40, s1, s18, $0xb8;
	[tilespmem:$0x19000] =	vst v63  }
0x11e: {  	_ =	swait.ge [sflag:s16], $0x2000  }
0x11f: {  	[sflag:s16] =	ssyncset.done $0x0  }
0x120: {  	[sflag:s16] =	ssyncadd.s32 $0xFFFFE000  }
0x121: {  	[bflag:$0x0] =	sbarrier.arrive $0xFFFF  }
0x122: {  	s7 =	sor.u32 $0x1C06, s7;
	s14 =	rddreg [dreg:$0x6]  }
0x123: {  	[hbm:s14], [sflag:s7] =	dma.local [spmem:s13], $0x1400  }
0x124: {  	_ =	swait.ge [sflag:s16], $0x1400  }
0x125: {  	s3 =	sadd.s32 $0x1, s3;
	s21 =	rddreg [dreg:$0x7]  }
0x126: {  	p0 =	sne.s32 s3, s21  }
.Ltmp3:
0x127: {  	_ = 	snop;
	(pc) =	sbr.rel @p0 .LBB2_1-.Ltmp3, $3  }
0x128: {  	_ =	sdelay $0x1  }
0x129: {  	[sflag:s16] =	ssyncset.done $0x0  }
0x12a: {  	[sflag:s16] =	ssyncadd.s32 $0xFFFFEC00;
	s21 =	simm.s32 $0x100  }
0x12b: {  	_ =	sfence.sel $0x180000  }
0x12c: {  	[bflag:$0x0] =	sbarrier.arrive $0xFFFF  }
0x12d: {  	_ =	strace $0x9000004A  }
0x12e: {  	s0 =	stileid.u32;
	[bflag:$0x2] =	sbarrier.arrive $0xFFFF  }
0x12f: {  	p0 =	sne.s32 s0, $0x0;
	s0 =	rddreg [dreg:$0x2]  }
0x130: {  	s0 =	sadd.s32 @!p0 $0x100000, s0  }
0x131: {  	[sflag:s0] =	ssyncadd.tile.s32 @!p0 $0x1;
	_ =	shalt  }
.Lfunc_end2:
_tile_overlayer_lowered:
.L_overlay_start_2:
0x132: {  	(tag) =	ssettag $0x2  }
0x133: {  	s0 =	rddreg [dreg:$0x0];
	s2 =	stileid.u32  }
0x134: {  	s1 =	rddreg [dreg:$0x1];
	p0 =	sne.s32 s2, $0x0  }
0x135: {  	s3 =	rddreg [dreg:$0x2];
	[bflag:$0x3] =	sbarrier.arrive $0xFFFF;
	s2 =	simm.s32 @!p0 $0x1C06  }
0x136: {  	[timem:s3], [sflag:s2] =	dma.local @!p0 [hbm:s0], s1  }
0x137: {  	s0 =	simm.s32 @!p0 $0x6  }
0x138: {  	_ =	swait.ge @!p0 [sflag:s0], s1  }
0x139: {  	s1 =	ssub.s32 @!p0 $0x0, s1;
	[sflag:s0] =	ssyncset.done @!p0 $0x0  }
0x13a: {  	[sflag:s0] =	ssyncadd.s32 @!p0 s1  }
0x13b: {  	[bflag:$0x3] =	sbarrier.arrive $0xFFFF  }
0x13c: {  	_ =	shalt  }

// kernel: kernel.15.cloned.1.call-start
scs
__scs_entry_jumppad:
0x0: {  	(pc) =	sbr.rel $0x88, $3  }
0x1: {  	(tag) =	ssettag $0x0;
	lr =	simm.s32 $0x1  }
0x2: {  	[smem:$0x3F99] =	sst lr;
	_ =	strace $0xD0000000  }
0x3: {  	_ = 	snop  }
0x4: {  	_ = 	snop  }
0x5: {  	_ = 	snop  }
0x6: {  	_ = 	snop  }
0x7: {  	_ = 	snop  }
__scs_overlays_trampoline_lowered:
0x8: {  	[smem:$0x3FA8] =	sst s0  }
0x9: {  	[smem:$0x3FA9] =	sst s1  }
0xa: {  	[smem:$0x3FAA] =	sst s2  }
0xb: {  	[smem:$0x3FAB] =	sst s3  }
0xc: {  	[smem:$0x3FAC] =	sst s4  }
0xd: {  	[smem:$0x3FAD] =	sst s5  }
0xe: {  	[smem:$0x3FAE] =	sst s6  }
0xf: {  	[smem:$0x3FAF] =	sst s7  }
0x10: {  	[smem:$0x3FB0] =	sst s8  }
0x11: {  	[smem:$0x3FB1] =	sst s9;
	s0 =	simm.s32 @!p0 $0x0  }
0x12: {  	s1 =	sld [smem:$0x3F97];
	s0 =	simm.s32 @p0 $0x1  }
0x13: {  	[smem:$0x3FB2] =	sst s0;
	s0 =	simm.s32 @!p1 $0x0  }
0x14: {  	s2 =	sld [smem:$0x3F96];
	s0 =	simm.s32 @p1 $0x1  }
0x15: {  	[smem:$0x3FB3] =	sst s0;
	s0 =	simm.s32 @!p2 $0x0  }
0x16: {  	s3 =	sld [smem:$0x3FDB];
	s0 =	simm.s32 @p2 $0x1  }
0x17: {  	s4 =	simm.s32 $0x1BF5;
	[smem:$0x3FB5] =	sst s0  }
0x18: {  	s0 =	sld [smem:$0x3F98];
	_ =	swait.ge [sflag:s4], $0x0  }
0x19: {  	s7 =	sld [smem:$0x3F99]  }
0x1a: {  	s8 =	sadd.s32 $0xFFFFE003, lr  }
0x1b: {  	s9 =	sadd.s32 $0xFFFFFEF7, lr;
	s5 =	simm.s32 $0xFFFFFFFF;
	p2 =	slt.u32 s8, $0xFFFFF086  }
0x1c: {  	p1 =	slt.u32 s9, $0xF7A;
	s5 =	simm.s32 @!p2 $0x0  }
0x1d: {  	s5 =	simm.s32 @p1 $0x1;
	p0 =	seq.s32 s7, s2  }
0x1e: {  	s7 =	smul.u32 @!p0 $0xF7A, s2;
	p2 =	seq.s32 @!p0 s5, $0x0  }
0x1f: {  	s9 =	smul.u32 $0xF7A, s1;
	s8 =	simm.s32 @!p0 $0x1BF5;
	p2 =	por !p2, p0  }
0x20: {  	[sflag:s8] =	ssyncset.s32 @!p0 $0xFFFFF086;
	s6 =	sadd.s32 @!p0 s3, s7;
	s7 =	simm.s32 @!p0 $0x108  }
0x21: {  	s3 =	sadd.s32 s3, s9;
	s6 =	sadd.s32 @!p0 $0x88, s6;
	s7 =	simm.s32 @p2 $0x1082  }
0x22: {  	[simem:s7], [sflag:s8] =	dma.local @!p0 [hbm:s6], $0xF7A  }
0x23: {  	s9 =	sor.u32 $0xD0000000, s2;
	s6 =	simm.s32 $0x108;
	_ =	swait.ge @!p0 [sflag:s8], $0x0  }
0x24: {  	s3 =	sadd.s32 $0x88, s3;
	s6 =	simm.s32 @!p1 $0x1082;
	[sflag:s4] =	ssyncset.s32 $0xFFFFF086  }
0x25: {  	[simem:s6], [sflag:s4] =	dma.local [hbm:s3], $0xF7A  }
0x26: {  	[smem:$0x3F99] =	sst s1;
	(tag) =	ssettag s2;
	_ =	strace s9  }
0x27: {  	s1 =	sld [smem:$0x3FA9]  }
0x28: {  	s2 =	sld [smem:$0x3FAA]  }
0x29: {  	s4 =	sld [smem:$0x3FAC]  }
0x2a: {  	p0 =	seq.s32 s5, $0x0;
	s5 =	sld [smem:$0x3FAD]  }
0x2b: {  	s6 =	sld [smem:$0x3FAE]  }
0x2c: {  	s7 =	sld [smem:$0x3FAF]  }
0x2d: {  	s3 =	simm.s32 $0x108;
	s8 =	sld [smem:$0x3FB0]  }
0x2e: {  	s3 =	simm.s32 @!p0 $0x1082;
	s9 =	sld [smem:$0x3FB1]  }
0x2f: {  	lr =	sadd.s32 s0, s3;
	s0 =	sld [smem:$0x3FA8]  }
0x30: {  	s3 =	sld [smem:$0x3FAB]  }
0x31: {  	[smem:$0x3FB4] =	sst s10  }
0x32: {  	s10 =	sld [smem:$0x3FB2];
	_ =	sdelay $0x3  }
0x33: {  	p0 =	seq.s32 s10, $0x1;
	s10 =	sld [smem:$0x3FB4];
	_ =	sdelay $0x3  }
0x34: {  	[smem:$0x3FB4] =	sst s10  }
0x35: {  	s10 =	sld [smem:$0x3FB3];
	_ =	sdelay $0x3  }
0x36: {  	p1 =	seq.s32 s10, $0x1;
	s10 =	sld [smem:$0x3FB4];
	_ =	sdelay $0x3  }
0x37: {  	[smem:$0x3FB4] =	sst s10  }
0x38: {  	s10 =	sld [smem:$0x3FB5]  }
0x39: {  	_ = 	snop;
	(pc) =	sbr.ind lr, $3  }
0x3a: {  	_ = 	snop  }
0x3b: {  	_ = 	snop  }
0x3c: {  	p2 =	seq.s32 s10, $0x1;
	s10 =	sld [smem:$0x3FB4]  }
0x3d: {  	_ =	shalt  }
0x3e: {  	_ =	shalt  }
0x3f: {  	_ =	shalt  }
0x40: {  	_ =	shalt  }
0x41: {  	_ =	shalt  }
0x42: {  	_ =	shalt  }
0x43: {  	_ =	shalt  }
0x44: {  	_ =	shalt  }
0x45: {  	_ =	shalt  }
0x46: {  	_ =	shalt  }
0x47: {  	_ =	shalt  }
0x48: {  	_ =	shalt  }
0x49: {  	_ =	shalt  }
0x4a: {  	_ =	shalt  }
0x4b: {  	_ =	shalt  }
0x4c: {  	_ =	shalt  }
0x4d: {  	_ =	shalt  }
0x4e: {  	_ =	shalt  }
0x4f: {  	_ =	shalt  }
0x50: {  	_ =	shalt  }
0x51: {  	_ =	shalt  }
0x52: {  	_ =	shalt  }
0x53: {  	_ =	shalt  }
0x54: {  	_ =	shalt  }
0x55: {  	_ =	shalt  }
0x56: {  	_ =	shalt  }
0x57: {  	_ =	shalt  }
0x58: {  	_ =	shalt  }
0x59: {  	_ =	shalt  }
0x5a: {  	_ =	shalt  }
0x5b: {  	_ =	shalt  }
0x5c: {  	_ =	shalt  }
0x5d: {  	_ =	shalt  }
0x5e: {  	_ =	shalt  }
0x5f: {  	_ =	shalt  }
0x60: {  	_ =	shalt  }
0x61: {  	_ =	shalt  }
0x62: {  	_ =	shalt  }
0x63: {  	_ =	shalt  }
0x64: {  	_ =	shalt  }
0x65: {  	_ =	shalt  }
0x66: {  	_ =	shalt  }
0x67: {  	_ =	shalt  }
0x68: {  	_ =	shalt  }
0x69: {  	_ =	shalt  }
0x6a: {  	_ =	shalt  }
0x6b: {  	_ =	shalt  }
0x6c: {  	_ =	shalt  }
0x6d: {  	_ =	shalt  }
0x6e: {  	_ =	shalt  }
0x6f: {  	_ =	shalt  }
0x70: {  	_ =	shalt  }
0x71: {  	_ =	shalt  }
0x72: {  	_ =	shalt  }
0x73: {  	_ =	shalt  }
0x74: {  	_ =	shalt  }
0x75: {  	_ =	shalt  }
0x76: {  	_ =	shalt  }
0x77: {  	_ =	shalt  }
0x78: {  	_ =	shalt  }
0x79: {  	_ =	shalt  }
0x7a: {  	_ =	shalt  }
0x7b: {  	_ =	shalt  }
0x7c: {  	_ =	shalt  }
0x7d: {  	_ =	shalt  }
0x7e: {  	_ =	shalt  }
0x7f: {  	_ =	shalt  }
0x80: {  	_ =	shalt  }
0x81: {  	_ =	shalt  }
0x82: {  	_ =	shalt  }
0x83: {  	_ =	shalt  }
0x84: {  	_ =	shalt  }
0x85: {  	_ =	shalt  }
0x86: {  	_ =	shalt  }
0x87: {  	_ =	shalt  }
.Lfunc_end0:
.L_simem_size_0:
called_computation.2_lowered:
.L_overlay_start_0:
0x88: {  	s2 =	sld [smem:$0x3FD9]  }
0x89: {  	s3 =	sld [smem:$0x3FFE];
	_ =	sdelay $0x1  }
0x8a: {  	s1 =	srdreg.scid  }
0x8b: {  	s0 =	sand.u32 $0x1, s1  }
0x8c: {  	s16 =	sshll.u32 s0, $0xA;
	s2 =	sadd.s32 s3, s2  }
0x8d: {  	s2 =	sadd.s32 s2, s16  }
0x8e: {  	[smem:$0x3FC0] =	sst s2  }
0x8f: {  	_ = 	snop  }
0x90: {  	(tm) =	ssettm $0x1  }
0x91: {  	s17 =	sld [smem:$0x3FFB];
	_ =	sdelay $0x3  }
0x92: {  	_ =	strace s17  }
0x93: {  	s2 =	sld [smem:$0x3FFC];
	_ =	sdelay $0x3  }
0x94: {  	_ =	strace s2  }
0x95: {  	s2 =	sld [smem:$0x3FFD];
	_ =	sdelay $0x3  }
0x96: {  	_ =	strace s2  }
0x97: {  	_ =	strace $0x8FFFFFFF  }
0x98: {  	s18 =	sld [smem:$0x3FDB];
	_ =	sdelay $0x1  }
0x99: {  	s19 =	simm.s32 $_scs_section_size  }
0x9a: {  	s4 =	simm.s32 $_size__tile_overlayer_lowered;
	s5 =	simm.s32 $_tile_overlayer_lowered  }
0x9b: {  	s22 =	simm.s32 $0x1BFF;
	s21 =	sshll.u32 s5, $0x1;
	s2 =	sadd.s32 s19, s18  }
0x9c: {  	s6 =	simm.s32 $0x0;
	s20 =	sshll.u32 s4, $0x1;
	s4 =	sadd.s32 s21, s2  }
0x9d: {  	[timem:s6], [sflag:s22] =	dma.local [hbm:s4], s20  }
0x9e: {  	_ =	swait.ge [sflag:s22], s20  }
0x9f: {  	s3 =	ssub.s32 $0x0, s20;
	[sflag:s22] =	ssyncset.done $0x0  }
0xa0: {  	[sflag:s22] =	ssyncadd.s32 s3;
	_ =	sdelay $0x1  }
0xa1: {  	s23 =	simm.s32 $0x1B8B  }
0xa2: {  	_ =	swait.ge [sflag:s23], $0x1  }
0xa3: {  	[sflag:s23] =	ssyncset.done $0x0  }
0xa4: {  	s25 =	simm.s32 $0x1B8E;
	s24 =	sld [smem:$0x3FFE];
	[sflag:s23] =	ssyncadd.s32 $0xFFFFFFFF  }
0xa5: {  	s26 =	simm.s32 $execute0_lowered;
	[smem:$0x3FD2] =	sst s25  }
0xa6: {  	s4 =	sshll.u32 s26, $0x1;
	_ =	strace $0x8000004C;
	[dreg:$0x1] =	wrdreg $0xFFFFFFFF  }
0xa7: {  	s28 =	simm.s32 $_size_execute0_lowered;
	s2 =	sadd.s32 s2, s4;
	[dreg:$0x0] =	wrdreg $0x0  }
0xa8: {  	s4 =	sshll.u32 s28, $0x1;
	[dreg:$0x2] =	wrdreg s2  }
0xa9: {  	[dreg:$0x3] =	wrdreg s4  }
0xaa: {  	[dreg:$0x4] =	wrdreg $0xC0  }
0xab: {  	_ =	task [dreg:s6], $0x5FFFF  }
0xac: {  	[dreg:$0x1] =	wrdreg $0xFFFFFFFF  }
0xad: {  	[dreg:$0x0] =	wrdreg $0x60  }
0xae: {  	[dreg:$0x2] =	wrdreg s24  }
0xaf: {  	[dreg:$0x3] =	wrdreg $0xF0000  }
0xb0: {  	[dreg:$0x4] =	wrdreg $0x9  }
0xb1: {  	_ =	task.clear_ibuf [dreg:s6], $0x5FFFF;
	_ =	strace $0x9000004C  }
0xb2: {  	s29 =	simm.s32 $0x9;
	_ =	strace $0x8000004E  }
0xb3: {  	_ =	swait.ge [sflag:s29], $0x1  }
0xb4: {  	[sflag:s29] =	ssyncadd.s32 $0xFFFFFFFF  }
0xb5: {  	_ =	strace $0x9000004E  }
0xb6: {  	_ =	sfence  }
0xb7: {  	s30 =	sld [smem:$0x0];
	_ =	sdelay $0x2  }
0xb8: {  	s31 =	sshll.u32 s1, $0xD;
	s1 =	sshrl.u32 s1, $0x2  }
0xb9: {  	s3 =	sand.u32 $0x4000, s31;
	s1 =	sadd.s32 s1, s30  }
0xba: {  	s0 =	sor.u32 s3, s0;
	s1 =	sshll.u32 s1, $0x11  }
0xbb: {  	s0 =	sor.u32 s1, s0  }
0xbc: {  	s0 =	sadd.s32 $0x8F2B, s0  }
0xbd: {  	[sflag:s0] =	ssyncadd.remote.s32 $0x1  }
0xbe: {  	_ =	sfence.sel $0xFFFF  }
0xbf: {  	[dreg:$0x0] =	wrdreg $0xFFFFFFFF;
	(pc) =	sbr.abs _section_cstart, $3  }
0xc0: {  	[dreg:$0x1] =	wrdreg $0xFFFFFFFF  }
0xc1: {  	_ =	task.clear_ibuf [dreg:s6], $0x2FFFF;
	_ =	strace $0x9FFFFFFF  }
0xc2: {  	(tm) =	ssettm $0x7FFFFFFF  }
0xc3: {  	_ =	shalt  }
tec
execute0_lowered:
.L_overlay_start_1:
0x0: {  	(tag) =	ssettag $0x1  }
0x1: {  	s0 =	rddreg [dreg:$0x0]  }
0x2: {  	s2 =	rddreg [dreg:$0x1];
	s1 =	srdreg.scid;
	s3 =	simm.s32 $0x0  }
0x3: {  	s9 =	stileid.u32;
	s16 =	simm.s32 $0x6;
	s18 =	simm.s32 $0x80  }
0x4: {  	s19 =	simm.s32 $0x7000;
	s20 =	simm.s32 $0x9000;
	s21 =	simm.s32 $0x100  }
0x5: {  	s28 =	simm.s32 $0x2;
	s29 =	simm.s32 $0x3;
	s30 =	simm.s32 $0x4  }
0x6: {  	s31 =	simm.s32 $0x4E00;
	s17 =	simm.s32 $0x4F00;
	s1 =	sand.u32 $0x1, s1  }
0x7: {  	[smem:$0x7FF] =	sst s3;
	s6 =	smul.u32 $0xA000, s9;
	s5 =	sadd.s32 $0x3FA00, s0  }
0x8: {  	s4 =	sshll.u32 s1, $0x4;
	_ =	strace $0x8000004D;
	s8 =	smul.u32 $0xA0000, s1  }
0x9: {  	s1 =	ssub.s32 $0x2, s1;
	s7 =	sor.u32 s9, s4;
	s4 =	sadd.s32 $0x53400, s0  }
0xa: {  	s9 =	smul.u32 $0x28000, s9;
	s10 =	sshrl.u32 s1, $0x1;
	s8 =	sadd.s32 s6, s8  }
0xb: {  	s7 =	smul.u32 $0x500, s7;
	s1 =	ssub.s32 s1, s10;
	s8 =	sshrl.u32 s8, $0x3  }
0xc: {  	s22 =	sshrl.u32 s9, $0x2;
	s26 =	smax.u32 s1, $0x1;
	s1 =	simm.s32 $0x4F80  }
0xd: {  	s7 =	sadd.s32 s7, s0;
	s0 =	sadd.s32 s8, s0;
	s24 =	sadd.s32 s22, s2  }
0xe: {  	s8 =	sadd.s32 s6, s2;
	[dreg:$0x7] =	wrdreg s26;
	s22 =	simm.s32 $0xB000  }
0xf: {  	s26 =	simm.s32 $0x1;
	s6 =	simm.s32 $0x5;
	s23 =	sadd.s32 $0xE800, s7  }
0x10: {  	s7 =	sadd.s32 $0x4800, s7;
	s9 =	sadd.s32 $0x2000, s24;
	[dreg:$0x3] =	wrdreg s23  }
0x11: {  	s10 =	sadd.s32 $0x4000, s24;
	s25 =	sadd.s32 $0x8EE00, s0;
	[dreg:$0x4] =	wrdreg s7  }
0x12: {  	s11 =	sadd.s32 $0x6000, s24;
	s0 =	sadd.s32 $0x66E00, s0;
	[dreg:$0x5] =	wrdreg s25  }
0x13: {  	s12 =	sadd.s32 $0x8000, s24;
	s24 =	simm.s32 $0xD000;
	[dreg:$0x6] =	wrdreg s0  }
0x14: {  	v0 =	vimm.f32 $0.0e+00;
	s23 =	simm.s32 $0x180;
	s25 =	simm.s32 $0x5000;
	s0 =	simm.s32 $0x4E80  }
.LBB2_1:
0x15: {  	s13 =	simm.s32 $0x100;
	s7 =	simm.s32 $0x0  }
.LBB2_2:
0x16: {  	p0 =	sne.s32 s13, $0x7F00;
	[tilespmem:s7+$0x5030] =	vst v0;
	s14 =	smov.u32 s13;
	s13 =	sadd.s32 $0x100, s13  }
.Ltmp0:
0x17: {  	[tilespmem:s7+$0x5020] =	vst v0;
	(pc) =	sbr.rel @p0 .LBB2_2-.Ltmp0, $3  }
0x18: {  	[tilespmem:s7+$0x5000] =	vst v0  }
0x19: {  	[tilespmem:s7+$0x5010] =	vst v0;
	_ =	sdelay $0x1  }
0x1a: {  	s7 =	sshra.s32 s14, $0x2  }
0x1b: {  	[tilespmem:s7+$0x5030] =	vst v0  }
0x1c: {  	[tilespmem:s7+$0x5020] =	vst v0  }
0x1d: {  	[tilespmem:s7+$0x5000] =	vst v0  }
0x1e: {  	[tilespmem:s7+$0x5010] =	vst v0;
	s7 =	simm.s32 $0x0;
	s13 =	rddreg [dreg:$0x3]  }
0x1f: {  	[tilespmem:s7], [sflag:$0x6] =	stream.linear.gather [hbm4b:s13+s7], $0x2800, $0x38;
	[tilespmem:$0x19000] =	vst v63  }
0x20: {  	_ =	swait.ge [sflag:s16], $0x2800  }
0x21: {  	[sflag:s16] =	ssyncset.done $0x0  }
0x22: {  	s14 =	simm.s32 $0x2800;
	s15 =	rddreg [dreg:$0x4];
	[sflag:s16] =	ssyncadd.s32 $0xFFFFD800  }
0x23: {  	[tilespmem:s14], [sflag:$0x6] =	stream.linear.gather [hbm4b:s15+s7], $0x2800, $0x38;
	[tilespmem:$0x19000] =	vst v63  }
0x24: {  	_ =	swait.ge [sflag:s16], $0x2800  }
0x25: {  	[sflag:s16] =	ssyncset.done $0x0  }
0x26: {  	[sflag:s16] =	ssyncadd.s32 $0xFFFFD800  }
0x27: {  	[tilespmem:s19], [sflag:$0x1] =	stream.indirect.gather [hbm4b:s4+s18], $0x40, s7, s18, $0xb8;
	[tilespmem:$0x19000] =	vst v63  }
0x28: {  	_ = 	snop  }
0x29: {  	[tilespmem:s20], [sflag:$0x2] =	stream.indirect.gather [hbm4b:s4+s18], $0x40, s18, s18, $0xb8;
	[tilespmem:$0x19000] =	vst v63  }
0x2a: {  	_ = 	snop  }
0x2b: {  	[tilespmem:s22], [sflag:$0x3] =	stream.indirect.gather [hbm4b:s4+s18], $0x40, s21, s18, $0xb8;
	[tilespmem:$0x19000] =	vst v63  }
0x2c: {  	_ = 	snop  }
0x2d: {  	[tilespmem:s24], [sflag:$0x4] =	stream.indirect.gather [hbm4b:s4+s18], $0x40, s23, s18, $0xb8;
	[tilespmem:$0x19000] =	vst v63  }
0x2e: {  	_ = 	snop  }
0x2f: {  	[spmem:s8] =	stream.linear.scatter [tilespmem:s25], [sflag:$0x6], $0x2000, $0x38;
	[tilespmem:$0x19000] =	vst v63  }
0x30: {  	_ =	swait.ge [sflag:s16], $0x2000  }
0x31: {  	[sflag:s16] =	ssyncset.done $0x0  }
0x32: {  	[sflag:s16] =	ssyncadd.s32 $0xFFFFE000  }
0x33: {  	[spmem:s9] =	stream.linear.scatter [tilespmem:s25], [sflag:$0x6], $0x2000, $0x38;
	[tilespmem:$0x19000] =	vst v63  }
0x34: {  	_ =	swait.ge [sflag:s16], $0x2000  }
0x35: {  	[sflag:s16] =	ssyncset.done $0x0  }
0x36: {  	[sflag:s16] =	ssyncadd.s32 $0xFFFFE000  }
0x37: {  	[spmem:s10] =	stream.linear.scatter [tilespmem:s25], [sflag:$0x6], $0x2000, $0x38;
	[tilespmem:$0x19000] =	vst v63  }
0x38: {  	_ =	swait.ge [sflag:s16], $0x2000  }
0x39: {  	[sflag:s16] =	ssyncset.done $0x0  }
0x3a: {  	[sflag:s16] =	ssyncadd.s32 $0xFFFFE000  }
0x3b: {  	[spmem:s11] =	stream.linear.scatter [tilespmem:s25], [sflag:$0x6], $0x2000, $0x38;
	[tilespmem:$0x19000] =	vst v63  }
0x3c: {  	_ =	swait.ge [sflag:s16], $0x2000  }
0x3d: {  	[sflag:s16] =	ssyncset.done $0x0  }
0x3e: {  	[sflag:s16] =	ssyncadd.s32 $0xFFFFE000  }
0x3f: {  	[spmem:s12] =	stream.linear.scatter [tilespmem:s25], [sflag:$0x6], $0x2000, $0x38;
	[tilespmem:$0x19000] =	vst v63  }
0x40: {  	_ =	swait.ge [sflag:s16], $0x2000  }
0x41: {  	[sflag:s16] =	ssyncset.done $0x0  }
0x42: {  	[sflag:s16] =	ssyncadd.s32 $0xFFFFE000  }
0x43: {  	[bflag:$0x0] =	sbarrier.arrive $0xFFFF  }
0x44: {  	_ =	swait.ge [sflag:s26], $0x2000  }
0x45: {  	[sflag:s26] =	ssyncset.done $0x0  }
0x46: {  	s15 =	simm.s32 $0x2800;
	[sflag:s26] =	ssyncadd.s32 $0xFFFFE000  }
0x47: {  	[spmem:s2] =	stream.indirect.scatter.add.f32 [tilespmem:s19], [sflag:$0x6], $0x40, s15, s18, $0xb8;
	[tilespmem:$0x19000] =	vst v63  }
0x48: {  	_ =	swait.ge [sflag:s16], $0x2000  }
0x49: {  	[sflag:s16] =	ssyncset.done $0x0  }
0x4a: {  	s13 =	simm.s32 $0x200;
	[sflag:s16] =	ssyncadd.s32 $0xFFFFE000  }
0x4b: {  	[tilespmem:s19], [sflag:$0x1] =	stream.indirect.gather [hbm4b:s4+s18], $0x40, s13, s18, $0xb8;
	[tilespmem:$0x19000] =	vst v63  }
0x4c: {  	_ =	swait.ge [sflag:s28], $0x2000  }
0x4d: {  	[sflag:s28] =	ssyncset.done $0x0  }
0x4e: {  	s14 =	simm.s32 $0x2880;
	[sflag:s28] =	ssyncadd.s32 $0xFFFFE000  }
0x4f: {  	[spmem:s2] =	stream.indirect.scatter.add.f32 [tilespmem:s20], [sflag:$0x6], $0x40, s14, s18, $0xb8;
	[tilespmem:$0x19000] =	vst v63  }
0x50: {  	_ =	swait.ge [sflag:s16], $0x2000  }
0x51: {  	[sflag:s16] =	ssyncset.done $0x0  }
0x52: {  	s15 =	simm.s32 $0x280;
	[sflag:s16] =	ssyncadd.s32 $0xFFFFE000  }
0x53: {  	[tilespmem:s20], [sflag:$0x2] =	stream.indirect.gather [hbm4b:s4+s18], $0x40, s15, s18, $0xb8;
	[tilespmem:$0x19000] =	vst v63  }
0x54: {  	_ =	swait.ge [sflag:s29], $0x2000  }
0x55: {  	[sflag:s29] =	ssyncset.done $0x0  }
0x56: {  	s13 =	simm.s32 $0x2900;
	[sflag:s29] =	ssyncadd.s32 $0xFFFFE000  }
0x57: {  	[spmem:s2] =	stream.indirect.scatter.add.f32 [tilespmem:s22], [sflag:$0x6], $0x40, s13, s18, $0xb8;
	[tilespmem:$0x19000] =	vst v63  }
0x58: {  	_ =	swait.ge [sflag:s16], $0x2000  }
0x59: {  	[sflag:s16] =	ssyncset.done $0x0  }
0x5a: {  	s14 =	simm.s32 $0x300;
	[sflag:s16] =	ssyncadd.s32 $0xFFFFE000  }
0x5b: {  	[tilespmem:s22], [sflag:$0x3] =	stream.indirect.gather [hbm4b:s4+s18], $0x40, s14, s18, $0xb8;
	[tilespmem:$0x19000] =	vst v63  }
0x5c: {  	_ =	swait.ge [sflag:s30], $0x2000  }
0x5d: {  	[sflag:s30] =	ssyncset.done $0x0  }
0x5e: {  	s15 =	simm.s32 $0x2980;
	[sflag:s30] =	ssyncadd.s32 $0xFFFFE000  }
0x5f: {  	[spmem:s2] =	stream.indirect.scatter.add.f32 [tilespmem:s24], [sflag:$0x6], $0x40, s15, s18, $0xb8;
	[tilespmem:$0x19000] =	vst v63  }
0x60: {  	_ =	swait.ge [sflag:s16], $0x2000  }
0x61: {  	[sflag:s16] =	ssyncset.done $0x0  }
0x62: {  	s7 =	simm.s32 $0x800;
	s13 =	simm.s32 $0x380;
	[sflag:s16] =	ssyncadd.s32 $0xFFFFE000  }
.LBB2_4:
0x63: {  	[tilespmem:s24], [sflag:$0x4] =	stream.indirect.gather [hbm4b:s4+s18], $0x40, s13, s18, $0xb8;
	[tilespmem:$0x19000] =	vst v63  }
0x64: {  	s13 =	smov.u32 s7  }
0x65: {  	p0 =	sne.s32 s7, $0x9000;
	s7 =	sadd.s32 $0x800, s7;
	_ =	swait.ge [sflag:s26], $0x2000  }
0x66: {  	s13 =	sshra.s32 s13, $0x2;
	[sflag:s26] =	ssyncset.done $0x0  }
0x67: {  	s14 =	sadd.s32 $0x2800, s13;
	[sflag:s26] =	ssyncadd.s32 $0xFFFFE000  }
0x68: {  	[spmem:s2] =	stream.indirect.scatter.add.f32 [tilespmem:s19], [sflag:$0x6], $0x40, s14, s18, $0xb8;
	[tilespmem:$0x19000] =	vst v63  }
0x69: {  	_ =	swait.ge [sflag:s16], $0x2000  }
0x6a: {  	[sflag:s16] =	ssyncset.done $0x0  }
0x6b: {  	s14 =	sadd.s32 $0x200, s13;
	[sflag:s16] =	ssyncadd.s32 $0xFFFFE000  }
0x6c: {  	[tilespmem:s19], [sflag:$0x1] =	stream.indirect.gather [hbm4b:s4+s18], $0x40, s14, s18, $0xb8;
	[tilespmem:$0x19000] =	vst v63  }
0x6d: {  	_ =	swait.ge [sflag:s28], $0x2000  }
0x6e: {  	[sflag:s28] =	ssyncset.done $0x0  }
0x6f: {  	s14 =	sadd.s32 $0x2880, s13;
	[sflag:s28] =	ssyncadd.s32 $0xFFFFE000  }
0x70: {  	[spmem:s2] =	stream.indirect.scatter.add.f32 [tilespmem:s20], [sflag:$0x6], $0x40, s14, s18, $0xb8;
	[tilespmem:$0x19000] =	vst v63  }
0x71: {  	_ =	swait.ge [sflag:s16], $0x2000  }
0x72: {  	[sflag:s16] =	ssyncset.done $0x0  }
0x73: {  	s14 =	sadd.s32 $0x280, s13;
	[sflag:s16] =	ssyncadd.s32 $0xFFFFE000  }
0x74: {  	[tilespmem:s20], [sflag:$0x2] =	stream.indirect.gather [hbm4b:s4+s18], $0x40, s14, s18, $0xb8;
	[tilespmem:$0x19000] =	vst v63  }
0x75: {  	_ =	swait.ge [sflag:s29], $0x2000  }
0x76: {  	[sflag:s29] =	ssyncset.done $0x0  }
0x77: {  	s14 =	sadd.s32 $0x2900, s13;
	[sflag:s29] =	ssyncadd.s32 $0xFFFFE000  }
0x78: {  	[spmem:s2] =	stream.indirect.scatter.add.f32 [tilespmem:s22], [sflag:$0x6], $0x40, s14, s18, $0xb8;
	[tilespmem:$0x19000] =	vst v63  }
0x79: {  	_ =	swait.ge [sflag:s16], $0x2000  }
0x7a: {  	[sflag:s16] =	ssyncset.done $0x0  }
0x7b: {  	s14 =	sadd.s32 $0x300, s13;
	[sflag:s16] =	ssyncadd.s32 $0xFFFFE000  }
0x7c: {  	[tilespmem:s22], [sflag:$0x3] =	stream.indirect.gather [hbm4b:s4+s18], $0x40, s14, s18, $0xb8;
	[tilespmem:$0x19000] =	vst v63  }
0x7d: {  	_ =	swait.ge [sflag:s30], $0x2000  }
0x7e: {  	[sflag:s30] =	ssyncset.done $0x0  }
.Ltmp1:
0x7f: {  	s14 =	sadd.s32 $0x2980, s13;
	[sflag:s30] =	ssyncadd.s32 $0xFFFFE000;
	(pc) =	sbr.rel @p0 .LBB2_4-.Ltmp1, $4  }
0x80: {  	[spmem:s2] =	stream.indirect.scatter.add.f32 [tilespmem:s24], [sflag:$0x6], $0x40, s14, s18, $0xb8;
	[tilespmem:$0x19000] =	vst v63  }
0x81: {  	_ =	swait.ge [sflag:s16], $0x2000  }
0x82: {  	[sflag:s16] =	ssyncset.done $0x0  }
0x83: {  	s13 =	sadd.s32 $0x380, s13;
	[sflag:s16] =	ssyncadd.s32 $0xFFFFE000  }
0x84: {  	[tilespmem:s24], [sflag:$0x4] =	stream.indirect.gather [hbm4b:s4+s18], $0x40, s13, s18, $0xb8;
	[tilespmem:$0x19000] =	vst v63  }
0x85: {  	_ =	swait.ge [sflag:s26], $0x2000  }
0x86: {  	[sflag:s26] =	ssyncset.done $0x0  }
0x87: {  	[sflag:s26] =	ssyncadd.s32 $0xFFFFE000  }
0x88: {  	[spmem:s2] =	stream.indirect.scatter.add.f32 [tilespmem:s19], [sflag:$0x6], $0x40, s31, s18, $0xb8;
	[tilespmem:$0x19000] =	vst v63  }
0x89: {  	_ =	swait.ge [sflag:s16], $0x2000  }
0x8a: {  	[sflag:s16] =	ssyncset.done $0x0  }
0x8b: {  	[sflag:s16] =	ssyncadd.s32 $0xFFFFE000  }
0x8c: {  	_ =	swait.ge [sflag:s28], $0x2000  }
0x8d: {  	[sflag:s28] =	ssyncset.done $0x0  }
0x8e: {  	[sflag:s28] =	ssyncadd.s32 $0xFFFFE000  }
0x8f: {  	[spmem:s2] =	stream.indirect.scatter.add.f32 [tilespmem:s20], [sflag:$0x6], $0x40, s0, s18, $0xb8;
	[tilespmem:$0x19000] =	vst v63  }
0x90: {  	_ =	swait.ge [sflag:s16], $0x2000  }
0x91: {  	[sflag:s16] =	ssyncset.done $0x0  }
0x92: {  	[sflag:s16] =	ssyncadd.s32 $0xFFFFE000  }
0x93: {  	_ =	swait.ge [sflag:s29], $0x2000  }
0x94: {  	[sflag:s29] =	ssyncset.done $0x0  }
0x95: {  	[sflag:s29] =	ssyncadd.s32 $0xFFFFE000  }
0x96: {  	[spmem:s2] =	stream.indirect.scatter.add.f32 [tilespmem:s22], [sflag:$0x6], $0x40, s17, s18, $0xb8;
	[tilespmem:$0x19000] =	vst v63  }
0x97: {  	_ =	swait.ge [sflag:s16], $0x2000  }
0x98: {  	[sflag:s16] =	ssyncset.done $0x0  }
0x99: {  	[sflag:s16] =	ssyncadd.s32 $0xFFFFE000  }
0x9a: {  	_ =	swait.ge [sflag:s30], $0x2000  }
0x9b: {  	[sflag:s30] =	ssyncset.done $0x0  }
0x9c: {  	[sflag:s30] =	ssyncadd.s32 $0xFFFFE000  }
0x9d: {  	[spmem:s2] =	stream.indirect.scatter.add.f32 [tilespmem:s24], [sflag:$0x6], $0x40, s1, s18, $0xb8;
	[tilespmem:$0x19000] =	vst v63  }
0x9e: {  	_ =	swait.ge [sflag:s16], $0x2000  }
0x9f: {  	[sflag:s16] =	ssyncset.done $0x0  }
0xa0: {  	s7 =	stileid.u32;
	[sflag:s16] =	ssyncadd.s32 $0xFFFFE000  }
0xa1: {  	s7 =	sshll.u32 s7, $0x6;
	[bflag:$0x0] =	sbarrier.arrive $0xFFFF  }
0xa2: {  	s13 =	sshrl.u32 s8, $0x3;
	s14 =	sor.u32 $0x1C05, s7;
	s15 =	rddreg [dreg:$0x5]  }
0xa3: {  	[hbm:s15], [sflag:s14] =	dma.local [spmem:s13], $0x1400  }
0xa4: {  	s15 =	simm.s32 $0x0  }
0xa5: {  	[tilespmem:s19], [sflag:$0x1] =	stream.indirect.gather [hbm4b:s5+s18], $0x40, s15, s18, $0xb8;
	[tilespmem:$0x19000] =	vst v63  }
0xa6: {  	_ = 	snop  }
0xa7: {  	[tilespmem:s20], [sflag:$0x2] =	stream.indirect.gather [hbm4b:s5+s18], $0x40, s18, s18, $0xb8;
	[tilespmem:$0x19000] =	vst v63  }
0xa8: {  	_ = 	snop  }
0xa9: {  	[tilespmem:s22], [sflag:$0x3] =	stream.indirect.gather [hbm4b:s5+s18], $0x40, s21, s18, $0xb8;
	[tilespmem:$0x19000] =	vst v63  }
0xaa: {  	_ = 	snop  }
0xab: {  	[tilespmem:s24], [sflag:$0x4] =	stream.indirect.gather [hbm4b:s5+s18], $0x40, s23, s18, $0xb8;
	[tilespmem:$0x19000] =	vst v63  }
0xac: {  	_ =	swait.ge [sflag:s6], $0x1400  }
0xad: {  	[sflag:s6] =	ssyncset.done $0x0  }
0xae: {  	[sflag:s6] =	ssyncadd.s32 $0xFFFFEC00  }
0xaf: {  	[spmem:s8] =	stream.linear.scatter [tilespmem:s25], [sflag:$0x6], $0x2000, $0x38;
	[tilespmem:$0x19000] =	vst v63  }
0xb0: {  	_ =	swait.ge [sflag:s16], $0x2000  }
0xb1: {  	[sflag:s16] =	ssyncset.done $0x0  }
0xb2: {  	[sflag:s16] =	ssyncadd.s32 $0xFFFFE000  }
0xb3: {  	[spmem:s9] =	stream.linear.scatter [tilespmem:s25], [sflag:$0x6], $0x2000, $0x38;
	[tilespmem:$0x19000] =	vst v63  }
0xb4: {  	_ =	swait.ge [sflag:s16], $0x2000  }
0xb5: {  	[sflag:s16] =	ssyncset.done $0x0  }
0xb6: {  	[sflag:s16] =	ssyncadd.s32 $0xFFFFE000  }
0xb7: {  	[spmem:s10] =	stream.linear.scatter [tilespmem:s25], [sflag:$0x6], $0x2000, $0x38;
	[tilespmem:$0x19000] =	vst v63  }
0xb8: {  	_ =	swait.ge [sflag:s16], $0x2000  }
0xb9: {  	[sflag:s16] =	ssyncset.done $0x0  }
0xba: {  	[sflag:s16] =	ssyncadd.s32 $0xFFFFE000  }
0xbb: {  	[spmem:s11] =	stream.linear.scatter [tilespmem:s25], [sflag:$0x6], $0x2000, $0x38;
	[tilespmem:$0x19000] =	vst v63  }
0xbc: {  	_ =	swait.ge [sflag:s16], $0x2000  }
0xbd: {  	[sflag:s16] =	ssyncset.done $0x0  }
0xbe: {  	[sflag:s16] =	ssyncadd.s32 $0xFFFFE000  }
0xbf: {  	[spmem:s12] =	stream.linear.scatter [tilespmem:s25], [sflag:$0x6], $0x2000, $0x38;
	[tilespmem:$0x19000] =	vst v63  }
0xc0: {  	_ =	swait.ge [sflag:s16], $0x2000  }
0xc1: {  	[sflag:s16] =	ssyncset.done $0x0  }
0xc2: {  	[sflag:s16] =	ssyncadd.s32 $0xFFFFE000  }
0xc3: {  	[bflag:$0x0] =	sbarrier.arrive $0xFFFF  }
0xc4: {  	_ =	swait.ge [sflag:s26], $0x2000  }
0xc5: {  	[sflag:s26] =	ssyncset.done $0x0  }
0xc6: {  	s21 =	simm.s32 $0x2800;
	[sflag:s26] =	ssyncadd.s32 $0xFFFFE000  }
0xc7: {  	[spmem:s2] =	stream.indirect.scatter.add.f32 [tilespmem:s19], [sflag:$0x6], $0x40, s21, s18, $0xb8;
	[tilespmem:$0x19000] =	vst v63  }
0xc8: {  	_ =	swait.ge [sflag:s16], $0x2000  }
0xc9: {  	[sflag:s16] =	ssyncset.done $0x0  }
0xca: {  	s15 =	simm.s32 $0x200;
	[sflag:s16] =	ssyncadd.s32 $0xFFFFE000  }
0xcb: {  	[tilespmem:s19], [sflag:$0x1] =	stream.indirect.gather [hbm4b:s5+s18], $0x40, s15, s18, $0xb8;
	[tilespmem:$0x19000] =	vst v63  }
0xcc: {  	_ =	swait.ge [sflag:s28], $0x2000  }
0xcd: {  	[sflag:s28] =	ssyncset.done $0x0  }
0xce: {  	s21 =	simm.s32 $0x2880;
	[sflag:s28] =	ssyncadd.s32 $0xFFFFE000  }
0xcf: {  	[spmem:s2] =	stream.indirect.scatter.add.f32 [tilespmem:s20], [sflag:$0x6], $0x40, s21, s18, $0xb8;
	[tilespmem:$0x19000] =	vst v63  }
0xd0: {  	_ =	swait.ge [sflag:s16], $0x2000  }
0xd1: {  	[sflag:s16] =	ssyncset.done $0x0  }
0xd2: {  	s15 =	simm.s32 $0x280;
	[sflag:s16] =	ssyncadd.s32 $0xFFFFE000  }
0xd3: {  	[tilespmem:s20], [sflag:$0x2] =	stream.indirect.gather [hbm4b:s5+s18], $0x40, s15, s18, $0xb8;
	[tilespmem:$0x19000] =	vst v63  }
0xd4: {  	_ =	swait.ge [sflag:s29], $0x2000  }
0xd5: {  	[sflag:s29] =	ssyncset.done $0x0  }
0xd6: {  	s21 =	simm.s32 $0x2900;
	[sflag:s29] =	ssyncadd.s32 $0xFFFFE000  }
0xd7: {  	[spmem:s2] =	stream.indirect.scatter.add.f32 [tilespmem:s22], [sflag:$0x6], $0x40, s21, s18, $0xb8;
	[tilespmem:$0x19000] =	vst v63  }
0xd8: {  	_ =	swait.ge [sflag:s16], $0x2000  }
0xd9: {  	[sflag:s16] =	ssyncset.done $0x0  }
0xda: {  	s15 =	simm.s32 $0x300;
	[sflag:s16] =	ssyncadd.s32 $0xFFFFE000  }
0xdb: {  	[tilespmem:s22], [sflag:$0x3] =	stream.indirect.gather [hbm4b:s5+s18], $0x40, s15, s18, $0xb8;
	[tilespmem:$0x19000] =	vst v63  }
0xdc: {  	_ =	swait.ge [sflag:s30], $0x2000  }
0xdd: {  	[sflag:s30] =	ssyncset.done $0x0  }
0xde: {  	s21 =	simm.s32 $0x2980;
	[sflag:s30] =	ssyncadd.s32 $0xFFFFE000  }
0xdf: {  	[spmem:s2] =	stream.indirect.scatter.add.f32 [tilespmem:s24], [sflag:$0x6], $0x40, s21, s18, $0xb8;
	[tilespmem:$0x19000] =	vst v63  }
0xe0: {  	_ =	swait.ge [sflag:s16], $0x2000  }
0xe1: {  	[sflag:s16] =	ssyncset.done $0x0  }
0xe2: {  	s14 =	simm.s32 $0x800;
	s21 =	simm.s32 $0x380;
	[sflag:s16] =	ssyncadd.s32 $0xFFFFE000  }
.LBB2_6:
0xe3: {  	[tilespmem:s24], [sflag:$0x4] =	stream.indirect.gather [hbm4b:s5+s18], $0x40, s21, s18, $0xb8;
	[tilespmem:$0x19000] =	vst v63  }
0xe4: {  	s21 =	smov.u32 s14  }
0xe5: {  	p0 =	sne.s32 s14, $0x9000;
	s14 =	sadd.s32 $0x800, s14;
	_ =	swait.ge [sflag:s26], $0x2000  }
0xe6: {  	s21 =	sshra.s32 s21, $0x2;
	[sflag:s26] =	ssyncset.done $0x0  }
0xe7: {  	s15 =	sadd.s32 $0x2800, s21;
	[sflag:s26] =	ssyncadd.s32 $0xFFFFE000  }
0xe8: {  	[spmem:s2] =	stream.indirect.scatter.add.f32 [tilespmem:s19], [sflag:$0x6], $0x40, s15, s18, $0xb8;
	[tilespmem:$0x19000] =	vst v63  }
0xe9: {  	_ =	swait.ge [sflag:s16], $0x2000  }
0xea: {  	[sflag:s16] =	ssyncset.done $0x0  }
0xeb: {  	s15 =	sadd.s32 $0x200, s21;
	[sflag:s16] =	ssyncadd.s32 $0xFFFFE000  }
0xec: {  	[tilespmem:s19], [sflag:$0x1] =	stream.indirect.gather [hbm4b:s5+s18], $0x40, s15, s18, $0xb8;
	[tilespmem:$0x19000] =	vst v63  }
0xed: {  	_ =	swait.ge [sflag:s28], $0x2000  }
0xee: {  	[sflag:s28] =	ssyncset.done $0x0  }
0xef: {  	s15 =	sadd.s32 $0x2880, s21;
	[sflag:s28] =	ssyncadd.s32 $0xFFFFE000  }
0xf0: {  	[spmem:s2] =	stream.indirect.scatter.add.f32 [tilespmem:s20], [sflag:$0x6], $0x40, s15, s18, $0xb8;
	[tilespmem:$0x19000] =	vst v63  }
0xf1: {  	_ =	swait.ge [sflag:s16], $0x2000  }
0xf2: {  	[sflag:s16] =	ssyncset.done $0x0  }
0xf3: {  	s15 =	sadd.s32 $0x280, s21;
	[sflag:s16] =	ssyncadd.s32 $0xFFFFE000  }
0xf4: {  	[tilespmem:s20], [sflag:$0x2] =	stream.indirect.gather [hbm4b:s5+s18], $0x40, s15, s18, $0xb8;
	[tilespmem:$0x19000] =	vst v63  }
0xf5: {  	_ =	swait.ge [sflag:s29], $0x2000  }
0xf6: {  	[sflag:s29] =	ssyncset.done $0x0  }
0xf7: {  	s15 =	sadd.s32 $0x2900, s21;
	[sflag:s29] =	ssyncadd.s32 $0xFFFFE000  }
0xf8: {  	[spmem:s2] =	stream.indirect.scatter.add.f32 [tilespmem:s22], [sflag:$0x6], $0x40, s15, s18, $0xb8;
	[tilespmem:$0x19000] =	vst v63  }
0xf9: {  	_ =	swait.ge [sflag:s16], $0x2000  }
0xfa: {  	[sflag:s16] =	ssyncset.done $0x0  }
0xfb: {  	s15 =	sadd.s32 $0x300, s21;
	[sflag:s16] =	ssyncadd.s32 $0xFFFFE000  }
0xfc: {  	[tilespmem:s22], [sflag:$0x3] =	stream.indirect.gather [hbm4b:s5+s18], $0x40, s15, s18, $0xb8;
	[tilespmem:$0x19000] =	vst v63  }
0xfd: {  	_ =	swait.ge [sflag:s30], $0x2000  }
0xfe: {  	[sflag:s30] =	ssyncset.done $0x0  }
.Ltmp2:
0xff: {  	s15 =	sadd.s32 $0x2980, s21;
	[sflag:s30] =	ssyncadd.s32 $0xFFFFE000;
	(pc) =	sbr.rel @p0 .LBB2_6-.Ltmp2, $4  }
0x100: {  	[spmem:s2] =	stream.indirect.scatter.add.f32 [tilespmem:s24], [sflag:$0x6], $0x40, s15, s18, $0xb8;
	[tilespmem:$0x19000] =	vst v63  }
0x101: {  	_ =	swait.ge [sflag:s16], $0x2000  }
0x102: {  	[sflag:s16] =	ssyncset.done $0x0  }
0x103: {  	s21 =	sadd.s32 $0x380, s21;
	[sflag:s16] =	ssyncadd.s32 $0xFFFFE000  }
0x104: {  	[tilespmem:s24], [sflag:$0x4] =	stream.indirect.gather [hbm4b:s5+s18], $0x40, s21, s18, $0xb8;
	[tilespmem:$0x19000] =	vst v63  }
0x105: {  	_ =	swait.ge [sflag:s26], $0x2000  }
0x106: {  	[sflag:s26] =	ssyncset.done $0x0  }
0x107: {  	[sflag:s26] =	ssyncadd.s32 $0xFFFFE000  }
0x108: {  	[spmem:s2] =	stream.indirect.scatter.add.f32 [tilespmem:s19], [sflag:$0x6], $0x40, s31, s18, $0xb8;
	[tilespmem:$0x19000] =	vst v63  }
0x109: {  	_ =	swait.ge [sflag:s16], $0x2000  }
0x10a: {  	[sflag:s16] =	ssyncset.done $0x0  }
0x10b: {  	[sflag:s16] =	ssyncadd.s32 $0xFFFFE000  }
0x10c: {  	_ =	swait.ge [sflag:s28], $0x2000  }
0x10d: {  	[sflag:s28] =	ssyncset.done $0x0  }
0x10e: {  	[sflag:s28] =	ssyncadd.s32 $0xFFFFE000  }
0x10f: {  	[spmem:s2] =	stream.indirect.scatter.add.f32 [tilespmem:s20], [sflag:$0x6], $0x40, s0, s18, $0xb8;
	[tilespmem:$0x19000] =	vst v63  }
0x110: {  	_ =	swait.ge [sflag:s16], $0x2000  }
0x111: {  	[sflag:s16] =	ssyncset.done $0x0  }
0x112: {  	[sflag:s16] =	ssyncadd.s32 $0xFFFFE000  }
0x113: {  	_ =	swait.ge [sflag:s29], $0x2000  }
0x114: {  	[sflag:s29] =	ssyncset.done $0x0  }
0x115: {  	[sflag:s29] =	ssyncadd.s32 $0xFFFFE000  }
0x116: {  	[spmem:s2] =	stream.indirect.scatter.add.f32 [tilespmem:s22], [sflag:$0x6], $0x40, s17, s18, $0xb8;
	[tilespmem:$0x19000] =	vst v63  }
0x117: {  	_ =	swait.ge [sflag:s16], $0x2000  }
0x118: {  	[sflag:s16] =	ssyncset.done $0x0  }
0x119: {  	[sflag:s16] =	ssyncadd.s32 $0xFFFFE000  }
0x11a: {  	_ =	swait.ge [sflag:s30], $0x2000  }
0x11b: {  	[sflag:s30] =	ssyncset.done $0x0  }
0x11c: {  	[sflag:s30] =	ssyncadd.s32 $0xFFFFE000  }
0x11d: {  	[spmem:s2] =	stream.indirect.scatter.add.f32 [tilespmem:s24], [sflag:$0x6], $0x40, s1, s18, $0xb8;
	[tilespmem:$0x19000] =	vst v63  }
0x11e: {  	_ =	swait.ge [sflag:s16], $0x2000  }
0x11f: {  	[sflag:s16] =	ssyncset.done $0x0  }
0x120: {  	[sflag:s16] =	ssyncadd.s32 $0xFFFFE000  }
0x121: {  	[bflag:$0x0] =	sbarrier.arrive $0xFFFF  }
0x122: {  	s7 =	sor.u32 $0x1C06, s7;
	s14 =	rddreg [dreg:$0x6]  }
0x123: {  	[hbm:s14], [sflag:s7] =	dma.local [spmem:s13], $0x1400  }
0x124: {  	_ =	swait.ge [sflag:s16], $0x1400  }
0x125: {  	s3 =	sadd.s32 $0x1, s3;
	s21 =	rddreg [dreg:$0x7]  }
0x126: {  	p0 =	sne.s32 s3, s21  }
.Ltmp3:
0x127: {  	_ = 	snop;
	(pc) =	sbr.rel @p0 .LBB2_1-.Ltmp3, $3  }
0x128: {  	_ =	sdelay $0x1  }
0x129: {  	[sflag:s16] =	ssyncset.done $0x0  }
0x12a: {  	[sflag:s16] =	ssyncadd.s32 $0xFFFFEC00;
	s21 =	simm.s32 $0x100  }
0x12b: {  	_ =	sfence.sel $0x180000  }
0x12c: {  	[bflag:$0x0] =	sbarrier.arrive $0xFFFF  }
0x12d: {  	_ =	strace $0x9000004D  }
0x12e: {  	s0 =	stileid.u32;
	[bflag:$0x2] =	sbarrier.arrive $0xFFFF  }
0x12f: {  	p0 =	sne.s32 s0, $0x0;
	s0 =	rddreg [dreg:$0x2]  }
0x130: {  	s0 =	sadd.s32 @!p0 $0x100000, s0  }
0x131: {  	[sflag:s0] =	ssyncadd.tile.s32 @!p0 $0x1;
	_ =	shalt  }
.Lfunc_end2:
_tile_overlayer_lowered:
.L_overlay_start_2:
0x132: {  	(tag) =	ssettag $0x2  }
0x133: {  	s0 =	rddreg [dreg:$0x0];
	s2 =	stileid.u32  }
0x134: {  	s1 =	rddreg [dreg:$0x1];
	p0 =	sne.s32 s2, $0x0  }
0x135: {  	s3 =	rddreg [dreg:$0x2];
	[bflag:$0x3] =	sbarrier.arrive $0xFFFF;
	s2 =	simm.s32 @!p0 $0x1C06  }
0x136: {  	[timem:s3], [sflag:s2] =	dma.local @!p0 [hbm:s0], s1  }
0x137: {  	s0 =	simm.s32 @!p0 $0x6  }
0x138: {  	_ =	swait.ge @!p0 [sflag:s0], s1  }
0x139: {  	s1 =	ssub.s32 @!p0 $0x0, s1;
	[sflag:s0] =	ssyncset.done @!p0 $0x0  }
0x13a: {  	[sflag:s0] =	ssyncadd.s32 @!p0 s1  }
0x13b: {  	[bflag:$0x3] =	sbarrier.arrive $0xFFFF  }
0x13c: {  	_ =	shalt  }

// kernel: kernel.9.cloned.1.call-start
scs
__scs_entry_jumppad:
0x0: {  	(pc) =	sbr.rel $0x88, $3  }
0x1: {  	(tag) =	ssettag $0x0;
	lr =	simm.s32 $0x1  }
0x2: {  	[smem:$0x3F99] =	sst lr;
	_ =	strace $0xD0000000  }
0x3: {  	_ = 	snop  }
0x4: {  	_ = 	snop  }
0x5: {  	_ = 	snop  }
0x6: {  	_ = 	snop  }
0x7: {  	_ = 	snop  }
__scs_overlays_trampoline_lowered:
0x8: {  	[smem:$0x3FA8] =	sst s0  }
0x9: {  	[smem:$0x3FA9] =	sst s1  }
0xa: {  	[smem:$0x3FAA] =	sst s2  }
0xb: {  	[smem:$0x3FAB] =	sst s3  }
0xc: {  	[smem:$0x3FAC] =	sst s4  }
0xd: {  	[smem:$0x3FAD] =	sst s5  }
0xe: {  	[smem:$0x3FAE] =	sst s6  }
0xf: {  	[smem:$0x3FAF] =	sst s7  }
0x10: {  	[smem:$0x3FB0] =	sst s8  }
0x11: {  	[smem:$0x3FB1] =	sst s9;
	s0 =	simm.s32 @!p0 $0x0  }
0x12: {  	s1 =	sld [smem:$0x3F97];
	s0 =	simm.s32 @p0 $0x1  }
0x13: {  	[smem:$0x3FB2] =	sst s0;
	s0 =	simm.s32 @!p1 $0x0  }
0x14: {  	s2 =	sld [smem:$0x3F96];
	s0 =	simm.s32 @p1 $0x1  }
0x15: {  	[smem:$0x3FB3] =	sst s0;
	s0 =	simm.s32 @!p2 $0x0  }
0x16: {  	s3 =	sld [smem:$0x3FDB];
	s0 =	simm.s32 @p2 $0x1  }
0x17: {  	s4 =	simm.s32 $0x1BF5;
	[smem:$0x3FB5] =	sst s0  }
0x18: {  	s0 =	sld [smem:$0x3F98];
	_ =	swait.ge [sflag:s4], $0x0  }
0x19: {  	s7 =	sld [smem:$0x3F99]  }
0x1a: {  	s8 =	sadd.s32 $0xFFFFE003, lr  }
0x1b: {  	s9 =	sadd.s32 $0xFFFFFEF7, lr;
	s5 =	simm.s32 $0xFFFFFFFF;
	p2 =	slt.u32 s8, $0xFFFFF086  }
0x1c: {  	p1 =	slt.u32 s9, $0xF7A;
	s5 =	simm.s32 @!p2 $0x0  }
0x1d: {  	s5 =	simm.s32 @p1 $0x1;
	p0 =	seq.s32 s7, s2  }
0x1e: {  	s7 =	smul.u32 @!p0 $0xF7A, s2;
	p2 =	seq.s32 @!p0 s5, $0x0  }
0x1f: {  	s9 =	smul.u32 $0xF7A, s1;
	s8 =	simm.s32 @!p0 $0x1BF5;
	p2 =	por !p2, p0  }
0x20: {  	[sflag:s8] =	ssyncset.s32 @!p0 $0xFFFFF086;
	s6 =	sadd.s32 @!p0 s3, s7;
	s7 =	simm.s32 @!p0 $0x108  }
0x21: {  	s3 =	sadd.s32 s3, s9;
	s6 =	sadd.s32 @!p0 $0x88, s6;
	s7 =	simm.s32 @p2 $0x1082  }
0x22: {  	[simem:s7], [sflag:s8] =	dma.local @!p0 [hbm:s6], $0xF7A  }
0x23: {  	s9 =	sor.u32 $0xD0000000, s2;
	s6 =	simm.s32 $0x108;
	_ =	swait.ge @!p0 [sflag:s8], $0x0  }
0x24: {  	s3 =	sadd.s32 $0x88, s3;
	s6 =	simm.s32 @!p1 $0x1082;
	[sflag:s4] =	ssyncset.s32 $0xFFFFF086  }
0x25: {  	[simem:s6], [sflag:s4] =	dma.local [hbm:s3], $0xF7A  }
0x26: {  	[smem:$0x3F99] =	sst s1;
	(tag) =	ssettag s2;
	_ =	strace s9  }
0x27: {  	s1 =	sld [smem:$0x3FA9]  }
0x28: {  	s2 =	sld [smem:$0x3FAA]  }
0x29: {  	s4 =	sld [smem:$0x3FAC]  }
0x2a: {  	p0 =	seq.s32 s5, $0x0;
	s5 =	sld [smem:$0x3FAD]  }
0x2b: {  	s6 =	sld [smem:$0x3FAE]  }
0x2c: {  	s7 =	sld [smem:$0x3FAF]  }
0x2d: {  	s3 =	simm.s32 $0x108;
	s8 =	sld [smem:$0x3FB0]  }
0x2e: {  	s3 =	simm.s32 @!p0 $0x1082;
	s9 =	sld [smem:$0x3FB1]  }
0x2f: {  	lr =	sadd.s32 s0, s3;
	s0 =	sld [smem:$0x3FA8]  }
0x30: {  	s3 =	sld [smem:$0x3FAB]  }
0x31: {  	[smem:$0x3FB4] =	sst s10  }
0x32: {  	s10 =	sld [smem:$0x3FB2];
	_ =	sdelay $0x3  }
0x33: {  	p0 =	seq.s32 s10, $0x1;
	s10 =	sld [smem:$0x3FB4];
	_ =	sdelay $0x3  }
0x34: {  	[smem:$0x3FB4] =	sst s10  }
0x35: {  	s10 =	sld [smem:$0x3FB3];
	_ =	sdelay $0x3  }
0x36: {  	p1 =	seq.s32 s10, $0x1;
	s10 =	sld [smem:$0x3FB4];
	_ =	sdelay $0x3  }
0x37: {  	[smem:$0x3FB4] =	sst s10  }
0x38: {  	s10 =	sld [smem:$0x3FB5]  }
0x39: {  	_ = 	snop;
	(pc) =	sbr.ind lr, $3  }
0x3a: {  	_ = 	snop  }
0x3b: {  	_ = 	snop  }
0x3c: {  	p2 =	seq.s32 s10, $0x1;
	s10 =	sld [smem:$0x3FB4]  }
0x3d: {  	_ =	shalt  }
0x3e: {  	_ =	shalt  }
0x3f: {  	_ =	shalt  }
0x40: {  	_ =	shalt  }
0x41: {  	_ =	shalt  }
0x42: {  	_ =	shalt  }
0x43: {  	_ =	shalt  }
0x44: {  	_ =	shalt  }
0x45: {  	_ =	shalt  }
0x46: {  	_ =	shalt  }
0x47: {  	_ =	shalt  }
0x48: {  	_ =	shalt  }
0x49: {  	_ =	shalt  }
0x4a: {  	_ =	shalt  }
0x4b: {  	_ =	shalt  }
0x4c: {  	_ =	shalt  }
0x4d: {  	_ =	shalt  }
0x4e: {  	_ =	shalt  }
0x4f: {  	_ =	shalt  }
0x50: {  	_ =	shalt  }
0x51: {  	_ =	shalt  }
0x52: {  	_ =	shalt  }
0x53: {  	_ =	shalt  }
0x54: {  	_ =	shalt  }
0x55: {  	_ =	shalt  }
0x56: {  	_ =	shalt  }
0x57: {  	_ =	shalt  }
0x58: {  	_ =	shalt  }
0x59: {  	_ =	shalt  }
0x5a: {  	_ =	shalt  }
0x5b: {  	_ =	shalt  }
0x5c: {  	_ =	shalt  }
0x5d: {  	_ =	shalt  }
0x5e: {  	_ =	shalt  }
0x5f: {  	_ =	shalt  }
0x60: {  	_ =	shalt  }
0x61: {  	_ =	shalt  }
0x62: {  	_ =	shalt  }
0x63: {  	_ =	shalt  }
0x64: {  	_ =	shalt  }
0x65: {  	_ =	shalt  }
0x66: {  	_ =	shalt  }
0x67: {  	_ =	shalt  }
0x68: {  	_ =	shalt  }
0x69: {  	_ =	shalt  }
0x6a: {  	_ =	shalt  }
0x6b: {  	_ =	shalt  }
0x6c: {  	_ =	shalt  }
0x6d: {  	_ =	shalt  }
0x6e: {  	_ =	shalt  }
0x6f: {  	_ =	shalt  }
0x70: {  	_ =	shalt  }
0x71: {  	_ =	shalt  }
0x72: {  	_ =	shalt  }
0x73: {  	_ =	shalt  }
0x74: {  	_ =	shalt  }
0x75: {  	_ =	shalt  }
0x76: {  	_ =	shalt  }
0x77: {  	_ =	shalt  }
0x78: {  	_ =	shalt  }
0x79: {  	_ =	shalt  }
0x7a: {  	_ =	shalt  }
0x7b: {  	_ =	shalt  }
0x7c: {  	_ =	shalt  }
0x7d: {  	_ =	shalt  }
0x7e: {  	_ =	shalt  }
0x7f: {  	_ =	shalt  }
0x80: {  	_ =	shalt  }
0x81: {  	_ =	shalt  }
0x82: {  	_ =	shalt  }
0x83: {  	_ =	shalt  }
0x84: {  	_ =	shalt  }
0x85: {  	_ =	shalt  }
0x86: {  	_ =	shalt  }
0x87: {  	_ =	shalt  }
.Lfunc_end0:
.L_simem_size_0:
called_computation_lowered:
.L_overlay_start_0:
0x88: {  	s2 =	sld [smem:$0x3FD9]  }
0x89: {  	s3 =	sld [smem:$0x3FFE];
	_ =	sdelay $0x1  }
0x8a: {  	s1 =	srdreg.scid  }
0x8b: {  	s0 =	sand.u32 $0x1, s1  }
0x8c: {  	s17 =	sshll.u32 s0, $0xA;
	s2 =	sadd.s32 s3, s2  }
0x8d: {  	s2 =	sadd.s32 s2, s17  }
0x8e: {  	[smem:$0x3FC0] =	sst s2  }
0x8f: {  	_ = 	snop  }
0x90: {  	s2 =	sld [smem:$0x3FD0];
	(tm) =	ssettm $0x1  }
0x91: {  	s18 =	sld [smem:$0x3FFB];
	_ =	sdelay $0x3  }
0x92: {  	_ =	strace s18  }
0x93: {  	s3 =	sld [smem:$0x3FFC];
	_ =	sdelay $0x3  }
0x94: {  	_ =	strace s3  }
0x95: {  	s3 =	sld [smem:$0x3FFD];
	_ =	sdelay $0x3  }
0x96: {  	_ =	strace s3  }
0x97: {  	_ =	strace $0x8FFFFFFF  }
0x98: {  	s19 =	sld [smem:$0x3FDB];
	_ =	sdelay $0x1  }
0x99: {  	s4 =	simm.s32 $_scs_section_size  }
0x9a: {  	s5 =	simm.s32 $_size__tile_overlayer_lowered;
	s6 =	simm.s32 $_tile_overlayer_lowered  }
0x9b: {  	s22 =	simm.s32 $0x1BFF;
	s21 =	sshll.u32 s6, $0x1;
	s3 =	sadd.s32 s4, s19  }
0x9c: {  	s7 =	simm.s32 $0x0;
	s20 =	sshll.u32 s5, $0x1;
	s5 =	sadd.s32 s21, s3  }
0x9d: {  	[timem:s7], [sflag:s22] =	dma.local [hbm:s5], s20  }
0x9e: {  	_ =	swait.ge [sflag:s22], s20  }
0x9f: {  	s4 =	ssub.s32 $0x0, s20;
	[sflag:s22] =	ssyncset.done $0x0  }
0xa0: {  	[sflag:s22] =	ssyncadd.s32 s4;
	_ =	sdelay $0x1  }
0xa1: {  	s23 =	simm.s32 $0x1B8B  }
0xa2: {  	_ =	swait.ge [sflag:s23], $0x1  }
0xa3: {  	[sflag:s23] =	ssyncset.done $0x0  }
0xa4: {  	s25 =	simm.s32 $0x1B8E;
	s24 =	sld [smem:$0x3FFE];
	[sflag:s23] =	ssyncadd.s32 $0xFFFFFFFF  }
0xa5: {  	s26 =	simm.s32 $execute0_lowered;
	[smem:$0x3FD2] =	sst s25  }
0xa6: {  	s5 =	sshll.u32 s26, $0x1;
	_ =	strace $0x80000046;
	[dreg:$0x1] =	wrdreg $0xFFFFFFFF  }
0xa7: {  	s28 =	simm.s32 $_size_execute0_lowered;
	s3 =	sadd.s32 s3, s5;
	[dreg:$0x0] =	wrdreg $0x0  }
0xa8: {  	s5 =	sshll.u32 s28, $0x1;
	[dreg:$0x2] =	wrdreg s3  }
0xa9: {  	[dreg:$0x3] =	wrdreg s5  }
0xaa: {  	[dreg:$0x4] =	wrdreg $0xC0  }
0xab: {  	_ =	task [dreg:s7], $0x5FFFF  }
0xac: {  	[dreg:$0x1] =	wrdreg $0xFFFFFFFF  }
0xad: {  	[dreg:$0x0] =	wrdreg $0x60  }
0xae: {  	[dreg:$0x2] =	wrdreg s24  }
0xaf: {  	[dreg:$0x3] =	wrdreg s2  }
0xb0: {  	[dreg:$0x4] =	wrdreg $0x2C000  }
0xb1: {  	[dreg:$0x5] =	wrdreg $0x9  }
0xb2: {  	_ =	task.clear_ibuf [dreg:s7], $0x6FFFF;
	_ =	strace $0x90000046  }
0xb3: {  	s29 =	simm.s32 $0x9;
	_ =	strace $0x80000048  }
0xb4: {  	_ =	swait.ge [sflag:s29], $0x1  }
0xb5: {  	[sflag:s29] =	ssyncadd.s32 $0xFFFFFFFF  }
0xb6: {  	_ =	strace $0x90000048  }
0xb7: {  	_ =	sfence  }
0xb8: {  	s30 =	sld [smem:$0x0];
	_ =	sdelay $0x2  }
0xb9: {  	s31 =	sshll.u32 s1, $0xD;
	s1 =	sshrl.u32 s1, $0x2  }
0xba: {  	s3 =	sand.u32 $0x4000, s31;
	s1 =	sadd.s32 s1, s30  }
0xbb: {  	s0 =	sor.u32 s3, s0;
	s1 =	sshll.u32 s1, $0x11  }
0xbc: {  	s0 =	sor.u32 s1, s0  }
0xbd: {  	s0 =	sadd.s32 $0x8F2B, s0  }
0xbe: {  	[sflag:s0] =	ssyncadd.remote.s32 $0x1  }
0xbf: {  	_ =	sfence.sel $0xFFFF  }
0xc0: {  	[dreg:$0x0] =	wrdreg $0xFFFFFFFF;
	(pc) =	sbr.abs _section_cstart, $3  }
0xc1: {  	[dreg:$0x1] =	wrdreg $0xFFFFFFFF  }
0xc2: {  	_ =	task.clear_ibuf [dreg:s7], $0x2FFFF;
	_ =	strace $0x9FFFFFFF  }
0xc3: {  	(tm) =	ssettm $0x7FFFFFFF  }
tec
execute0_lowered:
.L_overlay_start_1:
0x0: {  	(tag) =	ssettag $0x1  }
0x1: {  	s6 =	rddreg [dreg:$0x0]  }
0x2: {  	s2 =	rddreg [dreg:$0x1];
	s0 =	srdreg.scid  }
0x3: {  	s3 =	rddreg [dreg:$0x2];
	s1 =	stileid.u32  }
0x4: {  	s4 =	simm.s32 $0x0;
	s13 =	simm.s32 $0x80;
	s14 =	simm.s32 $0x1  }
0x5: {  	s15 =	simm.s32 $0x0;
	s5 =	sand.u32 $0x1, s0;
	s0 =	rddreg [dreg:$0x3]  }
0x6: {  	s8 =	smul.u32 $0x1400, s1;
	[smem:$0x7FF] =	sst s4;
	s31 =	sshll.u32 s1, $0x6  }
0x7: {  	s7 =	sshll.u32 s5, $0x4;
	s9 =	smul.u32 $0x14000, s5;
	_ =	strace $0x80000047  }
0x8: {  	s10 =	ssub.s32 $0x2, s5;
	s5 =	sadd.s32 $0x18800, s6;
	s7 =	sor.u32 s1, s7  }
0x9: {  	s11 =	sshrl.u32 s10, $0x1;
	s12 =	sadd.s32 s8, s3;
	s7 =	smul.u32 $0x500, s7  }
0xa: {  	s9 =	sadd.s32 s8, s9;
	s10 =	ssub.s32 s10, s11;
	s11 =	sor.u32 $0x1C02, s31  }
0xb: {  	s12 =	sshrl.u32 s12, $0x3;
	s9 =	sshrl.u32 s9, $0x3;
	s8 =	smax.u32 s10, $0x1  }
0xc: {  	s10 =	simm.s32 $0x2;
	s7 =	sadd.s32 s7, s6;
	s9 =	sadd.s32 s9, s6  }
0xd: {  	s6 =	sadd.s32 $0x4800, s7;
	s7 =	sadd.s32 $0x18A00, s9;
	s9 =	simm.s32 $0x2800  }
.LBB2_1:
0xe: {  	[tilespmem:s9], [sflag:$0x2] =	stream.linear.gather [hbm4b:s5+s4], $0x400, $0x38;
	[tilespmem:$0x4000] =	vst v63  }
0xf: {  	_ =	swait.ge [sflag:s10], $0x400  }
0x10: {  	[sflag:s10] =	ssyncset.done $0x0  }
0x11: {  	[sflag:s10] =	ssyncadd.s32 $0xFFFFFC00  }
0x12: {  	[tilespmem:s4], [sflag:$0x2] =	stream.linear.gather [hbm4b:s6+s4], $0x2800, $0x38;
	[tilespmem:$0x4000] =	vst v63  }
0x13: {  	_ =	swait.ge [sflag:s10], $0x2800  }
0x14: {  	[sflag:s10] =	ssyncset.done $0x0  }
0x15: {  	[sflag:s10] =	ssyncadd.s32 $0xFFFFD800  }
0x16: {  	[spmem:s12], [sflag:s11] =	dma.local [hbm:s2], $0x280  }
0x17: {  	_ =	swait.ge [sflag:s10], $0x280  }
0x18: {  	[sflag:s10] =	ssyncset.done $0x0  }
0x19: {  	[sflag:s10] =	ssyncadd.s32 $0xFFFFFD80  }
0x1a: {  	s16 =	simm.s32 $0x0;
	[bflag:$0x0] =	sbarrier.arrive $0xFFFF  }
.LBB2_2:
0x1b: {  	p0 =	sne.s32 s16, $0x9E00  }
.Ltmp0:
0x1c: {  	_ = 	snop;
	(pc) =	sbr.rel @p0 .LBB2_2-.Ltmp0, $3  }
0x1d: {  	_ =	sdelay $0x1  }
0x1e: {  	s17 =	sshra.s32 s16, $0x2;
	s16 =	sadd.s32 $0x200, s16  }
0x1f: {  	[spmem:s3] =	stream.indirect.scatter.add.f32 [tilespmem:s9], [sflag:$0x1], $0x8, s17, s13, $0xb8;
	[tilespmem:$0x4000] =	vst v63  }
0x20: {  	_ =	swait.ge [sflag:s14], $0x400  }
0x21: {  	s16 =	simm.s32 $0x4F;
	[sflag:s14] =	ssyncset.done $0x0  }
.LBB2_4:
0x22: {  	p0 =	sne.s32 s16, $0x1;
	s16 =	sadd.s32 $0xFFFFFFFF, s16;
	[sflag:s14] =	ssyncadd.s32 $0xFFFFFC00  }
.Ltmp1:
0x23: {  	(pc) =	sbr.rel @p0 .LBB2_4-.Ltmp1, $3  }
0x24: {  	_ =	sdelay $0x1  }
0x25: {  	_ =	swait.ge [sflag:s14], $0x400  }
0x26: {  	[sflag:s14] =	ssyncset.done $0x0  }
0x27: {  	s15 =	sadd.s32 $0x1, s15  }
0x28: {  	[sflag:s14] =	ssyncadd.s32 $0xFFFFFC00;
	p0 =	sne.s32 s15, s8  }
.Ltmp2:
0x29: {  	[bflag:$0x0] =	sbarrier.arrive $0xFFFF;
	(pc) =	sbr.rel @p0 .LBB2_1-.Ltmp2, $4  }
0x2a: {  	[hbm:s7], [sflag:s11] =	dma.local [spmem:s12], $0x280  }
0x2b: {  	_ =	swait.ge [sflag:s10], $0x280  }
0x2c: {  	[sflag:s10] =	ssyncset.done $0x0  }
0x2d: {  	[sflag:s10] =	ssyncadd.s32 $0xFFFFFD80  }
0x2e: {  	_ =	sfence.sel $0x180000  }
0x2f: {  	[bflag:$0x0] =	sbarrier.arrive $0xFFFF  }
0x30: {  	p0 =	sne.s32 s1, $0x0;
	_ =	strace $0x90000047  }
0x31: {  	s0 =	sadd.s32 @!p0 $0x100000, s0;
	[bflag:$0x2] =	sbarrier.arrive $0xFFFF  }
0x32: {  	[sflag:s0] =	ssyncadd.tile.s32 @!p0 $0x1;
	_ =	shalt  }
.Lfunc_end2:
_tile_overlayer_lowered:
.L_overlay_start_2:
0x33: {  	(tag) =	ssettag $0x2  }
0x34: {  	s0 =	rddreg [dreg:$0x0];
	s2 =	stileid.u32  }
0x35: {  	s1 =	rddreg [dreg:$0x1];
	p0 =	sne.s32 s2, $0x0  }
0x36: {  	s3 =	rddreg [dreg:$0x2];
	[bflag:$0x3] =	sbarrier.arrive $0xFFFF;
	s2 =	simm.s32 @!p0 $0x1C02  }
0x37: {  	[timem:s3], [sflag:s2] =	dma.local @!p0 [hbm:s0], s1  }
0x38: {  	s0 =	simm.s32 @!p0 $0x2  }
0x39: {  	_ =	swait.ge @!p0 [sflag:s0], s1  }
0x3a: {  	s1 =	ssub.s32 @!p0 $0x0, s1;
	[sflag:s0] =	ssyncset.done @!p0 $0x0  }
0x3b: {  	[sflag:s0] =	ssyncadd.s32 @!p0 s1  }
0x3c: {  	[bflag:$0x3] =	sbarrier.arrive $0xFFFF  }
0x3d: {  	_ =	shalt  }

</sc_bundles>
